<compile_context>
chip_gen: v7x
topology: tpu7x:2x2x1
jax: 0.10.2.dev20260603
libtpu: 0.0.44.dev20260713+nightly
codegen_flags: <defaults>
</compile_context>

<pallas_src>
import functools

import jax
import jax.numpy as jnp
from jax import lax
from jax.experimental import pallas as pl
from jax.experimental.pallas import tpu as pltpu
from jax.experimental.pallas import tpu_sc as plsc

N = 10000
D = 128
E = 320000
G = 64
H = 256

NC = 2
NS = 16
NW = NC * NS
CHUNK = 125
CPT = E // (NW * CHUNK)
EPT = E // NW
NPT = 624
NPT_LAST = N - (NS - 1) * NPT
HCPT = CPT // 2
ZROWS = 120
GA = 64
GB = CHUNK - GA
NPAD = 10240
DPT = NPAD // NS

BLK = 1000
NBLK = N // BLK


def _mesh():
    return plsc.VectorSubcoreMesh(core_axis_name="c", subcore_axis_name="s")


def _sc_deg_body(dst_hbm, zeros_hbm, out_hbm, dstbuf, ones_v, sem, deg_sh):
    c = lax.axis_index("c")
    s = lax.axis_index("s")
    wid = c * NS + s
    pltpu.sync_copy(dst_hbm.at[pl.ds(wid * CPT, CPT)], dstbuf)
    for k in range(CHUNK // 16):
        ones_v[pl.ds(16 * k, 16)] = jnp.ones((16,), jnp.float32)
    if CHUNK % 16:
        ones_v[pl.ds(CHUNK - 16, 16)] = jnp.ones((16,), jnp.float32)
    pltpu.sync_copy(zeros_hbm.at[pl.ds(s * DPT, DPT)], deg_sh.at[pl.ds(s * DPT, DPT)])
    plsc.subcore_barrier()

    def body(j, carry):
        pltpu.sync_copy(ones_v, deg_sh.at[dstbuf.at[j]], add=True)
        return carry

    lax.fori_loop(0, CPT, body, 0)
    plsc.subcore_barrier()
    pltpu.sync_copy(deg_sh.at[pl.ds(s * DPT, DPT)], out_hbm.at[c, pl.ds(s * DPT, DPT)])


def _sc_degree(dst2, zeros1d):
    fn = pl.kernel(
        _sc_deg_body,
        out_type=jax.ShapeDtypeStruct((NC, NPAD), jnp.float32),
        mesh=_mesh(),
        scratch_types=[
            pltpu.VMEM((CPT, CHUNK), jnp.int32),
            pltpu.VMEM((CHUNK,), jnp.float32),
            pltpu.SemaphoreType.DMA,
            pltpu.VMEM_SHARED((NPAD,), jnp.float32),
        ],
    )
    return fn(dst2, zeros1d)


def _sc_edge_body(g_hbm, src_hbm, dst_hbm, out_hbm,
                  srcbuf, dstbuf, rowbuf_a, rowbuf_b, sem_a, sem_b, acc_sh):
    c = lax.axis_index("c")
    s = lax.axis_index("s")
    wid = c * NS + s
    node_base = s * NPT

    def gather(j, buf, sem):
        pltpu.async_copy(g_hbm.at[srcbuf.at[j, pl.ds(0, GA)]],
                         buf.at[pl.ds(0, GA)], sem)
        pltpu.async_copy(g_hbm.at[srcbuf.at[j, pl.ds(GA, GB)]],
                         buf.at[pl.ds(GA, GB)], sem)

    def gather_wait(buf, sem):
        pltpu.make_async_copy(g_hbm.at[srcbuf.at[0, pl.ds(0, GA)]],
                              buf.at[pl.ds(0, GA)], sem).wait()
        pltpu.make_async_copy(g_hbm.at[srcbuf.at[0, pl.ds(GA, GB)]],
                              buf.at[pl.ds(GA, GB)], sem).wait()

    pltpu.sync_copy(src_hbm.at[pl.ds(wid * CPT, HCPT)], srcbuf)
    pltpu.sync_copy(dst_hbm.at[pl.ds(wid * CPT, HCPT)], dstbuf)
    gather(0, rowbuf_a, sem_a)

    def zbody(i, carry):
        for k in range(D // 16):
            rowbuf_b[i, pl.ds(16 * k, 16)] = jnp.zeros((16,), jnp.float32)
        return carry

    lax.fori_loop(0, ZROWS, zbody, 0)
    for k in range(NPT // ZROWS):
        pltpu.sync_copy(rowbuf_b.at[pl.ds(0, ZROWS)],
                        acc_sh.at[pl.ds(node_base + k * ZROWS, ZROWS)])

    @pl.when(s < NS - 1)
    def _():
        pltpu.sync_copy(rowbuf_b.at[pl.ds(0, NPT % ZROWS)],
                        acc_sh.at[pl.ds(node_base + NPT - NPT % ZROWS,
                                        NPT % ZROWS)])

    @pl.when(s == NS - 1)
    def _():
        pltpu.sync_copy(rowbuf_b.at[pl.ds(0, NPT_LAST - NPT + NPT % ZROWS)],
                        acc_sh.at[pl.ds(node_base + NPT - NPT % ZROWS,
                                        NPT_LAST - NPT + NPT % ZROWS)])

    plsc.subcore_barrier()

    for half in range(CPT // HCPT):
        base = wid * CPT + half * HCPT
        if half > 0:
            pltpu.sync_copy(src_hbm.at[pl.ds(base, HCPT)], srcbuf)
            pltpu.sync_copy(dst_hbm.at[pl.ds(base, HCPT)], dstbuf)
            gather(0, rowbuf_a, sem_a)

        def body(p, carry):
            ja = 2 * p
            gather(ja + 1, rowbuf_b, sem_b)
            gather_wait(rowbuf_a, sem_a)
            pltpu.sync_copy(rowbuf_a, acc_sh.at[dstbuf.at[ja]], add=True)

            @pl.when(ja + 2 < HCPT)
            def _():
                gather(ja + 2, rowbuf_a, sem_a)

            gather_wait(rowbuf_b, sem_b)
            pltpu.sync_copy(rowbuf_b, acc_sh.at[dstbuf.at[ja + 1]], add=True)
            return carry

        lax.fori_loop(0, HCPT // 2, body, 0)
    plsc.subcore_barrier()

    @pl.when(s < NS - 1)
    def _():
        pltpu.sync_copy(acc_sh.at[pl.ds(node_base, NPT)],
                        out_hbm.at[c, pl.ds(node_base, NPT)])

    @pl.when(s == NS - 1)
    def _():
        pltpu.sync_copy(acc_sh.at[pl.ds(node_base, NPT_LAST)],
                        out_hbm.at[c, pl.ds(node_base, NPT_LAST)])


def _sc_edge(g, src2, dst2):
    fn = pl.kernel(
        _sc_edge_body,
        out_type=jax.ShapeDtypeStruct((NC, N, D), jnp.float32),
        mesh=_mesh(),
        scratch_types=[
            pltpu.VMEM((HCPT, CHUNK), jnp.int32),
            pltpu.VMEM((HCPT, CHUNK), jnp.int32),
            pltpu.VMEM((CHUNK, D), jnp.float32),
            pltpu.VMEM((CHUNK, D), jnp.float32),
            pltpu.SemaphoreType.DMA,
            pltpu.SemaphoreType.DMA,
            pltpu.VMEM_SHARED((N, D), jnp.float32),
        ],
    )
    return fn(g, src2, dst2)


def kernel(x, edge_index, batch, conv_W0, conv_b0, conv_W1, conv_b1,
           conv_W2, conv_b2, lin1_W, lin1_b, lin2_W, lin2_b):
    src2 = edge_index[0].reshape(E // CHUNK, CHUNK)
    dst2 = edge_index[1].reshape(E // CHUNK, CHUNK)
    zeros1d = jnp.zeros((NPAD,), jnp.float32)

    deg_pair = _sc_degree(dst2, zeros1d)
    deg = deg_pair[0, :N] + deg_pair[1, :N] + 1.0
    dinv = 1.0 / jnp.sqrt(deg)

    bs = [conv_b0, conv_b1, conv_b2]
    Ws = [conv_W0, conv_W1, conv_W2]
    h = x
    for l in range(3):
        g = (h @ Ws[l]) * dinv[:, None]
        acc = _sc_edge(g, src2, dst2)
        h = jax.nn.relu((acc[0] + acc[1] + g) * dinv[:, None] + bs[l])
    sums = jax.ops.segment_sum(h, batch, num_segments=G)
    cnt = jax.ops.segment_sum(jnp.ones((N,), jnp.float32), batch,
                              num_segments=G)
    pooled = sums / jnp.maximum(cnt, 1.0)[:, None]
    z = jax.nn.relu(pooled @ lin1_W + lin1_b)
    return z @ lin2_W + lin2_b

# --- scband reference (transcript-rebuilt; emitter-appended) ---
"""Pipeline reference for scband-critic-55997783605448 (READ-ONLY COPY).

The authoritative reference and input builder live on the scoring server;
editing this copy changes nothing except your own understanding.
"""

import jax, jax.numpy as jnp
import numpy as np

N = 10000
E = 320000
D = 128
H = 256
L = 1
G = 64
N_LAYER = 3


def setup_inputs(seed: int = 0) -> dict:
    key = jax.random.key(seed)
    ks = jax.random.split(key, 16)
    x = jax.random.normal(ks[0], (N, D), dtype=jnp.float32)
    edge_index = jax.random.randint(ks[1], (2, E), 0, N, dtype=jnp.int32)
    batch = jnp.sort(jax.random.randint(ks[2], (N,), 0, G, dtype=jnp.int32))
    s = 1.0 / np.sqrt(D)
    inp = {"x": x, "edge_index": edge_index, "batch": batch}
    for i in range(N_LAYER):
        inp[f"conv_W{i}"] = jax.random.normal(ks[3 + i], (D, D), dtype=jnp.float32) * s
        inp[f"conv_b{i}"] = jnp.zeros((D,), dtype=jnp.float32)
    inp["lin1_W"] = jax.random.normal(ks[8], (D, H), dtype=jnp.float32) * s
    inp["lin1_b"] = jnp.zeros((H,), dtype=jnp.float32)
    inp["lin2_W"] = jax.random.normal(ks[9], (H, L), dtype=jnp.float32) * (1.0 / np.sqrt(H))
    inp["lin2_b"] = jnp.zeros((L,), dtype=jnp.float32)
    return inp


def gcn_conv(x, edge_index, W, b):
    n = x.shape[0]
    loops = jnp.arange(n, dtype=edge_index.dtype)
    src = jnp.concatenate([edge_index[0], loops])
    dst = jnp.concatenate([edge_index[1], loops])
    deg = jax.ops.segment_sum(jnp.ones_like(src, dtype=x.dtype), dst, num_segments=n)
    dinv = jnp.where(deg > 0, 1.0 / jnp.sqrt(deg), 0.0)
    norm = dinv[src] * dinv[dst]
    h = x @ W
    msg = h[src] * norm[:, None]
    out = jax.ops.segment_sum(msg, dst, num_segments=n)
    return out + b


def reference(x, edge_index, batch, conv_W0, conv_b0, conv_W1, conv_b1, conv_W2, conv_b2, lin1_W, lin1_b, lin2_W, lin2_b):
    Ws = [conv_W0, conv_W1, conv_W2]
    bs = [conv_b0, conv_b1, conv_b2]
    h = x
    for W, b in zip(Ws, bs):
        h = jax.nn.relu(gcn_conv(h, edge_index, W, b))
    sums = jax.ops.segment_sum(h, batch, num_segments=G)
    cnt = jax.ops.segment_sum(jnp.ones((h.shape[0],), dtype=h.dtype), batch, num_segments=G)
    pooled = sums / jnp.maximum(cnt, 1.0)[:, None]
    z = jax.nn.relu(pooled @ lin1_W + lin1_b)
    return z @ lin2_W + lin2_b

if __name__ == "__main__":
    import jax
    _d = setup_inputs()
    print(jax.jit(kernel)(*tuple(_d.values())))

</pallas_src>

<mosaic_0001>
#map = affine_map<(d0, d1) -> (0, 0)>
#map1 = affine_map<(d0, d1) -> (0)>
module attributes {stable_mosaic.version = 14 : i64} {
  func.func @_sc_deg_body(%arg0: i32, %arg1: i32, %arg2: memref<2560x125xi32, #tpu.memory_space<hbm>>, %arg3: memref<10240xf32, #tpu.memory_space<hbm>>, %arg4: memref<2x10240xf32, #tpu.memory_space<hbm>>, %arg5: memref<80x125xi32, #tpu.memory_space<vmem>>, %arg6: memref<125xf32, #tpu.memory_space<vmem>>, %arg7: memref<!tpu.dma_semaphore, #tpu.memory_space<semaphore_mem>>, %arg8: memref<10240xf32, #tpu.memory_space<vmem_shared>>) attributes {dimension_semantics = [#tpu.dimension_semantics<core_parallel>, #tpu.dimension_semantics<subcore_parallel>], iteration_bounds = array<i64: 2, 16>, scalar_prefetch = 0 : i64, scratch_operands = 4 : i64, tpu.core_type = #tpu.core_type<sc_vector_subcore>, window_params = [{transform_indices = #map}, {transform_indices = #map1}, {transform_indices = #map}]} {
    %mul3A = arith.constant 16 : i32
    %mul3A_0 = arith.muli %arg0, %mul3A : i32
    %add3A = arith.addi %mul3A_0, %arg1 : i32
    %mul3A_1 = arith.constant 80 : i32
    %mul3A_2 = arith.muli %add3A, %mul3A_1 : i32
    "tpu.region"() ({
      %run_scoped3A = tpu.sem_alloc : memref<!tpu.dma_semaphore, #tpu.memory_space<semaphore_mem>>
      %dma_start3A = arith.constant 0 : i32
      %dma_start3A_63 = tpu.memref_slice %arg2[%mul3A_2, %dma_start3A] : memref<2560x125xi32, #tpu.memory_space<hbm>> -> memref<80x125xi32, #tpu.memory_space<hbm>>
      %dma_start3A_64 = arith.constant 0 : i32
      %dma_start3A_65 = tpu.memref_slice %arg2[%mul3A_2, %dma_start3A_64] : memref<2560x125xi32, #tpu.memory_space<hbm>> -> memref<80x125xi32, #tpu.memory_space<hbm>>
      tpu.enqueue_dma source(%dma_start3A_65 : memref<80x125xi32, #tpu.memory_space<hbm>>) target(%arg5 : memref<80x125xi32, #tpu.memory_space<vmem>>) target_semaphore(%run_scoped3A : memref<!tpu.dma_semaphore, #tpu.memory_space<semaphore_mem>>)
      %dma_wait3A = arith.constant 0 : i32
      %dma_wait3A_66 = tpu.memref_slice %arg2[%mul3A_2, %dma_wait3A] : memref<2560x125xi32, #tpu.memory_space<hbm>> -> memref<80x125xi32, #tpu.memory_space<hbm>>
      %dma_wait3A_67 = arith.constant 0 : i32
      %dma_wait3A_68 = tpu.memref_slice %arg2[%mul3A_2, %dma_wait3A_67] : memref<2560x125xi32, #tpu.memory_space<hbm>> -> memref<80x125xi32, #tpu.memory_space<hbm>>
      tpu.wait_dma2 semaphore(%run_scoped3A : memref<!tpu.dma_semaphore, #tpu.memory_space<semaphore_mem>>) src(%dma_wait3A_68 : memref<80x125xi32, #tpu.memory_space<hbm>>) dst(%arg5 : memref<80x125xi32, #tpu.memory_space<vmem>>)
      tpu.yield
    }) : () -> ()
    %broadcast_in_dim3A = arith.constant 1.000000e+00 : f32
    %broadcast_in_dim3A_3 = vector.broadcast %broadcast_in_dim3A : f32 to vector<16xf32>
    %swap3A = arith.constant 0 : index
    %swap3A_4 = tpu.vector_load %arg6[%swap3A] {strides = array<i32>} : memref<125xf32, #tpu.memory_space<vmem>>, vector<16xf32>,
    %swap3A_5 = vector.shape_cast %swap3A_4 : vector<16xf32> to vector<16xf32>
    %swap3A_6 = vector.shape_cast %broadcast_in_dim3A_3 : vector<16xf32> to vector<16xf32>
    tpu.vector_store %arg6[%swap3A], %swap3A_6 {strides = array<i32>} : memref<125xf32, #tpu.memory_space<vmem>>, vector<16xf32>,
    %broadcast_in_dim3A_7 = arith.constant 1.000000e+00 : f32
    %broadcast_in_dim3A_8 = vector.broadcast %broadcast_in_dim3A_7 : f32 to vector<16xf32>
    %swap3A_9 = arith.constant 16 : index
    %swap3A_10 = tpu.vector_load %arg6[%swap3A_9] {strides = array<i32>} : memref<125xf32, #tpu.memory_space<vmem>>, vector<16xf32>,
    %swap3A_11 = vector.shape_cast %swap3A_10 : vector<16xf32> to vector<16xf32>
    %swap3A_12 = vector.shape_cast %broadcast_in_dim3A_8 : vector<16xf32> to vector<16xf32>
    tpu.vector_store %arg6[%swap3A_9], %swap3A_12 {strides = array<i32>} : memref<125xf32, #tpu.memory_space<vmem>>, vector<16xf32>,
    %broadcast_in_dim3A_13 = arith.constant 1.000000e+00 : f32
    %broadcast_in_dim3A_14 = vector.broadcast %broadcast_in_dim3A_13 : f32 to vector<16xf32>
    %swap3A_15 = arith.constant 32 : index
    %swap3A_16 = tpu.vector_load %arg6[%swap3A_15] {strides = array<i32>} : memref<125xf32, #tpu.memory_space<vmem>>, vector<16xf32>,
    %swap3A_17 = vector.shape_cast %swap3A_16 : vector<16xf32> to vector<16xf32>
    %swap3A_18 = vector.shape_cast %broadcast_in_dim3A_14 : vector<16xf32> to vector<16xf32>
    tpu.vector_store %arg6[%swap3A_15], %swap3A_18 {strides = array<i32>} : memref<125xf32, #tpu.memory_space<vmem>>, vector<16xf32>,
    %broadcast_in_dim3A_19 = arith.constant 1.000000e+00 : f32
    %broadcast_in_dim3A_20 = vector.broadcast %broadcast_in_dim3A_19 : f32 to vector<16xf32>
    %swap3A_21 = arith.constant 48 : index
    %swap3A_22 = tpu.vector_load %arg6[%swap3A_21] {strides = array<i32>} : memref<125xf32, #tpu.memory_space<vmem>>, vector<16xf32>,
    %swap3A_23 = vector.shape_cast %swap3A_22 : vector<16xf32> to vector<16xf32>
    %swap3A_24 = vector.shape_cast %broadcast_in_dim3A_20 : vector<16xf32> to vector<16xf32>
    tpu.vector_store %arg6[%swap3A_21], %swap3A_24 {strides = array<i32>} : memref<125xf32, #tpu.memory_space<vmem>>, vector<16xf32>,
    %broadcast_in_dim3A_25 = arith.constant 1.000000e+00 : f32
    %broadcast_in_dim3A_26 = vector.broadcast %broadcast_in_dim3A_25 : f32 to vector<16xf32>
    %swap3A_27 = arith.constant 64 : index
    %swap3A_28 = tpu.vector_load %arg6[%swap3A_27] {strides = array<i32>} : memref<125xf32, #tpu.memory_space<vmem>>, vector<16xf32>,
    %swap3A_29 = vector.shape_cast %swap3A_28 : vector<16xf32> to vector<16xf32>
    %swap3A_30 = vector.shape_cast %broadcast_in_dim3A_26 : vector<16xf32> to vector<16xf32>
    tpu.vector_store %arg6[%swap3A_27], %swap3A_30 {strides = array<i32>} : memref<125xf32, #tpu.memory_space<vmem>>, vector<16xf32>,
    %broadcast_in_dim3A_31 = arith.constant 1.000000e+00 : f32
    %broadcast_in_dim3A_32 = vector.broadcast %broadcast_in_dim3A_31 : f32 to vector<16xf32>
    %swap3A_33 = arith.constant 80 : index
    %swap3A_34 = tpu.vector_load %arg6[%swap3A_33] {strides = array<i32>} : memref<125xf32, #tpu.memory_space<vmem>>, vector<16xf32>,
    %swap3A_35 = vector.shape_cast %swap3A_34 : vector<16xf32> to vector<16xf32>
    %swap3A_36 = vector.shape_cast %broadcast_in_dim3A_32 : vector<16xf32> to vector<16xf32>
    tpu.vector_store %arg6[%swap3A_33], %swap3A_36 {strides = array<i32>} : memref<125xf32, #tpu.memory_space<vmem>>, vector<16xf32>,
    %broadcast_in_dim3A_37 = arith.constant 1.000000e+00 : f32
    %broadcast_in_dim3A_38 = vector.broadcast %broadcast_in_dim3A_37 : f32 to vector<16xf32>
    %swap3A_39 = arith.constant 96 : index
    %swap3A_40 = tpu.vector_load %arg6[%swap3A_39] {strides = array<i32>} : memref<125xf32, #tpu.memory_space<vmem>>, vector<16xf32>,
    %swap3A_41 = vector.shape_cast %swap3A_40 : vector<16xf32> to vector<16xf32>
    %swap3A_42 = vector.shape_cast %broadcast_in_dim3A_38 : vector<16xf32> to vector<16xf32>
    tpu.vector_store %arg6[%swap3A_39], %swap3A_42 {strides = array<i32>} : memref<125xf32, #tpu.memory_space<vmem>>, vector<16xf32>,
    %broadcast_in_dim3A_43 = arith.constant 1.000000e+00 : f32
    %broadcast_in_dim3A_44 = vector.broadcast %broadcast_in_dim3A_43 : f32 to vector<16xf32>
    %swap3A_45 = arith.constant 109 : index
    %swap3A_46 = tpu.vector_load %arg6[%swap3A_45] {strides = array<i32>} : memref<125xf32, #tpu.memory_space<vmem>>, vector<16xf32>,
    %swap3A_47 = vector.shape_cast %swap3A_46 : vector<16xf32> to vector<16xf32>
    %swap3A_48 = vector.shape_cast %broadcast_in_dim3A_44 : vector<16xf32> to vector<16xf32>
    tpu.vector_store %arg6[%swap3A_45], %swap3A_48 {strides = array<i32>} : memref<125xf32, #tpu.memory_space<vmem>>, vector<16xf32>,
    %mul3A_49 = arith.constant 640 : i32
    %mul3A_50 = arith.muli %arg1, %mul3A_49 : i32
    %mul3A_51 = arith.constant 640 : i32
    %mul3A_52 = arith.muli %arg1, %mul3A_51 : i32
    "tpu.region"() ({
      %run_scoped3A = tpu.sem_alloc : memref<!tpu.dma_semaphore, #tpu.memory_space<semaphore_mem>>
      %dma_start3A = tpu.memref_slice %arg8[%mul3A_52] : memref<10240xf32, #tpu.memory_space<vmem_shared>> -> memref<640xf32, #tpu.memory_space<vmem_shared>>
      %dma_start3A_63 = tpu.memref_slice %arg3[%mul3A_50] : memref<10240xf32, #tpu.memory_space<hbm>> -> memref<640xf32, #tpu.memory_space<hbm>>
      tpu.enqueue_dma source(%dma_start3A_63 : memref<640xf32, #tpu.memory_space<hbm>>) target(%dma_start3A : memref<640xf32, #tpu.memory_space<vmem_shared>>) target_semaphore(%run_scoped3A : memref<!tpu.dma_semaphore, #tpu.memory_space<semaphore_mem>>)
      %dma_wait3A = tpu.memref_slice %arg8[%mul3A_52] : memref<10240xf32, #tpu.memory_space<vmem_shared>> -> memref<640xf32, #tpu.memory_space<vmem_shared>>
      %dma_wait3A_64 = tpu.memref_slice %arg3[%mul3A_50] : memref<10240xf32, #tpu.memory_space<hbm>> -> memref<640xf32, #tpu.memory_space<hbm>>
      tpu.wait_dma2 semaphore(%run_scoped3A : memref<!tpu.dma_semaphore, #tpu.memory_space<semaphore_mem>>) src(%dma_wait3A_64 : memref<640xf32, #tpu.memory_space<hbm>>) dst(%dma_wait3A : memref<640xf32, #tpu.memory_space<vmem_shared>>)
      tpu.yield
    }) : () -> ()
    %barrier3A = arith.constant 0 : index
    tpu.barrier barrier_id(%barrier3A)
    %scan3A = arith.constant 0 : i32
    %scan3A_53 = arith.constant 0 : i32
    %scan3A_54 = arith.constant 80 : i32
    %scan3A_55 = arith.addi %scan3A_53, %scan3A_54 : i32
    %scan3A_56 = arith.constant 1 : i32
    scf.for %scan3A_63 = %scan3A_53 to %scan3A_55 step %scan3A_56  : i32 {
      "tpu.region"() ({
        %run_scoped3A = tpu.sem_alloc : memref<!tpu.dma_semaphore, #tpu.memory_space<semaphore_mem>>
        %dma_start3A = arith.constant 0 : i32
        %dma_start3A_64 = tpu.memref_slice %arg5[%scan3A_63, %dma_start3A] : memref<80x125xi32, #tpu.memory_space<vmem>> -> memref<1x125xi32, #tpu.memory_space<vmem>>
        %dma_start3A_65 = tpu.memref_squeeze %dma_start3A_64 : memref<1x125xi32, #tpu.memory_space<vmem>> -> memref<125xi32, #tpu.memory_space<vmem>>
        %dma_start3A_66 = arith.constant 0 : i32
        %dma_start3A_67 = tpu.memref_slice %arg8[%dma_start3A_66] : memref<10240xf32, #tpu.memory_space<vmem_shared>> -> memref<10240xf32, #tpu.memory_space<vmem_shared>>
        tpu.enqueue_indirect_dma source(%arg6 : memref<125xf32, #tpu.memory_space<vmem>>) target(%dma_start3A_67 : memref<10240xf32, #tpu.memory_space<vmem_shared>>) offsets(%dma_start3A_65 : memref<125xi32, #tpu.memory_space<vmem>>) semaphore(%run_scoped3A : memref<!tpu.dma_semaphore, #tpu.memory_space<semaphore_mem>>) {add = true}
        %dma_wait3A = arith.constant 0 : i32
        %dma_wait3A_68 = tpu.memref_slice %arg5[%scan3A_63, %dma_wait3A] : memref<80x125xi32, #tpu.memory_space<vmem>> -> memref<1x125xi32, #tpu.memory_space<vmem>>
        %dma_wait3A_69 = tpu.memref_squeeze %dma_wait3A_68 : memref<1x125xi32, #tpu.memory_space<vmem>> -> memref<125xi32, #tpu.memory_space<vmem>>
        %dma_wait3A_70 = arith.constant 0 : i32
        %dma_wait3A_71 = tpu.memref_slice %arg8[%dma_wait3A_70] : memref<10240xf32, #tpu.memory_space<vmem_shared>> -> memref<10240xf32, #tpu.memory_space<vmem_shared>>
        tpu.wait_indirect_dma semaphore(%run_scoped3A : memref<!tpu.dma_semaphore, #tpu.memory_space<semaphore_mem>>) src(%arg6 : memref<125xf32, #tpu.memory_space<vmem>>) dst(%dma_wait3A_71 : memref<10240xf32, #tpu.memory_space<vmem_shared>>)
        tpu.yield
      }) : () -> ()
    }
    %scan3A_57 = arith.constant 80 : i32
    %barrier3A_58 = arith.constant 0 : index
    tpu.barrier barrier_id(%barrier3A_58)
    %mul3A_59 = arith.constant 640 : i32
    %mul3A_60 = arith.muli %arg1, %mul3A_59 : i32
    %mul3A_61 = arith.constant 640 : i32
    %mul3A_62 = arith.muli %arg1, %mul3A_61 : i32
    "tpu.region"() ({
      %run_scoped3A = tpu.sem_alloc : memref<!tpu.dma_semaphore, #tpu.memory_space<semaphore_mem>>
      %dma_start3A = tpu.memref_slice %arg4[%arg0, %mul3A_62] : memref<2x10240xf32, #tpu.memory_space<hbm>> -> memref<1x640xf32, #tpu.memory_space<hbm>>
      %dma_start3A_63 = tpu.memref_squeeze %dma_start3A : memref<1x640xf32, #tpu.memory_space<hbm>> -> memref<640xf32, #tpu.memory_space<hbm>>
      %dma_start3A_64 = tpu.memref_slice %arg8[%mul3A_60] : memref<10240xf32, #tpu.memory_space<vmem_shared>> -> memref<640xf32, #tpu.memory_space<vmem_shared>>
      tpu.enqueue_dma source(%dma_start3A_64 : memref<640xf32, #tpu.memory_space<vmem_shared>>) target(%dma_start3A_63 : memref<640xf32, #tpu.memory_space<hbm>>) target_semaphore(%run_scoped3A : memref<!tpu.dma_semaphore, #tpu.memory_space<semaphore_mem>>)
      %dma_wait3A = tpu.memref_slice %arg4[%arg0, %mul3A_62] : memref<2x10240xf32, #tpu.memory_space<hbm>> -> memref<1x640xf32, #tpu.memory_space<hbm>>
      %dma_wait3A_65 = tpu.memref_squeeze %dma_wait3A : memref<1x640xf32, #tpu.memory_space<hbm>> -> memref<640xf32, #tpu.memory_space<hbm>>
      %dma_wait3A_66 = tpu.memref_slice %arg8[%mul3A_60] : memref<10240xf32, #tpu.memory_space<vmem_shared>> -> memref<640xf32, #tpu.memory_space<vmem_shared>>
      tpu.wait_dma2 semaphore(%run_scoped3A : memref<!tpu.dma_semaphore, #tpu.memory_space<semaphore_mem>>) src(%dma_wait3A_66 : memref<640xf32, #tpu.memory_space<vmem_shared>>) dst(%dma_wait3A_65 : memref<640xf32, #tpu.memory_space<hbm>>)
      tpu.yield
    }) : () -> ()
    return
  }
}

#map = affine_map<(d0, d1) -> (0, 0)>
#map1 = affine_map<(d0, d1) -> (0, 0, 0)>
module attributes {stable_mosaic.version = 14 : i64} {
  func.func @_sc_edge_body(%arg0: i32, %arg1: i32, %arg2: memref<10000x128xf32, #tpu.memory_space<hbm>>, %arg3: memref<2560x125xi32, #tpu.memory_space<hbm>>, %arg4: memref<2560x125xi32, #tpu.memory_space<hbm>>, %arg5: memref<2x10000x128xf32, #tpu.memory_space<hbm>>, %arg6: memref<40x125xi32, #tpu.memory_space<vmem>>, %arg7: memref<40x125xi32, #tpu.memory_space<vmem>>, %arg8: memref<125x128xf32, #tpu.memory_space<vmem>>, %arg9: memref<125x128xf32, #tpu.memory_space<vmem>>, %arg10: memref<!tpu.dma_semaphore, #tpu.memory_space<semaphore_mem>>, %arg11: memref<!tpu.dma_semaphore, #tpu.memory_space<semaphore_mem>>, %arg12: memref<10000x128xf32, #tpu.memory_space<vmem_shared>>) attributes {dimension_semantics = [#tpu.dimension_semantics<core_parallel>, #tpu.dimension_semantics<subcore_parallel>], iteration_bounds = array<i64: 2, 16>, scalar_prefetch = 0 : i64, scratch_operands = 7 : i64, tpu.core_type = #tpu.core_type<sc_vector_subcore>, window_params = [{transform_indices = #map}, {transform_indices = #map}, {transform_indices = #map}, {transform_indices = #map1}]} {
    %mul3A = arith.constant 16 : i32
    %mul3A_0 = arith.muli %arg0, %mul3A : i32
    %add3A = arith.addi %mul3A_0, %arg1 : i32
    %mul3A_1 = arith.constant 624 : i32
    %mul3A_2 = arith.muli %arg1, %mul3A_1 : i32
    %mul3A_3 = arith.constant 80 : i32
    %mul3A_4 = arith.muli %add3A, %mul3A_3 : i32
    "tpu.region"() ({
      %run_scoped3A = tpu.sem_alloc : memref<!tpu.dma_semaphore, #tpu.memory_space<semaphore_mem>>
      %dma_start3A_98 = arith.constant 0 : i32
      %dma_start3A_99 = tpu.memref_slice %arg3[%mul3A_4, %dma_start3A_98] : memref<2560x125xi32, #tpu.memory_space<hbm>> -> memref<40x125xi32, #tpu.memory_space<hbm>>
      %dma_start3A_100 = arith.constant 0 : i32
      %dma_start3A_101 = tpu.memref_slice %arg3[%mul3A_4, %dma_start3A_100] : memref<2560x125xi32, #tpu.memory_space<hbm>> -> memref<40x125xi32, #tpu.memory_space<hbm>>
      tpu.enqueue_dma source(%dma_start3A_101 : memref<40x125xi32, #tpu.memory_space<hbm>>) target(%arg6 : memref<40x125xi32, #tpu.memory_space<vmem>>) target_semaphore(%run_scoped3A : memref<!tpu.dma_semaphore, #tpu.memory_space<semaphore_mem>>)
      %dma_wait3A = arith.constant 0 : i32
      %dma_wait3A_102 = tpu.memref_slice %arg3[%mul3A_4, %dma_wait3A] : memref<2560x125xi32, #tpu.memory_space<hbm>> -> memref<40x125xi32, #tpu.memory_space<hbm>>
      %dma_wait3A_103 = arith.constant 0 : i32
      %dma_wait3A_104 = tpu.memref_slice %arg3[%mul3A_4, %dma_wait3A_103] : memref<2560x125xi32, #tpu.memory_space<hbm>> -> memref<40x125xi32, #tpu.memory_space<hbm>>
      tpu.wait_dma2 semaphore(%run_scoped3A : memref<!tpu.dma_semaphore, #tpu.memory_space<semaphore_mem>>) src(%dma_wait3A_104 : memref<40x125xi32, #tpu.memory_space<hbm>>) dst(%arg6 : memref<40x125xi32, #tpu.memory_space<vmem>>)
      tpu.yield
    }) : () -> ()
    %mul3A_5 = arith.constant 80 : i32
    %mul3A_6 = arith.muli %add3A, %mul3A_5 : i32
    "tpu.region"() ({
      %run_scoped3A = tpu.sem_alloc : memref<!tpu.dma_semaphore, #tpu.memory_space<semaphore_mem>>
      %dma_start3A_98 = arith.constant 0 : i32
      %dma_start3A_99 = tpu.memref_slice %arg4[%mul3A_6, %dma_start3A_98] : memref<2560x125xi32, #tpu.memory_space<hbm>> -> memref<40x125xi32, #tpu.memory_space<hbm>>
      %dma_start3A_100 = arith.constant 0 : i32
      %dma_start3A_101 = tpu.memref_slice %arg4[%mul3A_6, %dma_start3A_100] : memref<2560x125xi32, #tpu.memory_space<hbm>> -> memref<40x125xi32, #tpu.memory_space<hbm>>
      tpu.enqueue_dma source(%dma_start3A_101 : memref<40x125xi32, #tpu.memory_space<hbm>>) target(%arg7 : memref<40x125xi32, #tpu.memory_space<vmem>>) target_semaphore(%run_scoped3A : memref<!tpu.dma_semaphore, #tpu.memory_space<semaphore_mem>>)
      %dma_wait3A = arith.constant 0 : i32
      %dma_wait3A_102 = tpu.memref_slice %arg4[%mul3A_6, %dma_wait3A] : memref<2560x125xi32, #tpu.memory_space<hbm>> -> memref<40x125xi32, #tpu.memory_space<hbm>>
      %dma_wait3A_103 = arith.constant 0 : i32
      %dma_wait3A_104 = tpu.memref_slice %arg4[%mul3A_6, %dma_wait3A_103] : memref<2560x125xi32, #tpu.memory_space<hbm>> -> memref<40x125xi32, #tpu.memory_space<hbm>>
      tpu.wait_dma2 semaphore(%run_scoped3A : memref<!tpu.dma_semaphore, #tpu.memory_space<semaphore_mem>>) src(%dma_wait3A_104 : memref<40x125xi32, #tpu.memory_space<hbm>>) dst(%arg7 : memref<40x125xi32, #tpu.memory_space<vmem>>)
      tpu.yield
    }) : () -> ()
    %dma_start3A = arith.constant 0 : i32
    %dma_start3A_7 = arith.constant 0 : i32
    %dma_start3A_8 = arith.constant 0 : i32
    %dma_start3A_9 = tpu.memref_slice %arg8[%dma_start3A_7, %dma_start3A_8] : memref<125x128xf32, #tpu.memory_space<vmem>> -> memref<64x128xf32, #tpu.memory_space<vmem>>
    %dma_start3A_10 = arith.constant 0 : i32
    %dma_start3A_11 = tpu.memref_slice %arg6[%dma_start3A, %dma_start3A_10] : memref<40x125xi32, #tpu.memory_space<vmem>> -> memref<1x64xi32, #tpu.memory_space<vmem>>
    %dma_start3A_12 = tpu.memref_squeeze %dma_start3A_11 : memref<1x64xi32, #tpu.memory_space<vmem>> -> memref<64xi32, #tpu.memory_space<vmem>>
    %dma_start3A_13 = arith.constant 0 : i32
    %dma_start3A_14 = arith.constant 0 : i32
    %dma_start3A_15 = tpu.memref_slice %arg2[%dma_start3A_13, %dma_start3A_14] : memref<10000x128xf32, #tpu.memory_space<hbm>> -> memref<10000x128xf32, #tpu.memory_space<hbm>>
    tpu.enqueue_indirect_dma source(%dma_start3A_15 : memref<10000x128xf32, #tpu.memory_space<hbm>>) target(%dma_start3A_9 : memref<64x128xf32, #tpu.memory_space<vmem>>) offsets(%dma_start3A_12 : memref<64xi32, #tpu.memory_space<vmem>>) semaphore(%arg10 : memref<!tpu.dma_semaphore, #tpu.memory_space<semaphore_mem>>)
    %dma_start3A_16 = arith.constant 0 : i32
    %dma_start3A_17 = arith.constant 64 : i32
    %dma_start3A_18 = arith.constant 0 : i32
    %dma_start3A_19 = tpu.memref_slice %arg8[%dma_start3A_17, %dma_start3A_18] : memref<125x128xf32, #tpu.memory_space<vmem>> -> memref<61x128xf32, #tpu.memory_space<vmem>>
    %dma_start3A_20 = arith.constant 64 : i32
    %dma_start3A_21 = tpu.memref_slice %arg6[%dma_start3A_16, %dma_start3A_20] : memref<40x125xi32, #tpu.memory_space<vmem>> -> memref<1x61xi32, #tpu.memory_space<vmem>>
    %dma_start3A_22 = tpu.memref_squeeze %dma_start3A_21 : memref<1x61xi32, #tpu.memory_space<vmem>> -> memref<61xi32, #tpu.memory_space<vmem>>
    %dma_start3A_23 = arith.constant 0 : i32
    %dma_start3A_24 = arith.constant 0 : i32
    %dma_start3A_25 = tpu.memref_slice %arg2[%dma_start3A_23, %dma_start3A_24] : memref<10000x128xf32, #tpu.memory_space<hbm>> -> memref<10000x128xf32, #tpu.memory_space<hbm>>
    tpu.enqueue_indirect_dma source(%dma_start3A_25 : memref<10000x128xf32, #tpu.memory_space<hbm>>) target(%dma_start3A_19 : memref<61x128xf32, #tpu.memory_space<vmem>>) offsets(%dma_start3A_22 : memref<61xi32, #tpu.memory_space<vmem>>) semaphore(%arg10 : memref<!tpu.dma_semaphore, #tpu.memory_space<semaphore_mem>>)
    %scan3A = arith.constant 0 : i32
    %scan3A_26 = arith.constant 0 : i32
    %scan3A_27 = arith.constant 120 : i32
    %scan3A_28 = arith.addi %scan3A_26, %scan3A_27 : i32
    %scan3A_29 = arith.constant 1 : i32
    scf.for %scan3A_98 = %scan3A_26 to %scan3A_28 step %scan3A_29  : i32 {
      %broadcast_in_dim3A = arith.constant 0.000000e+00 : f32
      %broadcast_in_dim3A_99 = vector.broadcast %broadcast_in_dim3A : f32 to vector<16xf32>
      %swap3A = arith.index_cast %scan3A_98 : i32 to index
      %swap3A_100 = arith.constant 0 : index
      %swap3A_101 = tpu.vector_load %arg9[%swap3A, %swap3A_100] {strides = array<i32>} : memref<125x128xf32, #tpu.memory_space<vmem>>, vector<1x16xf32>,
      %swap3A_102 = vector.shape_cast %swap3A_101 : vector<1x16xf32> to vector<16xf32>
      %swap3A_103 = vector.shape_cast %broadcast_in_dim3A_99 : vector<16xf32> to vector<1x16xf32>
      tpu.vector_store %arg9[%swap3A, %swap3A_100], %swap3A_103 {strides = array<i32>} : memref<125x128xf32, #tpu.memory_space<vmem>>, vector<1x16xf32>,
      %broadcast_in_dim3A_104 = arith.constant 0.000000e+00 : f32
      %broadcast_in_dim3A_105 = vector.broadcast %broadcast_in_dim3A_104 : f32 to vector<16xf32>
      %swap3A_106 = arith.index_cast %scan3A_98 : i32 to index
      %swap3A_107 = arith.constant 16 : index
      %swap3A_108 = tpu.vector_load %arg9[%swap3A_106, %swap3A_107] {strides = array<i32>} : memref<125x128xf32, #tpu.memory_space<vmem>>, vector<1x16xf32>,
      %swap3A_109 = vector.shape_cast %swap3A_108 : vector<1x16xf32> to vector<16xf32>
      %swap3A_110 = vector.shape_cast %broadcast_in_dim3A_105 : vector<16xf32> to vector<1x16xf32>
      tpu.vector_store %arg9[%swap3A_106, %swap3A_107], %swap3A_110 {strides = array<i32>} : memref<125x128xf32, #tpu.memory_space<vmem>>, vector<1x16xf32>,
      %broadcast_in_dim3A_111 = arith.constant 0.000000e+00 : f32
      %broadcast_in_dim3A_112 = vector.broadcast %broadcast_in_dim3A_111 : f32 to vector<16xf32>
      %swap3A_113 = arith.index_cast %scan3A_98 : i32 to index
      %swap3A_114 = arith.constant 32 : index
      %swap3A_115 = tpu.vector_load %arg9[%swap3A_113, %swap3A_114] {strides = array<i32>} : memref<125x128xf32, #tpu.memory_space<vmem>>, vector<1x16xf32>,
      %swap3A_116 = vector.shape_cast %swap3A_115 : vector<1x16xf32> to vector<16xf32>
      %swap3A_117 = vector.shape_cast %broadcast_in_dim3A_112 : vector<16xf32> to vector<1x16xf32>
      tpu.vector_store %arg9[%swap3A_113, %swap3A_114], %swap3A_117 {strides = array<i32>} : memref<125x128xf32, #tpu.memory_space<vmem>>, vector<1x16xf32>,
      %broadcast_in_dim3A_118 = arith.constant 0.000000e+00 : f32
      %broadcast_in_dim3A_119 = vector.broadcast %broadcast_in_dim3A_118 : f32 to vector<16xf32>
      %swap3A_120 = arith.index_cast %scan3A_98 : i32 to index
      %swap3A_121 = arith.constant 48 : index
      %swap3A_122 = tpu.vector_load %arg9[%swap3A_120, %swap3A_121] {strides = array<i32>} : memref<125x128xf32, #tpu.memory_space<vmem>>, vector<1x16xf32>,
      %swap3A_123 = vector.shape_cast %swap3A_122 : vector<1x16xf32> to vector<16xf32>
      %swap3A_124 = vector.shape_cast %broadcast_in_dim3A_119 : vector<16xf32> to vector<1x16xf32>
      tpu.vector_store %arg9[%swap3A_120, %swap3A_121], %swap3A_124 {strides = array<i32>} : memref<125x128xf32, #tpu.memory_space<vmem>>, vector<1x16xf32>,
      %broadcast_in_dim3A_125 = arith.constant 0.000000e+00 : f32
      %broadcast_in_dim3A_126 = vector.broadcast %broadcast_in_dim3A_125 : f32 to vector<16xf32>
      %swap3A_127 = arith.index_cast %scan3A_98 : i32 to index
      %swap3A_128 = arith.constant 64 : index
      %swap3A_129 = tpu.vector_load %arg9[%swap3A_127, %swap3A_128] {strides = array<i32>} : memref<125x128xf32, #tpu.memory_space<vmem>>, vector<1x16xf32>,
      %swap3A_130 = vector.shape_cast %swap3A_129 : vector<1x16xf32> to vector<16xf32>
      %swap3A_131 = vector.shape_cast %broadcast_in_dim3A_126 : vector<16xf32> to vector<1x16xf32>
      tpu.vector_store %arg9[%swap3A_127, %swap3A_128], %swap3A_131 {strides = array<i32>} : memref<125x128xf32, #tpu.memory_space<vmem>>, vector<1x16xf32>,
      %broadcast_in_dim3A_132 = arith.constant 0.000000e+00 : f32
      %broadcast_in_dim3A_133 = vector.broadcast %broadcast_in_dim3A_132 : f32 to vector<16xf32>
      %swap3A_134 = arith.index_cast %scan3A_98 : i32 to index
      %swap3A_135 = arith.constant 80 : index
      %swap3A_136 = tpu.vector_load %arg9[%swap3A_134, %swap3A_135] {strides = array<i32>} : memref<125x128xf32, #tpu.memory_space<vmem>>, vector<1x16xf32>,
      %swap3A_137 = vector.shape_cast %swap3A_136 : vector<1x16xf32> to vector<16xf32>
      %swap3A_138 = vector.shape_cast %broadcast_in_dim3A_133 : vector<16xf32> to vector<1x16xf32>
      tpu.vector_store %arg9[%swap3A_134, %swap3A_135], %swap3A_138 {strides = array<i32>} : memref<125x128xf32, #tpu.memory_space<vmem>>, vector<1x16xf32>,
      %broadcast_in_dim3A_139 = arith.constant 0.000000e+00 : f32
      %broadcast_in_dim3A_140 = vector.broadcast %broadcast_in_dim3A_139 : f32 to vector<16xf32>
      %swap3A_141 = arith.index_cast %scan3A_98 : i32 to index
      %swap3A_142 = arith.constant 96 : index
      %swap3A_143 = tpu.vector_load %arg9[%swap3A_141, %swap3A_142] {strides = array<i32>} : memref<125x128xf32, #tpu.memory_space<vmem>>, vector<1x16xf32>,
      %swap3A_144 = vector.shape_cast %swap3A_143 : vector<1x16xf32> to vector<16xf32>
      %swap3A_145 = vector.shape_cast %broadcast_in_dim3A_140 : vector<16xf32> to vector<1x16xf32>
      tpu.vector_store %arg9[%swap3A_141, %swap3A_142], %swap3A_145 {strides = array<i32>} : memref<125x128xf32, #tpu.memory_space<vmem>>, vector<1x16xf32>,
      %broadcast_in_dim3A_146 = arith.constant 0.000000e+00 : f32
      %broadcast_in_dim3A_147 = vector.broadcast %broadcast_in_dim3A_146 : f32 to vector<16xf32>
      %swap3A_148 = arith.index_cast %scan3A_98 : i32 to index
      %swap3A_149 = arith.constant 112 : index
      %swap3A_150 = tpu.vector_load %arg9[%swap3A_148, %swap3A_149] {strides = array<i32>} : memref<125x128xf32, #tpu.memory_space<vmem>>, vector<1x16xf32>,
      %swap3A_151 = vector.shape_cast %swap3A_150 : vector<1x16xf32> to vector<16xf32>
      %swap3A_152 = vector.shape_cast %broadcast_in_dim3A_147 : vector<16xf32> to vector<1x16xf32>
      tpu.vector_store %arg9[%swap3A_148, %swap3A_149], %swap3A_152 {strides = array<i32>} : memref<125x128xf32, #tpu.memory_space<vmem>>, vector<1x16xf32>,
    }
    %scan3A_30 = arith.constant 120 : i32
    %add3A_31 = arith.constant 0 : i32
    %add3A_32 = arith.addi %mul3A_2, %add3A_31 : i32
    "tpu.region"() ({
      %run_scoped3A = tpu.sem_alloc : memref<!tpu.dma_semaphore, #tpu.memory_space<semaphore_mem>>
      %dma_start3A_98 = arith.constant 0 : i32
      %dma_start3A_99 = arith.constant 0 : i32
      %dma_start3A_100 = tpu.memref_slice %arg9[%dma_start3A_98, %dma_start3A_99] : memref<125x128xf32, #tpu.memory_space<vmem>> -> memref<120x128xf32, #tpu.memory_space<vmem>>
      %dma_start3A_101 = arith.constant 0 : i32
      %dma_start3A_102 = tpu.memref_slice %arg12[%add3A_32, %dma_start3A_101] : memref<10000x128xf32, #tpu.memory_space<vmem_shared>> -> memref<120x128xf32, #tpu.memory_space<vmem_shared>>
      %dma_start3A_103 = arith.constant 0 : i32
      %dma_start3A_104 = tpu.memref_slice %arg12[%add3A_32, %dma_start3A_103] : memref<10000x128xf32, #tpu.memory_space<vmem_shared>> -> memref<120x128xf32, #tpu.memory_space<vmem_shared>>
      %dma_start3A_105 = arith.constant 0 : i32
      %dma_start3A_106 = arith.constant 0 : i32
      %dma_start3A_107 = tpu.memref_slice %arg9[%dma_start3A_105, %dma_start3A_106] : memref<125x128xf32, #tpu.memory_space<vmem>> -> memref<120x128xf32, #tpu.memory_space<vmem>>
      tpu.enqueue_dma source(%dma_start3A_107 : memref<120x128xf32, #tpu.memory_space<vmem>>) target(%dma_start3A_104 : memref<120x128xf32, #tpu.memory_space<vmem_shared>>) target_semaphore(%run_scoped3A : memref<!tpu.dma_semaphore, #tpu.memory_space<semaphore_mem>>)
      %dma_wait3A = arith.constant 0 : i32
      %dma_wait3A_108 = arith.constant 0 : i32
      %dma_wait3A_109 = tpu.memref_slice %arg9[%dma_wait3A, %dma_wait3A_108] : memref<125x128xf32, #tpu.memory_space<vmem>> -> memref<120x128xf32, #tpu.memory_space<vmem>>
      %dma_wait3A_110 = arith.constant 0 : i32
      %dma_wait3A_111 = tpu.memref_slice %arg12[%add3A_32, %dma_wait3A_110] : memref<10000x128xf32, #tpu.memory_space<vmem_shared>> -> memref<120x128xf32, #tpu.memory_space<vmem_shared>>
      %dma_wait3A_112 = arith.constant 0 : i32
      %dma_wait3A_113 = tpu.memref_slice %arg12[%add3A_32, %dma_wait3A_112] : memref<10000x128xf32, #tpu.memory_space<vmem_shared>> -> memref<120x128xf32, #tpu.memory_space<vmem_shared>>
      %dma_wait3A_114 = arith.constant 0 : i32
      %dma_wait3A_115 = arith.constant 0 : i32
      %dma_wait3A_116 = tpu.memref_slice %arg9[%dma_wait3A_114, %dma_wait3A_115] : memref<125x128xf32, #tpu.memory_space<vmem>> -> memref<120x128xf32, #tpu.memory_space<vmem>>
      tpu.wait_dma2 semaphore(%run_scoped3A : memref<!tpu.dma_semaphore, #tpu.memory_space<semaphore_mem>>) src(%dma_wait3A_116 : memref<120x128xf32, #tpu.memory_space<vmem>>) dst(%dma_wait3A_113 : memref<120x128xf32, #tpu.memory_space<vmem_shared>>)
      tpu.yield
    }) : () -> ()
    %add3A_33 = arith.constant 120 : i32
    %add3A_34 = arith.addi %mul3A_2, %add3A_33 : i32
    "tpu.region"() ({
      %run_scoped3A = tpu.sem_alloc : memref<!tpu.dma_semaphore, #tpu.memory_space<semaphore_mem>>
      %dma_start3A_98 = arith.constant 0 : i32
      %dma_start3A_99 = arith.constant 0 : i32
      %dma_start3A_100 = tpu.memref_slice %arg9[%dma_start3A_98, %dma_start3A_99] : memref<125x128xf32, #tpu.memory_space<vmem>> -> memref<120x128xf32, #tpu.memory_space<vmem>>
      %dma_start3A_101 = arith.constant 0 : i32
      %dma_start3A_102 = tpu.memref_slice %arg12[%add3A_34, %dma_start3A_101] : memref<10000x128xf32, #tpu.memory_space<vmem_shared>> -> memref<120x128xf32, #tpu.memory_space<vmem_shared>>
      %dma_start3A_103 = arith.constant 0 : i32
      %dma_start3A_104 = tpu.memref_slice %arg12[%add3A_34, %dma_start3A_103] : memref<10000x128xf32, #tpu.memory_space<vmem_shared>> -> memref<120x128xf32, #tpu.memory_space<vmem_shared>>
      %dma_start3A_105 = arith.constant 0 : i32
      %dma_start3A_106 = arith.constant 0 : i32
      %dma_start3A_107 = tpu.memref_slice %arg9[%dma_start3A_105, %dma_start3A_106] : memref<125x128xf32, #tpu.memory_space<vmem>> -> memref<120x128xf32, #tpu.memory_space<vmem>>
      tpu.enqueue_dma source(%dma_start3A_107 : memref<120x128xf32, #tpu.memory_space<vmem>>) target(%dma_start3A_104 : memref<120x128xf32, #tpu.memory_space<vmem_shared>>) target_semaphore(%run_scoped3A : memref<!tpu.dma_semaphore, #tpu.memory_space<semaphore_mem>>)
      %dma_wait3A = arith.constant 0 : i32
      %dma_wait3A_108 = arith.constant 0 : i32
      %dma_wait3A_109 = tpu.memref_slice %arg9[%dma_wait3A, %dma_wait3A_108] : memref<125x128xf32, #tpu.memory_space<vmem>> -> memref<120x128xf32, #tpu.memory_space<vmem>>
      %dma_wait3A_110 = arith.constant 0 : i32
      %dma_wait3A_111 = tpu.memref_slice %arg12[%add3A_34, %dma_wait3A_110] : memref<10000x128xf32, #tpu.memory_space<vmem_shared>> -> memref<120x128xf32, #tpu.memory_space<vmem_shared>>
      %dma_wait3A_112 = arith.constant 0 : i32
      %dma_wait3A_113 = tpu.memref_slice %arg12[%add3A_34, %dma_wait3A_112] : memref<10000x128xf32, #tpu.memory_space<vmem_shared>> -> memref<120x128xf32, #tpu.memory_space<vmem_shared>>
      %dma_wait3A_114 = arith.constant 0 : i32
      %dma_wait3A_115 = arith.constant 0 : i32
      %dma_wait3A_116 = tpu.memref_slice %arg9[%dma_wait3A_114, %dma_wait3A_115] : memref<125x128xf32, #tpu.memory_space<vmem>> -> memref<120x128xf32, #tpu.memory_space<vmem>>
      tpu.wait_dma2 semaphore(%run_scoped3A : memref<!tpu.dma_semaphore, #tpu.memory_space<semaphore_mem>>) src(%dma_wait3A_116 : memref<120x128xf32, #tpu.memory_space<vmem>>) dst(%dma_wait3A_113 : memref<120x128xf32, #tpu.memory_space<vmem_shared>>)
      tpu.yield
    }) : () -> ()
    %add3A_35 = arith.constant 240 : i32
    %add3A_36 = arith.addi %mul3A_2, %add3A_35 : i32
    "tpu.region"() ({
      %run_scoped3A = tpu.sem_alloc : memref<!tpu.dma_semaphore, #tpu.memory_space<semaphore_mem>>
      %dma_start3A_98 = arith.constant 0 : i32
      %dma_start3A_99 = arith.constant 0 : i32
      %dma_start3A_100 = tpu.memref_slice %arg9[%dma_start3A_98, %dma_start3A_99] : memref<125x128xf32, #tpu.memory_space<vmem>> -> memref<120x128xf32, #tpu.memory_space<vmem>>
      %dma_start3A_101 = arith.constant 0 : i32
      %dma_start3A_102 = tpu.memref_slice %arg12[%add3A_36, %dma_start3A_101] : memref<10000x128xf32, #tpu.memory_space<vmem_shared>> -> memref<120x128xf32, #tpu.memory_space<vmem_shared>>
      %dma_start3A_103 = arith.constant 0 : i32
      %dma_start3A_104 = tpu.memref_slice %arg12[%add3A_36, %dma_start3A_103] : memref<10000x128xf32, #tpu.memory_space<vmem_shared>> -> memref<120x128xf32, #tpu.memory_space<vmem_shared>>
      %dma_start3A_105 = arith.constant 0 : i32
      %dma_start3A_106 = arith.constant 0 : i32
      %dma_start3A_107 = tpu.memref_slice %arg9[%dma_start3A_105, %dma_start3A_106] : memref<125x128xf32, #tpu.memory_space<vmem>> -> memref<120x128xf32, #tpu.memory_space<vmem>>
      tpu.enqueue_dma source(%dma_start3A_107 : memref<120x128xf32, #tpu.memory_space<vmem>>) target(%dma_start3A_104 : memref<120x128xf32, #tpu.memory_space<vmem_shared>>) target_semaphore(%run_scoped3A : memref<!tpu.dma_semaphore, #tpu.memory_space<semaphore_mem>>)
      %dma_wait3A = arith.constant 0 : i32
      %dma_wait3A_108 = arith.constant 0 : i32
      %dma_wait3A_109 = tpu.memref_slice %arg9[%dma_wait3A, %dma_wait3A_108] : memref<125x128xf32, #tpu.memory_space<vmem>> -> memref<120x128xf32, #tpu.memory_space<vmem>>
      %dma_wait3A_110 = arith.constant 0 : i32
      %dma_wait3A_111 = tpu.memref_slice %arg12[%add3A_36, %dma_wait3A_110] : memref<10000x128xf32, #tpu.memory_space<vmem_shared>> -> memref<120x128xf32, #tpu.memory_space<vmem_shared>>
      %dma_wait3A_112 = arith.constant 0 : i32
      %dma_wait3A_113 = tpu.memref_slice %arg12[%add3A_36, %dma_wait3A_112] : memref<10000x128xf32, #tpu.memory_space<vmem_shared>> -> memref<120x128xf32, #tpu.memory_space<vmem_shared>>
      %dma_wait3A_114 = arith.constant 0 : i32
      %dma_wait3A_115 = arith.constant 0 : i32
      %dma_wait3A_116 = tpu.memref_slice %arg9[%dma_wait3A_114, %dma_wait3A_115] : memref<125x128xf32, #tpu.memory_space<vmem>> -> memref<120x128xf32, #tpu.memory_space<vmem>>
      tpu.wait_dma2 semaphore(%run_scoped3A : memref<!tpu.dma_semaphore, #tpu.memory_space<semaphore_mem>>) src(%dma_wait3A_116 : memref<120x128xf32, #tpu.memory_space<vmem>>) dst(%dma_wait3A_113 : memref<120x128xf32, #tpu.memory_space<vmem_shared>>)
      tpu.yield
    }) : () -> ()
    %add3A_37 = arith.constant 360 : i32
    %add3A_38 = arith.addi %mul3A_2, %add3A_37 : i32
    "tpu.region"() ({
      %run_scoped3A = tpu.sem_alloc : memref<!tpu.dma_semaphore, #tpu.memory_space<semaphore_mem>>
      %dma_start3A_98 = arith.constant 0 : i32
      %dma_start3A_99 = arith.constant 0 : i32
      %dma_start3A_100 = tpu.memref_slice %arg9[%dma_start3A_98, %dma_start3A_99] : memref<125x128xf32, #tpu.memory_space<vmem>> -> memref<120x128xf32, #tpu.memory_space<vmem>>
      %dma_start3A_101 = arith.constant 0 : i32
      %dma_start3A_102 = tpu.memref_slice %arg12[%add3A_38, %dma_start3A_101] : memref<10000x128xf32, #tpu.memory_space<vmem_shared>> -> memref<120x128xf32, #tpu.memory_space<vmem_shared>>
      %dma_start3A_103 = arith.constant 0 : i32
      %dma_start3A_104 = tpu.memref_slice %arg12[%add3A_38, %dma_start3A_103] : memref<10000x128xf32, #tpu.memory_space<vmem_shared>> -> memref<120x128xf32, #tpu.memory_space<vmem_shared>>
      %dma_start3A_105 = arith.constant 0 : i32
      %dma_start3A_106 = arith.constant 0 : i32
      %dma_start3A_107 = tpu.memref_slice %arg9[%dma_start3A_105, %dma_start3A_106] : memref<125x128xf32, #tpu.memory_space<vmem>> -> memref<120x128xf32, #tpu.memory_space<vmem>>
      tpu.enqueue_dma source(%dma_start3A_107 : memref<120x128xf32, #tpu.memory_space<vmem>>) target(%dma_start3A_104 : memref<120x128xf32, #tpu.memory_space<vmem_shared>>) target_semaphore(%run_scoped3A : memref<!tpu.dma_semaphore, #tpu.memory_space<semaphore_mem>>)
      %dma_wait3A = arith.constant 0 : i32
      %dma_wait3A_108 = arith.constant 0 : i32
      %dma_wait3A_109 = tpu.memref_slice %arg9[%dma_wait3A, %dma_wait3A_108] : memref<125x128xf32, #tpu.memory_space<vmem>> -> memref<120x128xf32, #tpu.memory_space<vmem>>
      %dma_wait3A_110 = arith.constant 0 : i32
      %dma_wait3A_111 = tpu.memref_slice %arg12[%add3A_38, %dma_wait3A_110] : memref<10000x128xf32, #tpu.memory_space<vmem_shared>> -> memref<120x128xf32, #tpu.memory_space<vmem_shared>>
      %dma_wait3A_112 = arith.constant 0 : i32
      %dma_wait3A_113 = tpu.memref_slice %arg12[%add3A_38, %dma_wait3A_112] : memref<10000x128xf32, #tpu.memory_space<vmem_shared>> -> memref<120x128xf32, #tpu.memory_space<vmem_shared>>
      %dma_wait3A_114 = arith.constant 0 : i32
      %dma_wait3A_115 = arith.constant 0 : i32
      %dma_wait3A_116 = tpu.memref_slice %arg9[%dma_wait3A_114, %dma_wait3A_115] : memref<125x128xf32, #tpu.memory_space<vmem>> -> memref<120x128xf32, #tpu.memory_space<vmem>>
      tpu.wait_dma2 semaphore(%run_scoped3A : memref<!tpu.dma_semaphore, #tpu.memory_space<semaphore_mem>>) src(%dma_wait3A_116 : memref<120x128xf32, #tpu.memory_space<vmem>>) dst(%dma_wait3A_113 : memref<120x128xf32, #tpu.memory_space<vmem_shared>>)
      tpu.yield
    }) : () -> ()
    %add3A_39 = arith.constant 480 : i32
    %add3A_40 = arith.addi %mul3A_2, %add3A_39 : i32
    "tpu.region"() ({
      %run_scoped3A = tpu.sem_alloc : memref<!tpu.dma_semaphore, #tpu.memory_space<semaphore_mem>>
      %dma_start3A_98 = arith.constant 0 : i32
      %dma_start3A_99 = arith.constant 0 : i32
      %dma_start3A_100 = tpu.memref_slice %arg9[%dma_start3A_98, %dma_start3A_99] : memref<125x128xf32, #tpu.memory_space<vmem>> -> memref<120x128xf32, #tpu.memory_space<vmem>>
      %dma_start3A_101 = arith.constant 0 : i32
      %dma_start3A_102 = tpu.memref_slice %arg12[%add3A_40, %dma_start3A_101] : memref<10000x128xf32, #tpu.memory_space<vmem_shared>> -> memref<120x128xf32, #tpu.memory_space<vmem_shared>>
      %dma_start3A_103 = arith.constant 0 : i32
      %dma_start3A_104 = tpu.memref_slice %arg12[%add3A_40, %dma_start3A_103] : memref<10000x128xf32, #tpu.memory_space<vmem_shared>> -> memref<120x128xf32, #tpu.memory_space<vmem_shared>>
      %dma_start3A_105 = arith.constant 0 : i32
      %dma_start3A_106 = arith.constant 0 : i32
      %dma_start3A_107 = tpu.memref_slice %arg9[%dma_start3A_105, %dma_start3A_106] : memref<125x128xf32, #tpu.memory_space<vmem>> -> memref<120x128xf32, #tpu.memory_space<vmem>>
      tpu.enqueue_dma source(%dma_start3A_107 : memref<120x128xf32, #tpu.memory_space<vmem>>) target(%dma_start3A_104 : memref<120x128xf32, #tpu.memory_space<vmem_shared>>) target_semaphore(%run_scoped3A : memref<!tpu.dma_semaphore, #tpu.memory_space<semaphore_mem>>)
      %dma_wait3A = arith.constant 0 : i32
      %dma_wait3A_108 = arith.constant 0 : i32
      %dma_wait3A_109 = tpu.memref_slice %arg9[%dma_wait3A, %dma_wait3A_108] : memref<125x128xf32, #tpu.memory_space<vmem>> -> memref<120x128xf32, #tpu.memory_space<vmem>>
      %dma_wait3A_110 = arith.constant 0 : i32
      %dma_wait3A_111 = tpu.memref_slice %arg12[%add3A_40, %dma_wait3A_110] : memref<10000x128xf32, #tpu.memory_space<vmem_shared>> -> memref<120x128xf32, #tpu.memory_space<vmem_shared>>
      %dma_wait3A_112 = arith.constant 0 : i32
      %dma_wait3A_113 = tpu.memref_slice %arg12[%add3A_40, %dma_wait3A_112] : memref<10000x128xf32, #tpu.memory_space<vmem_shared>> -> memref<120x128xf32, #tpu.memory_space<vmem_shared>>
      %dma_wait3A_114 = arith.constant 0 : i32
      %dma_wait3A_115 = arith.constant 0 : i32
      %dma_wait3A_116 = tpu.memref_slice %arg9[%dma_wait3A_114, %dma_wait3A_115] : memref<125x128xf32, #tpu.memory_space<vmem>> -> memref<120x128xf32, #tpu.memory_space<vmem>>
      tpu.wait_dma2 semaphore(%run_scoped3A : memref<!tpu.dma_semaphore, #tpu.memory_space<semaphore_mem>>) src(%dma_wait3A_116 : memref<120x128xf32, #tpu.memory_space<vmem>>) dst(%dma_wait3A_113 : memref<120x128xf32, #tpu.memory_space<vmem_shared>>)
      tpu.yield
    }) : () -> ()
    %lt3A = arith.constant 15 : i32
    %lt3A_41 = arith.cmpi slt, %arg1, %lt3A : i32
    %convert_element_type3A = arith.extui %lt3A_41 : i1 to i32
    %cond3A = arith.constant 0 : i32
    %cond3A_42 = arith.cmpi ne, %convert_element_type3A, %cond3A : i32
    scf.if %cond3A_42 {
      %add3A_98 = arith.constant 624 : i32
      %add3A_99 = arith.addi %mul3A_2, %add3A_98 : i32
      %sub3A = arith.constant 24 : i32
      %sub3A_100 = arith.subi %add3A_99, %sub3A : i32
      "tpu.region"() ({
        %run_scoped3A = tpu.sem_alloc : memref<!tpu.dma_semaphore, #tpu.memory_space<semaphore_mem>>
        %dma_start3A_101 = arith.constant 0 : i32
        %dma_start3A_102 = arith.constant 0 : i32
        %dma_start3A_103 = tpu.memref_slice %arg9[%dma_start3A_101, %dma_start3A_102] : memref<125x128xf32, #tpu.memory_space<vmem>> -> memref<24x128xf32, #tpu.memory_space<vmem>>
        %dma_start3A_104 = arith.constant 0 : i32
        %dma_start3A_105 = tpu.memref_slice %arg12[%sub3A_100, %dma_start3A_104] : memref<10000x128xf32, #tpu.memory_space<vmem_shared>> -> memref<24x128xf32, #tpu.memory_space<vmem_shared>>
        %dma_start3A_106 = arith.constant 0 : i32
        %dma_start3A_107 = tpu.memref_slice %arg12[%sub3A_100, %dma_start3A_106] : memref<10000x128xf32, #tpu.memory_space<vmem_shared>> -> memref<24x128xf32, #tpu.memory_space<vmem_shared>>
        %dma_start3A_108 = arith.constant 0 : i32
        %dma_start3A_109 = arith.constant 0 : i32
        %dma_start3A_110 = tpu.memref_slice %arg9[%dma_start3A_108, %dma_start3A_109] : memref<125x128xf32, #tpu.memory_space<vmem>> -> memref<24x128xf32, #tpu.memory_space<vmem>>
        tpu.enqueue_dma source(%dma_start3A_110 : memref<24x128xf32, #tpu.memory_space<vmem>>) target(%dma_start3A_107 : memref<24x128xf32, #tpu.memory_space<vmem_shared>>) target_semaphore(%run_scoped3A : memref<!tpu.dma_semaphore, #tpu.memory_space<semaphore_mem>>)
        %dma_wait3A = arith.constant 0 : i32
        %dma_wait3A_111 = arith.constant 0 : i32
        %dma_wait3A_112 = tpu.memref_slice %arg9[%dma_wait3A, %dma_wait3A_111] : memref<125x128xf32, #tpu.memory_space<vmem>> -> memref<24x128xf32, #tpu.memory_space<vmem>>
        %dma_wait3A_113 = arith.constant 0 : i32
        %dma_wait3A_114 = tpu.memref_slice %arg12[%sub3A_100, %dma_wait3A_113] : memref<10000x128xf32, #tpu.memory_space<vmem_shared>> -> memref<24x128xf32, #tpu.memory_space<vmem_shared>>
        %dma_wait3A_115 = arith.constant 0 : i32
        %dma_wait3A_116 = tpu.memref_slice %arg12[%sub3A_100, %dma_wait3A_115] : memref<10000x128xf32, #tpu.memory_space<vmem_shared>> -> memref<24x128xf32, #tpu.memory_space<vmem_shared>>
        %dma_wait3A_117 = arith.constant 0 : i32
        %dma_wait3A_118 = arith.constant 0 : i32
        %dma_wait3A_119 = tpu.memref_slice %arg9[%dma_wait3A_117, %dma_wait3A_118] : memref<125x128xf32, #tpu.memory_space<vmem>> -> memref<24x128xf32, #tpu.memory_space<vmem>>
        tpu.wait_dma2 semaphore(%run_scoped3A : memref<!tpu.dma_semaphore, #tpu.memory_space<semaphore_mem>>) src(%dma_wait3A_119 : memref<24x128xf32, #tpu.memory_space<vmem>>) dst(%dma_wait3A_116 : memref<24x128xf32, #tpu.memory_space<vmem_shared>>)
        tpu.yield
      }) : () -> ()
    } else {
    }
    %eq3A = arith.constant 15 : i32
    %eq3A_43 = arith.cmpi eq, %arg1, %eq3A : i32
    %convert_element_type3A_44 = arith.extui %eq3A_43 : i1 to i32
    %cond3A_45 = arith.constant 0 : i32
    %cond3A_46 = arith.cmpi ne, %convert_element_type3A_44, %cond3A_45 : i32
    scf.if %cond3A_46 {
      %add3A_98 = arith.constant 624 : i32
      %add3A_99 = arith.addi %mul3A_2, %add3A_98 : i32
      %sub3A = arith.constant 24 : i32
      %sub3A_100 = arith.subi %add3A_99, %sub3A : i32
      "tpu.region"() ({
        %run_scoped3A = tpu.sem_alloc : memref<!tpu.dma_semaphore, #tpu.memory_space<semaphore_mem>>
        %dma_start3A_101 = arith.constant 0 : i32
        %dma_start3A_102 = arith.constant 0 : i32
        %dma_start3A_103 = tpu.memref_slice %arg9[%dma_start3A_101, %dma_start3A_102] : memref<125x128xf32, #tpu.memory_space<vmem>> -> memref<40x128xf32, #tpu.memory_space<vmem>>
        %dma_start3A_104 = arith.constant 0 : i32
        %dma_start3A_105 = tpu.memref_slice %arg12[%sub3A_100, %dma_start3A_104] : memref<10000x128xf32, #tpu.memory_space<vmem_shared>> -> memref<40x128xf32, #tpu.memory_space<vmem_shared>>
        %dma_start3A_106 = arith.constant 0 : i32
        %dma_start3A_107 = tpu.memref_slice %arg12[%sub3A_100, %dma_start3A_106] : memref<10000x128xf32, #tpu.memory_space<vmem_shared>> -> memref<40x128xf32, #tpu.memory_space<vmem_shared>>
        %dma_start3A_108 = arith.constant 0 : i32
        %dma_start3A_109 = arith.constant 0 : i32
        %dma_start3A_110 = tpu.memref_slice %arg9[%dma_start3A_108, %dma_start3A_109] : memref<125x128xf32, #tpu.memory_space<vmem>> -> memref<40x128xf32, #tpu.memory_space<vmem>>
        tpu.enqueue_dma source(%dma_start3A_110 : memref<40x128xf32, #tpu.memory_space<vmem>>) target(%dma_start3A_107 : memref<40x128xf32, #tpu.memory_space<vmem_shared>>) target_semaphore(%run_scoped3A : memref<!tpu.dma_semaphore, #tpu.memory_space<semaphore_mem>>)
        %dma_wait3A = arith.constant 0 : i32
        %dma_wait3A_111 = arith.constant 0 : i32
        %dma_wait3A_112 = tpu.memref_slice %arg9[%dma_wait3A, %dma_wait3A_111] : memref<125x128xf32, #tpu.memory_space<vmem>> -> memref<40x128xf32, #tpu.memory_space<vmem>>
        %dma_wait3A_113 = arith.constant 0 : i32
        %dma_wait3A_114 = tpu.memref_slice %arg12[%sub3A_100, %dma_wait3A_113] : memref<10000x128xf32, #tpu.memory_space<vmem_shared>> -> memref<40x128xf32, #tpu.memory_space<vmem_shared>>
        %dma_wait3A_115 = arith.constant 0 : i32
        %dma_wait3A_116 = tpu.memref_slice %arg12[%sub3A_100, %dma_wait3A_115] : memref<10000x128xf32, #tpu.memory_space<vmem_shared>> -> memref<40x128xf32, #tpu.memory_space<vmem_shared>>
        %dma_wait3A_117 = arith.constant 0 : i32
        %dma_wait3A_118 = arith.constant 0 : i32
        %dma_wait3A_119 = tpu.memref_slice %arg9[%dma_wait3A_117, %dma_wait3A_118] : memref<125x128xf32, #tpu.memory_space<vmem>> -> memref<40x128xf32, #tpu.memory_space<vmem>>
        tpu.wait_dma2 semaphore(%run_scoped3A : memref<!tpu.dma_semaphore, #tpu.memory_space<semaphore_mem>>) src(%dma_wait3A_119 : memref<40x128xf32, #tpu.memory_space<vmem>>) dst(%dma_wait3A_116 : memref<40x128xf32, #tpu.memory_space<vmem_shared>>)
        tpu.yield
      }) : () -> ()
    } else {
    }
    %barrier3A = arith.constant 0 : index
    tpu.barrier barrier_id(%barrier3A)
    %mul3A_47 = arith.constant 80 : i32
    %mul3A_48 = arith.muli %add3A, %mul3A_47 : i32
    %add3A_49 = arith.constant 0 : i32
    %add3A_50 = arith.addi %mul3A_48, %add3A_49 : i32
    %scan3A_51 = arith.constant 0 : i32
    %scan3A_52 = arith.constant 0 : i32
    %scan3A_53 = arith.constant 20 : i32
    %scan3A_54 = arith.addi %scan3A_52, %scan3A_53 : i32
    %scan3A_55 = arith.constant 1 : i32
    scf.for %scan3A_98 = %scan3A_52 to %scan3A_54 step %scan3A_55  : i32 {
      %mul3A_99 = arith.constant 2 : i32
      %mul3A_100 = arith.muli %mul3A_99, %scan3A_98 : i32
      %add3A_101 = arith.constant 1 : i32
      %add3A_102 = arith.addi %mul3A_100, %add3A_101 : i32
      %dma_start3A_103 = arith.constant 0 : i32
      %dma_start3A_104 = arith.constant 0 : i32
      %dma_start3A_105 = tpu.memref_slice %arg9[%dma_start3A_103, %dma_start3A_104] : memref<125x128xf32, #tpu.memory_space<vmem>> -> memref<64x128xf32, #tpu.memory_space<vmem>>
      %dma_start3A_106 = arith.constant 0 : i32
      %dma_start3A_107 = tpu.memref_slice %arg6[%add3A_102, %dma_start3A_106] : memref<40x125xi32, #tpu.memory_space<vmem>> -> memref<1x64xi32, #tpu.memory_space<vmem>>
      %dma_start3A_108 = tpu.memref_squeeze %dma_start3A_107 : memref<1x64xi32, #tpu.memory_space<vmem>> -> memref<64xi32, #tpu.memory_space<vmem>>
      %dma_start3A_109 = arith.constant 0 : i32
      %dma_start3A_110 = arith.constant 0 : i32
      %dma_start3A_111 = tpu.memref_slice %arg2[%dma_start3A_109, %dma_start3A_110] : memref<10000x128xf32, #tpu.memory_space<hbm>> -> memref<10000x128xf32, #tpu.memory_space<hbm>>
      tpu.enqueue_indirect_dma source(%dma_start3A_111 : memref<10000x128xf32, #tpu.memory_space<hbm>>) target(%dma_start3A_105 : memref<64x128xf32, #tpu.memory_space<vmem>>) offsets(%dma_start3A_108 : memref<64xi32, #tpu.memory_space<vmem>>) semaphore(%arg11 : memref<!tpu.dma_semaphore, #tpu.memory_space<semaphore_mem>>)
      %dma_start3A_112 = arith.constant 64 : i32
      %dma_start3A_113 = arith.constant 0 : i32
      %dma_start3A_114 = tpu.memref_slice %arg9[%dma_start3A_112, %dma_start3A_113] : memref<125x128xf32, #tpu.memory_space<vmem>> -> memref<61x128xf32, #tpu.memory_space<vmem>>
      %dma_start3A_115 = arith.constant 64 : i32
      %dma_start3A_116 = tpu.memref_slice %arg6[%add3A_102, %dma_start3A_115] : memref<40x125xi32, #tpu.memory_space<vmem>> -> memref<1x61xi32, #tpu.memory_space<vmem>>
      %dma_start3A_117 = tpu.memref_squeeze %dma_start3A_116 : memref<1x61xi32, #tpu.memory_space<vmem>> -> memref<61xi32, #tpu.memory_space<vmem>>
      %dma_start3A_118 = arith.constant 0 : i32
      %dma_start3A_119 = arith.constant 0 : i32
      %dma_start3A_120 = tpu.memref_slice %arg2[%dma_start3A_118, %dma_start3A_119] : memref<10000x128xf32, #tpu.memory_space<hbm>> -> memref<10000x128xf32, #tpu.memory_space<hbm>>
      tpu.enqueue_indirect_dma source(%dma_start3A_120 : memref<10000x128xf32, #tpu.memory_space<hbm>>) target(%dma_start3A_114 : memref<61x128xf32, #tpu.memory_space<vmem>>) offsets(%dma_start3A_117 : memref<61xi32, #tpu.memory_space<vmem>>) semaphore(%arg11 : memref<!tpu.dma_semaphore, #tpu.memory_space<semaphore_mem>>)
      %dma_wait3A = arith.constant 0 : i32
      %dma_wait3A_121 = arith.constant 0 : i32
      %dma_wait3A_122 = arith.constant 0 : i32
      %dma_wait3A_123 = tpu.memref_slice %arg8[%dma_wait3A_121, %dma_wait3A_122] : memref<125x128xf32, #tpu.memory_space<vmem>> -> memref<64x128xf32, #tpu.memory_space<vmem>>
      %dma_wait3A_124 = arith.constant 0 : i32
      %dma_wait3A_125 = tpu.memref_slice %arg6[%dma_wait3A, %dma_wait3A_124] : memref<40x125xi32, #tpu.memory_space<vmem>> -> memref<1x64xi32, #tpu.memory_space<vmem>>
      %dma_wait3A_126 = tpu.memref_squeeze %dma_wait3A_125 : memref<1x64xi32, #tpu.memory_space<vmem>> -> memref<64xi32, #tpu.memory_space<vmem>>
      %dma_wait3A_127 = arith.constant 0 : i32
      %dma_wait3A_128 = arith.constant 0 : i32
      %dma_wait3A_129 = tpu.memref_slice %arg2[%dma_wait3A_127, %dma_wait3A_128] : memref<10000x128xf32, #tpu.memory_space<hbm>> -> memref<10000x128xf32, #tpu.memory_space<hbm>>
      tpu.wait_indirect_dma semaphore(%arg10 : memref<!tpu.dma_semaphore, #tpu.memory_space<semaphore_mem>>) src(%dma_wait3A_129 : memref<10000x128xf32, #tpu.memory_space<hbm>>) dst(%dma_wait3A_123 : memref<64x128xf32, #tpu.memory_space<vmem>>)
      %dma_wait3A_130 = arith.constant 0 : i32
      %dma_wait3A_131 = arith.constant 64 : i32
      %dma_wait3A_132 = arith.constant 0 : i32
      %dma_wait3A_133 = tpu.memref_slice %arg8[%dma_wait3A_131, %dma_wait3A_132] : memref<125x128xf32, #tpu.memory_space<vmem>> -> memref<61x128xf32, #tpu.memory_space<vmem>>
      %dma_wait3A_134 = arith.constant 64 : i32
      %dma_wait3A_135 = tpu.memref_slice %arg6[%dma_wait3A_130, %dma_wait3A_134] : memref<40x125xi32, #tpu.memory_space<vmem>> -> memref<1x61xi32, #tpu.memory_space<vmem>>
      %dma_wait3A_136 = tpu.memref_squeeze %dma_wait3A_135 : memref<1x61xi32, #tpu.memory_space<vmem>> -> memref<61xi32, #tpu.memory_space<vmem>>
      %dma_wait3A_137 = arith.constant 0 : i32
      %dma_wait3A_138 = arith.constant 0 : i32
      %dma_wait3A_139 = tpu.memref_slice %arg2[%dma_wait3A_137, %dma_wait3A_138] : memref<10000x128xf32, #tpu.memory_space<hbm>> -> memref<10000x128xf32, #tpu.memory_space<hbm>>
      tpu.wait_indirect_dma semaphore(%arg10 : memref<!tpu.dma_semaphore, #tpu.memory_space<semaphore_mem>>) src(%dma_wait3A_139 : memref<10000x128xf32, #tpu.memory_space<hbm>>) dst(%dma_wait3A_133 : memref<61x128xf32, #tpu.memory_space<vmem>>)
      "tpu.region"() ({
        %run_scoped3A = tpu.sem_alloc : memref<!tpu.dma_semaphore, #tpu.memory_space<semaphore_mem>>
        %dma_start3A_169 = arith.constant 0 : i32
        %dma_start3A_170 = tpu.memref_slice %arg7[%mul3A_100, %dma_start3A_169] : memref<40x125xi32, #tpu.memory_space<vmem>> -> memref<1x125xi32, #tpu.memory_space<vmem>>
        %dma_start3A_171 = tpu.memref_squeeze %dma_start3A_170 : memref<1x125xi32, #tpu.memory_space<vmem>> -> memref<125xi32, #tpu.memory_space<vmem>>
        %dma_start3A_172 = arith.constant 0 : i32
        %dma_start3A_173 = arith.constant 0 : i32
        %dma_start3A_174 = tpu.memref_slice %arg12[%dma_start3A_172, %dma_start3A_173] : memref<10000x128xf32, #tpu.memory_space<vmem_shared>> -> memref<10000x128xf32, #tpu.memory_space<vmem_shared>>
        tpu.enqueue_indirect_dma source(%arg8 : memref<125x128xf32, #tpu.memory_space<vmem>>) target(%dma_start3A_174 : memref<10000x128xf32, #tpu.memory_space<vmem_shared>>) offsets(%dma_start3A_171 : memref<125xi32, #tpu.memory_space<vmem>>) semaphore(%run_scoped3A : memref<!tpu.dma_semaphore, #tpu.memory_space<semaphore_mem>>) {add = true}
        %dma_wait3A_175 = arith.constant 0 : i32
        %dma_wait3A_176 = tpu.memref_slice %arg7[%mul3A_100, %dma_wait3A_175] : memref<40x125xi32, #tpu.memory_space<vmem>> -> memref<1x125xi32, #tpu.memory_space<vmem>>
        %dma_wait3A_177 = tpu.memref_squeeze %dma_wait3A_176 : memref<1x125xi32, #tpu.memory_space<vmem>> -> memref<125xi32, #tpu.memory_space<vmem>>
        %dma_wait3A_178 = arith.constant 0 : i32
        %dma_wait3A_179 = arith.constant 0 : i32
        %dma_wait3A_180 = tpu.memref_slice %arg12[%dma_wait3A_178, %dma_wait3A_179] : memref<10000x128xf32, #tpu.memory_space<vmem_shared>> -> memref<10000x128xf32, #tpu.memory_space<vmem_shared>>
        tpu.wait_indirect_dma semaphore(%run_scoped3A : memref<!tpu.dma_semaphore, #tpu.memory_space<semaphore_mem>>) src(%arg8 : memref<125x128xf32, #tpu.memory_space<vmem>>) dst(%dma_wait3A_180 : memref<10000x128xf32, #tpu.memory_space<vmem_shared>>)
        tpu.yield
      }) : () -> ()
      %add3A_140 = arith.constant 2 : i32
      %add3A_141 = arith.addi %mul3A_100, %add3A_140 : i32
      %lt3A_142 = arith.constant 40 : i32
      %lt3A_143 = arith.cmpi slt, %add3A_141, %lt3A_142 : i32
      %convert_element_type3A_144 = arith.extui %lt3A_143 : i1 to i32
      %cond3A_145 = arith.constant 0 : i32
      %cond3A_146 = arith.cmpi ne, %convert_element_type3A_144, %cond3A_145 : i32
      scf.if %cond3A_146 {
        %add3A_169 = arith.constant 2 : i32
        %add3A_170 = arith.addi %mul3A_100, %add3A_169 : i32
        %dma_start3A_171 = arith.constant 0 : i32
        %dma_start3A_172 = arith.constant 0 : i32
        %dma_start3A_173 = tpu.memref_slice %arg8[%dma_start3A_171, %dma_start3A_172] : memref<125x128xf32, #tpu.memory_space<vmem>> -> memref<64x128xf32, #tpu.memory_space<vmem>>
        %dma_start3A_174 = arith.constant 0 : i32
        %dma_start3A_175 = tpu.memref_slice %arg6[%add3A_170, %dma_start3A_174] : memref<40x125xi32, #tpu.memory_space<vmem>> -> memref<1x64xi32, #tpu.memory_space<vmem>>
        %dma_start3A_176 = tpu.memref_squeeze %dma_start3A_175 : memref<1x64xi32, #tpu.memory_space<vmem>> -> memref<64xi32, #tpu.memory_space<vmem>>
        %dma_start3A_177 = arith.constant 0 : i32
        %dma_start3A_178 = arith.constant 0 : i32
        %dma_start3A_179 = tpu.memref_slice %arg2[%dma_start3A_177, %dma_start3A_178] : memref<10000x128xf32, #tpu.memory_space<hbm>> -> memref<10000x128xf32, #tpu.memory_space<hbm>>
        tpu.enqueue_indirect_dma source(%dma_start3A_179 : memref<10000x128xf32, #tpu.memory_space<hbm>>) target(%dma_start3A_173 : memref<64x128xf32, #tpu.memory_space<vmem>>) offsets(%dma_start3A_176 : memref<64xi32, #tpu.memory_space<vmem>>) semaphore(%arg10 : memref<!tpu.dma_semaphore, #tpu.memory_space<semaphore_mem>>)
        %dma_start3A_180 = arith.constant 64 : i32
        %dma_start3A_181 = arith.constant 0 : i32
        %dma_start3A_182 = tpu.memref_slice %arg8[%dma_start3A_180, %dma_start3A_181] : memref<125x128xf32, #tpu.memory_space<vmem>> -> memref<61x128xf32, #tpu.memory_space<vmem>>
        %dma_start3A_183 = arith.constant 64 : i32
        %dma_start3A_184 = tpu.memref_slice %arg6[%add3A_170, %dma_start3A_183] : memref<40x125xi32, #tpu.memory_space<vmem>> -> memref<1x61xi32, #tpu.memory_space<vmem>>
        %dma_start3A_185 = tpu.memref_squeeze %dma_start3A_184 : memref<1x61xi32, #tpu.memory_space<vmem>> -> memref<61xi32, #tpu.memory_space<vmem>>
        %dma_start3A_186 = arith.constant 0 : i32
        %dma_start3A_187 = arith.constant 0 : i32
        %dma_start3A_188 = tpu.memref_slice %arg2[%dma_start3A_186, %dma_start3A_187] : memref<10000x128xf32, #tpu.memory_space<hbm>> -> memref<10000x128xf32, #tpu.memory_space<hbm>>
        tpu.enqueue_indirect_dma source(%dma_start3A_188 : memref<10000x128xf32, #tpu.memory_space<hbm>>) target(%dma_start3A_182 : memref<61x128xf32, #tpu.memory_space<vmem>>) offsets(%dma_start3A_185 : memref<61xi32, #tpu.memory_space<vmem>>) semaphore(%arg10 : memref<!tpu.dma_semaphore, #tpu.memory_space<semaphore_mem>>)
      } else {
      }
      %dma_wait3A_147 = arith.constant 0 : i32
      %dma_wait3A_148 = arith.constant 0 : i32
      %dma_wait3A_149 = arith.constant 0 : i32
      %dma_wait3A_150 = tpu.memref_slice %arg9[%dma_wait3A_148, %dma_wait3A_149] : memref<125x128xf32, #tpu.memory_space<vmem>> -> memref<64x128xf32, #tpu.memory_space<vmem>>
      %dma_wait3A_151 = arith.constant 0 : i32
      %dma_wait3A_152 = tpu.memref_slice %arg6[%dma_wait3A_147, %dma_wait3A_151] : memref<40x125xi32, #tpu.memory_space<vmem>> -> memref<1x64xi32, #tpu.memory_space<vmem>>
      %dma_wait3A_153 = tpu.memref_squeeze %dma_wait3A_152 : memref<1x64xi32, #tpu.memory_space<vmem>> -> memref<64xi32, #tpu.memory_space<vmem>>
      %dma_wait3A_154 = arith.constant 0 : i32
      %dma_wait3A_155 = arith.constant 0 : i32
      %dma_wait3A_156 = tpu.memref_slice %arg2[%dma_wait3A_154, %dma_wait3A_155] : memref<10000x128xf32, #tpu.memory_space<hbm>> -> memref<10000x128xf32, #tpu.memory_space<hbm>>
      tpu.wait_indirect_dma semaphore(%arg11 : memref<!tpu.dma_semaphore, #tpu.memory_space<semaphore_mem>>) src(%dma_wait3A_156 : memref<10000x128xf32, #tpu.memory_space<hbm>>) dst(%dma_wait3A_150 : memref<64x128xf32, #tpu.memory_space<vmem>>)
      %dma_wait3A_157 = arith.constant 0 : i32
      %dma_wait3A_158 = arith.constant 64 : i32
      %dma_wait3A_159 = arith.constant 0 : i32
      %dma_wait3A_160 = tpu.memref_slice %arg9[%dma_wait3A_158, %dma_wait3A_159] : memref<125x128xf32, #tpu.memory_space<vmem>> -> memref<61x128xf32, #tpu.memory_space<vmem>>
      %dma_wait3A_161 = arith.constant 64 : i32
      %dma_wait3A_162 = tpu.memref_slice %arg6[%dma_wait3A_157, %dma_wait3A_161] : memref<40x125xi32, #tpu.memory_space<vmem>> -> memref<1x61xi32, #tpu.memory_space<vmem>>
      %dma_wait3A_163 = tpu.memref_squeeze %dma_wait3A_162 : memref<1x61xi32, #tpu.memory_space<vmem>> -> memref<61xi32, #tpu.memory_space<vmem>>
      %dma_wait3A_164 = arith.constant 0 : i32
      %dma_wait3A_165 = arith.constant 0 : i32
      %dma_wait3A_166 = tpu.memref_slice %arg2[%dma_wait3A_164, %dma_wait3A_165] : memref<10000x128xf32, #tpu.memory_space<hbm>> -> memref<10000x128xf32, #tpu.memory_space<hbm>>
      tpu.wait_indirect_dma semaphore(%arg11 : memref<!tpu.dma_semaphore, #tpu.memory_space<semaphore_mem>>) src(%dma_wait3A_166 : memref<10000x128xf32, #tpu.memory_space<hbm>>) dst(%dma_wait3A_160 : memref<61x128xf32, #tpu.memory_space<vmem>>)
      %add3A_167 = arith.constant 1 : i32
      %add3A_168 = arith.addi %mul3A_100, %add3A_167 : i32
      "tpu.region"() ({
        %run_scoped3A = tpu.sem_alloc : memref<!tpu.dma_semaphore, #tpu.memory_space<semaphore_mem>>
        %dma_start3A_169 = arith.constant 0 : i32
        %dma_start3A_170 = tpu.memref_slice %arg7[%add3A_168, %dma_start3A_169] : memref<40x125xi32, #tpu.memory_space<vmem>> -> memref<1x125xi32, #tpu.memory_space<vmem>>
        %dma_start3A_171 = tpu.memref_squeeze %dma_start3A_170 : memref<1x125xi32, #tpu.memory_space<vmem>> -> memref<125xi32, #tpu.memory_space<vmem>>
        %dma_start3A_172 = arith.constant 0 : i32
        %dma_start3A_173 = arith.constant 0 : i32
        %dma_start3A_174 = tpu.memref_slice %arg12[%dma_start3A_172, %dma_start3A_173] : memref<10000x128xf32, #tpu.memory_space<vmem_shared>> -> memref<10000x128xf32, #tpu.memory_space<vmem_shared>>
        tpu.enqueue_indirect_dma source(%arg9 : memref<125x128xf32, #tpu.memory_space<vmem>>) target(%dma_start3A_174 : memref<10000x128xf32, #tpu.memory_space<vmem_shared>>) offsets(%dma_start3A_171 : memref<125xi32, #tpu.memory_space<vmem>>) semaphore(%run_scoped3A : memref<!tpu.dma_semaphore, #tpu.memory_space<semaphore_mem>>) {add = true}
        %dma_wait3A_175 = arith.constant 0 : i32
        %dma_wait3A_176 = tpu.memref_slice %arg7[%add3A_168, %dma_wait3A_175] : memref<40x125xi32, #tpu.memory_space<vmem>> -> memref<1x125xi32, #tpu.memory_space<vmem>>
        %dma_wait3A_177 = tpu.memref_squeeze %dma_wait3A_176 : memref<1x125xi32, #tpu.memory_space<vmem>> -> memref<125xi32, #tpu.memory_space<vmem>>
        %dma_wait3A_178 = arith.constant 0 : i32
        %dma_wait3A_179 = arith.constant 0 : i32
        %dma_wait3A_180 = tpu.memref_slice %arg12[%dma_wait3A_178, %dma_wait3A_179] : memref<10000x128xf32, #tpu.memory_space<vmem_shared>> -> memref<10000x128xf32, #tpu.memory_space<vmem_shared>>
        tpu.wait_indirect_dma semaphore(%run_scoped3A : memref<!tpu.dma_semaphore, #tpu.memory_space<semaphore_mem>>) src(%arg9 : memref<125x128xf32, #tpu.memory_space<vmem>>) dst(%dma_wait3A_180 : memref<10000x128xf32, #tpu.memory_space<vmem_shared>>)
        tpu.yield
      }) : () -> ()
    }
    %scan3A_56 = arith.constant 20 : i32
    %mul3A_57 = arith.constant 80 : i32
    %mul3A_58 = arith.muli %add3A, %mul3A_57 : i32
    %add3A_59 = arith.constant 40 : i32
    %add3A_60 = arith.addi %mul3A_58, %add3A_59 : i32
    "tpu.region"() ({
      %run_scoped3A = tpu.sem_alloc : memref<!tpu.dma_semaphore, #tpu.memory_space<semaphore_mem>>
      %dma_start3A_98 = arith.constant 0 : i32
      %dma_start3A_99 = tpu.memref_slice %arg3[%add3A_60, %dma_start3A_98] : memref<2560x125xi32, #tpu.memory_space<hbm>> -> memref<40x125xi32, #tpu.memory_space<hbm>>
      %dma_start3A_100 = arith.constant 0 : i32
      %dma_start3A_101 = tpu.memref_slice %arg3[%add3A_60, %dma_start3A_100] : memref<2560x125xi32, #tpu.memory_space<hbm>> -> memref<40x125xi32, #tpu.memory_space<hbm>>
      tpu.enqueue_dma source(%dma_start3A_101 : memref<40x125xi32, #tpu.memory_space<hbm>>) target(%arg6 : memref<40x125xi32, #tpu.memory_space<vmem>>) target_semaphore(%run_scoped3A : memref<!tpu.dma_semaphore, #tpu.memory_space<semaphore_mem>>)
      %dma_wait3A = arith.constant 0 : i32
      %dma_wait3A_102 = tpu.memref_slice %arg3[%add3A_60, %dma_wait3A] : memref<2560x125xi32, #tpu.memory_space<hbm>> -> memref<40x125xi32, #tpu.memory_space<hbm>>
      %dma_wait3A_103 = arith.constant 0 : i32
      %dma_wait3A_104 = tpu.memref_slice %arg3[%add3A_60, %dma_wait3A_103] : memref<2560x125xi32, #tpu.memory_space<hbm>> -> memref<40x125xi32, #tpu.memory_space<hbm>>
      tpu.wait_dma2 semaphore(%run_scoped3A : memref<!tpu.dma_semaphore, #tpu.memory_space<semaphore_mem>>) src(%dma_wait3A_104 : memref<40x125xi32, #tpu.memory_space<hbm>>) dst(%arg6 : memref<40x125xi32, #tpu.memory_space<vmem>>)
      tpu.yield
    }) : () -> ()
    "tpu.region"() ({
      %run_scoped3A = tpu.sem_alloc : memref<!tpu.dma_semaphore, #tpu.memory_space<semaphore_mem>>
      %dma_start3A_98 = arith.constant 0 : i32
      %dma_start3A_99 = tpu.memref_slice %arg4[%add3A_60, %dma_start3A_98] : memref<2560x125xi32, #tpu.memory_space<hbm>> -> memref<40x125xi32, #tpu.memory_space<hbm>>
      %dma_start3A_100 = arith.constant 0 : i32
      %dma_start3A_101 = tpu.memref_slice %arg4[%add3A_60, %dma_start3A_100] : memref<2560x125xi32, #tpu.memory_space<hbm>> -> memref<40x125xi32, #tpu.memory_space<hbm>>
      tpu.enqueue_dma source(%dma_start3A_101 : memref<40x125xi32, #tpu.memory_space<hbm>>) target(%arg7 : memref<40x125xi32, #tpu.memory_space<vmem>>) target_semaphore(%run_scoped3A : memref<!tpu.dma_semaphore, #tpu.memory_space<semaphore_mem>>)
      %dma_wait3A = arith.constant 0 : i32
      %dma_wait3A_102 = tpu.memref_slice %arg4[%add3A_60, %dma_wait3A] : memref<2560x125xi32, #tpu.memory_space<hbm>> -> memref<40x125xi32, #tpu.memory_space<hbm>>
      %dma_wait3A_103 = arith.constant 0 : i32
      %dma_wait3A_104 = tpu.memref_slice %arg4[%add3A_60, %dma_wait3A_103] : memref<2560x125xi32, #tpu.memory_space<hbm>> -> memref<40x125xi32, #tpu.memory_space<hbm>>
      tpu.wait_dma2 semaphore(%run_scoped3A : memref<!tpu.dma_semaphore, #tpu.memory_space<semaphore_mem>>) src(%dma_wait3A_104 : memref<40x125xi32, #tpu.memory_space<hbm>>) dst(%arg7 : memref<40x125xi32, #tpu.memory_space<vmem>>)
      tpu.yield
    }) : () -> ()
    %dma_start3A_61 = arith.constant 0 : i32
    %dma_start3A_62 = arith.constant 0 : i32
    %dma_start3A_63 = arith.constant 0 : i32
    %dma_start3A_64 = tpu.memref_slice %arg8[%dma_start3A_62, %dma_start3A_63] : memref<125x128xf32, #tpu.memory_space<vmem>> -> memref<64x128xf32, #tpu.memory_space<vmem>>
    %dma_start3A_65 = arith.constant 0 : i32
    %dma_start3A_66 = tpu.memref_slice %arg6[%dma_start3A_61, %dma_start3A_65] : memref<40x125xi32, #tpu.memory_space<vmem>> -> memref<1x64xi32, #tpu.memory_space<vmem>>
    %dma_start3A_67 = tpu.memref_squeeze %dma_start3A_66 : memref<1x64xi32, #tpu.memory_space<vmem>> -> memref<64xi32, #tpu.memory_space<vmem>>
    %dma_start3A_68 = arith.constant 0 : i32
    %dma_start3A_69 = arith.constant 0 : i32
    %dma_start3A_70 = tpu.memref_slice %arg2[%dma_start3A_68, %dma_start3A_69] : memref<10000x128xf32, #tpu.memory_space<hbm>> -> memref<10000x128xf32, #tpu.memory_space<hbm>>
    tpu.enqueue_indirect_dma source(%dma_start3A_70 : memref<10000x128xf32, #tpu.memory_space<hbm>>) target(%dma_start3A_64 : memref<64x128xf32, #tpu.memory_space<vmem>>) offsets(%dma_start3A_67 : memref<64xi32, #tpu.memory_space<vmem>>) semaphore(%arg10 : memref<!tpu.dma_semaphore, #tpu.memory_space<semaphore_mem>>)
    %dma_start3A_71 = arith.constant 0 : i32
    %dma_start3A_72 = arith.constant 64 : i32
    %dma_start3A_73 = arith.constant 0 : i32
    %dma_start3A_74 = tpu.memref_slice %arg8[%dma_start3A_72, %dma_start3A_73] : memref<125x128xf32, #tpu.memory_space<vmem>> -> memref<61x128xf32, #tpu.memory_space<vmem>>
    %dma_start3A_75 = arith.constant 64 : i32
    %dma_start3A_76 = tpu.memref_slice %arg6[%dma_start3A_71, %dma_start3A_75] : memref<40x125xi32, #tpu.memory_space<vmem>> -> memref<1x61xi32, #tpu.memory_space<vmem>>
    %dma_start3A_77 = tpu.memref_squeeze %dma_start3A_76 : memref<1x61xi32, #tpu.memory_space<vmem>> -> memref<61xi32, #tpu.memory_space<vmem>>
    %dma_start3A_78 = arith.constant 0 : i32
    %dma_start3A_79 = arith.constant 0 : i32
    %dma_start3A_80 = tpu.memref_slice %arg2[%dma_start3A_78, %dma_start3A_79] : memref<10000x128xf32, #tpu.memory_space<hbm>> -> memref<10000x128xf32, #tpu.memory_space<hbm>>
    tpu.enqueue_indirect_dma source(%dma_start3A_80 : memref<10000x128xf32, #tpu.memory_space<hbm>>) target(%dma_start3A_74 : memref<61x128xf32, #tpu.memory_space<vmem>>) offsets(%dma_start3A_77 : memref<61xi32, #tpu.memory_space<vmem>>) semaphore(%arg10 : memref<!tpu.dma_semaphore, #tpu.memory_space<semaphore_mem>>)
    %scan3A_81 = arith.constant 0 : i32
    %scan3A_82 = arith.constant 0 : i32
    %scan3A_83 = arith.constant 20 : i32
    %scan3A_84 = arith.addi %scan3A_82, %scan3A_83 : i32
    %scan3A_85 = arith.constant 1 : i32
    scf.for %scan3A_98 = %scan3A_82 to %scan3A_84 step %scan3A_85  : i32 {
      %mul3A_99 = arith.constant 2 : i32
      %mul3A_100 = arith.muli %mul3A_99, %scan3A_98 : i32
      %add3A_101 = arith.constant 1 : i32
      %add3A_102 = arith.addi %mul3A_100, %add3A_101 : i32
      %dma_start3A_103 = arith.constant 0 : i32
      %dma_start3A_104 = arith.constant 0 : i32
      %dma_start3A_105 = tpu.memref_slice %arg9[%dma_start3A_103, %dma_start3A_104] : memref<125x128xf32, #tpu.memory_space<vmem>> -> memref<64x128xf32, #tpu.memory_space<vmem>>
      %dma_start3A_106 = arith.constant 0 : i32
      %dma_start3A_107 = tpu.memref_slice %arg6[%add3A_102, %dma_start3A_106] : memref<40x125xi32, #tpu.memory_space<vmem>> -> memref<1x64xi32, #tpu.memory_space<vmem>>
      %dma_start3A_108 = tpu.memref_squeeze %dma_start3A_107 : memref<1x64xi32, #tpu.memory_space<vmem>> -> memref<64xi32, #tpu.memory_space<vmem>>
      %dma_start3A_109 = arith.constant 0 : i32
      %dma_start3A_110 = arith.constant 0 : i32
      %dma_start3A_111 = tpu.memref_slice %arg2[%dma_start3A_109, %dma_start3A_110] : memref<10000x128xf32, #tpu.memory_space<hbm>> -> memref<10000x128xf32, #tpu.memory_space<hbm>>
      tpu.enqueue_indirect_dma source(%dma_start3A_111 : memref<10000x128xf32, #tpu.memory_space<hbm>>) target(%dma_start3A_105 : memref<64x128xf32, #tpu.memory_space<vmem>>) offsets(%dma_start3A_108 : memref<64xi32, #tpu.memory_space<vmem>>) semaphore(%arg11 : memref<!tpu.dma_semaphore, #tpu.memory_space<semaphore_mem>>)
      %dma_start3A_112 = arith.constant 64 : i32
      %dma_start3A_113 = arith.constant 0 : i32
      %dma_start3A_114 = tpu.memref_slice %arg9[%dma_start3A_112, %dma_start3A_113] : memref<125x128xf32, #tpu.memory_space<vmem>> -> memref<61x128xf32, #tpu.memory_space<vmem>>
      %dma_start3A_115 = arith.constant 64 : i32
      %dma_start3A_116 = tpu.memref_slice %arg6[%add3A_102, %dma_start3A_115] : memref<40x125xi32, #tpu.memory_space<vmem>> -> memref<1x61xi32, #tpu.memory_space<vmem>>
      %dma_start3A_117 = tpu.memref_squeeze %dma_start3A_116 : memref<1x61xi32, #tpu.memory_space<vmem>> -> memref<61xi32, #tpu.memory_space<vmem>>
      %dma_start3A_118 = arith.constant 0 : i32
      %dma_start3A_119 = arith.constant 0 : i32
      %dma_start3A_120 = tpu.memref_slice %arg2[%dma_start3A_118, %dma_start3A_119] : memref<10000x128xf32, #tpu.memory_space<hbm>> -> memref<10000x128xf32, #tpu.memory_space<hbm>>
      tpu.enqueue_indirect_dma source(%dma_start3A_120 : memref<10000x128xf32, #tpu.memory_space<hbm>>) target(%dma_start3A_114 : memref<61x128xf32, #tpu.memory_space<vmem>>) offsets(%dma_start3A_117 : memref<61xi32, #tpu.memory_space<vmem>>) semaphore(%arg11 : memref<!tpu.dma_semaphore, #tpu.memory_space<semaphore_mem>>)
      %dma_wait3A = arith.constant 0 : i32
      %dma_wait3A_121 = arith.constant 0 : i32
      %dma_wait3A_122 = arith.constant 0 : i32
      %dma_wait3A_123 = tpu.memref_slice %arg8[%dma_wait3A_121, %dma_wait3A_122] : memref<125x128xf32, #tpu.memory_space<vmem>> -> memref<64x128xf32, #tpu.memory_space<vmem>>
      %dma_wait3A_124 = arith.constant 0 : i32
      %dma_wait3A_125 = tpu.memref_slice %arg6[%dma_wait3A, %dma_wait3A_124] : memref<40x125xi32, #tpu.memory_space<vmem>> -> memref<1x64xi32, #tpu.memory_space<vmem>>
      %dma_wait3A_126 = tpu.memref_squeeze %dma_wait3A_125 : memref<1x64xi32, #tpu.memory_space<vmem>> -> memref<64xi32, #tpu.memory_space<vmem>>
      %dma_wait3A_127 = arith.constant 0 : i32
      %dma_wait3A_128 = arith.constant 0 : i32
      %dma_wait3A_129 = tpu.memref_slice %arg2[%dma_wait3A_127, %dma_wait3A_128] : memref<10000x128xf32, #tpu.memory_space<hbm>> -> memref<10000x128xf32, #tpu.memory_space<hbm>>
      tpu.wait_indirect_dma semaphore(%arg10 : memref<!tpu.dma_semaphore, #tpu.memory_space<semaphore_mem>>) src(%dma_wait3A_129 : memref<10000x128xf32, #tpu.memory_space<hbm>>) dst(%dma_wait3A_123 : memref<64x128xf32, #tpu.memory_space<vmem>>)
      %dma_wait3A_130 = arith.constant 0 : i32
      %dma_wait3A_131 = arith.constant 64 : i32
      %dma_wait3A_132 = arith.constant 0 : i32
      %dma_wait3A_133 = tpu.memref_slice %arg8[%dma_wait3A_131, %dma_wait3A_132] : memref<125x128xf32, #tpu.memory_space<vmem>> -> memref<61x128xf32, #tpu.memory_space<vmem>>
      %dma_wait3A_134 = arith.constant 64 : i32
      %dma_wait3A_135 = tpu.memref_slice %arg6[%dma_wait3A_130, %dma_wait3A_134] : memref<40x125xi32, #tpu.memory_space<vmem>> -> memref<1x61xi32, #tpu.memory_space<vmem>>
      %dma_wait3A_136 = tpu.memref_squeeze %dma_wait3A_135 : memref<1x61xi32, #tpu.memory_space<vmem>> -> memref<61xi32, #tpu.memory_space<vmem>>
      %dma_wait3A_137 = arith.constant 0 : i32
      %dma_wait3A_138 = arith.constant 0 : i32
      %dma_wait3A_139 = tpu.memref_slice %arg2[%dma_wait3A_137, %dma_wait3A_138] : memref<10000x128xf32, #tpu.memory_space<hbm>> -> memref<10000x128xf32, #tpu.memory_space<hbm>>
      tpu.wait_indirect_dma semaphore(%arg10 : memref<!tpu.dma_semaphore, #tpu.memory_space<semaphore_mem>>) src(%dma_wait3A_139 : memref<10000x128xf32, #tpu.memory_space<hbm>>) dst(%dma_wait3A_133 : memref<61x128xf32, #tpu.memory_space<vmem>>)
      "tpu.region"() ({
        %run_scoped3A = tpu.sem_alloc : memref<!tpu.dma_semaphore, #tpu.memory_space<semaphore_mem>>
        %dma_start3A_169 = arith.constant 0 : i32
        %dma_start3A_170 = tpu.memref_slice %arg7[%mul3A_100, %dma_start3A_169] : memref<40x125xi32, #tpu.memory_space<vmem>> -> memref<1x125xi32, #tpu.memory_space<vmem>>
        %dma_start3A_171 = tpu.memref_squeeze %dma_start3A_170 : memref<1x125xi32, #tpu.memory_space<vmem>> -> memref<125xi32, #tpu.memory_space<vmem>>
        %dma_start3A_172 = arith.constant 0 : i32
        %dma_start3A_173 = arith.constant 0 : i32
        %dma_start3A_174 = tpu.memref_slice %arg12[%dma_start3A_172, %dma_start3A_173] : memref<10000x128xf32, #tpu.memory_space<vmem_shared>> -> memref<10000x128xf32, #tpu.memory_space<vmem_shared>>
        tpu.enqueue_indirect_dma source(%arg8 : memref<125x128xf32, #tpu.memory_space<vmem>>) target(%dma_start3A_174 : memref<10000x128xf32, #tpu.memory_space<vmem_shared>>) offsets(%dma_start3A_171 : memref<125xi32, #tpu.memory_space<vmem>>) semaphore(%run_scoped3A : memref<!tpu.dma_semaphore, #tpu.memory_space<semaphore_mem>>) {add = true}
        %dma_wait3A_175 = arith.constant 0 : i32
        %dma_wait3A_176 = tpu.memref_slice %arg7[%mul3A_100, %dma_wait3A_175] : memref<40x125xi32, #tpu.memory_space<vmem>> -> memref<1x125xi32, #tpu.memory_space<vmem>>
        %dma_wait3A_177 = tpu.memref_squeeze %dma_wait3A_176 : memref<1x125xi32, #tpu.memory_space<vmem>> -> memref<125xi32, #tpu.memory_space<vmem>>
        %dma_wait3A_178 = arith.constant 0 : i32
        %dma_wait3A_179 = arith.constant 0 : i32
        %dma_wait3A_180 = tpu.memref_slice %arg12[%dma_wait3A_178, %dma_wait3A_179] : memref<10000x128xf32, #tpu.memory_space<vmem_shared>> -> memref<10000x128xf32, #tpu.memory_space<vmem_shared>>
        tpu.wait_indirect_dma semaphore(%run_scoped3A : memref<!tpu.dma_semaphore, #tpu.memory_space<semaphore_mem>>) src(%arg8 : memref<125x128xf32, #tpu.memory_space<vmem>>) dst(%dma_wait3A_180 : memref<10000x128xf32, #tpu.memory_space<vmem_shared>>)
        tpu.yield
      }) : () -> ()
      %add3A_140 = arith.constant 2 : i32
      %add3A_141 = arith.addi %mul3A_100, %add3A_140 : i32
      %lt3A_142 = arith.constant 40 : i32
      %lt3A_143 = arith.cmpi slt, %add3A_141, %lt3A_142 : i32
      %convert_element_type3A_144 = arith.extui %lt3A_143 : i1 to i32
      %cond3A_145 = arith.constant 0 : i32
      %cond3A_146 = arith.cmpi ne, %convert_element_type3A_144, %cond3A_145 : i32
      scf.if %cond3A_146 {
        %add3A_169 = arith.constant 2 : i32
        %add3A_170 = arith.addi %mul3A_100, %add3A_169 : i32
        %dma_start3A_171 = arith.constant 0 : i32
        %dma_start3A_172 = arith.constant 0 : i32
        %dma_start3A_173 = tpu.memref_slice %arg8[%dma_start3A_171, %dma_start3A_172] : memref<125x128xf32, #tpu.memory_space<vmem>> -> memref<64x128xf32, #tpu.memory_space<vmem>>
        %dma_start3A_174 = arith.constant 0 : i32
        %dma_start3A_175 = tpu.memref_slice %arg6[%add3A_170, %dma_start3A_174] : memref<40x125xi32, #tpu.memory_space<vmem>> -> memref<1x64xi32, #tpu.memory_space<vmem>>
        %dma_start3A_176 = tpu.memref_squeeze %dma_start3A_175 : memref<1x64xi32, #tpu.memory_space<vmem>> -> memref<64xi32, #tpu.memory_space<vmem>>
        %dma_start3A_177 = arith.constant 0 : i32
        %dma_start3A_178 = arith.constant 0 : i32
        %dma_start3A_179 = tpu.memref_slice %arg2[%dma_start3A_177, %dma_start3A_178] : memref<10000x128xf32, #tpu.memory_space<hbm>> -> memref<10000x128xf32, #tpu.memory_space<hbm>>
        tpu.enqueue_indirect_dma source(%dma_start3A_179 : memref<10000x128xf32, #tpu.memory_space<hbm>>) target(%dma_start3A_173 : memref<64x128xf32, #tpu.memory_space<vmem>>) offsets(%dma_start3A_176 : memref<64xi32, #tpu.memory_space<vmem>>) semaphore(%arg10 : memref<!tpu.dma_semaphore, #tpu.memory_space<semaphore_mem>>)
        %dma_start3A_180 = arith.constant 64 : i32
        %dma_start3A_181 = arith.constant 0 : i32
        %dma_start3A_182 = tpu.memref_slice %arg8[%dma_start3A_180, %dma_start3A_181] : memref<125x128xf32, #tpu.memory_space<vmem>> -> memref<61x128xf32, #tpu.memory_space<vmem>>
        %dma_start3A_183 = arith.constant 64 : i32
        %dma_start3A_184 = tpu.memref_slice %arg6[%add3A_170, %dma_start3A_183] : memref<40x125xi32, #tpu.memory_space<vmem>> -> memref<1x61xi32, #tpu.memory_space<vmem>>
        %dma_start3A_185 = tpu.memref_squeeze %dma_start3A_184 : memref<1x61xi32, #tpu.memory_space<vmem>> -> memref<61xi32, #tpu.memory_space<vmem>>
        %dma_start3A_186 = arith.constant 0 : i32
        %dma_start3A_187 = arith.constant 0 : i32
        %dma_start3A_188 = tpu.memref_slice %arg2[%dma_start3A_186, %dma_start3A_187] : memref<10000x128xf32, #tpu.memory_space<hbm>> -> memref<10000x128xf32, #tpu.memory_space<hbm>>
        tpu.enqueue_indirect_dma source(%dma_start3A_188 : memref<10000x128xf32, #tpu.memory_space<hbm>>) target(%dma_start3A_182 : memref<61x128xf32, #tpu.memory_space<vmem>>) offsets(%dma_start3A_185 : memref<61xi32, #tpu.memory_space<vmem>>) semaphore(%arg10 : memref<!tpu.dma_semaphore, #tpu.memory_space<semaphore_mem>>)
      } else {
      }
      %dma_wait3A_147 = arith.constant 0 : i32
      %dma_wait3A_148 = arith.constant 0 : i32
      %dma_wait3A_149 = arith.constant 0 : i32
      %dma_wait3A_150 = tpu.memref_slice %arg9[%dma_wait3A_148, %dma_wait3A_149] : memref<125x128xf32, #tpu.memory_space<vmem>> -> memref<64x128xf32, #tpu.memory_space<vmem>>
      %dma_wait3A_151 = arith.constant 0 : i32
      %dma_wait3A_152 = tpu.memref_slice %arg6[%dma_wait3A_147, %dma_wait3A_151] : memref<40x125xi32, #tpu.memory_space<vmem>> -> memref<1x64xi32, #tpu.memory_space<vmem>>
      %dma_wait3A_153 = tpu.memref_squeeze %dma_wait3A_152 : memref<1x64xi32, #tpu.memory_space<vmem>> -> memref<64xi32, #tpu.memory_space<vmem>>
      %dma_wait3A_154 = arith.constant 0 : i32
      %dma_wait3A_155 = arith.constant 0 : i32
      %dma_wait3A_156 = tpu.memref_slice %arg2[%dma_wait3A_154, %dma_wait3A_155] : memref<10000x128xf32, #tpu.memory_space<hbm>> -> memref<10000x128xf32, #tpu.memory_space<hbm>>
      tpu.wait_indirect_dma semaphore(%arg11 : memref<!tpu.dma_semaphore, #tpu.memory_space<semaphore_mem>>) src(%dma_wait3A_156 : memref<10000x128xf32, #tpu.memory_space<hbm>>) dst(%dma_wait3A_150 : memref<64x128xf32, #tpu.memory_space<vmem>>)
      %dma_wait3A_157 = arith.constant 0 : i32
      %dma_wait3A_158 = arith.constant 64 : i32
      %dma_wait3A_159 = arith.constant 0 : i32
      %dma_wait3A_160 = tpu.memref_slice %arg9[%dma_wait3A_158, %dma_wait3A_159] : memref<125x128xf32, #tpu.memory_space<vmem>> -> memref<61x128xf32, #tpu.memory_space<vmem>>
      %dma_wait3A_161 = arith.constant 64 : i32
      %dma_wait3A_162 = tpu.memref_slice %arg6[%dma_wait3A_157, %dma_wait3A_161] : memref<40x125xi32, #tpu.memory_space<vmem>> -> memref<1x61xi32, #tpu.memory_space<vmem>>
      %dma_wait3A_163 = tpu.memref_squeeze %dma_wait3A_162 : memref<1x61xi32, #tpu.memory_space<vmem>> -> memref<61xi32, #tpu.memory_space<vmem>>
      %dma_wait3A_164 = arith.constant 0 : i32
      %dma_wait3A_165 = arith.constant 0 : i32
      %dma_wait3A_166 = tpu.memref_slice %arg2[%dma_wait3A_164, %dma_wait3A_165] : memref<10000x128xf32, #tpu.memory_space<hbm>> -> memref<10000x128xf32, #tpu.memory_space<hbm>>
      tpu.wait_indirect_dma semaphore(%arg11 : memref<!tpu.dma_semaphore, #tpu.memory_space<semaphore_mem>>) src(%dma_wait3A_166 : memref<10000x128xf32, #tpu.memory_space<hbm>>) dst(%dma_wait3A_160 : memref<61x128xf32, #tpu.memory_space<vmem>>)
      %add3A_167 = arith.constant 1 : i32
      %add3A_168 = arith.addi %mul3A_100, %add3A_167 : i32
      "tpu.region"() ({
        %run_scoped3A = tpu.sem_alloc : memref<!tpu.dma_semaphore, #tpu.memory_space<semaphore_mem>>
        %dma_start3A_169 = arith.constant 0 : i32
        %dma_start3A_170 = tpu.memref_slice %arg7[%add3A_168, %dma_start3A_169] : memref<40x125xi32, #tpu.memory_space<vmem>> -> memref<1x125xi32, #tpu.memory_space<vmem>>
        %dma_start3A_171 = tpu.memref_squeeze %dma_start3A_170 : memref<1x125xi32, #tpu.memory_space<vmem>> -> memref<125xi32, #tpu.memory_space<vmem>>
        %dma_start3A_172 = arith.constant 0 : i32
        %dma_start3A_173 = arith.constant 0 : i32
        %dma_start3A_174 = tpu.memref_slice %arg12[%dma_start3A_172, %dma_start3A_173] : memref<10000x128xf32, #tpu.memory_space<vmem_shared>> -> memref<10000x128xf32, #tpu.memory_space<vmem_shared>>
        tpu.enqueue_indirect_dma source(%arg9 : memref<125x128xf32, #tpu.memory_space<vmem>>) target(%dma_start3A_174 : memref<10000x128xf32, #tpu.memory_space<vmem_shared>>) offsets(%dma_start3A_171 : memref<125xi32, #tpu.memory_space<vmem>>) semaphore(%run_scoped3A : memref<!tpu.dma_semaphore, #tpu.memory_space<semaphore_mem>>) {add = true}
        %dma_wait3A_175 = arith.constant 0 : i32
        %dma_wait3A_176 = tpu.memref_slice %arg7[%add3A_168, %dma_wait3A_175] : memref<40x125xi32, #tpu.memory_space<vmem>> -> memref<1x125xi32, #tpu.memory_space<vmem>>
        %dma_wait3A_177 = tpu.memref_squeeze %dma_wait3A_176 : memref<1x125xi32, #tpu.memory_space<vmem>> -> memref<125xi32, #tpu.memory_space<vmem>>
        %dma_wait3A_178 = arith.constant 0 : i32
        %dma_wait3A_179 = arith.constant 0 : i32
        %dma_wait3A_180 = tpu.memref_slice %arg12[%dma_wait3A_178, %dma_wait3A_179] : memref<10000x128xf32, #tpu.memory_space<vmem_shared>> -> memref<10000x128xf32, #tpu.memory_space<vmem_shared>>
        tpu.wait_indirect_dma semaphore(%run_scoped3A : memref<!tpu.dma_semaphore, #tpu.memory_space<semaphore_mem>>) src(%arg9 : memref<125x128xf32, #tpu.memory_space<vmem>>) dst(%dma_wait3A_180 : memref<10000x128xf32, #tpu.memory_space<vmem_shared>>)
        tpu.yield
      }) : () -> ()
    }
    %scan3A_86 = arith.constant 20 : i32
    %barrier3A_87 = arith.constant 0 : index
    tpu.barrier barrier_id(%barrier3A_87)
    %lt3A_88 = arith.constant 15 : i32
    %lt3A_89 = arith.cmpi slt, %arg1, %lt3A_88 : i32
    %convert_element_type3A_90 = arith.extui %lt3A_89 : i1 to i32
    %cond3A_91 = arith.constant 0 : i32
    %cond3A_92 = arith.cmpi ne, %convert_element_type3A_90, %cond3A_91 : i32
    scf.if %cond3A_92 {
      "tpu.region"() ({
        %run_scoped3A = tpu.sem_alloc : memref<!tpu.dma_semaphore, #tpu.memory_space<semaphore_mem>>
        %dma_start3A_98 = arith.constant 0 : i32
        %dma_start3A_99 = tpu.memref_slice %arg5[%arg0, %mul3A_2, %dma_start3A_98] : memref<2x10000x128xf32, #tpu.memory_space<hbm>> -> memref<1x624x128xf32, #tpu.memory_space<hbm>>
        %dma_start3A_100 = tpu.memref_squeeze %dma_start3A_99 : memref<1x624x128xf32, #tpu.memory_space<hbm>> -> memref<624x128xf32, #tpu.memory_space<hbm>>
        %dma_start3A_101 = arith.constant 0 : i32
        %dma_start3A_102 = tpu.memref_slice %arg12[%mul3A_2, %dma_start3A_101] : memref<10000x128xf32, #tpu.memory_space<vmem_shared>> -> memref<624x128xf32, #tpu.memory_space<vmem_shared>>
        tpu.enqueue_dma source(%dma_start3A_102 : memref<624x128xf32, #tpu.memory_space<vmem_shared>>) target(%dma_start3A_100 : memref<624x128xf32, #tpu.memory_space<hbm>>) target_semaphore(%run_scoped3A : memref<!tpu.dma_semaphore, #tpu.memory_space<semaphore_mem>>)
        %dma_wait3A = arith.constant 0 : i32
        %dma_wait3A_103 = tpu.memref_slice %arg5[%arg0, %mul3A_2, %dma_wait3A] : memref<2x10000x128xf32, #tpu.memory_space<hbm>> -> memref<1x624x128xf32, #tpu.memory_space<hbm>>
        %dma_wait3A_104 = tpu.memref_squeeze %dma_wait3A_103 : memref<1x624x128xf32, #tpu.memory_space<hbm>> -> memref<624x128xf32, #tpu.memory_space<hbm>>
        %dma_wait3A_105 = arith.constant 0 : i32
        %dma_wait3A_106 = tpu.memref_slice %arg12[%mul3A_2, %dma_wait3A_105] : memref<10000x128xf32, #tpu.memory_space<vmem_shared>> -> memref<624x128xf32, #tpu.memory_space<vmem_shared>>
        tpu.wait_dma2 semaphore(%run_scoped3A : memref<!tpu.dma_semaphore, #tpu.memory_space<semaphore_mem>>) src(%dma_wait3A_106 : memref<624x128xf32, #tpu.memory_space<vmem_shared>>) dst(%dma_wait3A_104 : memref<624x128xf32, #tpu.memory_space<hbm>>)
        tpu.yield
      }) : () -> ()
    } else {
    }
    %eq3A_93 = arith.constant 15 : i32
    %eq3A_94 = arith.cmpi eq, %arg1, %eq3A_93 : i32
    %convert_element_type3A_95 = arith.extui %eq3A_94 : i1 to i32
    %cond3A_96 = arith.constant 0 : i32
    %cond3A_97 = arith.cmpi ne, %convert_element_type3A_95, %cond3A_96 : i32
    scf.if %cond3A_97 {
      "tpu.region"() ({
        %run_scoped3A = tpu.sem_alloc : memref<!tpu.dma_semaphore, #tpu.memory_space<semaphore_mem>>
        %dma_start3A_98 = arith.constant 0 : i32
        %dma_start3A_99 = tpu.memref_slice %arg5[%arg0, %mul3A_2, %dma_start3A_98] : memref<2x10000x128xf32, #tpu.memory_space<hbm>> -> memref<1x640x128xf32, #tpu.memory_space<hbm>>
        %dma_start3A_100 = tpu.memref_squeeze %dma_start3A_99 : memref<1x640x128xf32, #tpu.memory_space<hbm>> -> memref<640x128xf32, #tpu.memory_space<hbm>>
        %dma_start3A_101 = arith.constant 0 : i32
        %dma_start3A_102 = tpu.memref_slice %arg12[%mul3A_2, %dma_start3A_101] : memref<10000x128xf32, #tpu.memory_space<vmem_shared>> -> memref<640x128xf32, #tpu.memory_space<vmem_shared>>
        tpu.enqueue_dma source(%dma_start3A_102 : memref<640x128xf32, #tpu.memory_space<vmem_shared>>) target(%dma_start3A_100 : memref<640x128xf32, #tpu.memory_space<hbm>>) target_semaphore(%run_scoped3A : memref<!tpu.dma_semaphore, #tpu.memory_space<semaphore_mem>>)
        %dma_wait3A = arith.constant 0 : i32
        %dma_wait3A_103 = tpu.memref_slice %arg5[%arg0, %mul3A_2, %dma_wait3A] : memref<2x10000x128xf32, #tpu.memory_space<hbm>> -> memref<1x640x128xf32, #tpu.memory_space<hbm>>
        %dma_wait3A_104 = tpu.memref_squeeze %dma_wait3A_103 : memref<1x640x128xf32, #tpu.memory_space<hbm>> -> memref<640x128xf32, #tpu.memory_space<hbm>>
        %dma_wait3A_105 = arith.constant 0 : i32
        %dma_wait3A_106 = tpu.memref_slice %arg12[%mul3A_2, %dma_wait3A_105] : memref<10000x128xf32, #tpu.memory_space<vmem_shared>> -> memref<640x128xf32, #tpu.memory_space<vmem_shared>>
        tpu.wait_dma2 semaphore(%run_scoped3A : memref<!tpu.dma_semaphore, #tpu.memory_space<semaphore_mem>>) src(%dma_wait3A_106 : memref<640x128xf32, #tpu.memory_space<vmem_shared>>) dst(%dma_wait3A_104 : memref<640x128xf32, #tpu.memory_space<hbm>>)
        tpu.yield
      }) : () -> ()
    } else {
    }
    return
  }
}

#map = affine_map<(d0, d1) -> (0, 0)>
#map1 = affine_map<(d0, d1) -> (0, 0, 0)>
module attributes {stable_mosaic.version = 14 : i64} {
  func.func @_sc_edge_body(%arg0: i32, %arg1: i32, %arg2: memref<10000x128xf32, #tpu.memory_space<hbm>>, %arg3: memref<2560x125xi32, #tpu.memory_space<hbm>>, %arg4: memref<2560x125xi32, #tpu.memory_space<hbm>>, %arg5: memref<2x10000x128xf32, #tpu.memory_space<hbm>>, %arg6: memref<40x125xi32, #tpu.memory_space<vmem>>, %arg7: memref<40x125xi32, #tpu.memory_space<vmem>>, %arg8: memref<125x128xf32, #tpu.memory_space<vmem>>, %arg9: memref<125x128xf32, #tpu.memory_space<vmem>>, %arg10: memref<!tpu.dma_semaphore, #tpu.memory_space<semaphore_mem>>, %arg11: memref<!tpu.dma_semaphore, #tpu.memory_space<semaphore_mem>>, %arg12: memref<10000x128xf32, #tpu.memory_space<vmem_shared>>) attributes {dimension_semantics = [#tpu.dimension_semantics<core_parallel>, #tpu.dimension_semantics<subcore_parallel>], iteration_bounds = array<i64: 2, 16>, scalar_prefetch = 0 : i64, scratch_operands = 7 : i64, tpu.core_type = #tpu.core_type<sc_vector_subcore>, window_params = [{transform_indices = #map}, {transform_indices = #map}, {transform_indices = #map}, {transform_indices = #map1}]} {
    %mul3A = arith.constant 16 : i32
    %mul3A_0 = arith.muli %arg0, %mul3A : i32
    %add3A = arith.addi %mul3A_0, %arg1 : i32
    %mul3A_1 = arith.constant 624 : i32
    %mul3A_2 = arith.muli %arg1, %mul3A_1 : i32
    %mul3A_3 = arith.constant 80 : i32
    %mul3A_4 = arith.muli %add3A, %mul3A_3 : i32
    "tpu.region"() ({
      %run_scoped3A = tpu.sem_alloc : memref<!tpu.dma_semaphore, #tpu.memory_space<semaphore_mem>>
      %dma_start3A_98 = arith.constant 0 : i32
      %dma_start3A_99 = tpu.memref_slice %arg3[%mul3A_4, %dma_start3A_98] : memref<2560x125xi32, #tpu.memory_space<hbm>> -> memref<40x125xi32, #tpu.memory_space<hbm>>
      %dma_start3A_100 = arith.constant 0 : i32
      %dma_start3A_101 = tpu.memref_slice %arg3[%mul3A_4, %dma_start3A_100] : memref<2560x125xi32, #tpu.memory_space<hbm>> -> memref<40x125xi32, #tpu.memory_space<hbm>>
      tpu.enqueue_dma source(%dma_start3A_101 : memref<40x125xi32, #tpu.memory_space<hbm>>) target(%arg6 : memref<40x125xi32, #tpu.memory_space<vmem>>) target_semaphore(%run_scoped3A : memref<!tpu.dma_semaphore, #tpu.memory_space<semaphore_mem>>)
      %dma_wait3A = arith.constant 0 : i32
      %dma_wait3A_102 = tpu.memref_slice %arg3[%mul3A_4, %dma_wait3A] : memref<2560x125xi32, #tpu.memory_space<hbm>> -> memref<40x125xi32, #tpu.memory_space<hbm>>
      %dma_wait3A_103 = arith.constant 0 : i32
      %dma_wait3A_104 = tpu.memref_slice %arg3[%mul3A_4, %dma_wait3A_103] : memref<2560x125xi32, #tpu.memory_space<hbm>> -> memref<40x125xi32, #tpu.memory_space<hbm>>
      tpu.wait_dma2 semaphore(%run_scoped3A : memref<!tpu.dma_semaphore, #tpu.memory_space<semaphore_mem>>) src(%dma_wait3A_104 : memref<40x125xi32, #tpu.memory_space<hbm>>) dst(%arg6 : memref<40x125xi32, #tpu.memory_space<vmem>>)
      tpu.yield
    }) : () -> ()
    %mul3A_5 = arith.constant 80 : i32
    %mul3A_6 = arith.muli %add3A, %mul3A_5 : i32
    "tpu.region"() ({
      %run_scoped3A = tpu.sem_alloc : memref<!tpu.dma_semaphore, #tpu.memory_space<semaphore_mem>>
      %dma_start3A_98 = arith.constant 0 : i32
      %dma_start3A_99 = tpu.memref_slice %arg4[%mul3A_6, %dma_start3A_98] : memref<2560x125xi32, #tpu.memory_space<hbm>> -> memref<40x125xi32, #tpu.memory_space<hbm>>
      %dma_start3A_100 = arith.constant 0 : i32
      %dma_start3A_101 = tpu.memref_slice %arg4[%mul3A_6, %dma_start3A_100] : memref<2560x125xi32, #tpu.memory_space<hbm>> -> memref<40x125xi32, #tpu.memory_space<hbm>>
      tpu.enqueue_dma source(%dma_start3A_101 : memref<40x125xi32, #tpu.memory_space<hbm>>) target(%arg7 : memref<40x125xi32, #tpu.memory_space<vmem>>) target_semaphore(%run_scoped3A : memref<!tpu.dma_semaphore, #tpu.memory_space<semaphore_mem>>)
      %dma_wait3A = arith.constant 0 : i32
      %dma_wait3A_102 = tpu.memref_slice %arg4[%mul3A_6, %dma_wait3A] : memref<2560x125xi32, #tpu.memory_space<hbm>> -> memref<40x125xi32, #tpu.memory_space<hbm>>
      %dma_wait3A_103 = arith.constant 0 : i32
      %dma_wait3A_104 = tpu.memref_slice %arg4[%mul3A_6, %dma_wait3A_103] : memref<2560x125xi32, #tpu.memory_space<hbm>> -> memref<40x125xi32, #tpu.memory_space<hbm>>
      tpu.wait_dma2 semaphore(%run_scoped3A : memref<!tpu.dma_semaphore, #tpu.memory_space<semaphore_mem>>) src(%dma_wait3A_104 : memref<40x125xi32, #tpu.memory_space<hbm>>) dst(%arg7 : memref<40x125xi32, #tpu.memory_space<vmem>>)
      tpu.yield
    }) : () -> ()
    %dma_start3A = arith.constant 0 : i32
    %dma_start3A_7 = arith.constant 0 : i32
    %dma_start3A_8 = arith.constant 0 : i32
    %dma_start3A_9 = tpu.memref_slice %arg8[%dma_start3A_7, %dma_start3A_8] : memref<125x128xf32, #tpu.memory_space<vmem>> -> memref<64x128xf32, #tpu.memory_space<vmem>>
    %dma_start3A_10 = arith.constant 0 : i32
    %dma_start3A_11 = tpu.memref_slice %arg6[%dma_start3A, %dma_start3A_10] : memref<40x125xi32, #tpu.memory_space<vmem>> -> memref<1x64xi32, #tpu.memory_space<vmem>>
    %dma_start3A_12 = tpu.memref_squeeze %dma_start3A_11 : memref<1x64xi32, #tpu.memory_space<vmem>> -> memref<64xi32, #tpu.memory_space<vmem>>
    %dma_start3A_13 = arith.constant 0 : i32
    %dma_start3A_14 = arith.constant 0 : i32
    %dma_start3A_15 = tpu.memref_slice %arg2[%dma_start3A_13, %dma_start3A_14] : memref<10000x128xf32, #tpu.memory_space<hbm>> -> memref<10000x128xf32, #tpu.memory_space<hbm>>
    tpu.enqueue_indirect_dma source(%dma_start3A_15 : memref<10000x128xf32, #tpu.memory_space<hbm>>) target(%dma_start3A_9 : memref<64x128xf32, #tpu.memory_space<vmem>>) offsets(%dma_start3A_12 : memref<64xi32, #tpu.memory_space<vmem>>) semaphore(%arg10 : memref<!tpu.dma_semaphore, #tpu.memory_space<semaphore_mem>>)
    %dma_start3A_16 = arith.constant 0 : i32
    %dma_start3A_17 = arith.constant 64 : i32
    %dma_start3A_18 = arith.constant 0 : i32
    %dma_start3A_19 = tpu.memref_slice %arg8[%dma_start3A_17, %dma_start3A_18] : memref<125x128xf32, #tpu.memory_space<vmem>> -> memref<61x128xf32, #tpu.memory_space<vmem>>
    %dma_start3A_20 = arith.constant 64 : i32
    %dma_start3A_21 = tpu.memref_slice %arg6[%dma_start3A_16, %dma_start3A_20] : memref<40x125xi32, #tpu.memory_space<vmem>> -> memref<1x61xi32, #tpu.memory_space<vmem>>
    %dma_start3A_22 = tpu.memref_squeeze %dma_start3A_21 : memref<1x61xi32, #tpu.memory_space<vmem>> -> memref<61xi32, #tpu.memory_space<vmem>>
    %dma_start3A_23 = arith.constant 0 : i32
    %dma_start3A_24 = arith.constant 0 : i32
    %dma_start3A_25 = tpu.memref_slice %arg2[%dma_start3A_23, %dma_start3A_24] : memref<10000x128xf32, #tpu.memory_space<hbm>> -> memref<10000x128xf32, #tpu.memory_space<hbm>>
    tpu.enqueue_indirect_dma source(%dma_start3A_25 : memref<10000x128xf32, #tpu.memory_space<hbm>>) target(%dma_start3A_19 : memref<61x128xf32, #tpu.memory_space<vmem>>) offsets(%dma_start3A_22 : memref<61xi32, #tpu.memory_space<vmem>>) semaphore(%arg10 : memref<!tpu.dma_semaphore, #tpu.memory_space<semaphore_mem>>)
    %scan3A = arith.constant 0 : i32
    %scan3A_26 = arith.constant 0 : i32
    %scan3A_27 = arith.constant 120 : i32
    %scan3A_28 = arith.addi %scan3A_26, %scan3A_27 : i32
    %scan3A_29 = arith.constant 1 : i32
    scf.for %scan3A_98 = %scan3A_26 to %scan3A_28 step %scan3A_29  : i32 {
      %broadcast_in_dim3A = arith.constant 0.000000e+00 : f32
      %broadcast_in_dim3A_99 = vector.broadcast %broadcast_in_dim3A : f32 to vector<16xf32>
      %swap3A = arith.index_cast %scan3A_98 : i32 to index
      %swap3A_100 = arith.constant 0 : index
      %swap3A_101 = tpu.vector_load %arg9[%swap3A, %swap3A_100] {strides = array<i32>} : memref<125x128xf32, #tpu.memory_space<vmem>>, vector<1x16xf32>,
      %swap3A_102 = vector.shape_cast %swap3A_101 : vector<1x16xf32> to vector<16xf32>
      %swap3A_103 = vector.shape_cast %broadcast_in_dim3A_99 : vector<16xf32> to vector<1x16xf32>
      tpu.vector_store %arg9[%swap3A, %swap3A_100], %swap3A_103 {strides = array<i32>} : memref<125x128xf32, #tpu.memory_space<vmem>>, vector<1x16xf32>,
      %broadcast_in_dim3A_104 = arith.constant 0.000000e+00 : f32
      %broadcast_in_dim3A_105 = vector.broadcast %broadcast_in_dim3A_104 : f32 to vector<16xf32>
      %swap3A_106 = arith.index_cast %scan3A_98 : i32 to index
      %swap3A_107 = arith.constant 16 : index
      %swap3A_108 = tpu.vector_load %arg9[%swap3A_106, %swap3A_107] {strides = array<i32>} : memref<125x128xf32, #tpu.memory_space<vmem>>, vector<1x16xf32>,
      %swap3A_109 = vector.shape_cast %swap3A_108 : vector<1x16xf32> to vector<16xf32>
      %swap3A_110 = vector.shape_cast %broadcast_in_dim3A_105 : vector<16xf32> to vector<1x16xf32>
      tpu.vector_store %arg9[%swap3A_106, %swap3A_107], %swap3A_110 {strides = array<i32>} : memref<125x128xf32, #tpu.memory_space<vmem>>, vector<1x16xf32>,
      %broadcast_in_dim3A_111 = arith.constant 0.000000e+00 : f32
      %broadcast_in_dim3A_112 = vector.broadcast %broadcast_in_dim3A_111 : f32 to vector<16xf32>
      %swap3A_113 = arith.index_cast %scan3A_98 : i32 to index
      %swap3A_114 = arith.constant 32 : index
      %swap3A_115 = tpu.vector_load %arg9[%swap3A_113, %swap3A_114] {strides = array<i32>} : memref<125x128xf32, #tpu.memory_space<vmem>>, vector<1x16xf32>,
      %swap3A_116 = vector.shape_cast %swap3A_115 : vector<1x16xf32> to vector<16xf32>
      %swap3A_117 = vector.shape_cast %broadcast_in_dim3A_112 : vector<16xf32> to vector<1x16xf32>
      tpu.vector_store %arg9[%swap3A_113, %swap3A_114], %swap3A_117 {strides = array<i32>} : memref<125x128xf32, #tpu.memory_space<vmem>>, vector<1x16xf32>,
      %broadcast_in_dim3A_118 = arith.constant 0.000000e+00 : f32
      %broadcast_in_dim3A_119 = vector.broadcast %broadcast_in_dim3A_118 : f32 to vector<16xf32>
      %swap3A_120 = arith.index_cast %scan3A_98 : i32 to index
      %swap3A_121 = arith.constant 48 : index
      %swap3A_122 = tpu.vector_load %arg9[%swap3A_120, %swap3A_121] {strides = array<i32>} : memref<125x128xf32, #tpu.memory_space<vmem>>, vector<1x16xf32>,
      %swap3A_123 = vector.shape_cast %swap3A_122 : vector<1x16xf32> to vector<16xf32>
      %swap3A_124 = vector.shape_cast %broadcast_in_dim3A_119 : vector<16xf32> to vector<1x16xf32>
      tpu.vector_store %arg9[%swap3A_120, %swap3A_121], %swap3A_124 {strides = array<i32>} : memref<125x128xf32, #tpu.memory_space<vmem>>, vector<1x16xf32>,
      %broadcast_in_dim3A_125 = arith.constant 0.000000e+00 : f32
      %broadcast_in_dim3A_126 = vector.broadcast %broadcast_in_dim3A_125 : f32 to vector<16xf32>
      %swap3A_127 = arith.index_cast %scan3A_98 : i32 to index
      %swap3A_128 = arith.constant 64 : index
      %swap3A_129 = tpu.vector_load %arg9[%swap3A_127, %swap3A_128] {strides = array<i32>} : memref<125x128xf32, #tpu.memory_space<vmem>>, vector<1x16xf32>,
      %swap3A_130 = vector.shape_cast %swap3A_129 : vector<1x16xf32> to vector<16xf32>
      %swap3A_131 = vector.shape_cast %broadcast_in_dim3A_126 : vector<16xf32> to vector<1x16xf32>
      tpu.vector_store %arg9[%swap3A_127, %swap3A_128], %swap3A_131 {strides = array<i32>} : memref<125x128xf32, #tpu.memory_space<vmem>>, vector<1x16xf32>,
      %broadcast_in_dim3A_132 = arith.constant 0.000000e+00 : f32
      %broadcast_in_dim3A_133 = vector.broadcast %broadcast_in_dim3A_132 : f32 to vector<16xf32>
      %swap3A_134 = arith.index_cast %scan3A_98 : i32 to index
      %swap3A_135 = arith.constant 80 : index
      %swap3A_136 = tpu.vector_load %arg9[%swap3A_134, %swap3A_135] {strides = array<i32>} : memref<125x128xf32, #tpu.memory_space<vmem>>, vector<1x16xf32>,
      %swap3A_137 = vector.shape_cast %swap3A_136 : vector<1x16xf32> to vector<16xf32>
      %swap3A_138 = vector.shape_cast %broadcast_in_dim3A_133 : vector<16xf32> to vector<1x16xf32>
      tpu.vector_store %arg9[%swap3A_134, %swap3A_135], %swap3A_138 {strides = array<i32>} : memref<125x128xf32, #tpu.memory_space<vmem>>, vector<1x16xf32>,
      %broadcast_in_dim3A_139 = arith.constant 0.000000e+00 : f32
      %broadcast_in_dim3A_140 = vector.broadcast %broadcast_in_dim3A_139 : f32 to vector<16xf32>
      %swap3A_141 = arith.index_cast %scan3A_98 : i32 to index
      %swap3A_142 = arith.constant 96 : index
      %swap3A_143 = tpu.vector_load %arg9[%swap3A_141, %swap3A_142] {strides = array<i32>} : memref<125x128xf32, #tpu.memory_space<vmem>>, vector<1x16xf32>,
      %swap3A_144 = vector.shape_cast %swap3A_143 : vector<1x16xf32> to vector<16xf32>
      %swap3A_145 = vector.shape_cast %broadcast_in_dim3A_140 : vector<16xf32> to vector<1x16xf32>
      tpu.vector_store %arg9[%swap3A_141, %swap3A_142], %swap3A_145 {strides = array<i32>} : memref<125x128xf32, #tpu.memory_space<vmem>>, vector<1x16xf32>,
      %broadcast_in_dim3A_146 = arith.constant 0.000000e+00 : f32
      %broadcast_in_dim3A_147 = vector.broadcast %broadcast_in_dim3A_146 : f32 to vector<16xf32>
      %swap3A_148 = arith.index_cast %scan3A_98 : i32 to index
      %swap3A_149 = arith.constant 112 : index
      %swap3A_150 = tpu.vector_load %arg9[%swap3A_148, %swap3A_149] {strides = array<i32>} : memref<125x128xf32, #tpu.memory_space<vmem>>, vector<1x16xf32>,
      %swap3A_151 = vector.shape_cast %swap3A_150 : vector<1x16xf32> to vector<16xf32>
      %swap3A_152 = vector.shape_cast %broadcast_in_dim3A_147 : vector<16xf32> to vector<1x16xf32>
      tpu.vector_store %arg9[%swap3A_148, %swap3A_149], %swap3A_152 {strides = array<i32>} : memref<125x128xf32, #tpu.memory_space<vmem>>, vector<1x16xf32>,
    }
    %scan3A_30 = arith.constant 120 : i32
    %add3A_31 = arith.constant 0 : i32
    %add3A_32 = arith.addi %mul3A_2, %add3A_31 : i32
    "tpu.region"() ({
      %run_scoped3A = tpu.sem_alloc : memref<!tpu.dma_semaphore, #tpu.memory_space<semaphore_mem>>
      %dma_start3A_98 = arith.constant 0 : i32
      %dma_start3A_99 = arith.constant 0 : i32
      %dma_start3A_100 = tpu.memref_slice %arg9[%dma_start3A_98, %dma_start3A_99] : memref<125x128xf32, #tpu.memory_space<vmem>> -> memref<120x128xf32, #tpu.memory_space<vmem>>
      %dma_start3A_101 = arith.constant 0 : i32
      %dma_start3A_102 = tpu.memref_slice %arg12[%add3A_32, %dma_start3A_101] : memref<10000x128xf32, #tpu.memory_space<vmem_shared>> -> memref<120x128xf32, #tpu.memory_space<vmem_shared>>
      %dma_start3A_103 = arith.constant 0 : i32
      %dma_start3A_104 = tpu.memref_slice %arg12[%add3A_32, %dma_start3A_103] : memref<10000x128xf32, #tpu.memory_space<vmem_shared>> -> memref<120x128xf32, #tpu.memory_space<vmem_shared>>
      %dma_start3A_105 = arith.constant 0 : i32
      %dma_start3A_106 = arith.constant 0 : i32
      %dma_start3A_107 = tpu.memref_slice %arg9[%dma_start3A_105, %dma_start3A_106] : memref<125x128xf32, #tpu.memory_space<vmem>> -> memref<120x128xf32, #tpu.memory_space<vmem>>
      tpu.enqueue_dma source(%dma_start3A_107 : memref<120x128xf32, #tpu.memory_space<vmem>>) target(%dma_start3A_104 : memref<120x128xf32, #tpu.memory_space<vmem_shared>>) target_semaphore(%run_scoped3A : memref<!tpu.dma_semaphore, #tpu.memory_space<semaphore_mem>>)
      %dma_wait3A = arith.constant 0 : i32
      %dma_wait3A_108 = arith.constant 0 : i32
      %dma_wait3A_109 = tpu.memref_slice %arg9[%dma_wait3A, %dma_wait3A_108] : memref<125x128xf32, #tpu.memory_space<vmem>> -> memref<120x128xf32, #tpu.memory_space<vmem>>
      %dma_wait3A_110 = arith.constant 0 : i32
      %dma_wait3A_111 = tpu.memref_slice %arg12[%add3A_32, %dma_wait3A_110] : memref<10000x128xf32, #tpu.memory_space<vmem_shared>> -> memref<120x128xf32, #tpu.memory_space<vmem_shared>>
      %dma_wait3A_112 = arith.constant 0 : i32
      %dma_wait3A_113 = tpu.memref_slice %arg12[%add3A_32, %dma_wait3A_112] : memref<10000x128xf32, #tpu.memory_space<vmem_shared>> -> memref<120x128xf32, #tpu.memory_space<vmem_shared>>
      %dma_wait3A_114 = arith.constant 0 : i32
      %dma_wait3A_115 = arith.constant 0 : i32
      %dma_wait3A_116 = tpu.memref_slice %arg9[%dma_wait3A_114, %dma_wait3A_115] : memref<125x128xf32, #tpu.memory_space<vmem>> -> memref<120x128xf32, #tpu.memory_space<vmem>>
      tpu.wait_dma2 semaphore(%run_scoped3A : memref<!tpu.dma_semaphore, #tpu.memory_space<semaphore_mem>>) src(%dma_wait3A_116 : memref<120x128xf32, #tpu.memory_space<vmem>>) dst(%dma_wait3A_113 : memref<120x128xf32, #tpu.memory_space<vmem_shared>>)
      tpu.yield
    }) : () -> ()
    %add3A_33 = arith.constant 120 : i32
    %add3A_34 = arith.addi %mul3A_2, %add3A_33 : i32
    "tpu.region"() ({
      %run_scoped3A = tpu.sem_alloc : memref<!tpu.dma_semaphore, #tpu.memory_space<semaphore_mem>>
      %dma_start3A_98 = arith.constant 0 : i32
      %dma_start3A_99 = arith.constant 0 : i32
      %dma_start3A_100 = tpu.memref_slice %arg9[%dma_start3A_98, %dma_start3A_99] : memref<125x128xf32, #tpu.memory_space<vmem>> -> memref<120x128xf32, #tpu.memory_space<vmem>>
      %dma_start3A_101 = arith.constant 0 : i32
      %dma_start3A_102 = tpu.memref_slice %arg12[%add3A_34, %dma_start3A_101] : memref<10000x128xf32, #tpu.memory_space<vmem_shared>> -> memref<120x128xf32, #tpu.memory_space<vmem_shared>>
      %dma_start3A_103 = arith.constant 0 : i32
      %dma_start3A_104 = tpu.memref_slice %arg12[%add3A_34, %dma_start3A_103] : memref<10000x128xf32, #tpu.memory_space<vmem_shared>> -> memref<120x128xf32, #tpu.memory_space<vmem_shared>>
      %dma_start3A_105 = arith.constant 0 : i32
      %dma_start3A_106 = arith.constant 0 : i32
      %dma_start3A_107 = tpu.memref_slice %arg9[%dma_start3A_105, %dma_start3A_106] : memref<125x128xf32, #tpu.memory_space<vmem>> -> memref<120x128xf32, #tpu.memory_space<vmem>>
      tpu.enqueue_dma source(%dma_start3A_107 : memref<120x128xf32, #tpu.memory_space<vmem>>) target(%dma_start3A_104 : memref<120x128xf32, #tpu.memory_space<vmem_shared>>) target_semaphore(%run_scoped3A : memref<!tpu.dma_semaphore, #tpu.memory_space<semaphore_mem>>)
      %dma_wait3A = arith.constant 0 : i32
      %dma_wait3A_108 = arith.constant 0 : i32
      %dma_wait3A_109 = tpu.memref_slice %arg9[%dma_wait3A, %dma_wait3A_108] : memref<125x128xf32, #tpu.memory_space<vmem>> -> memref<120x128xf32, #tpu.memory_space<vmem>>
      %dma_wait3A_110 = arith.constant 0 : i32
      %dma_wait3A_111 = tpu.memref_slice %arg12[%add3A_34, %dma_wait3A_110] : memref<10000x128xf32, #tpu.memory_space<vmem_shared>> -> memref<120x128xf32, #tpu.memory_space<vmem_shared>>
      %dma_wait3A_112 = arith.constant 0 : i32
      %dma_wait3A_113 = tpu.memref_slice %arg12[%add3A_34, %dma_wait3A_112] : memref<10000x128xf32, #tpu.memory_space<vmem_shared>> -> memref<120x128xf32, #tpu.memory_space<vmem_shared>>
      %dma_wait3A_114 = arith.constant 0 : i32
      %dma_wait3A_115 = arith.constant 0 : i32
      %dma_wait3A_116 = tpu.memref_slice %arg9[%dma_wait3A_114, %dma_wait3A_115] : memref<125x128xf32, #tpu.memory_space<vmem>> -> memref<120x128xf32, #tpu.memory_space<vmem>>
      tpu.wait_dma2 semaphore(%run_scoped3A : memref<!tpu.dma_semaphore, #tpu.memory_space<semaphore_mem>>) src(%dma_wait3A_116 : memref<120x128xf32, #tpu.memory_space<vmem>>) dst(%dma_wait3A_113 : memref<120x128xf32, #tpu.memory_space<vmem_shared>>)
      tpu.yield
    }) : () -> ()
    %add3A_35 = arith.constant 240 : i32
    %add3A_36 = arith.addi %mul3A_2, %add3A_35 : i32
    "tpu.region"() ({
      %run_scoped3A = tpu.sem_alloc : memref<!tpu.dma_semaphore, #tpu.memory_space<semaphore_mem>>
      %dma_start3A_98 = arith.constant 0 : i32
      %dma_start3A_99 = arith.constant 0 : i32
      %dma_start3A_100 = tpu.memref_slice %arg9[%dma_start3A_98, %dma_start3A_99] : memref<125x128xf32, #tpu.memory_space<vmem>> -> memref<120x128xf32, #tpu.memory_space<vmem>>
      %dma_start3A_101 = arith.constant 0 : i32
      %dma_start3A_102 = tpu.memref_slice %arg12[%add3A_36, %dma_start3A_101] : memref<10000x128xf32, #tpu.memory_space<vmem_shared>> -> memref<120x128xf32, #tpu.memory_space<vmem_shared>>
      %dma_start3A_103 = arith.constant 0 : i32
      %dma_start3A_104 = tpu.memref_slice %arg12[%add3A_36, %dma_start3A_103] : memref<10000x128xf32, #tpu.memory_space<vmem_shared>> -> memref<120x128xf32, #tpu.memory_space<vmem_shared>>
      %dma_start3A_105 = arith.constant 0 : i32
      %dma_start3A_106 = arith.constant 0 : i32
      %dma_start3A_107 = tpu.memref_slice %arg9[%dma_start3A_105, %dma_start3A_106] : memref<125x128xf32, #tpu.memory_space<vmem>> -> memref<120x128xf32, #tpu.memory_space<vmem>>
      tpu.enqueue_dma source(%dma_start3A_107 : memref<120x128xf32, #tpu.memory_space<vmem>>) target(%dma_start3A_104 : memref<120x128xf32, #tpu.memory_space<vmem_shared>>) target_semaphore(%run_scoped3A : memref<!tpu.dma_semaphore, #tpu.memory_space<semaphore_mem>>)
      %dma_wait3A = arith.constant 0 : i32
      %dma_wait3A_108 = arith.constant 0 : i32
      %dma_wait3A_109 = tpu.memref_slice %arg9[%dma_wait3A, %dma_wait3A_108] : memref<125x128xf32, #tpu.memory_space<vmem>> -> memref<120x128xf32, #tpu.memory_space<vmem>>
      %dma_wait3A_110 = arith.constant 0 : i32
      %dma_wait3A_111 = tpu.memref_slice %arg12[%add3A_36, %dma_wait3A_110] : memref<10000x128xf32, #tpu.memory_space<vmem_shared>> -> memref<120x128xf32, #tpu.memory_space<vmem_shared>>
      %dma_wait3A_112 = arith.constant 0 : i32
      %dma_wait3A_113 = tpu.memref_slice %arg12[%add3A_36, %dma_wait3A_112] : memref<10000x128xf32, #tpu.memory_space<vmem_shared>> -> memref<120x128xf32, #tpu.memory_space<vmem_shared>>
      %dma_wait3A_114 = arith.constant 0 : i32
      %dma_wait3A_115 = arith.constant 0 : i32
      %dma_wait3A_116 = tpu.memref_slice %arg9[%dma_wait3A_114, %dma_wait3A_115] : memref<125x128xf32, #tpu.memory_space<vmem>> -> memref<120x128xf32, #tpu.memory_space<vmem>>
      tpu.wait_dma2 semaphore(%run_scoped3A : memref<!tpu.dma_semaphore, #tpu.memory_space<semaphore_mem>>) src(%dma_wait3A_116 : memref<120x128xf32, #tpu.memory_space<vmem>>) dst(%dma_wait3A_113 : memref<120x128xf32, #tpu.memory_space<vmem_shared>>)
      tpu.yield
    }) : () -> ()
    %add3A_37 = arith.constant 360 : i32
    %add3A_38 = arith.addi %mul3A_2, %add3A_37 : i32
    "tpu.region"() ({
      %run_scoped3A = tpu.sem_alloc : memref<!tpu.dma_semaphore, #tpu.memory_space<semaphore_mem>>
      %dma_start3A_98 = arith.constant 0 : i32
      %dma_start3A_99 = arith.constant 0 : i32
      %dma_start3A_100 = tpu.memref_slice %arg9[%dma_start3A_98, %dma_start3A_99] : memref<125x128xf32, #tpu.memory_space<vmem>> -> memref<120x128xf32, #tpu.memory_space<vmem>>
      %dma_start3A_101 = arith.constant 0 : i32
      %dma_start3A_102 = tpu.memref_slice %arg12[%add3A_38, %dma_start3A_101] : memref<10000x128xf32, #tpu.memory_space<vmem_shared>> -> memref<120x128xf32, #tpu.memory_space<vmem_shared>>
      %dma_start3A_103 = arith.constant 0 : i32
      %dma_start3A_104 = tpu.memref_slice %arg12[%add3A_38, %dma_start3A_103] : memref<10000x128xf32, #tpu.memory_space<vmem_shared>> -> memref<120x128xf32, #tpu.memory_space<vmem_shared>>
      %dma_start3A_105 = arith.constant 0 : i32
      %dma_start3A_106 = arith.constant 0 : i32
      %dma_start3A_107 = tpu.memref_slice %arg9[%dma_start3A_105, %dma_start3A_106] : memref<125x128xf32, #tpu.memory_space<vmem>> -> memref<120x128xf32, #tpu.memory_space<vmem>>
      tpu.enqueue_dma source(%dma_start3A_107 : memref<120x128xf32, #tpu.memory_space<vmem>>) target(%dma_start3A_104 : memref<120x128xf32, #tpu.memory_space<vmem_shared>>) target_semaphore(%run_scoped3A : memref<!tpu.dma_semaphore, #tpu.memory_space<semaphore_mem>>)
      %dma_wait3A = arith.constant 0 : i32
      %dma_wait3A_108 = arith.constant 0 : i32
      %dma_wait3A_109 = tpu.memref_slice %arg9[%dma_wait3A, %dma_wait3A_108] : memref<125x128xf32, #tpu.memory_space<vmem>> -> memref<120x128xf32, #tpu.memory_space<vmem>>
      %dma_wait3A_110 = arith.constant 0 : i32
      %dma_wait3A_111 = tpu.memref_slice %arg12[%add3A_38, %dma_wait3A_110] : memref<10000x128xf32, #tpu.memory_space<vmem_shared>> -> memref<120x128xf32, #tpu.memory_space<vmem_shared>>
      %dma_wait3A_112 = arith.constant 0 : i32
      %dma_wait3A_113 = tpu.memref_slice %arg12[%add3A_38, %dma_wait3A_112] : memref<10000x128xf32, #tpu.memory_space<vmem_shared>> -> memref<120x128xf32, #tpu.memory_space<vmem_shared>>
      %dma_wait3A_114 = arith.constant 0 : i32
      %dma_wait3A_115 = arith.constant 0 : i32
      %dma_wait3A_116 = tpu.memref_slice %arg9[%dma_wait3A_114, %dma_wait3A_115] : memref<125x128xf32, #tpu.memory_space<vmem>> -> memref<120x128xf32, #tpu.memory_space<vmem>>
      tpu.wait_dma2 semaphore(%run_scoped3A : memref<!tpu.dma_semaphore, #tpu.memory_space<semaphore_mem>>) src(%dma_wait3A_116 : memref<120x128xf32, #tpu.memory_space<vmem>>) dst(%dma_wait3A_113 : memref<120x128xf32, #tpu.memory_space<vmem_shared>>)
      tpu.yield
    }) : () -> ()
    %add3A_39 = arith.constant 480 : i32
    %add3A_40 = arith.addi %mul3A_2, %add3A_39 : i32
    "tpu.region"() ({
      %run_scoped3A = tpu.sem_alloc : memref<!tpu.dma_semaphore, #tpu.memory_space<semaphore_mem>>
      %dma_start3A_98 = arith.constant 0 : i32
      %dma_start3A_99 = arith.constant 0 : i32
      %dma_start3A_100 = tpu.memref_slice %arg9[%dma_start3A_98, %dma_start3A_99] : memref<125x128xf32, #tpu.memory_space<vmem>> -> memref<120x128xf32, #tpu.memory_space<vmem>>
      %dma_start3A_101 = arith.constant 0 : i32
      %dma_start3A_102 = tpu.memref_slice %arg12[%add3A_40, %dma_start3A_101] : memref<10000x128xf32, #tpu.memory_space<vmem_shared>> -> memref<120x128xf32, #tpu.memory_space<vmem_shared>>
      %dma_start3A_103 = arith.constant 0 : i32
      %dma_start3A_104 = tpu.memref_slice %arg12[%add3A_40, %dma_start3A_103] : memref<10000x128xf32, #tpu.memory_space<vmem_shared>> -> memref<120x128xf32, #tpu.memory_space<vmem_shared>>
      %dma_start3A_105 = arith.constant 0 : i32
      %dma_start3A_106 = arith.constant 0 : i32
      %dma_start3A_107 = tpu.memref_slice %arg9[%dma_start3A_105, %dma_start3A_106] : memref<125x128xf32, #tpu.memory_space<vmem>> -> memref<120x128xf32, #tpu.memory_space<vmem>>
      tpu.enqueue_dma source(%dma_start3A_107 : memref<120x128xf32, #tpu.memory_space<vmem>>) target(%dma_start3A_104 : memref<120x128xf32, #tpu.memory_space<vmem_shared>>) target_semaphore(%run_scoped3A : memref<!tpu.dma_semaphore, #tpu.memory_space<semaphore_mem>>)
      %dma_wait3A = arith.constant 0 : i32
      %dma_wait3A_108 = arith.constant 0 : i32
      %dma_wait3A_109 = tpu.memref_slice %arg9[%dma_wait3A, %dma_wait3A_108] : memref<125x128xf32, #tpu.memory_space<vmem>> -> memref<120x128xf32, #tpu.memory_space<vmem>>
      %dma_wait3A_110 = arith.constant 0 : i32
      %dma_wait3A_111 = tpu.memref_slice %arg12[%add3A_40, %dma_wait3A_110] : memref<10000x128xf32, #tpu.memory_space<vmem_shared>> -> memref<120x128xf32, #tpu.memory_space<vmem_shared>>
      %dma_wait3A_112 = arith.constant 0 : i32
      %dma_wait3A_113 = tpu.memref_slice %arg12[%add3A_40, %dma_wait3A_112] : memref<10000x128xf32, #tpu.memory_space<vmem_shared>> -> memref<120x128xf32, #tpu.memory_space<vmem_shared>>
      %dma_wait3A_114 = arith.constant 0 : i32
      %dma_wait3A_115 = arith.constant 0 : i32
      %dma_wait3A_116 = tpu.memref_slice %arg9[%dma_wait3A_114, %dma_wait3A_115] : memref<125x128xf32, #tpu.memory_space<vmem>> -> memref<120x128xf32, #tpu.memory_space<vmem>>
      tpu.wait_dma2 semaphore(%run_scoped3A : memref<!tpu.dma_semaphore, #tpu.memory_space<semaphore_mem>>) src(%dma_wait3A_116 : memref<120x128xf32, #tpu.memory_space<vmem>>) dst(%dma_wait3A_113 : memref<120x128xf32, #tpu.memory_space<vmem_shared>>)
      tpu.yield
    }) : () -> ()
    %lt3A = arith.constant 15 : i32
    %lt3A_41 = arith.cmpi slt, %arg1, %lt3A : i32
    %convert_element_type3A = arith.extui %lt3A_41 : i1 to i32
    %cond3A = arith.constant 0 : i32
    %cond3A_42 = arith.cmpi ne, %convert_element_type3A, %cond3A : i32
    scf.if %cond3A_42 {
      %add3A_98 = arith.constant 624 : i32
      %add3A_99 = arith.addi %mul3A_2, %add3A_98 : i32
      %sub3A = arith.constant 24 : i32
      %sub3A_100 = arith.subi %add3A_99, %sub3A : i32
      "tpu.region"() ({
        %run_scoped3A = tpu.sem_alloc : memref<!tpu.dma_semaphore, #tpu.memory_space<semaphore_mem>>
        %dma_start3A_101 = arith.constant 0 : i32
        %dma_start3A_102 = arith.constant 0 : i32
        %dma_start3A_103 = tpu.memref_slice %arg9[%dma_start3A_101, %dma_start3A_102] : memref<125x128xf32, #tpu.memory_space<vmem>> -> memref<24x128xf32, #tpu.memory_space<vmem>>
        %dma_start3A_104 = arith.constant 0 : i32
        %dma_start3A_105 = tpu.memref_slice %arg12[%sub3A_100, %dma_start3A_104] : memref<10000x128xf32, #tpu.memory_space<vmem_shared>> -> memref<24x128xf32, #tpu.memory_space<vmem_shared>>
        %dma_start3A_106 = arith.constant 0 : i32
        %dma_start3A_107 = tpu.memref_slice %arg12[%sub3A_100, %dma_start3A_106] : memref<10000x128xf32, #tpu.memory_space<vmem_shared>> -> memref<24x128xf32, #tpu.memory_space<vmem_shared>>
        %dma_start3A_108 = arith.constant 0 : i32
        %dma_start3A_109 = arith.constant 0 : i32
        %dma_start3A_110 = tpu.memref_slice %arg9[%dma_start3A_108, %dma_start3A_109] : memref<125x128xf32, #tpu.memory_space<vmem>> -> memref<24x128xf32, #tpu.memory_space<vmem>>
        tpu.enqueue_dma source(%dma_start3A_110 : memref<24x128xf32, #tpu.memory_space<vmem>>) target(%dma_start3A_107 : memref<24x128xf32, #tpu.memory_space<vmem_shared>>) target_semaphore(%run_scoped3A : memref<!tpu.dma_semaphore, #tpu.memory_space<semaphore_mem>>)
        %dma_wait3A = arith.constant 0 : i32
        %dma_wait3A_111 = arith.constant 0 : i32
        %dma_wait3A_112 = tpu.memref_slice %arg9[%dma_wait3A, %dma_wait3A_111] : memref<125x128xf32, #tpu.memory_space<vmem>> -> memref<24x128xf32, #tpu.memory_space<vmem>>
        %dma_wait3A_113 = arith.constant 0 : i32
        %dma_wait3A_114 = tpu.memref_slice %arg12[%sub3A_100, %dma_wait3A_113] : memref<10000x128xf32, #tpu.memory_space<vmem_shared>> -> memref<24x128xf32, #tpu.memory_space<vmem_shared>>
        %dma_wait3A_115 = arith.constant 0 : i32
        %dma_wait3A_116 = tpu.memref_slice %arg12[%sub3A_100, %dma_wait3A_115] : memref<10000x128xf32, #tpu.memory_space<vmem_shared>> -> memref<24x128xf32, #tpu.memory_space<vmem_shared>>
        %dma_wait3A_117 = arith.constant 0 : i32
        %dma_wait3A_118 = arith.constant 0 : i32
        %dma_wait3A_119 = tpu.memref_slice %arg9[%dma_wait3A_117, %dma_wait3A_118] : memref<125x128xf32, #tpu.memory_space<vmem>> -> memref<24x128xf32, #tpu.memory_space<vmem>>
        tpu.wait_dma2 semaphore(%run_scoped3A : memref<!tpu.dma_semaphore, #tpu.memory_space<semaphore_mem>>) src(%dma_wait3A_119 : memref<24x128xf32, #tpu.memory_space<vmem>>) dst(%dma_wait3A_116 : memref<24x128xf32, #tpu.memory_space<vmem_shared>>)
        tpu.yield
      }) : () -> ()
    } else {
    }
    %eq3A = arith.constant 15 : i32
    %eq3A_43 = arith.cmpi eq, %arg1, %eq3A : i32
    %convert_element_type3A_44 = arith.extui %eq3A_43 : i1 to i32
    %cond3A_45 = arith.constant 0 : i32
    %cond3A_46 = arith.cmpi ne, %convert_element_type3A_44, %cond3A_45 : i32
    scf.if %cond3A_46 {
      %add3A_98 = arith.constant 624 : i32
      %add3A_99 = arith.addi %mul3A_2, %add3A_98 : i32
      %sub3A = arith.constant 24 : i32
      %sub3A_100 = arith.subi %add3A_99, %sub3A : i32
      "tpu.region"() ({
        %run_scoped3A = tpu.sem_alloc : memref<!tpu.dma_semaphore, #tpu.memory_space<semaphore_mem>>
        %dma_start3A_101 = arith.constant 0 : i32
        %dma_start3A_102 = arith.constant 0 : i32
        %dma_start3A_103 = tpu.memref_slice %arg9[%dma_start3A_101, %dma_start3A_102] : memref<125x128xf32, #tpu.memory_space<vmem>> -> memref<40x128xf32, #tpu.memory_space<vmem>>
        %dma_start3A_104 = arith.constant 0 : i32
        %dma_start3A_105 = tpu.memref_slice %arg12[%sub3A_100, %dma_start3A_104] : memref<10000x128xf32, #tpu.memory_space<vmem_shared>> -> memref<40x128xf32, #tpu.memory_space<vmem_shared>>
        %dma_start3A_106 = arith.constant 0 : i32
        %dma_start3A_107 = tpu.memref_slice %arg12[%sub3A_100, %dma_start3A_106] : memref<10000x128xf32, #tpu.memory_space<vmem_shared>> -> memref<40x128xf32, #tpu.memory_space<vmem_shared>>
        %dma_start3A_108 = arith.constant 0 : i32
        %dma_start3A_109 = arith.constant 0 : i32
        %dma_start3A_110 = tpu.memref_slice %arg9[%dma_start3A_108, %dma_start3A_109] : memref<125x128xf32, #tpu.memory_space<vmem>> -> memref<40x128xf32, #tpu.memory_space<vmem>>
        tpu.enqueue_dma source(%dma_start3A_110 : memref<40x128xf32, #tpu.memory_space<vmem>>) target(%dma_start3A_107 : memref<40x128xf32, #tpu.memory_space<vmem_shared>>) target_semaphore(%run_scoped3A : memref<!tpu.dma_semaphore, #tpu.memory_space<semaphore_mem>>)
        %dma_wait3A = arith.constant 0 : i32
        %dma_wait3A_111 = arith.constant 0 : i32
        %dma_wait3A_112 = tpu.memref_slice %arg9[%dma_wait3A, %dma_wait3A_111] : memref<125x128xf32, #tpu.memory_space<vmem>> -> memref<40x128xf32, #tpu.memory_space<vmem>>
        %dma_wait3A_113 = arith.constant 0 : i32
        %dma_wait3A_114 = tpu.memref_slice %arg12[%sub3A_100, %dma_wait3A_113] : memref<10000x128xf32, #tpu.memory_space<vmem_shared>> -> memref<40x128xf32, #tpu.memory_space<vmem_shared>>
        %dma_wait3A_115 = arith.constant 0 : i32
        %dma_wait3A_116 = tpu.memref_slice %arg12[%sub3A_100, %dma_wait3A_115] : memref<10000x128xf32, #tpu.memory_space<vmem_shared>> -> memref<40x128xf32, #tpu.memory_space<vmem_shared>>
        %dma_wait3A_117 = arith.constant 0 : i32
        %dma_wait3A_118 = arith.constant 0 : i32
        %dma_wait3A_119 = tpu.memref_slice %arg9[%dma_wait3A_117, %dma_wait3A_118] : memref<125x128xf32, #tpu.memory_space<vmem>> -> memref<40x128xf32, #tpu.memory_space<vmem>>
        tpu.wait_dma2 semaphore(%run_scoped3A : memref<!tpu.dma_semaphore, #tpu.memory_space<semaphore_mem>>) src(%dma_wait3A_119 : memref<40x128xf32, #tpu.memory_space<vmem>>) dst(%dma_wait3A_116 : memref<40x128xf32, #tpu.memory_space<vmem_shared>>)
        tpu.yield
      }) : () -> ()
    } else {
    }
    %barrier3A = arith.constant 0 : index
    tpu.barrier barrier_id(%barrier3A)
    %mul3A_47 = arith.constant 80 : i32
    %mul3A_48 = arith.muli %add3A, %mul3A_47 : i32
    %add3A_49 = arith.constant 0 : i32
    %add3A_50 = arith.addi %mul3A_48, %add3A_49 : i32
    %scan3A_51 = arith.constant 0 : i32
    %scan3A_52 = arith.constant 0 : i32
    %scan3A_53 = arith.constant 20 : i32
    %scan3A_54 = arith.addi %scan3A_52, %scan3A_53 : i32
    %scan3A_55 = arith.constant 1 : i32
    scf.for %scan3A_98 = %scan3A_52 to %scan3A_54 step %scan3A_55  : i32 {
      %mul3A_99 = arith.constant 2 : i32
      %mul3A_100 = arith.muli %mul3A_99, %scan3A_98 : i32
      %add3A_101 = arith.constant 1 : i32
      %add3A_102 = arith.addi %mul3A_100, %add3A_101 : i32
      %dma_start3A_103 = arith.constant 0 : i32
      %dma_start3A_104 = arith.constant 0 : i32
      %dma_start3A_105 = tpu.memref_slice %arg9[%dma_start3A_103, %dma_start3A_104] : memref<125x128xf32, #tpu.memory_space<vmem>> -> memref<64x128xf32, #tpu.memory_space<vmem>>
      %dma_start3A_106 = arith.constant 0 : i32
      %dma_start3A_107 = tpu.memref_slice %arg6[%add3A_102, %dma_start3A_106] : memref<40x125xi32, #tpu.memory_space<vmem>> -> memref<1x64xi32, #tpu.memory_space<vmem>>
      %dma_start3A_108 = tpu.memref_squeeze %dma_start3A_107 : memref<1x64xi32, #tpu.memory_space<vmem>> -> memref<64xi32, #tpu.memory_space<vmem>>
      %dma_start3A_109 = arith.constant 0 : i32
      %dma_start3A_110 = arith.constant 0 : i32
      %dma_start3A_111 = tpu.memref_slice %arg2[%dma_start3A_109, %dma_start3A_110] : memref<10000x128xf32, #tpu.memory_space<hbm>> -> memref<10000x128xf32, #tpu.memory_space<hbm>>
      tpu.enqueue_indirect_dma source(%dma_start3A_111 : memref<10000x128xf32, #tpu.memory_space<hbm>>) target(%dma_start3A_105 : memref<64x128xf32, #tpu.memory_space<vmem>>) offsets(%dma_start3A_108 : memref<64xi32, #tpu.memory_space<vmem>>) semaphore(%arg11 : memref<!tpu.dma_semaphore, #tpu.memory_space<semaphore_mem>>)
      %dma_start3A_112 = arith.constant 64 : i32
      %dma_start3A_113 = arith.constant 0 : i32
      %dma_start3A_114 = tpu.memref_slice %arg9[%dma_start3A_112, %dma_start3A_113] : memref<125x128xf32, #tpu.memory_space<vmem>> -> memref<61x128xf32, #tpu.memory_space<vmem>>
      %dma_start3A_115 = arith.constant 64 : i32
      %dma_start3A_116 = tpu.memref_slice %arg6[%add3A_102, %dma_start3A_115] : memref<40x125xi32, #tpu.memory_space<vmem>> -> memref<1x61xi32, #tpu.memory_space<vmem>>
      %dma_start3A_117 = tpu.memref_squeeze %dma_start3A_116 : memref<1x61xi32, #tpu.memory_space<vmem>> -> memref<61xi32, #tpu.memory_space<vmem>>
      %dma_start3A_118 = arith.constant 0 : i32
      %dma_start3A_119 = arith.constant 0 : i32
      %dma_start3A_120 = tpu.memref_slice %arg2[%dma_start3A_118, %dma_start3A_119] : memref<10000x128xf32, #tpu.memory_space<hbm>> -> memref<10000x128xf32, #tpu.memory_space<hbm>>
      tpu.enqueue_indirect_dma source(%dma_start3A_120 : memref<10000x128xf32, #tpu.memory_space<hbm>>) target(%dma_start3A_114 : memref<61x128xf32, #tpu.memory_space<vmem>>) offsets(%dma_start3A_117 : memref<61xi32, #tpu.memory_space<vmem>>) semaphore(%arg11 : memref<!tpu.dma_semaphore, #tpu.memory_space<semaphore_mem>>)
      %dma_wait3A = arith.constant 0 : i32
      %dma_wait3A_121 = arith.constant 0 : i32
      %dma_wait3A_122 = arith.constant 0 : i32
      %dma_wait3A_123 = tpu.memref_slice %arg8[%dma_wait3A_121, %dma_wait3A_122] : memref<125x128xf32, #tpu.memory_space<vmem>> -> memref<64x128xf32, #tpu.memory_space<vmem>>
      %dma_wait3A_124 = arith.constant 0 : i32
      %dma_wait3A_125 = tpu.memref_slice %arg6[%dma_wait3A, %dma_wait3A_124] : memref<40x125xi32, #tpu.memory_space<vmem>> -> memref<1x64xi32, #tpu.memory_space<vmem>>
      %dma_wait3A_126 = tpu.memref_squeeze %dma_wait3A_125 : memref<1x64xi32, #tpu.memory_space<vmem>> -> memref<64xi32, #tpu.memory_space<vmem>>
      %dma_wait3A_127 = arith.constant 0 : i32
      %dma_wait3A_128 = arith.constant 0 : i32
      %dma_wait3A_129 = tpu.memref_slice %arg2[%dma_wait3A_127, %dma_wait3A_128] : memref<10000x128xf32, #tpu.memory_space<hbm>> -> memref<10000x128xf32, #tpu.memory_space<hbm>>
      tpu.wait_indirect_dma semaphore(%arg10 : memref<!tpu.dma_semaphore, #tpu.memory_space<semaphore_mem>>) src(%dma_wait3A_129 : memref<10000x128xf32, #tpu.memory_space<hbm>>) dst(%dma_wait3A_123 : memref<64x128xf32, #tpu.memory_space<vmem>>)
      %dma_wait3A_130 = arith.constant 0 : i32
      %dma_wait3A_131 = arith.constant 64 : i32
      %dma_wait3A_132 = arith.constant 0 : i32
      %dma_wait3A_133 = tpu.memref_slice %arg8[%dma_wait3A_131, %dma_wait3A_132] : memref<125x128xf32, #tpu.memory_space<vmem>> -> memref<61x128xf32, #tpu.memory_space<vmem>>
      %dma_wait3A_134 = arith.constant 64 : i32
      %dma_wait3A_135 = tpu.memref_slice %arg6[%dma_wait3A_130, %dma_wait3A_134] : memref<40x125xi32, #tpu.memory_space<vmem>> -> memref<1x61xi32, #tpu.memory_space<vmem>>
      %dma_wait3A_136 = tpu.memref_squeeze %dma_wait3A_135 : memref<1x61xi32, #tpu.memory_space<vmem>> -> memref<61xi32, #tpu.memory_space<vmem>>
      %dma_wait3A_137 = arith.constant 0 : i32
      %dma_wait3A_138 = arith.constant 0 : i32
      %dma_wait3A_139 = tpu.memref_slice %arg2[%dma_wait3A_137, %dma_wait3A_138] : memref<10000x128xf32, #tpu.memory_space<hbm>> -> memref<10000x128xf32, #tpu.memory_space<hbm>>
      tpu.wait_indirect_dma semaphore(%arg10 : memref<!tpu.dma_semaphore, #tpu.memory_space<semaphore_mem>>) src(%dma_wait3A_139 : memref<10000x128xf32, #tpu.memory_space<hbm>>) dst(%dma_wait3A_133 : memref<61x128xf32, #tpu.memory_space<vmem>>)
      "tpu.region"() ({
        %run_scoped3A = tpu.sem_alloc : memref<!tpu.dma_semaphore, #tpu.memory_space<semaphore_mem>>
        %dma_start3A_169 = arith.constant 0 : i32
        %dma_start3A_170 = tpu.memref_slice %arg7[%mul3A_100, %dma_start3A_169] : memref<40x125xi32, #tpu.memory_space<vmem>> -> memref<1x125xi32, #tpu.memory_space<vmem>>
        %dma_start3A_171 = tpu.memref_squeeze %dma_start3A_170 : memref<1x125xi32, #tpu.memory_space<vmem>> -> memref<125xi32, #tpu.memory_space<vmem>>
        %dma_start3A_172 = arith.constant 0 : i32
        %dma_start3A_173 = arith.constant 0 : i32
        %dma_start3A_174 = tpu.memref_slice %arg12[%dma_start3A_172, %dma_start3A_173] : memref<10000x128xf32, #tpu.memory_space<vmem_shared>> -> memref<10000x128xf32, #tpu.memory_space<vmem_shared>>
        tpu.enqueue_indirect_dma source(%arg8 : memref<125x128xf32, #tpu.memory_space<vmem>>) target(%dma_start3A_174 : memref<10000x128xf32, #tpu.memory_space<vmem_shared>>) offsets(%dma_start3A_171 : memref<125xi32, #tpu.memory_space<vmem>>) semaphore(%run_scoped3A : memref<!tpu.dma_semaphore, #tpu.memory_space<semaphore_mem>>) {add = true}
        %dma_wait3A_175 = arith.constant 0 : i32
        %dma_wait3A_176 = tpu.memref_slice %arg7[%mul3A_100, %dma_wait3A_175] : memref<40x125xi32, #tpu.memory_space<vmem>> -> memref<1x125xi32, #tpu.memory_space<vmem>>
        %dma_wait3A_177 = tpu.memref_squeeze %dma_wait3A_176 : memref<1x125xi32, #tpu.memory_space<vmem>> -> memref<125xi32, #tpu.memory_space<vmem>>
        %dma_wait3A_178 = arith.constant 0 : i32
        %dma_wait3A_179 = arith.constant 0 : i32
        %dma_wait3A_180 = tpu.memref_slice %arg12[%dma_wait3A_178, %dma_wait3A_179] : memref<10000x128xf32, #tpu.memory_space<vmem_shared>> -> memref<10000x128xf32, #tpu.memory_space<vmem_shared>>
        tpu.wait_indirect_dma semaphore(%run_scoped3A : memref<!tpu.dma_semaphore, #tpu.memory_space<semaphore_mem>>) src(%arg8 : memref<125x128xf32, #tpu.memory_space<vmem>>) dst(%dma_wait3A_180 : memref<10000x128xf32, #tpu.memory_space<vmem_shared>>)
        tpu.yield
      }) : () -> ()
      %add3A_140 = arith.constant 2 : i32
      %add3A_141 = arith.addi %mul3A_100, %add3A_140 : i32
      %lt3A_142 = arith.constant 40 : i32
      %lt3A_143 = arith.cmpi slt, %add3A_141, %lt3A_142 : i32
      %convert_element_type3A_144 = arith.extui %lt3A_143 : i1 to i32
      %cond3A_145 = arith.constant 0 : i32
      %cond3A_146 = arith.cmpi ne, %convert_element_type3A_144, %cond3A_145 : i32
      scf.if %cond3A_146 {
        %add3A_169 = arith.constant 2 : i32
        %add3A_170 = arith.addi %mul3A_100, %add3A_169 : i32
        %dma_start3A_171 = arith.constant 0 : i32
        %dma_start3A_172 = arith.constant 0 : i32
        %dma_start3A_173 = tpu.memref_slice %arg8[%dma_start3A_171, %dma_start3A_172] : memref<125x128xf32, #tpu.memory_space<vmem>> -> memref<64x128xf32, #tpu.memory_space<vmem>>
        %dma_start3A_174 = arith.constant 0 : i32
        %dma_start3A_175 = tpu.memref_slice %arg6[%add3A_170, %dma_start3A_174] : memref<40x125xi32, #tpu.memory_space<vmem>> -> memref<1x64xi32, #tpu.memory_space<vmem>>
        %dma_start3A_176 = tpu.memref_squeeze %dma_start3A_175 : memref<1x64xi32, #tpu.memory_space<vmem>> -> memref<64xi32, #tpu.memory_space<vmem>>
        %dma_start3A_177 = arith.constant 0 : i32
        %dma_start3A_178 = arith.constant 0 : i32
        %dma_start3A_179 = tpu.memref_slice %arg2[%dma_start3A_177, %dma_start3A_178] : memref<10000x128xf32, #tpu.memory_space<hbm>> -> memref<10000x128xf32, #tpu.memory_space<hbm>>
        tpu.enqueue_indirect_dma source(%dma_start3A_179 : memref<10000x128xf32, #tpu.memory_space<hbm>>) target(%dma_start3A_173 : memref<64x128xf32, #tpu.memory_space<vmem>>) offsets(%dma_start3A_176 : memref<64xi32, #tpu.memory_space<vmem>>) semaphore(%arg10 : memref<!tpu.dma_semaphore, #tpu.memory_space<semaphore_mem>>)
        %dma_start3A_180 = arith.constant 64 : i32
        %dma_start3A_181 = arith.constant 0 : i32
        %dma_start3A_182 = tpu.memref_slice %arg8[%dma_start3A_180, %dma_start3A_181] : memref<125x128xf32, #tpu.memory_space<vmem>> -> memref<61x128xf32, #tpu.memory_space<vmem>>
        %dma_start3A_183 = arith.constant 64 : i32
        %dma_start3A_184 = tpu.memref_slice %arg6[%add3A_170, %dma_start3A_183] : memref<40x125xi32, #tpu.memory_space<vmem>> -> memref<1x61xi32, #tpu.memory_space<vmem>>
        %dma_start3A_185 = tpu.memref_squeeze %dma_start3A_184 : memref<1x61xi32, #tpu.memory_space<vmem>> -> memref<61xi32, #tpu.memory_space<vmem>>
        %dma_start3A_186 = arith.constant 0 : i32
        %dma_start3A_187 = arith.constant 0 : i32
        %dma_start3A_188 = tpu.memref_slice %arg2[%dma_start3A_186, %dma_start3A_187] : memref<10000x128xf32, #tpu.memory_space<hbm>> -> memref<10000x128xf32, #tpu.memory_space<hbm>>
        tpu.enqueue_indirect_dma source(%dma_start3A_188 : memref<10000x128xf32, #tpu.memory_space<hbm>>) target(%dma_start3A_182 : memref<61x128xf32, #tpu.memory_space<vmem>>) offsets(%dma_start3A_185 : memref<61xi32, #tpu.memory_space<vmem>>) semaphore(%arg10 : memref<!tpu.dma_semaphore, #tpu.memory_space<semaphore_mem>>)
      } else {
      }
      %dma_wait3A_147 = arith.constant 0 : i32
      %dma_wait3A_148 = arith.constant 0 : i32
      %dma_wait3A_149 = arith.constant 0 : i32
      %dma_wait3A_150 = tpu.memref_slice %arg9[%dma_wait3A_148, %dma_wait3A_149] : memref<125x128xf32, #tpu.memory_space<vmem>> -> memref<64x128xf32, #tpu.memory_space<vmem>>
      %dma_wait3A_151 = arith.constant 0 : i32
      %dma_wait3A_152 = tpu.memref_slice %arg6[%dma_wait3A_147, %dma_wait3A_151] : memref<40x125xi32, #tpu.memory_space<vmem>> -> memref<1x64xi32, #tpu.memory_space<vmem>>
      %dma_wait3A_153 = tpu.memref_squeeze %dma_wait3A_152 : memref<1x64xi32, #tpu.memory_space<vmem>> -> memref<64xi32, #tpu.memory_space<vmem>>
      %dma_wait3A_154 = arith.constant 0 : i32
      %dma_wait3A_155 = arith.constant 0 : i32
      %dma_wait3A_156 = tpu.memref_slice %arg2[%dma_wait3A_154, %dma_wait3A_155] : memref<10000x128xf32, #tpu.memory_space<hbm>> -> memref<10000x128xf32, #tpu.memory_space<hbm>>
      tpu.wait_indirect_dma semaphore(%arg11 : memref<!tpu.dma_semaphore, #tpu.memory_space<semaphore_mem>>) src(%dma_wait3A_156 : memref<10000x128xf32, #tpu.memory_space<hbm>>) dst(%dma_wait3A_150 : memref<64x128xf32, #tpu.memory_space<vmem>>)
      %dma_wait3A_157 = arith.constant 0 : i32
      %dma_wait3A_158 = arith.constant 64 : i32
      %dma_wait3A_159 = arith.constant 0 : i32
      %dma_wait3A_160 = tpu.memref_slice %arg9[%dma_wait3A_158, %dma_wait3A_159] : memref<125x128xf32, #tpu.memory_space<vmem>> -> memref<61x128xf32, #tpu.memory_space<vmem>>
      %dma_wait3A_161 = arith.constant 64 : i32
      %dma_wait3A_162 = tpu.memref_slice %arg6[%dma_wait3A_157, %dma_wait3A_161] : memref<40x125xi32, #tpu.memory_space<vmem>> -> memref<1x61xi32, #tpu.memory_space<vmem>>
      %dma_wait3A_163 = tpu.memref_squeeze %dma_wait3A_162 : memref<1x61xi32, #tpu.memory_space<vmem>> -> memref<61xi32, #tpu.memory_space<vmem>>
      %dma_wait3A_164 = arith.constant 0 : i32
      %dma_wait3A_165 = arith.constant 0 : i32
      %dma_wait3A_166 = tpu.memref_slice %arg2[%dma_wait3A_164, %dma_wait3A_165] : memref<10000x128xf32, #tpu.memory_space<hbm>> -> memref<10000x128xf32, #tpu.memory_space<hbm>>
      tpu.wait_indirect_dma semaphore(%arg11 : memref<!tpu.dma_semaphore, #tpu.memory_space<semaphore_mem>>) src(%dma_wait3A_166 : memref<10000x128xf32, #tpu.memory_space<hbm>>) dst(%dma_wait3A_160 : memref<61x128xf32, #tpu.memory_space<vmem>>)
      %add3A_167 = arith.constant 1 : i32
      %add3A_168 = arith.addi %mul3A_100, %add3A_167 : i32
      "tpu.region"() ({
        %run_scoped3A = tpu.sem_alloc : memref<!tpu.dma_semaphore, #tpu.memory_space<semaphore_mem>>
        %dma_start3A_169 = arith.constant 0 : i32
        %dma_start3A_170 = tpu.memref_slice %arg7[%add3A_168, %dma_start3A_169] : memref<40x125xi32, #tpu.memory_space<vmem>> -> memref<1x125xi32, #tpu.memory_space<vmem>>
        %dma_start3A_171 = tpu.memref_squeeze %dma_start3A_170 : memref<1x125xi32, #tpu.memory_space<vmem>> -> memref<125xi32, #tpu.memory_space<vmem>>
        %dma_start3A_172 = arith.constant 0 : i32
        %dma_start3A_173 = arith.constant 0 : i32
        %dma_start3A_174 = tpu.memref_slice %arg12[%dma_start3A_172, %dma_start3A_173] : memref<10000x128xf32, #tpu.memory_space<vmem_shared>> -> memref<10000x128xf32, #tpu.memory_space<vmem_shared>>
        tpu.enqueue_indirect_dma source(%arg9 : memref<125x128xf32, #tpu.memory_space<vmem>>) target(%dma_start3A_174 : memref<10000x128xf32, #tpu.memory_space<vmem_shared>>) offsets(%dma_start3A_171 : memref<125xi32, #tpu.memory_space<vmem>>) semaphore(%run_scoped3A : memref<!tpu.dma_semaphore, #tpu.memory_space<semaphore_mem>>) {add = true}
        %dma_wait3A_175 = arith.constant 0 : i32
        %dma_wait3A_176 = tpu.memref_slice %arg7[%add3A_168, %dma_wait3A_175] : memref<40x125xi32, #tpu.memory_space<vmem>> -> memref<1x125xi32, #tpu.memory_space<vmem>>
        %dma_wait3A_177 = tpu.memref_squeeze %dma_wait3A_176 : memref<1x125xi32, #tpu.memory_space<vmem>> -> memref<125xi32, #tpu.memory_space<vmem>>
        %dma_wait3A_178 = arith.constant 0 : i32
        %dma_wait3A_179 = arith.constant 0 : i32
        %dma_wait3A_180 = tpu.memref_slice %arg12[%dma_wait3A_178, %dma_wait3A_179] : memref<10000x128xf32, #tpu.memory_space<vmem_shared>> -> memref<10000x128xf32, #tpu.memory_space<vmem_shared>>
        tpu.wait_indirect_dma semaphore(%run_scoped3A : memref<!tpu.dma_semaphore, #tpu.memory_space<semaphore_mem>>) src(%arg9 : memref<125x128xf32, #tpu.memory_space<vmem>>) dst(%dma_wait3A_180 : memref<10000x128xf32, #tpu.memory_space<vmem_shared>>)
        tpu.yield
      }) : () -> ()
    }
    %scan3A_56 = arith.constant 20 : i32
    %mul3A_57 = arith.constant 80 : i32
    %mul3A_58 = arith.muli %add3A, %mul3A_57 : i32
    %add3A_59 = arith.constant 40 : i32
    %add3A_60 = arith.addi %mul3A_58, %add3A_59 : i32
    "tpu.region"() ({
      %run_scoped3A = tpu.sem_alloc : memref<!tpu.dma_semaphore, #tpu.memory_space<semaphore_mem>>
      %dma_start3A_98 = arith.constant 0 : i32
      %dma_start3A_99 = tpu.memref_slice %arg3[%add3A_60, %dma_start3A_98] : memref<2560x125xi32, #tpu.memory_space<hbm>> -> memref<40x125xi32, #tpu.memory_space<hbm>>
      %dma_start3A_100 = arith.constant 0 : i32
      %dma_start3A_101 = tpu.memref_slice %arg3[%add3A_60, %dma_start3A_100] : memref<2560x125xi32, #tpu.memory_space<hbm>> -> memref<40x125xi32, #tpu.memory_space<hbm>>
      tpu.enqueue_dma source(%dma_start3A_101 : memref<40x125xi32, #tpu.memory_space<hbm>>) target(%arg6 : memref<40x125xi32, #tpu.memory_space<vmem>>) target_semaphore(%run_scoped3A : memref<!tpu.dma_semaphore, #tpu.memory_space<semaphore_mem>>)
      %dma_wait3A = arith.constant 0 : i32
      %dma_wait3A_102 = tpu.memref_slice %arg3[%add3A_60, %dma_wait3A] : memref<2560x125xi32, #tpu.memory_space<hbm>> -> memref<40x125xi32, #tpu.memory_space<hbm>>
      %dma_wait3A_103 = arith.constant 0 : i32
      %dma_wait3A_104 = tpu.memref_slice %arg3[%add3A_60, %dma_wait3A_103] : memref<2560x125xi32, #tpu.memory_space<hbm>> -> memref<40x125xi32, #tpu.memory_space<hbm>>
      tpu.wait_dma2 semaphore(%run_scoped3A : memref<!tpu.dma_semaphore, #tpu.memory_space<semaphore_mem>>) src(%dma_wait3A_104 : memref<40x125xi32, #tpu.memory_space<hbm>>) dst(%arg6 : memref<40x125xi32, #tpu.memory_space<vmem>>)
      tpu.yield
    }) : () -> ()
    "tpu.region"() ({
      %run_scoped3A = tpu.sem_alloc : memref<!tpu.dma_semaphore, #tpu.memory_space<semaphore_mem>>
      %dma_start3A_98 = arith.constant 0 : i32
      %dma_start3A_99 = tpu.memref_slice %arg4[%add3A_60, %dma_start3A_98] : memref<2560x125xi32, #tpu.memory_space<hbm>> -> memref<40x125xi32, #tpu.memory_space<hbm>>
      %dma_start3A_100 = arith.constant 0 : i32
      %dma_start3A_101 = tpu.memref_slice %arg4[%add3A_60, %dma_start3A_100] : memref<2560x125xi32, #tpu.memory_space<hbm>> -> memref<40x125xi32, #tpu.memory_space<hbm>>
      tpu.enqueue_dma source(%dma_start3A_101 : memref<40x125xi32, #tpu.memory_space<hbm>>) target(%arg7 : memref<40x125xi32, #tpu.memory_space<vmem>>) target_semaphore(%run_scoped3A : memref<!tpu.dma_semaphore, #tpu.memory_space<semaphore_mem>>)
      %dma_wait3A = arith.constant 0 : i32
      %dma_wait3A_102 = tpu.memref_slice %arg4[%add3A_60, %dma_wait3A] : memref<2560x125xi32, #tpu.memory_space<hbm>> -> memref<40x125xi32, #tpu.memory_space<hbm>>
      %dma_wait3A_103 = arith.constant 0 : i32
      %dma_wait3A_104 = tpu.memref_slice %arg4[%add3A_60, %dma_wait3A_103] : memref<2560x125xi32, #tpu.memory_space<hbm>> -> memref<40x125xi32, #tpu.memory_space<hbm>>
      tpu.wait_dma2 semaphore(%run_scoped3A : memref<!tpu.dma_semaphore, #tpu.memory_space<semaphore_mem>>) src(%dma_wait3A_104 : memref<40x125xi32, #tpu.memory_space<hbm>>) dst(%arg7 : memref<40x125xi32, #tpu.memory_space<vmem>>)
      tpu.yield
    }) : () -> ()
    %dma_start3A_61 = arith.constant 0 : i32
    %dma_start3A_62 = arith.constant 0 : i32
    %dma_start3A_63 = arith.constant 0 : i32
    %dma_start3A_64 = tpu.memref_slice %arg8[%dma_start3A_62, %dma_start3A_63] : memref<125x128xf32, #tpu.memory_space<vmem>> -> memref<64x128xf32, #tpu.memory_space<vmem>>
    %dma_start3A_65 = arith.constant 0 : i32
    %dma_start3A_66 = tpu.memref_slice %arg6[%dma_start3A_61, %dma_start3A_65] : memref<40x125xi32, #tpu.memory_space<vmem>> -> memref<1x64xi32, #tpu.memory_space<vmem>>
    %dma_start3A_67 = tpu.memref_squeeze %dma_start3A_66 : memref<1x64xi32, #tpu.memory_space<vmem>> -> memref<64xi32, #tpu.memory_space<vmem>>
    %dma_start3A_68 = arith.constant 0 : i32
    %dma_start3A_69 = arith.constant 0 : i32
    %dma_start3A_70 = tpu.memref_slice %arg2[%dma_start3A_68, %dma_start3A_69] : memref<10000x128xf32, #tpu.memory_space<hbm>> -> memref<10000x128xf32, #tpu.memory_space<hbm>>
    tpu.enqueue_indirect_dma source(%dma_start3A_70 : memref<10000x128xf32, #tpu.memory_space<hbm>>) target(%dma_start3A_64 : memref<64x128xf32, #tpu.memory_space<vmem>>) offsets(%dma_start3A_67 : memref<64xi32, #tpu.memory_space<vmem>>) semaphore(%arg10 : memref<!tpu.dma_semaphore, #tpu.memory_space<semaphore_mem>>)
    %dma_start3A_71 = arith.constant 0 : i32
    %dma_start3A_72 = arith.constant 64 : i32
    %dma_start3A_73 = arith.constant 0 : i32
    %dma_start3A_74 = tpu.memref_slice %arg8[%dma_start3A_72, %dma_start3A_73] : memref<125x128xf32, #tpu.memory_space<vmem>> -> memref<61x128xf32, #tpu.memory_space<vmem>>
    %dma_start3A_75 = arith.constant 64 : i32
    %dma_start3A_76 = tpu.memref_slice %arg6[%dma_start3A_71, %dma_start3A_75] : memref<40x125xi32, #tpu.memory_space<vmem>> -> memref<1x61xi32, #tpu.memory_space<vmem>>
    %dma_start3A_77 = tpu.memref_squeeze %dma_start3A_76 : memref<1x61xi32, #tpu.memory_space<vmem>> -> memref<61xi32, #tpu.memory_space<vmem>>
    %dma_start3A_78 = arith.constant 0 : i32
    %dma_start3A_79 = arith.constant 0 : i32
    %dma_start3A_80 = tpu.memref_slice %arg2[%dma_start3A_78, %dma_start3A_79] : memref<10000x128xf32, #tpu.memory_space<hbm>> -> memref<10000x128xf32, #tpu.memory_space<hbm>>
    tpu.enqueue_indirect_dma source(%dma_start3A_80 : memref<10000x128xf32, #tpu.memory_space<hbm>>) target(%dma_start3A_74 : memref<61x128xf32, #tpu.memory_space<vmem>>) offsets(%dma_start3A_77 : memref<61xi32, #tpu.memory_space<vmem>>) semaphore(%arg10 : memref<!tpu.dma_semaphore, #tpu.memory_space<semaphore_mem>>)
    %scan3A_81 = arith.constant 0 : i32
    %scan3A_82 = arith.constant 0 : i32
    %scan3A_83 = arith.constant 20 : i32
    %scan3A_84 = arith.addi %scan3A_82, %scan3A_83 : i32
    %scan3A_85 = arith.constant 1 : i32
    scf.for %scan3A_98 = %scan3A_82 to %scan3A_84 step %scan3A_85  : i32 {
      %mul3A_99 = arith.constant 2 : i32
      %mul3A_100 = arith.muli %mul3A_99, %scan3A_98 : i32
      %add3A_101 = arith.constant 1 : i32
      %add3A_102 = arith.addi %mul3A_100, %add3A_101 : i32
      %dma_start3A_103 = arith.constant 0 : i32
      %dma_start3A_104 = arith.constant 0 : i32
      %dma_start3A_105 = tpu.memref_slice %arg9[%dma_start3A_103, %dma_start3A_104] : memref<125x128xf32, #tpu.memory_space<vmem>> -> memref<64x128xf32, #tpu.memory_space<vmem>>
      %dma_start3A_106 = arith.constant 0 : i32
      %dma_start3A_107 = tpu.memref_slice %arg6[%add3A_102, %dma_start3A_106] : memref<40x125xi32, #tpu.memory_space<vmem>> -> memref<1x64xi32, #tpu.memory_space<vmem>>
      %dma_start3A_108 = tpu.memref_squeeze %dma_start3A_107 : memref<1x64xi32, #tpu.memory_space<vmem>> -> memref<64xi32, #tpu.memory_space<vmem>>
      %dma_start3A_109 = arith.constant 0 : i32
      %dma_start3A_110 = arith.constant 0 : i32
      %dma_start3A_111 = tpu.memref_slice %arg2[%dma_start3A_109, %dma_start3A_110] : memref<10000x128xf32, #tpu.memory_space<hbm>> -> memref<10000x128xf32, #tpu.memory_space<hbm>>
      tpu.enqueue_indirect_dma source(%dma_start3A_111 : memref<10000x128xf32, #tpu.memory_space<hbm>>) target(%dma_start3A_105 : memref<64x128xf32, #tpu.memory_space<vmem>>) offsets(%dma_start3A_108 : memref<64xi32, #tpu.memory_space<vmem>>) semaphore(%arg11 : memref<!tpu.dma_semaphore, #tpu.memory_space<semaphore_mem>>)
      %dma_start3A_112 = arith.constant 64 : i32
      %dma_start3A_113 = arith.constant 0 : i32
      %dma_start3A_114 = tpu.memref_slice %arg9[%dma_start3A_112, %dma_start3A_113] : memref<125x128xf32, #tpu.memory_space<vmem>> -> memref<61x128xf32, #tpu.memory_space<vmem>>
      %dma_start3A_115 = arith.constant 64 : i32
      %dma_start3A_116 = tpu.memref_slice %arg6[%add3A_102, %dma_start3A_115] : memref<40x125xi32, #tpu.memory_space<vmem>> -> memref<1x61xi32, #tpu.memory_space<vmem>>
      %dma_start3A_117 = tpu.memref_squeeze %dma_start3A_116 : memref<1x61xi32, #tpu.memory_space<vmem>> -> memref<61xi32, #tpu.memory_space<vmem>>
      %dma_start3A_118 = arith.constant 0 : i32
      %dma_start3A_119 = arith.constant 0 : i32
      %dma_start3A_120 = tpu.memref_slice %arg2[%dma_start3A_118, %dma_start3A_119] : memref<10000x128xf32, #tpu.memory_space<hbm>> -> memref<10000x128xf32, #tpu.memory_space<hbm>>
      tpu.enqueue_indirect_dma source(%dma_start3A_120 : memref<10000x128xf32, #tpu.memory_space<hbm>>) target(%dma_start3A_114 : memref<61x128xf32, #tpu.memory_space<vmem>>) offsets(%dma_start3A_117 : memref<61xi32, #tpu.memory_space<vmem>>) semaphore(%arg11 : memref<!tpu.dma_semaphore, #tpu.memory_space<semaphore_mem>>)
      %dma_wait3A = arith.constant 0 : i32
      %dma_wait3A_121 = arith.constant 0 : i32
      %dma_wait3A_122 = arith.constant 0 : i32
      %dma_wait3A_123 = tpu.memref_slice %arg8[%dma_wait3A_121, %dma_wait3A_122] : memref<125x128xf32, #tpu.memory_space<vmem>> -> memref<64x128xf32, #tpu.memory_space<vmem>>
      %dma_wait3A_124 = arith.constant 0 : i32
      %dma_wait3A_125 = tpu.memref_slice %arg6[%dma_wait3A, %dma_wait3A_124] : memref<40x125xi32, #tpu.memory_space<vmem>> -> memref<1x64xi32, #tpu.memory_space<vmem>>
      %dma_wait3A_126 = tpu.memref_squeeze %dma_wait3A_125 : memref<1x64xi32, #tpu.memory_space<vmem>> -> memref<64xi32, #tpu.memory_space<vmem>>
      %dma_wait3A_127 = arith.constant 0 : i32
      %dma_wait3A_128 = arith.constant 0 : i32
      %dma_wait3A_129 = tpu.memref_slice %arg2[%dma_wait3A_127, %dma_wait3A_128] : memref<10000x128xf32, #tpu.memory_space<hbm>> -> memref<10000x128xf32, #tpu.memory_space<hbm>>
      tpu.wait_indirect_dma semaphore(%arg10 : memref<!tpu.dma_semaphore, #tpu.memory_space<semaphore_mem>>) src(%dma_wait3A_129 : memref<10000x128xf32, #tpu.memory_space<hbm>>) dst(%dma_wait3A_123 : memref<64x128xf32, #tpu.memory_space<vmem>>)
      %dma_wait3A_130 = arith.constant 0 : i32
      %dma_wait3A_131 = arith.constant 64 : i32
      %dma_wait3A_132 = arith.constant 0 : i32
      %dma_wait3A_133 = tpu.memref_slice %arg8[%dma_wait3A_131, %dma_wait3A_132] : memref<125x128xf32, #tpu.memory_space<vmem>> -> memref<61x128xf32, #tpu.memory_space<vmem>>
      %dma_wait3A_134 = arith.constant 64 : i32
      %dma_wait3A_135 = tpu.memref_slice %arg6[%dma_wait3A_130, %dma_wait3A_134] : memref<40x125xi32, #tpu.memory_space<vmem>> -> memref<1x61xi32, #tpu.memory_space<vmem>>
      %dma_wait3A_136 = tpu.memref_squeeze %dma_wait3A_135 : memref<1x61xi32, #tpu.memory_space<vmem>> -> memref<61xi32, #tpu.memory_space<vmem>>
      %dma_wait3A_137 = arith.constant 0 : i32
      %dma_wait3A_138 = arith.constant 0 : i32
      %dma_wait3A_139 = tpu.memref_slice %arg2[%dma_wait3A_137, %dma_wait3A_138] : memref<10000x128xf32, #tpu.memory_space<hbm>> -> memref<10000x128xf32, #tpu.memory_space<hbm>>
      tpu.wait_indirect_dma semaphore(%arg10 : memref<!tpu.dma_semaphore, #tpu.memory_space<semaphore_mem>>) src(%dma_wait3A_139 : memref<10000x128xf32, #tpu.memory_space<hbm>>) dst(%dma_wait3A_133 : memref<61x128xf32, #tpu.memory_space<vmem>>)
      "tpu.region"() ({
        %run_scoped3A = tpu.sem_alloc : memref<!tpu.dma_semaphore, #tpu.memory_space<semaphore_mem>>
        %dma_start3A_169 = arith.constant 0 : i32
        %dma_start3A_170 = tpu.memref_slice %arg7[%mul3A_100, %dma_start3A_169] : memref<40x125xi32, #tpu.memory_space<vmem>> -> memref<1x125xi32, #tpu.memory_space<vmem>>
        %dma_start3A_171 = tpu.memref_squeeze %dma_start3A_170 : memref<1x125xi32, #tpu.memory_space<vmem>> -> memref<125xi32, #tpu.memory_space<vmem>>
        %dma_start3A_172 = arith.constant 0 : i32
        %dma_start3A_173 = arith.constant 0 : i32
        %dma_start3A_174 = tpu.memref_slice %arg12[%dma_start3A_172, %dma_start3A_173] : memref<10000x128xf32, #tpu.memory_space<vmem_shared>> -> memref<10000x128xf32, #tpu.memory_space<vmem_shared>>
        tpu.enqueue_indirect_dma source(%arg8 : memref<125x128xf32, #tpu.memory_space<vmem>>) target(%dma_start3A_174 : memref<10000x128xf32, #tpu.memory_space<vmem_shared>>) offsets(%dma_start3A_171 : memref<125xi32, #tpu.memory_space<vmem>>) semaphore(%run_scoped3A : memref<!tpu.dma_semaphore, #tpu.memory_space<semaphore_mem>>) {add = true}
        %dma_wait3A_175 = arith.constant 0 : i32
        %dma_wait3A_176 = tpu.memref_slice %arg7[%mul3A_100, %dma_wait3A_175] : memref<40x125xi32, #tpu.memory_space<vmem>> -> memref<1x125xi32, #tpu.memory_space<vmem>>
        %dma_wait3A_177 = tpu.memref_squeeze %dma_wait3A_176 : memref<1x125xi32, #tpu.memory_space<vmem>> -> memref<125xi32, #tpu.memory_space<vmem>>
        %dma_wait3A_178 = arith.constant 0 : i32
        %dma_wait3A_179 = arith.constant 0 : i32
        %dma_wait3A_180 = tpu.memref_slice %arg12[%dma_wait3A_178, %dma_wait3A_179] : memref<10000x128xf32, #tpu.memory_space<vmem_shared>> -> memref<10000x128xf32, #tpu.memory_space<vmem_shared>>
        tpu.wait_indirect_dma semaphore(%run_scoped3A : memref<!tpu.dma_semaphore, #tpu.memory_space<semaphore_mem>>) src(%arg8 : memref<125x128xf32, #tpu.memory_space<vmem>>) dst(%dma_wait3A_180 : memref<10000x128xf32, #tpu.memory_space<vmem_shared>>)
        tpu.yield
      }) : () -> ()
      %add3A_140 = arith.constant 2 : i32
      %add3A_141 = arith.addi %mul3A_100, %add3A_140 : i32
      %lt3A_142 = arith.constant 40 : i32
      %lt3A_143 = arith.cmpi slt, %add3A_141, %lt3A_142 : i32
      %convert_element_type3A_144 = arith.extui %lt3A_143 : i1 to i32
      %cond3A_145 = arith.constant 0 : i32
      %cond3A_146 = arith.cmpi ne, %convert_element_type3A_144, %cond3A_145 : i32
      scf.if %cond3A_146 {
        %add3A_169 = arith.constant 2 : i32
        %add3A_170 = arith.addi %mul3A_100, %add3A_169 : i32
        %dma_start3A_171 = arith.constant 0 : i32
        %dma_start3A_172 = arith.constant 0 : i32
        %dma_start3A_173 = tpu.memref_slice %arg8[%dma_start3A_171, %dma_start3A_172] : memref<125x128xf32, #tpu.memory_space<vmem>> -> memref<64x128xf32, #tpu.memory_space<vmem>>
        %dma_start3A_174 = arith.constant 0 : i32
        %dma_start3A_175 = tpu.memref_slice %arg6[%add3A_170, %dma_start3A_174] : memref<40x125xi32, #tpu.memory_space<vmem>> -> memref<1x64xi32, #tpu.memory_space<vmem>>
        %dma_start3A_176 = tpu.memref_squeeze %dma_start3A_175 : memref<1x64xi32, #tpu.memory_space<vmem>> -> memref<64xi32, #tpu.memory_space<vmem>>
        %dma_start3A_177 = arith.constant 0 : i32
        %dma_start3A_178 = arith.constant 0 : i32
        %dma_start3A_179 = tpu.memref_slice %arg2[%dma_start3A_177, %dma_start3A_178] : memref<10000x128xf32, #tpu.memory_space<hbm>> -> memref<10000x128xf32, #tpu.memory_space<hbm>>
        tpu.enqueue_indirect_dma source(%dma_start3A_179 : memref<10000x128xf32, #tpu.memory_space<hbm>>) target(%dma_start3A_173 : memref<64x128xf32, #tpu.memory_space<vmem>>) offsets(%dma_start3A_176 : memref<64xi32, #tpu.memory_space<vmem>>) semaphore(%arg10 : memref<!tpu.dma_semaphore, #tpu.memory_space<semaphore_mem>>)
        %dma_start3A_180 = arith.constant 64 : i32
        %dma_start3A_181 = arith.constant 0 : i32
        %dma_start3A_182 = tpu.memref_slice %arg8[%dma_start3A_180, %dma_start3A_181] : memref<125x128xf32, #tpu.memory_space<vmem>> -> memref<61x128xf32, #tpu.memory_space<vmem>>
        %dma_start3A_183 = arith.constant 64 : i32
        %dma_start3A_184 = tpu.memref_slice %arg6[%add3A_170, %dma_start3A_183] : memref<40x125xi32, #tpu.memory_space<vmem>> -> memref<1x61xi32, #tpu.memory_space<vmem>>
        %dma_start3A_185 = tpu.memref_squeeze %dma_start3A_184 : memref<1x61xi32, #tpu.memory_space<vmem>> -> memref<61xi32, #tpu.memory_space<vmem>>
        %dma_start3A_186 = arith.constant 0 : i32
        %dma_start3A_187 = arith.constant 0 : i32
        %dma_start3A_188 = tpu.memref_slice %arg2[%dma_start3A_186, %dma_start3A_187] : memref<10000x128xf32, #tpu.memory_space<hbm>> -> memref<10000x128xf32, #tpu.memory_space<hbm>>
        tpu.enqueue_indirect_dma source(%dma_start3A_188 : memref<10000x128xf32, #tpu.memory_space<hbm>>) target(%dma_start3A_182 : memref<61x128xf32, #tpu.memory_space<vmem>>) offsets(%dma_start3A_185 : memref<61xi32, #tpu.memory_space<vmem>>) semaphore(%arg10 : memref<!tpu.dma_semaphore, #tpu.memory_space<semaphore_mem>>)
      } else {
      }
      %dma_wait3A_147 = arith.constant 0 : i32
      %dma_wait3A_148 = arith.constant 0 : i32
      %dma_wait3A_149 = arith.constant 0 : i32
      %dma_wait3A_150 = tpu.memref_slice %arg9[%dma_wait3A_148, %dma_wait3A_149] : memref<125x128xf32, #tpu.memory_space<vmem>> -> memref<64x128xf32, #tpu.memory_space<vmem>>
      %dma_wait3A_151 = arith.constant 0 : i32
      %dma_wait3A_152 = tpu.memref_slice %arg6[%dma_wait3A_147, %dma_wait3A_151] : memref<40x125xi32, #tpu.memory_space<vmem>> -> memref<1x64xi32, #tpu.memory_space<vmem>>
      %dma_wait3A_153 = tpu.memref_squeeze %dma_wait3A_152 : memref<1x64xi32, #tpu.memory_space<vmem>> -> memref<64xi32, #tpu.memory_space<vmem>>
      %dma_wait3A_154 = arith.constant 0 : i32
      %dma_wait3A_155 = arith.constant 0 : i32
      %dma_wait3A_156 = tpu.memref_slice %arg2[%dma_wait3A_154, %dma_wait3A_155] : memref<10000x128xf32, #tpu.memory_space<hbm>> -> memref<10000x128xf32, #tpu.memory_space<hbm>>
      tpu.wait_indirect_dma semaphore(%arg11 : memref<!tpu.dma_semaphore, #tpu.memory_space<semaphore_mem>>) src(%dma_wait3A_156 : memref<10000x128xf32, #tpu.memory_space<hbm>>) dst(%dma_wait3A_150 : memref<64x128xf32, #tpu.memory_space<vmem>>)
      %dma_wait3A_157 = arith.constant 0 : i32
      %dma_wait3A_158 = arith.constant 64 : i32
      %dma_wait3A_159 = arith.constant 0 : i32
      %dma_wait3A_160 = tpu.memref_slice %arg9[%dma_wait3A_158, %dma_wait3A_159] : memref<125x128xf32, #tpu.memory_space<vmem>> -> memref<61x128xf32, #tpu.memory_space<vmem>>
      %dma_wait3A_161 = arith.constant 64 : i32
      %dma_wait3A_162 = tpu.memref_slice %arg6[%dma_wait3A_157, %dma_wait3A_161] : memref<40x125xi32, #tpu.memory_space<vmem>> -> memref<1x61xi32, #tpu.memory_space<vmem>>
      %dma_wait3A_163 = tpu.memref_squeeze %dma_wait3A_162 : memref<1x61xi32, #tpu.memory_space<vmem>> -> memref<61xi32, #tpu.memory_space<vmem>>
      %dma_wait3A_164 = arith.constant 0 : i32
      %dma_wait3A_165 = arith.constant 0 : i32
      %dma_wait3A_166 = tpu.memref_slice %arg2[%dma_wait3A_164, %dma_wait3A_165] : memref<10000x128xf32, #tpu.memory_space<hbm>> -> memref<10000x128xf32, #tpu.memory_space<hbm>>
      tpu.wait_indirect_dma semaphore(%arg11 : memref<!tpu.dma_semaphore, #tpu.memory_space<semaphore_mem>>) src(%dma_wait3A_166 : memref<10000x128xf32, #tpu.memory_space<hbm>>) dst(%dma_wait3A_160 : memref<61x128xf32, #tpu.memory_space<vmem>>)
      %add3A_167 = arith.constant 1 : i32
      %add3A_168 = arith.addi %mul3A_100, %add3A_167 : i32
      "tpu.region"() ({
        %run_scoped3A = tpu.sem_alloc : memref<!tpu.dma_semaphore, #tpu.memory_space<semaphore_mem>>
        %dma_start3A_169 = arith.constant 0 : i32
        %dma_start3A_170 = tpu.memref_slice %arg7[%add3A_168, %dma_start3A_169] : memref<40x125xi32, #tpu.memory_space<vmem>> -> memref<1x125xi32, #tpu.memory_space<vmem>>
        %dma_start3A_171 = tpu.memref_squeeze %dma_start3A_170 : memref<1x125xi32, #tpu.memory_space<vmem>> -> memref<125xi32, #tpu.memory_space<vmem>>
        %dma_start3A_172 = arith.constant 0 : i32
        %dma_start3A_173 = arith.constant 0 : i32
        %dma_start3A_174 = tpu.memref_slice %arg12[%dma_start3A_172, %dma_start3A_173] : memref<10000x128xf32, #tpu.memory_space<vmem_shared>> -> memref<10000x128xf32, #tpu.memory_space<vmem_shared>>
        tpu.enqueue_indirect_dma source(%arg9 : memref<125x128xf32, #tpu.memory_space<vmem>>) target(%dma_start3A_174 : memref<10000x128xf32, #tpu.memory_space<vmem_shared>>) offsets(%dma_start3A_171 : memref<125xi32, #tpu.memory_space<vmem>>) semaphore(%run_scoped3A : memref<!tpu.dma_semaphore, #tpu.memory_space<semaphore_mem>>) {add = true}
        %dma_wait3A_175 = arith.constant 0 : i32
        %dma_wait3A_176 = tpu.memref_slice %arg7[%add3A_168, %dma_wait3A_175] : memref<40x125xi32, #tpu.memory_space<vmem>> -> memref<1x125xi32, #tpu.memory_space<vmem>>
        %dma_wait3A_177 = tpu.memref_squeeze %dma_wait3A_176 : memref<1x125xi32, #tpu.memory_space<vmem>> -> memref<125xi32, #tpu.memory_space<vmem>>
        %dma_wait3A_178 = arith.constant 0 : i32
        %dma_wait3A_179 = arith.constant 0 : i32
        %dma_wait3A_180 = tpu.memref_slice %arg12[%dma_wait3A_178, %dma_wait3A_179] : memref<10000x128xf32, #tpu.memory_space<vmem_shared>> -> memref<10000x128xf32, #tpu.memory_space<vmem_shared>>
        tpu.wait_indirect_dma semaphore(%run_scoped3A : memref<!tpu.dma_semaphore, #tpu.memory_space<semaphore_mem>>) src(%arg9 : memref<125x128xf32, #tpu.memory_space<vmem>>) dst(%dma_wait3A_180 : memref<10000x128xf32, #tpu.memory_space<vmem_shared>>)
        tpu.yield
      }) : () -> ()
    }
    %scan3A_86 = arith.constant 20 : i32
    %barrier3A_87 = arith.constant 0 : index
    tpu.barrier barrier_id(%barrier3A_87)
    %lt3A_88 = arith.constant 15 : i32
    %lt3A_89 = arith.cmpi slt, %arg1, %lt3A_88 : i32
    %convert_element_type3A_90 = arith.extui %lt3A_89 : i1 to i32
    %cond3A_91 = arith.constant 0 : i32
    %cond3A_92 = arith.cmpi ne, %convert_element_type3A_90, %cond3A_91 : i32
    scf.if %cond3A_92 {
      "tpu.region"() ({
        %run_scoped3A = tpu.sem_alloc : memref<!tpu.dma_semaphore, #tpu.memory_space<semaphore_mem>>
        %dma_start3A_98 = arith.constant 0 : i32
        %dma_start3A_99 = tpu.memref_slice %arg5[%arg0, %mul3A_2, %dma_start3A_98] : memref<2x10000x128xf32, #tpu.memory_space<hbm>> -> memref<1x624x128xf32, #tpu.memory_space<hbm>>
        %dma_start3A_100 = tpu.memref_squeeze %dma_start3A_99 : memref<1x624x128xf32, #tpu.memory_space<hbm>> -> memref<624x128xf32, #tpu.memory_space<hbm>>
        %dma_start3A_101 = arith.constant 0 : i32
        %dma_start3A_102 = tpu.memref_slice %arg12[%mul3A_2, %dma_start3A_101] : memref<10000x128xf32, #tpu.memory_space<vmem_shared>> -> memref<624x128xf32, #tpu.memory_space<vmem_shared>>
        tpu.enqueue_dma source(%dma_start3A_102 : memref<624x128xf32, #tpu.memory_space<vmem_shared>>) target(%dma_start3A_100 : memref<624x128xf32, #tpu.memory_space<hbm>>) target_semaphore(%run_scoped3A : memref<!tpu.dma_semaphore, #tpu.memory_space<semaphore_mem>>)
        %dma_wait3A = arith.constant 0 : i32
        %dma_wait3A_103 = tpu.memref_slice %arg5[%arg0, %mul3A_2, %dma_wait3A] : memref<2x10000x128xf32, #tpu.memory_space<hbm>> -> memref<1x624x128xf32, #tpu.memory_space<hbm>>
        %dma_wait3A_104 = tpu.memref_squeeze %dma_wait3A_103 : memref<1x624x128xf32, #tpu.memory_space<hbm>> -> memref<624x128xf32, #tpu.memory_space<hbm>>
        %dma_wait3A_105 = arith.constant 0 : i32
        %dma_wait3A_106 = tpu.memref_slice %arg12[%mul3A_2, %dma_wait3A_105] : memref<10000x128xf32, #tpu.memory_space<vmem_shared>> -> memref<624x128xf32, #tpu.memory_space<vmem_shared>>
        tpu.wait_dma2 semaphore(%run_scoped3A : memref<!tpu.dma_semaphore, #tpu.memory_space<semaphore_mem>>) src(%dma_wait3A_106 : memref<624x128xf32, #tpu.memory_space<vmem_shared>>) dst(%dma_wait3A_104 : memref<624x128xf32, #tpu.memory_space<hbm>>)
        tpu.yield
      }) : () -> ()
    } else {
    }
    %eq3A_93 = arith.constant 15 : i32
    %eq3A_94 = arith.cmpi eq, %arg1, %eq3A_93 : i32
    %convert_element_type3A_95 = arith.extui %eq3A_94 : i1 to i32
    %cond3A_96 = arith.constant 0 : i32
    %cond3A_97 = arith.cmpi ne, %convert_element_type3A_95, %cond3A_96 : i32
    scf.if %cond3A_97 {
      "tpu.region"() ({
        %run_scoped3A = tpu.sem_alloc : memref<!tpu.dma_semaphore, #tpu.memory_space<semaphore_mem>>
        %dma_start3A_98 = arith.constant 0 : i32
        %dma_start3A_99 = tpu.memref_slice %arg5[%arg0, %mul3A_2, %dma_start3A_98] : memref<2x10000x128xf32, #tpu.memory_space<hbm>> -> memref<1x640x128xf32, #tpu.memory_space<hbm>>
        %dma_start3A_100 = tpu.memref_squeeze %dma_start3A_99 : memref<1x640x128xf32, #tpu.memory_space<hbm>> -> memref<640x128xf32, #tpu.memory_space<hbm>>
        %dma_start3A_101 = arith.constant 0 : i32
        %dma_start3A_102 = tpu.memref_slice %arg12[%mul3A_2, %dma_start3A_101] : memref<10000x128xf32, #tpu.memory_space<vmem_shared>> -> memref<640x128xf32, #tpu.memory_space<vmem_shared>>
        tpu.enqueue_dma source(%dma_start3A_102 : memref<640x128xf32, #tpu.memory_space<vmem_shared>>) target(%dma_start3A_100 : memref<640x128xf32, #tpu.memory_space<hbm>>) target_semaphore(%run_scoped3A : memref<!tpu.dma_semaphore, #tpu.memory_space<semaphore_mem>>)
        %dma_wait3A = arith.constant 0 : i32
        %dma_wait3A_103 = tpu.memref_slice %arg5[%arg0, %mul3A_2, %dma_wait3A] : memref<2x10000x128xf32, #tpu.memory_space<hbm>> -> memref<1x640x128xf32, #tpu.memory_space<hbm>>
        %dma_wait3A_104 = tpu.memref_squeeze %dma_wait3A_103 : memref<1x640x128xf32, #tpu.memory_space<hbm>> -> memref<640x128xf32, #tpu.memory_space<hbm>>
        %dma_wait3A_105 = arith.constant 0 : i32
        %dma_wait3A_106 = tpu.memref_slice %arg12[%mul3A_2, %dma_wait3A_105] : memref<10000x128xf32, #tpu.memory_space<vmem_shared>> -> memref<640x128xf32, #tpu.memory_space<vmem_shared>>
        tpu.wait_dma2 semaphore(%run_scoped3A : memref<!tpu.dma_semaphore, #tpu.memory_space<semaphore_mem>>) src(%dma_wait3A_106 : memref<640x128xf32, #tpu.memory_space<vmem_shared>>) dst(%dma_wait3A_104 : memref<640x128xf32, #tpu.memory_space<hbm>>)
        tpu.yield
      }) : () -> ()
    } else {
    }
    return
  }
}

#map = affine_map<(d0, d1) -> (0, 0)>
#map1 = affine_map<(d0, d1) -> (0, 0, 0)>
module attributes {stable_mosaic.version = 14 : i64} {
  func.func @_sc_edge_body(%arg0: i32, %arg1: i32, %arg2: memref<10000x128xf32, #tpu.memory_space<hbm>>, %arg3: memref<2560x125xi32, #tpu.memory_space<hbm>>, %arg4: memref<2560x125xi32, #tpu.memory_space<hbm>>, %arg5: memref<2x10000x128xf32, #tpu.memory_space<hbm>>, %arg6: memref<40x125xi32, #tpu.memory_space<vmem>>, %arg7: memref<40x125xi32, #tpu.memory_space<vmem>>, %arg8: memref<125x128xf32, #tpu.memory_space<vmem>>, %arg9: memref<125x128xf32, #tpu.memory_space<vmem>>, %arg10: memref<!tpu.dma_semaphore, #tpu.memory_space<semaphore_mem>>, %arg11: memref<!tpu.dma_semaphore, #tpu.memory_space<semaphore_mem>>, %arg12: memref<10000x128xf32, #tpu.memory_space<vmem_shared>>) attributes {dimension_semantics = [#tpu.dimension_semantics<core_parallel>, #tpu.dimension_semantics<subcore_parallel>], iteration_bounds = array<i64: 2, 16>, scalar_prefetch = 0 : i64, scratch_operands = 7 : i64, tpu.core_type = #tpu.core_type<sc_vector_subcore>, window_params = [{transform_indices = #map}, {transform_indices = #map}, {transform_indices = #map}, {transform_indices = #map1}]} {
    %mul3A = arith.constant 16 : i32
    %mul3A_0 = arith.muli %arg0, %mul3A : i32
    %add3A = arith.addi %mul3A_0, %arg1 : i32
    %mul3A_1 = arith.constant 624 : i32
    %mul3A_2 = arith.muli %arg1, %mul3A_1 : i32
    %mul3A_3 = arith.constant 80 : i32
    %mul3A_4 = arith.muli %add3A, %mul3A_3 : i32
    "tpu.region"() ({
      %run_scoped3A = tpu.sem_alloc : memref<!tpu.dma_semaphore, #tpu.memory_space<semaphore_mem>>
      %dma_start3A_98 = arith.constant 0 : i32
      %dma_start3A_99 = tpu.memref_slice %arg3[%mul3A_4, %dma_start3A_98] : memref<2560x125xi32, #tpu.memory_space<hbm>> -> memref<40x125xi32, #tpu.memory_space<hbm>>
      %dma_start3A_100 = arith.constant 0 : i32
      %dma_start3A_101 = tpu.memref_slice %arg3[%mul3A_4, %dma_start3A_100] : memref<2560x125xi32, #tpu.memory_space<hbm>> -> memref<40x125xi32, #tpu.memory_space<hbm>>
      tpu.enqueue_dma source(%dma_start3A_101 : memref<40x125xi32, #tpu.memory_space<hbm>>) target(%arg6 : memref<40x125xi32, #tpu.memory_space<vmem>>) target_semaphore(%run_scoped3A : memref<!tpu.dma_semaphore, #tpu.memory_space<semaphore_mem>>)
      %dma_wait3A = arith.constant 0 : i32
      %dma_wait3A_102 = tpu.memref_slice %arg3[%mul3A_4, %dma_wait3A] : memref<2560x125xi32, #tpu.memory_space<hbm>> -> memref<40x125xi32, #tpu.memory_space<hbm>>
      %dma_wait3A_103 = arith.constant 0 : i32
      %dma_wait3A_104 = tpu.memref_slice %arg3[%mul3A_4, %dma_wait3A_103] : memref<2560x125xi32, #tpu.memory_space<hbm>> -> memref<40x125xi32, #tpu.memory_space<hbm>>
      tpu.wait_dma2 semaphore(%run_scoped3A : memref<!tpu.dma_semaphore, #tpu.memory_space<semaphore_mem>>) src(%dma_wait3A_104 : memref<40x125xi32, #tpu.memory_space<hbm>>) dst(%arg6 : memref<40x125xi32, #tpu.memory_space<vmem>>)
      tpu.yield
    }) : () -> ()
    %mul3A_5 = arith.constant 80 : i32
    %mul3A_6 = arith.muli %add3A, %mul3A_5 : i32
    "tpu.region"() ({
      %run_scoped3A = tpu.sem_alloc : memref<!tpu.dma_semaphore, #tpu.memory_space<semaphore_mem>>
      %dma_start3A_98 = arith.constant 0 : i32
      %dma_start3A_99 = tpu.memref_slice %arg4[%mul3A_6, %dma_start3A_98] : memref<2560x125xi32, #tpu.memory_space<hbm>> -> memref<40x125xi32, #tpu.memory_space<hbm>>
      %dma_start3A_100 = arith.constant 0 : i32
      %dma_start3A_101 = tpu.memref_slice %arg4[%mul3A_6, %dma_start3A_100] : memref<2560x125xi32, #tpu.memory_space<hbm>> -> memref<40x125xi32, #tpu.memory_space<hbm>>
      tpu.enqueue_dma source(%dma_start3A_101 : memref<40x125xi32, #tpu.memory_space<hbm>>) target(%arg7 : memref<40x125xi32, #tpu.memory_space<vmem>>) target_semaphore(%run_scoped3A : memref<!tpu.dma_semaphore, #tpu.memory_space<semaphore_mem>>)
      %dma_wait3A = arith.constant 0 : i32
      %dma_wait3A_102 = tpu.memref_slice %arg4[%mul3A_6, %dma_wait3A] : memref<2560x125xi32, #tpu.memory_space<hbm>> -> memref<40x125xi32, #tpu.memory_space<hbm>>
      %dma_wait3A_103 = arith.constant 0 : i32
      %dma_wait3A_104 = tpu.memref_slice %arg4[%mul3A_6, %dma_wait3A_103] : memref<2560x125xi32, #tpu.memory_space<hbm>> -> memref<40x125xi32, #tpu.memory_space<hbm>>
      tpu.wait_dma2 semaphore(%run_scoped3A : memref<!tpu.dma_semaphore, #tpu.memory_space<semaphore_mem>>) src(%dma_wait3A_104 : memref<40x125xi32, #tpu.memory_space<hbm>>) dst(%arg7 : memref<40x125xi32, #tpu.memory_space<vmem>>)
      tpu.yield
    }) : () -> ()
    %dma_start3A = arith.constant 0 : i32
    %dma_start3A_7 = arith.constant 0 : i32
    %dma_start3A_8 = arith.constant 0 : i32
    %dma_start3A_9 = tpu.memref_slice %arg8[%dma_start3A_7, %dma_start3A_8] : memref<125x128xf32, #tpu.memory_space<vmem>> -> memref<64x128xf32, #tpu.memory_space<vmem>>
    %dma_start3A_10 = arith.constant 0 : i32
    %dma_start3A_11 = tpu.memref_slice %arg6[%dma_start3A, %dma_start3A_10] : memref<40x125xi32, #tpu.memory_space<vmem>> -> memref<1x64xi32, #tpu.memory_space<vmem>>
    %dma_start3A_12 = tpu.memref_squeeze %dma_start3A_11 : memref<1x64xi32, #tpu.memory_space<vmem>> -> memref<64xi32, #tpu.memory_space<vmem>>
    %dma_start3A_13 = arith.constant 0 : i32
    %dma_start3A_14 = arith.constant 0 : i32
    %dma_start3A_15 = tpu.memref_slice %arg2[%dma_start3A_13, %dma_start3A_14] : memref<10000x128xf32, #tpu.memory_space<hbm>> -> memref<10000x128xf32, #tpu.memory_space<hbm>>
    tpu.enqueue_indirect_dma source(%dma_start3A_15 : memref<10000x128xf32, #tpu.memory_space<hbm>>) target(%dma_start3A_9 : memref<64x128xf32, #tpu.memory_space<vmem>>) offsets(%dma_start3A_12 : memref<64xi32, #tpu.memory_space<vmem>>) semaphore(%arg10 : memref<!tpu.dma_semaphore, #tpu.memory_space<semaphore_mem>>)
    %dma_start3A_16 = arith.constant 0 : i32
    %dma_start3A_17 = arith.constant 64 : i32
    %dma_start3A_18 = arith.constant 0 : i32
    %dma_start3A_19 = tpu.memref_slice %arg8[%dma_start3A_17, %dma_start3A_18] : memref<125x128xf32, #tpu.memory_space<vmem>> -> memref<61x128xf32, #tpu.memory_space<vmem>>
    %dma_start3A_20 = arith.constant 64 : i32
    %dma_start3A_21 = tpu.memref_slice %arg6[%dma_start3A_16, %dma_start3A_20] : memref<40x125xi32, #tpu.memory_space<vmem>> -> memref<1x61xi32, #tpu.memory_space<vmem>>
    %dma_start3A_22 = tpu.memref_squeeze %dma_start3A_21 : memref<1x61xi32, #tpu.memory_space<vmem>> -> memref<61xi32, #tpu.memory_space<vmem>>
    %dma_start3A_23 = arith.constant 0 : i32
    %dma_start3A_24 = arith.constant 0 : i32
    %dma_start3A_25 = tpu.memref_slice %arg2[%dma_start3A_23, %dma_start3A_24] : memref<10000x128xf32, #tpu.memory_space<hbm>> -> memref<10000x128xf32, #tpu.memory_space<hbm>>
    tpu.enqueue_indirect_dma source(%dma_start3A_25 : memref<10000x128xf32, #tpu.memory_space<hbm>>) target(%dma_start3A_19 : memref<61x128xf32, #tpu.memory_space<vmem>>) offsets(%dma_start3A_22 : memref<61xi32, #tpu.memory_space<vmem>>) semaphore(%arg10 : memref<!tpu.dma_semaphore, #tpu.memory_space<semaphore_mem>>)
    %scan3A = arith.constant 0 : i32
    %scan3A_26 = arith.constant 0 : i32
    %scan3A_27 = arith.constant 120 : i32
    %scan3A_28 = arith.addi %scan3A_26, %scan3A_27 : i32
    %scan3A_29 = arith.constant 1 : i32
    scf.for %scan3A_98 = %scan3A_26 to %scan3A_28 step %scan3A_29  : i32 {
      %broadcast_in_dim3A = arith.constant 0.000000e+00 : f32
      %broadcast_in_dim3A_99 = vector.broadcast %broadcast_in_dim3A : f32 to vector<16xf32>
      %swap3A = arith.index_cast %scan3A_98 : i32 to index
      %swap3A_100 = arith.constant 0 : index
      %swap3A_101 = tpu.vector_load %arg9[%swap3A, %swap3A_100] {strides = array<i32>} : memref<125x128xf32, #tpu.memory_space<vmem>>, vector<1x16xf32>,
      %swap3A_102 = vector.shape_cast %swap3A_101 : vector<1x16xf32> to vector<16xf32>
      %swap3A_103 = vector.shape_cast %broadcast_in_dim3A_99 : vector<16xf32> to vector<1x16xf32>
      tpu.vector_store %arg9[%swap3A, %swap3A_100], %swap3A_103 {strides = array<i32>} : memref<125x128xf32, #tpu.memory_space<vmem>>, vector<1x16xf32>,
      %broadcast_in_dim3A_104 = arith.constant 0.000000e+00 : f32
      %broadcast_in_dim3A_105 = vector.broadcast %broadcast_in_dim3A_104 : f32 to vector<16xf32>
      %swap3A_106 = arith.index_cast %scan3A_98 : i32 to index
      %swap3A_107 = arith.constant 16 : index
      %swap3A_108 = tpu.vector_load %arg9[%swap3A_106, %swap3A_107] {strides = array<i32>} : memref<125x128xf32, #tpu.memory_space<vmem>>, vector<1x16xf32>,
      %swap3A_109 = vector.shape_cast %swap3A_108 : vector<1x16xf32> to vector<16xf32>
      %swap3A_110 = vector.shape_cast %broadcast_in_dim3A_105 : vector<16xf32> to vector<1x16xf32>
      tpu.vector_store %arg9[%swap3A_106, %swap3A_107], %swap3A_110 {strides = array<i32>} : memref<125x128xf32, #tpu.memory_space<vmem>>, vector<1x16xf32>,
      %broadcast_in_dim3A_111 = arith.constant 0.000000e+00 : f32
      %broadcast_in_dim3A_112 = vector.broadcast %broadcast_in_dim3A_111 : f32 to vector<16xf32>
      %swap3A_113 = arith.index_cast %scan3A_98 : i32 to index
      %swap3A_114 = arith.constant 32 : index
      %swap3A_115 = tpu.vector_load %arg9[%swap3A_113, %swap3A_114] {strides = array<i32>} : memref<125x128xf32, #tpu.memory_space<vmem>>, vector<1x16xf32>,
      %swap3A_116 = vector.shape_cast %swap3A_115 : vector<1x16xf32> to vector<16xf32>
      %swap3A_117 = vector.shape_cast %broadcast_in_dim3A_112 : vector<16xf32> to vector<1x16xf32>
      tpu.vector_store %arg9[%swap3A_113, %swap3A_114], %swap3A_117 {strides = array<i32>} : memref<125x128xf32, #tpu.memory_space<vmem>>, vector<1x16xf32>,
      %broadcast_in_dim3A_118 = arith.constant 0.000000e+00 : f32
      %broadcast_in_dim3A_119 = vector.broadcast %broadcast_in_dim3A_118 : f32 to vector<16xf32>
      %swap3A_120 = arith.index_cast %scan3A_98 : i32 to index
      %swap3A_121 = arith.constant 48 : index
      %swap3A_122 = tpu.vector_load %arg9[%swap3A_120, %swap3A_121] {strides = array<i32>} : memref<125x128xf32, #tpu.memory_space<vmem>>, vector<1x16xf32>,
      %swap3A_123 = vector.shape_cast %swap3A_122 : vector<1x16xf32> to vector<16xf32>
      %swap3A_124 = vector.shape_cast %broadcast_in_dim3A_119 : vector<16xf32> to vector<1x16xf32>
      tpu.vector_store %arg9[%swap3A_120, %swap3A_121], %swap3A_124 {strides = array<i32>} : memref<125x128xf32, #tpu.memory_space<vmem>>, vector<1x16xf32>,
      %broadcast_in_dim3A_125 = arith.constant 0.000000e+00 : f32
      %broadcast_in_dim3A_126 = vector.broadcast %broadcast_in_dim3A_125 : f32 to vector<16xf32>
      %swap3A_127 = arith.index_cast %scan3A_98 : i32 to index
      %swap3A_128 = arith.constant 64 : index
      %swap3A_129 = tpu.vector_load %arg9[%swap3A_127, %swap3A_128] {strides = array<i32>} : memref<125x128xf32, #tpu.memory_space<vmem>>, vector<1x16xf32>,
      %swap3A_130 = vector.shape_cast %swap3A_129 : vector<1x16xf32> to vector<16xf32>
      %swap3A_131 = vector.shape_cast %broadcast_in_dim3A_126 : vector<16xf32> to vector<1x16xf32>
      tpu.vector_store %arg9[%swap3A_127, %swap3A_128], %swap3A_131 {strides = array<i32>} : memref<125x128xf32, #tpu.memory_space<vmem>>, vector<1x16xf32>,
      %broadcast_in_dim3A_132 = arith.constant 0.000000e+00 : f32
      %broadcast_in_dim3A_133 = vector.broadcast %broadcast_in_dim3A_132 : f32 to vector<16xf32>
      %swap3A_134 = arith.index_cast %scan3A_98 : i32 to index
      %swap3A_135 = arith.constant 80 : index
      %swap3A_136 = tpu.vector_load %arg9[%swap3A_134, %swap3A_135] {strides = array<i32>} : memref<125x128xf32, #tpu.memory_space<vmem>>, vector<1x16xf32>,
      %swap3A_137 = vector.shape_cast %swap3A_136 : vector<1x16xf32> to vector<16xf32>
      %swap3A_138 = vector.shape_cast %broadcast_in_dim3A_133 : vector<16xf32> to vector<1x16xf32>
      tpu.vector_store %arg9[%swap3A_134, %swap3A_135], %swap3A_138 {strides = array<i32>} : memref<125x128xf32, #tpu.memory_space<vmem>>, vector<1x16xf32>,
      %broadcast_in_dim3A_139 = arith.constant 0.000000e+00 : f32
      %broadcast_in_dim3A_140 = vector.broadcast %broadcast_in_dim3A_139 : f32 to vector<16xf32>
      %swap3A_141 = arith.index_cast %scan3A_98 : i32 to index
      %swap3A_142 = arith.constant 96 : index
      %swap3A_143 = tpu.vector_load %arg9[%swap3A_141, %swap3A_142] {strides = array<i32>} : memref<125x128xf32, #tpu.memory_space<vmem>>, vector<1x16xf32>,
      %swap3A_144 = vector.shape_cast %swap3A_143 : vector<1x16xf32> to vector<16xf32>
      %swap3A_145 = vector.shape_cast %broadcast_in_dim3A_140 : vector<16xf32> to vector<1x16xf32>
      tpu.vector_store %arg9[%swap3A_141, %swap3A_142], %swap3A_145 {strides = array<i32>} : memref<125x128xf32, #tpu.memory_space<vmem>>, vector<1x16xf32>,
      %broadcast_in_dim3A_146 = arith.constant 0.000000e+00 : f32
      %broadcast_in_dim3A_147 = vector.broadcast %broadcast_in_dim3A_146 : f32 to vector<16xf32>
      %swap3A_148 = arith.index_cast %scan3A_98 : i32 to index
      %swap3A_149 = arith.constant 112 : index
      %swap3A_150 = tpu.vector_load %arg9[%swap3A_148, %swap3A_149] {strides = array<i32>} : memref<125x128xf32, #tpu.memory_space<vmem>>, vector<1x16xf32>,
      %swap3A_151 = vector.shape_cast %swap3A_150 : vector<1x16xf32> to vector<16xf32>
      %swap3A_152 = vector.shape_cast %broadcast_in_dim3A_147 : vector<16xf32> to vector<1x16xf32>
      tpu.vector_store %arg9[%swap3A_148, %swap3A_149], %swap3A_152 {strides = array<i32>} : memref<125x128xf32, #tpu.memory_space<vmem>>, vector<1x16xf32>,
    }
    %scan3A_30 = arith.constant 120 : i32
    %add3A_31 = arith.constant 0 : i32
    %add3A_32 = arith.addi %mul3A_2, %add3A_31 : i32
    "tpu.region"() ({
      %run_scoped3A = tpu.sem_alloc : memref<!tpu.dma_semaphore, #tpu.memory_space<semaphore_mem>>
      %dma_start3A_98 = arith.constant 0 : i32
      %dma_start3A_99 = arith.constant 0 : i32
      %dma_start3A_100 = tpu.memref_slice %arg9[%dma_start3A_98, %dma_start3A_99] : memref<125x128xf32, #tpu.memory_space<vmem>> -> memref<120x128xf32, #tpu.memory_space<vmem>>
      %dma_start3A_101 = arith.constant 0 : i32
      %dma_start3A_102 = tpu.memref_slice %arg12[%add3A_32, %dma_start3A_101] : memref<10000x128xf32, #tpu.memory_space<vmem_shared>> -> memref<120x128xf32, #tpu.memory_space<vmem_shared>>
      %dma_start3A_103 = arith.constant 0 : i32
      %dma_start3A_104 = tpu.memref_slice %arg12[%add3A_32, %dma_start3A_103] : memref<10000x128xf32, #tpu.memory_space<vmem_shared>> -> memref<120x128xf32, #tpu.memory_space<vmem_shared>>
      %dma_start3A_105 = arith.constant 0 : i32
      %dma_start3A_106 = arith.constant 0 : i32
      %dma_start3A_107 = tpu.memref_slice %arg9[%dma_start3A_105, %dma_start3A_106] : memref<125x128xf32, #tpu.memory_space<vmem>> -> memref<120x128xf32, #tpu.memory_space<vmem>>
      tpu.enqueue_dma source(%dma_start3A_107 : memref<120x128xf32, #tpu.memory_space<vmem>>) target(%dma_start3A_104 : memref<120x128xf32, #tpu.memory_space<vmem_shared>>) target_semaphore(%run_scoped3A : memref<!tpu.dma_semaphore, #tpu.memory_space<semaphore_mem>>)
      %dma_wait3A = arith.constant 0 : i32
      %dma_wait3A_108 = arith.constant 0 : i32
      %dma_wait3A_109 = tpu.memref_slice %arg9[%dma_wait3A, %dma_wait3A_108] : memref<125x128xf32, #tpu.memory_space<vmem>> -> memref<120x128xf32, #tpu.memory_space<vmem>>
      %dma_wait3A_110 = arith.constant 0 : i32
      %dma_wait3A_111 = tpu.memref_slice %arg12[%add3A_32, %dma_wait3A_110] : memref<10000x128xf32, #tpu.memory_space<vmem_shared>> -> memref<120x128xf32, #tpu.memory_space<vmem_shared>>
      %dma_wait3A_112 = arith.constant 0 : i32
      %dma_wait3A_113 = tpu.memref_slice %arg12[%add3A_32, %dma_wait3A_112] : memref<10000x128xf32, #tpu.memory_space<vmem_shared>> -> memref<120x128xf32, #tpu.memory_space<vmem_shared>>
      %dma_wait3A_114 = arith.constant 0 : i32
      %dma_wait3A_115 = arith.constant 0 : i32
      %dma_wait3A_116 = tpu.memref_slice %arg9[%dma_wait3A_114, %dma_wait3A_115] : memref<125x128xf32, #tpu.memory_space<vmem>> -> memref<120x128xf32, #tpu.memory_space<vmem>>
      tpu.wait_dma2 semaphore(%run_scoped3A : memref<!tpu.dma_semaphore, #tpu.memory_space<semaphore_mem>>) src(%dma_wait3A_116 : memref<120x128xf32, #tpu.memory_space<vmem>>) dst(%dma_wait3A_113 : memref<120x128xf32, #tpu.memory_space<vmem_shared>>)
      tpu.yield
    }) : () -> ()
    %add3A_33 = arith.constant 120 : i32
    %add3A_34 = arith.addi %mul3A_2, %add3A_33 : i32
    "tpu.region"() ({
      %run_scoped3A = tpu.sem_alloc : memref<!tpu.dma_semaphore, #tpu.memory_space<semaphore_mem>>
      %dma_start3A_98 = arith.constant 0 : i32
      %dma_start3A_99 = arith.constant 0 : i32
      %dma_start3A_100 = tpu.memref_slice %arg9[%dma_start3A_98, %dma_start3A_99] : memref<125x128xf32, #tpu.memory_space<vmem>> -> memref<120x128xf32, #tpu.memory_space<vmem>>
      %dma_start3A_101 = arith.constant 0 : i32
      %dma_start3A_102 = tpu.memref_slice %arg12[%add3A_34, %dma_start3A_101] : memref<10000x128xf32, #tpu.memory_space<vmem_shared>> -> memref<120x128xf32, #tpu.memory_space<vmem_shared>>
      %dma_start3A_103 = arith.constant 0 : i32
      %dma_start3A_104 = tpu.memref_slice %arg12[%add3A_34, %dma_start3A_103] : memref<10000x128xf32, #tpu.memory_space<vmem_shared>> -> memref<120x128xf32, #tpu.memory_space<vmem_shared>>
      %dma_start3A_105 = arith.constant 0 : i32
      %dma_start3A_106 = arith.constant 0 : i32
      %dma_start3A_107 = tpu.memref_slice %arg9[%dma_start3A_105, %dma_start3A_106] : memref<125x128xf32, #tpu.memory_space<vmem>> -> memref<120x128xf32, #tpu.memory_space<vmem>>
      tpu.enqueue_dma source(%dma_start3A_107 : memref<120x128xf32, #tpu.memory_space<vmem>>) target(%dma_start3A_104 : memref<120x128xf32, #tpu.memory_space<vmem_shared>>) target_semaphore(%run_scoped3A : memref<!tpu.dma_semaphore, #tpu.memory_space<semaphore_mem>>)
      %dma_wait3A = arith.constant 0 : i32
      %dma_wait3A_108 = arith.constant 0 : i32
      %dma_wait3A_109 = tpu.memref_slice %arg9[%dma_wait3A, %dma_wait3A_108] : memref<125x128xf32, #tpu.memory_space<vmem>> -> memref<120x128xf32, #tpu.memory_space<vmem>>
      %dma_wait3A_110 = arith.constant 0 : i32
      %dma_wait3A_111 = tpu.memref_slice %arg12[%add3A_34, %dma_wait3A_110] : memref<10000x128xf32, #tpu.memory_space<vmem_shared>> -> memref<120x128xf32, #tpu.memory_space<vmem_shared>>
      %dma_wait3A_112 = arith.constant 0 : i32
      %dma_wait3A_113 = tpu.memref_slice %arg12[%add3A_34, %dma_wait3A_112] : memref<10000x128xf32, #tpu.memory_space<vmem_shared>> -> memref<120x128xf32, #tpu.memory_space<vmem_shared>>
      %dma_wait3A_114 = arith.constant 0 : i32
      %dma_wait3A_115 = arith.constant 0 : i32
      %dma_wait3A_116 = tpu.memref_slice %arg9[%dma_wait3A_114, %dma_wait3A_115] : memref<125x128xf32, #tpu.memory_space<vmem>> -> memref<120x128xf32, #tpu.memory_space<vmem>>
      tpu.wait_dma2 semaphore(%run_scoped3A : memref<!tpu.dma_semaphore, #tpu.memory_space<semaphore_mem>>) src(%dma_wait3A_116 : memref<120x128xf32, #tpu.memory_space<vmem>>) dst(%dma_wait3A_113 : memref<120x128xf32, #tpu.memory_space<vmem_shared>>)
      tpu.yield
    }) : () -> ()
    %add3A_35 = arith.constant 240 : i32
    %add3A_36 = arith.addi %mul3A_2, %add3A_35 : i32
    "tpu.region"() ({
      %run_scoped3A = tpu.sem_alloc : memref<!tpu.dma_semaphore, #tpu.memory_space<semaphore_mem>>
      %dma_start3A_98 = arith.constant 0 : i32
      %dma_start3A_99 = arith.constant 0 : i32
      %dma_start3A_100 = tpu.memref_slice %arg9[%dma_start3A_98, %dma_start3A_99] : memref<125x128xf32, #tpu.memory_space<vmem>> -> memref<120x128xf32, #tpu.memory_space<vmem>>
      %dma_start3A_101 = arith.constant 0 : i32
      %dma_start3A_102 = tpu.memref_slice %arg12[%add3A_36, %dma_start3A_101] : memref<10000x128xf32, #tpu.memory_space<vmem_shared>> -> memref<120x128xf32, #tpu.memory_space<vmem_shared>>
      %dma_start3A_103 = arith.constant 0 : i32
      %dma_start3A_104 = tpu.memref_slice %arg12[%add3A_36, %dma_start3A_103] : memref<10000x128xf32, #tpu.memory_space<vmem_shared>> -> memref<120x128xf32, #tpu.memory_space<vmem_shared>>
      %dma_start3A_105 = arith.constant 0 : i32
      %dma_start3A_106 = arith.constant 0 : i32
      %dma_start3A_107 = tpu.memref_slice %arg9[%dma_start3A_105, %dma_start3A_106] : memref<125x128xf32, #tpu.memory_space<vmem>> -> memref<120x128xf32, #tpu.memory_space<vmem>>
      tpu.enqueue_dma source(%dma_start3A_107 : memref<120x128xf32, #tpu.memory_space<vmem>>) target(%dma_start3A_104 : memref<120x128xf32, #tpu.memory_space<vmem_shared>>) target_semaphore(%run_scoped3A : memref<!tpu.dma_semaphore, #tpu.memory_space<semaphore_mem>>)
      %dma_wait3A = arith.constant 0 : i32
      %dma_wait3A_108 = arith.constant 0 : i32
      %dma_wait3A_109 = tpu.memref_slice %arg9[%dma_wait3A, %dma_wait3A_108] : memref<125x128xf32, #tpu.memory_space<vmem>> -> memref<120x128xf32, #tpu.memory_space<vmem>>
      %dma_wait3A_110 = arith.constant 0 : i32
      %dma_wait3A_111 = tpu.memref_slice %arg12[%add3A_36, %dma_wait3A_110] : memref<10000x128xf32, #tpu.memory_space<vmem_shared>> -> memref<120x128xf32, #tpu.memory_space<vmem_shared>>
      %dma_wait3A_112 = arith.constant 0 : i32
      %dma_wait3A_113 = tpu.memref_slice %arg12[%add3A_36, %dma_wait3A_112] : memref<10000x128xf32, #tpu.memory_space<vmem_shared>> -> memref<120x128xf32, #tpu.memory_space<vmem_shared>>
      %dma_wait3A_114 = arith.constant 0 : i32
      %dma_wait3A_115 = arith.constant 0 : i32
      %dma_wait3A_116 = tpu.memref_slice %arg9[%dma_wait3A_114, %dma_wait3A_115] : memref<125x128xf32, #tpu.memory_space<vmem>> -> memref<120x128xf32, #tpu.memory_space<vmem>>
      tpu.wait_dma2 semaphore(%run_scoped3A : memref<!tpu.dma_semaphore, #tpu.memory_space<semaphore_mem>>) src(%dma_wait3A_116 : memref<120x128xf32, #tpu.memory_space<vmem>>) dst(%dma_wait3A_113 : memref<120x128xf32, #tpu.memory_space<vmem_shared>>)
      tpu.yield
    }) : () -> ()
    %add3A_37 = arith.constant 360 : i32
    %add3A_38 = arith.addi %mul3A_2, %add3A_37 : i32
    "tpu.region"() ({
      %run_scoped3A = tpu.sem_alloc : memref<!tpu.dma_semaphore, #tpu.memory_space<semaphore_mem>>
      %dma_start3A_98 = arith.constant 0 : i32
      %dma_start3A_99 = arith.constant 0 : i32
      %dma_start3A_100 = tpu.memref_slice %arg9[%dma_start3A_98, %dma_start3A_99] : memref<125x128xf32, #tpu.memory_space<vmem>> -> memref<120x128xf32, #tpu.memory_space<vmem>>
      %dma_start3A_101 = arith.constant 0 : i32
      %dma_start3A_102 = tpu.memref_slice %arg12[%add3A_38, %dma_start3A_101] : memref<10000x128xf32, #tpu.memory_space<vmem_shared>> -> memref<120x128xf32, #tpu.memory_space<vmem_shared>>
      %dma_start3A_103 = arith.constant 0 : i32
      %dma_start3A_104 = tpu.memref_slice %arg12[%add3A_38, %dma_start3A_103] : memref<10000x128xf32, #tpu.memory_space<vmem_shared>> -> memref<120x128xf32, #tpu.memory_space<vmem_shared>>
      %dma_start3A_105 = arith.constant 0 : i32
      %dma_start3A_106 = arith.constant 0 : i32
      %dma_start3A_107 = tpu.memref_slice %arg9[%dma_start3A_105, %dma_start3A_106] : memref<125x128xf32, #tpu.memory_space<vmem>> -> memref<120x128xf32, #tpu.memory_space<vmem>>
      tpu.enqueue_dma source(%dma_start3A_107 : memref<120x128xf32, #tpu.memory_space<vmem>>) target(%dma_start3A_104 : memref<120x128xf32, #tpu.memory_space<vmem_shared>>) target_semaphore(%run_scoped3A : memref<!tpu.dma_semaphore, #tpu.memory_space<semaphore_mem>>)
      %dma_wait3A = arith.constant 0 : i32
      %dma_wait3A_108 = arith.constant 0 : i32
      %dma_wait3A_109 = tpu.memref_slice %arg9[%dma_wait3A, %dma_wait3A_108] : memref<125x128xf32, #tpu.memory_space<vmem>> -> memref<120x128xf32, #tpu.memory_space<vmem>>
      %dma_wait3A_110 = arith.constant 0 : i32
      %dma_wait3A_111 = tpu.memref_slice %arg12[%add3A_38, %dma_wait3A_110] : memref<10000x128xf32, #tpu.memory_space<vmem_shared>> -> memref<120x128xf32, #tpu.memory_space<vmem_shared>>
      %dma_wait3A_112 = arith.constant 0 : i32
      %dma_wait3A_113 = tpu.memref_slice %arg12[%add3A_38, %dma_wait3A_112] : memref<10000x128xf32, #tpu.memory_space<vmem_shared>> -> memref<120x128xf32, #tpu.memory_space<vmem_shared>>
      %dma_wait3A_114 = arith.constant 0 : i32
      %dma_wait3A_115 = arith.constant 0 : i32
      %dma_wait3A_116 = tpu.memref_slice %arg9[%dma_wait3A_114, %dma_wait3A_115] : memref<125x128xf32, #tpu.memory_space<vmem>> -> memref<120x128xf32, #tpu.memory_space<vmem>>
      tpu.wait_dma2 semaphore(%run_scoped3A : memref<!tpu.dma_semaphore, #tpu.memory_space<semaphore_mem>>) src(%dma_wait3A_116 : memref<120x128xf32, #tpu.memory_space<vmem>>) dst(%dma_wait3A_113 : memref<120x128xf32, #tpu.memory_space<vmem_shared>>)
      tpu.yield
    }) : () -> ()
    %add3A_39 = arith.constant 480 : i32
    %add3A_40 = arith.addi %mul3A_2, %add3A_39 : i32
    "tpu.region"() ({
      %run_scoped3A = tpu.sem_alloc : memref<!tpu.dma_semaphore, #tpu.memory_space<semaphore_mem>>
      %dma_start3A_98 = arith.constant 0 : i32
      %dma_start3A_99 = arith.constant 0 : i32
      %dma_start3A_100 = tpu.memref_slice %arg9[%dma_start3A_98, %dma_start3A_99] : memref<125x128xf32, #tpu.memory_space<vmem>> -> memref<120x128xf32, #tpu.memory_space<vmem>>
      %dma_start3A_101 = arith.constant 0 : i32
      %dma_start3A_102 = tpu.memref_slice %arg12[%add3A_40, %dma_start3A_101] : memref<10000x128xf32, #tpu.memory_space<vmem_shared>> -> memref<120x128xf32, #tpu.memory_space<vmem_shared>>
      %dma_start3A_103 = arith.constant 0 : i32
      %dma_start3A_104 = tpu.memref_slice %arg12[%add3A_40, %dma_start3A_103] : memref<10000x128xf32, #tpu.memory_space<vmem_shared>> -> memref<120x128xf32, #tpu.memory_space<vmem_shared>>
      %dma_start3A_105 = arith.constant 0 : i32
      %dma_start3A_106 = arith.constant 0 : i32
      %dma_start3A_107 = tpu.memref_slice %arg9[%dma_start3A_105, %dma_start3A_106] : memref<125x128xf32, #tpu.memory_space<vmem>> -> memref<120x128xf32, #tpu.memory_space<vmem>>
      tpu.enqueue_dma source(%dma_start3A_107 : memref<120x128xf32, #tpu.memory_space<vmem>>) target(%dma_start3A_104 : memref<120x128xf32, #tpu.memory_space<vmem_shared>>) target_semaphore(%run_scoped3A : memref<!tpu.dma_semaphore, #tpu.memory_space<semaphore_mem>>)
      %dma_wait3A = arith.constant 0 : i32
      %dma_wait3A_108 = arith.constant 0 : i32
      %dma_wait3A_109 = tpu.memref_slice %arg9[%dma_wait3A, %dma_wait3A_108] : memref<125x128xf32, #tpu.memory_space<vmem>> -> memref<120x128xf32, #tpu.memory_space<vmem>>
      %dma_wait3A_110 = arith.constant 0 : i32
      %dma_wait3A_111 = tpu.memref_slice %arg12[%add3A_40, %dma_wait3A_110] : memref<10000x128xf32, #tpu.memory_space<vmem_shared>> -> memref<120x128xf32, #tpu.memory_space<vmem_shared>>
      %dma_wait3A_112 = arith.constant 0 : i32
      %dma_wait3A_113 = tpu.memref_slice %arg12[%add3A_40, %dma_wait3A_112] : memref<10000x128xf32, #tpu.memory_space<vmem_shared>> -> memref<120x128xf32, #tpu.memory_space<vmem_shared>>
      %dma_wait3A_114 = arith.constant 0 : i32
      %dma_wait3A_115 = arith.constant 0 : i32
      %dma_wait3A_116 = tpu.memref_slice %arg9[%dma_wait3A_114, %dma_wait3A_115] : memref<125x128xf32, #tpu.memory_space<vmem>> -> memref<120x128xf32, #tpu.memory_space<vmem>>
      tpu.wait_dma2 semaphore(%run_scoped3A : memref<!tpu.dma_semaphore, #tpu.memory_space<semaphore_mem>>) src(%dma_wait3A_116 : memref<120x128xf32, #tpu.memory_space<vmem>>) dst(%dma_wait3A_113 : memref<120x128xf32, #tpu.memory_space<vmem_shared>>)
      tpu.yield
    }) : () -> ()
    %lt3A = arith.constant 15 : i32
    %lt3A_41 = arith.cmpi slt, %arg1, %lt3A : i32
    %convert_element_type3A = arith.extui %lt3A_41 : i1 to i32
    %cond3A = arith.constant 0 : i32
    %cond3A_42 = arith.cmpi ne, %convert_element_type3A, %cond3A : i32
    scf.if %cond3A_42 {
      %add3A_98 = arith.constant 624 : i32
      %add3A_99 = arith.addi %mul3A_2, %add3A_98 : i32
      %sub3A = arith.constant 24 : i32
      %sub3A_100 = arith.subi %add3A_99, %sub3A : i32
      "tpu.region"() ({
        %run_scoped3A = tpu.sem_alloc : memref<!tpu.dma_semaphore, #tpu.memory_space<semaphore_mem>>
        %dma_start3A_101 = arith.constant 0 : i32
        %dma_start3A_102 = arith.constant 0 : i32
        %dma_start3A_103 = tpu.memref_slice %arg9[%dma_start3A_101, %dma_start3A_102] : memref<125x128xf32, #tpu.memory_space<vmem>> -> memref<24x128xf32, #tpu.memory_space<vmem>>
        %dma_start3A_104 = arith.constant 0 : i32
        %dma_start3A_105 = tpu.memref_slice %arg12[%sub3A_100, %dma_start3A_104] : memref<10000x128xf32, #tpu.memory_space<vmem_shared>> -> memref<24x128xf32, #tpu.memory_space<vmem_shared>>
        %dma_start3A_106 = arith.constant 0 : i32
        %dma_start3A_107 = tpu.memref_slice %arg12[%sub3A_100, %dma_start3A_106] : memref<10000x128xf32, #tpu.memory_space<vmem_shared>> -> memref<24x128xf32, #tpu.memory_space<vmem_shared>>
        %dma_start3A_108 = arith.constant 0 : i32
        %dma_start3A_109 = arith.constant 0 : i32
        %dma_start3A_110 = tpu.memref_slice %arg9[%dma_start3A_108, %dma_start3A_109] : memref<125x128xf32, #tpu.memory_space<vmem>> -> memref<24x128xf32, #tpu.memory_space<vmem>>
        tpu.enqueue_dma source(%dma_start3A_110 : memref<24x128xf32, #tpu.memory_space<vmem>>) target(%dma_start3A_107 : memref<24x128xf32, #tpu.memory_space<vmem_shared>>) target_semaphore(%run_scoped3A : memref<!tpu.dma_semaphore, #tpu.memory_space<semaphore_mem>>)
        %dma_wait3A = arith.constant 0 : i32
        %dma_wait3A_111 = arith.constant 0 : i32
        %dma_wait3A_112 = tpu.memref_slice %arg9[%dma_wait3A, %dma_wait3A_111] : memref<125x128xf32, #tpu.memory_space<vmem>> -> memref<24x128xf32, #tpu.memory_space<vmem>>
        %dma_wait3A_113 = arith.constant 0 : i32
        %dma_wait3A_114 = tpu.memref_slice %arg12[%sub3A_100, %dma_wait3A_113] : memref<10000x128xf32, #tpu.memory_space<vmem_shared>> -> memref<24x128xf32, #tpu.memory_space<vmem_shared>>
        %dma_wait3A_115 = arith.constant 0 : i32
        %dma_wait3A_116 = tpu.memref_slice %arg12[%sub3A_100, %dma_wait3A_115] : memref<10000x128xf32, #tpu.memory_space<vmem_shared>> -> memref<24x128xf32, #tpu.memory_space<vmem_shared>>
        %dma_wait3A_117 = arith.constant 0 : i32
        %dma_wait3A_118 = arith.constant 0 : i32
        %dma_wait3A_119 = tpu.memref_slice %arg9[%dma_wait3A_117, %dma_wait3A_118] : memref<125x128xf32, #tpu.memory_space<vmem>> -> memref<24x128xf32, #tpu.memory_space<vmem>>
        tpu.wait_dma2 semaphore(%run_scoped3A : memref<!tpu.dma_semaphore, #tpu.memory_space<semaphore_mem>>) src(%dma_wait3A_119 : memref<24x128xf32, #tpu.memory_space<vmem>>) dst(%dma_wait3A_116 : memref<24x128xf32, #tpu.memory_space<vmem_shared>>)
        tpu.yield
      }) : () -> ()
    } else {
    }
    %eq3A = arith.constant 15 : i32
    %eq3A_43 = arith.cmpi eq, %arg1, %eq3A : i32
    %convert_element_type3A_44 = arith.extui %eq3A_43 : i1 to i32
    %cond3A_45 = arith.constant 0 : i32
    %cond3A_46 = arith.cmpi ne, %convert_element_type3A_44, %cond3A_45 : i32
    scf.if %cond3A_46 {
      %add3A_98 = arith.constant 624 : i32
      %add3A_99 = arith.addi %mul3A_2, %add3A_98 : i32
      %sub3A = arith.constant 24 : i32
      %sub3A_100 = arith.subi %add3A_99, %sub3A : i32
      "tpu.region"() ({
        %run_scoped3A = tpu.sem_alloc : memref<!tpu.dma_semaphore, #tpu.memory_space<semaphore_mem>>
        %dma_start3A_101 = arith.constant 0 : i32
        %dma_start3A_102 = arith.constant 0 : i32
        %dma_start3A_103 = tpu.memref_slice %arg9[%dma_start3A_101, %dma_start3A_102] : memref<125x128xf32, #tpu.memory_space<vmem>> -> memref<40x128xf32, #tpu.memory_space<vmem>>
        %dma_start3A_104 = arith.constant 0 : i32
        %dma_start3A_105 = tpu.memref_slice %arg12[%sub3A_100, %dma_start3A_104] : memref<10000x128xf32, #tpu.memory_space<vmem_shared>> -> memref<40x128xf32, #tpu.memory_space<vmem_shared>>
        %dma_start3A_106 = arith.constant 0 : i32
        %dma_start3A_107 = tpu.memref_slice %arg12[%sub3A_100, %dma_start3A_106] : memref<10000x128xf32, #tpu.memory_space<vmem_shared>> -> memref<40x128xf32, #tpu.memory_space<vmem_shared>>
        %dma_start3A_108 = arith.constant 0 : i32
        %dma_start3A_109 = arith.constant 0 : i32
        %dma_start3A_110 = tpu.memref_slice %arg9[%dma_start3A_108, %dma_start3A_109] : memref<125x128xf32, #tpu.memory_space<vmem>> -> memref<40x128xf32, #tpu.memory_space<vmem>>
        tpu.enqueue_dma source(%dma_start3A_110 : memref<40x128xf32, #tpu.memory_space<vmem>>) target(%dma_start3A_107 : memref<40x128xf32, #tpu.memory_space<vmem_shared>>) target_semaphore(%run_scoped3A : memref<!tpu.dma_semaphore, #tpu.memory_space<semaphore_mem>>)
        %dma_wait3A = arith.constant 0 : i32
        %dma_wait3A_111 = arith.constant 0 : i32
        %dma_wait3A_112 = tpu.memref_slice %arg9[%dma_wait3A, %dma_wait3A_111] : memref<125x128xf32, #tpu.memory_space<vmem>> -> memref<40x128xf32, #tpu.memory_space<vmem>>
        %dma_wait3A_113 = arith.constant 0 : i32
        %dma_wait3A_114 = tpu.memref_slice %arg12[%sub3A_100, %dma_wait3A_113] : memref<10000x128xf32, #tpu.memory_space<vmem_shared>> -> memref<40x128xf32, #tpu.memory_space<vmem_shared>>
        %dma_wait3A_115 = arith.constant 0 : i32
        %dma_wait3A_116 = tpu.memref_slice %arg12[%sub3A_100, %dma_wait3A_115] : memref<10000x128xf32, #tpu.memory_space<vmem_shared>> -> memref<40x128xf32, #tpu.memory_space<vmem_shared>>
        %dma_wait3A_117 = arith.constant 0 : i32
        %dma_wait3A_118 = arith.constant 0 : i32
        %dma_wait3A_119 = tpu.memref_slice %arg9[%dma_wait3A_117, %dma_wait3A_118] : memref<125x128xf32, #tpu.memory_space<vmem>> -> memref<40x128xf32, #tpu.memory_space<vmem>>
        tpu.wait_dma2 semaphore(%run_scoped3A : memref<!tpu.dma_semaphore, #tpu.memory_space<semaphore_mem>>) src(%dma_wait3A_119 : memref<40x128xf32, #tpu.memory_space<vmem>>) dst(%dma_wait3A_116 : memref<40x128xf32, #tpu.memory_space<vmem_shared>>)
        tpu.yield
      }) : () -> ()
    } else {
    }
    %barrier3A = arith.constant 0 : index
    tpu.barrier barrier_id(%barrier3A)
    %mul3A_47 = arith.constant 80 : i32
    %mul3A_48 = arith.muli %add3A, %mul3A_47 : i32
    %add3A_49 = arith.constant 0 : i32
    %add3A_50 = arith.addi %mul3A_48, %add3A_49 : i32
    %scan3A_51 = arith.constant 0 : i32
    %scan3A_52 = arith.constant 0 : i32
    %scan3A_53 = arith.constant 20 : i32
    %scan3A_54 = arith.addi %scan3A_52, %scan3A_53 : i32
    %scan3A_55 = arith.constant 1 : i32
    scf.for %scan3A_98 = %scan3A_52 to %scan3A_54 step %scan3A_55  : i32 {
      %mul3A_99 = arith.constant 2 : i32
      %mul3A_100 = arith.muli %mul3A_99, %scan3A_98 : i32
      %add3A_101 = arith.constant 1 : i32
      %add3A_102 = arith.addi %mul3A_100, %add3A_101 : i32
      %dma_start3A_103 = arith.constant 0 : i32
      %dma_start3A_104 = arith.constant 0 : i32
      %dma_start3A_105 = tpu.memref_slice %arg9[%dma_start3A_103, %dma_start3A_104] : memref<125x128xf32, #tpu.memory_space<vmem>> -> memref<64x128xf32, #tpu.memory_space<vmem>>
      %dma_start3A_106 = arith.constant 0 : i32
      %dma_start3A_107 = tpu.memref_slice %arg6[%add3A_102, %dma_start3A_106] : memref<40x125xi32, #tpu.memory_space<vmem>> -> memref<1x64xi32, #tpu.memory_space<vmem>>
      %dma_start3A_108 = tpu.memref_squeeze %dma_start3A_107 : memref<1x64xi32, #tpu.memory_space<vmem>> -> memref<64xi32, #tpu.memory_space<vmem>>
      %dma_start3A_109 = arith.constant 0 : i32
      %dma_start3A_110 = arith.constant 0 : i32
      %dma_start3A_111 = tpu.memref_slice %arg2[%dma_start3A_109, %dma_start3A_110] : memref<10000x128xf32, #tpu.memory_space<hbm>> -> memref<10000x128xf32, #tpu.memory_space<hbm>>
      tpu.enqueue_indirect_dma source(%dma_start3A_111 : memref<10000x128xf32, #tpu.memory_space<hbm>>) target(%dma_start3A_105 : memref<64x128xf32, #tpu.memory_space<vmem>>) offsets(%dma_start3A_108 : memref<64xi32, #tpu.memory_space<vmem>>) semaphore(%arg11 : memref<!tpu.dma_semaphore, #tpu.memory_space<semaphore_mem>>)
      %dma_start3A_112 = arith.constant 64 : i32
      %dma_start3A_113 = arith.constant 0 : i32
      %dma_start3A_114 = tpu.memref_slice %arg9[%dma_start3A_112, %dma_start3A_113] : memref<125x128xf32, #tpu.memory_space<vmem>> -> memref<61x128xf32, #tpu.memory_space<vmem>>
      %dma_start3A_115 = arith.constant 64 : i32
      %dma_start3A_116 = tpu.memref_slice %arg6[%add3A_102, %dma_start3A_115] : memref<40x125xi32, #tpu.memory_space<vmem>> -> memref<1x61xi32, #tpu.memory_space<vmem>>
      %dma_start3A_117 = tpu.memref_squeeze %dma_start3A_116 : memref<1x61xi32, #tpu.memory_space<vmem>> -> memref<61xi32, #tpu.memory_space<vmem>>
      %dma_start3A_118 = arith.constant 0 : i32
      %dma_start3A_119 = arith.constant 0 : i32
      %dma_start3A_120 = tpu.memref_slice %arg2[%dma_start3A_118, %dma_start3A_119] : memref<10000x128xf32, #tpu.memory_space<hbm>> -> memref<10000x128xf32, #tpu.memory_space<hbm>>
      tpu.enqueue_indirect_dma source(%dma_start3A_120 : memref<10000x128xf32, #tpu.memory_space<hbm>>) target(%dma_start3A_114 : memref<61x128xf32, #tpu.memory_space<vmem>>) offsets(%dma_start3A_117 : memref<61xi32, #tpu.memory_space<vmem>>) semaphore(%arg11 : memref<!tpu.dma_semaphore, #tpu.memory_space<semaphore_mem>>)
      %dma_wait3A = arith.constant 0 : i32
      %dma_wait3A_121 = arith.constant 0 : i32
      %dma_wait3A_122 = arith.constant 0 : i32
      %dma_wait3A_123 = tpu.memref_slice %arg8[%dma_wait3A_121, %dma_wait3A_122] : memref<125x128xf32, #tpu.memory_space<vmem>> -> memref<64x128xf32, #tpu.memory_space<vmem>>
      %dma_wait3A_124 = arith.constant 0 : i32
      %dma_wait3A_125 = tpu.memref_slice %arg6[%dma_wait3A, %dma_wait3A_124] : memref<40x125xi32, #tpu.memory_space<vmem>> -> memref<1x64xi32, #tpu.memory_space<vmem>>
      %dma_wait3A_126 = tpu.memref_squeeze %dma_wait3A_125 : memref<1x64xi32, #tpu.memory_space<vmem>> -> memref<64xi32, #tpu.memory_space<vmem>>
      %dma_wait3A_127 = arith.constant 0 : i32
      %dma_wait3A_128 = arith.constant 0 : i32
      %dma_wait3A_129 = tpu.memref_slice %arg2[%dma_wait3A_127, %dma_wait3A_128] : memref<10000x128xf32, #tpu.memory_space<hbm>> -> memref<10000x128xf32, #tpu.memory_space<hbm>>
      tpu.wait_indirect_dma semaphore(%arg10 : memref<!tpu.dma_semaphore, #tpu.memory_space<semaphore_mem>>) src(%dma_wait3A_129 : memref<10000x128xf32, #tpu.memory_space<hbm>>) dst(%dma_wait3A_123 : memref<64x128xf32, #tpu.memory_space<vmem>>)
      %dma_wait3A_130 = arith.constant 0 : i32
      %dma_wait3A_131 = arith.constant 64 : i32
      %dma_wait3A_132 = arith.constant 0 : i32
      %dma_wait3A_133 = tpu.memref_slice %arg8[%dma_wait3A_131, %dma_wait3A_132] : memref<125x128xf32, #tpu.memory_space<vmem>> -> memref<61x128xf32, #tpu.memory_space<vmem>>
      %dma_wait3A_134 = arith.constant 64 : i32
      %dma_wait3A_135 = tpu.memref_slice %arg6[%dma_wait3A_130, %dma_wait3A_134] : memref<40x125xi32, #tpu.memory_space<vmem>> -> memref<1x61xi32, #tpu.memory_space<vmem>>
      %dma_wait3A_136 = tpu.memref_squeeze %dma_wait3A_135 : memref<1x61xi32, #tpu.memory_space<vmem>> -> memref<61xi32, #tpu.memory_space<vmem>>
      %dma_wait3A_137 = arith.constant 0 : i32
      %dma_wait3A_138 = arith.constant 0 : i32
      %dma_wait3A_139 = tpu.memref_slice %arg2[%dma_wait3A_137, %dma_wait3A_138] : memref<10000x128xf32, #tpu.memory_space<hbm>> -> memref<10000x128xf32, #tpu.memory_space<hbm>>
      tpu.wait_indirect_dma semaphore(%arg10 : memref<!tpu.dma_semaphore, #tpu.memory_space<semaphore_mem>>) src(%dma_wait3A_139 : memref<10000x128xf32, #tpu.memory_space<hbm>>) dst(%dma_wait3A_133 : memref<61x128xf32, #tpu.memory_space<vmem>>)
      "tpu.region"() ({
        %run_scoped3A = tpu.sem_alloc : memref<!tpu.dma_semaphore, #tpu.memory_space<semaphore_mem>>
        %dma_start3A_169 = arith.constant 0 : i32
        %dma_start3A_170 = tpu.memref_slice %arg7[%mul3A_100, %dma_start3A_169] : memref<40x125xi32, #tpu.memory_space<vmem>> -> memref<1x125xi32, #tpu.memory_space<vmem>>
        %dma_start3A_171 = tpu.memref_squeeze %dma_start3A_170 : memref<1x125xi32, #tpu.memory_space<vmem>> -> memref<125xi32, #tpu.memory_space<vmem>>
        %dma_start3A_172 = arith.constant 0 : i32
        %dma_start3A_173 = arith.constant 0 : i32
        %dma_start3A_174 = tpu.memref_slice %arg12[%dma_start3A_172, %dma_start3A_173] : memref<10000x128xf32, #tpu.memory_space<vmem_shared>> -> memref<10000x128xf32, #tpu.memory_space<vmem_shared>>
        tpu.enqueue_indirect_dma source(%arg8 : memref<125x128xf32, #tpu.memory_space<vmem>>) target(%dma_start3A_174 : memref<10000x128xf32, #tpu.memory_space<vmem_shared>>) offsets(%dma_start3A_171 : memref<125xi32, #tpu.memory_space<vmem>>) semaphore(%run_scoped3A : memref<!tpu.dma_semaphore, #tpu.memory_space<semaphore_mem>>) {add = true}
        %dma_wait3A_175 = arith.constant 0 : i32
        %dma_wait3A_176 = tpu.memref_slice %arg7[%mul3A_100, %dma_wait3A_175] : memref<40x125xi32, #tpu.memory_space<vmem>> -> memref<1x125xi32, #tpu.memory_space<vmem>>
        %dma_wait3A_177 = tpu.memref_squeeze %dma_wait3A_176 : memref<1x125xi32, #tpu.memory_space<vmem>> -> memref<125xi32, #tpu.memory_space<vmem>>
        %dma_wait3A_178 = arith.constant 0 : i32
        %dma_wait3A_179 = arith.constant 0 : i32
        %dma_wait3A_180 = tpu.memref_slice %arg12[%dma_wait3A_178, %dma_wait3A_179] : memref<10000x128xf32, #tpu.memory_space<vmem_shared>> -> memref<10000x128xf32, #tpu.memory_space<vmem_shared>>
        tpu.wait_indirect_dma semaphore(%run_scoped3A : memref<!tpu.dma_semaphore, #tpu.memory_space<semaphore_mem>>) src(%arg8 : memref<125x128xf32, #tpu.memory_space<vmem>>) dst(%dma_wait3A_180 : memref<10000x128xf32, #tpu.memory_space<vmem_shared>>)
        tpu.yield
      }) : () -> ()
      %add3A_140 = arith.constant 2 : i32
      %add3A_141 = arith.addi %mul3A_100, %add3A_140 : i32
      %lt3A_142 = arith.constant 40 : i32
      %lt3A_143 = arith.cmpi slt, %add3A_141, %lt3A_142 : i32
      %convert_element_type3A_144 = arith.extui %lt3A_143 : i1 to i32
      %cond3A_145 = arith.constant 0 : i32
      %cond3A_146 = arith.cmpi ne, %convert_element_type3A_144, %cond3A_145 : i32
      scf.if %cond3A_146 {
        %add3A_169 = arith.constant 2 : i32
        %add3A_170 = arith.addi %mul3A_100, %add3A_169 : i32
        %dma_start3A_171 = arith.constant 0 : i32
        %dma_start3A_172 = arith.constant 0 : i32
        %dma_start3A_173 = tpu.memref_slice %arg8[%dma_start3A_171, %dma_start3A_172] : memref<125x128xf32, #tpu.memory_space<vmem>> -> memref<64x128xf32, #tpu.memory_space<vmem>>
        %dma_start3A_174 = arith.constant 0 : i32
        %dma_start3A_175 = tpu.memref_slice %arg6[%add3A_170, %dma_start3A_174] : memref<40x125xi32, #tpu.memory_space<vmem>> -> memref<1x64xi32, #tpu.memory_space<vmem>>
        %dma_start3A_176 = tpu.memref_squeeze %dma_start3A_175 : memref<1x64xi32, #tpu.memory_space<vmem>> -> memref<64xi32, #tpu.memory_space<vmem>>
        %dma_start3A_177 = arith.constant 0 : i32
        %dma_start3A_178 = arith.constant 0 : i32
        %dma_start3A_179 = tpu.memref_slice %arg2[%dma_start3A_177, %dma_start3A_178] : memref<10000x128xf32, #tpu.memory_space<hbm>> -> memref<10000x128xf32, #tpu.memory_space<hbm>>
        tpu.enqueue_indirect_dma source(%dma_start3A_179 : memref<10000x128xf32, #tpu.memory_space<hbm>>) target(%dma_start3A_173 : memref<64x128xf32, #tpu.memory_space<vmem>>) offsets(%dma_start3A_176 : memref<64xi32, #tpu.memory_space<vmem>>) semaphore(%arg10 : memref<!tpu.dma_semaphore, #tpu.memory_space<semaphore_mem>>)
        %dma_start3A_180 = arith.constant 64 : i32
        %dma_start3A_181 = arith.constant 0 : i32
        %dma_start3A_182 = tpu.memref_slice %arg8[%dma_start3A_180, %dma_start3A_181] : memref<125x128xf32, #tpu.memory_space<vmem>> -> memref<61x128xf32, #tpu.memory_space<vmem>>
        %dma_start3A_183 = arith.constant 64 : i32
        %dma_start3A_184 = tpu.memref_slice %arg6[%add3A_170, %dma_start3A_183] : memref<40x125xi32, #tpu.memory_space<vmem>> -> memref<1x61xi32, #tpu.memory_space<vmem>>
        %dma_start3A_185 = tpu.memref_squeeze %dma_start3A_184 : memref<1x61xi32, #tpu.memory_space<vmem>> -> memref<61xi32, #tpu.memory_space<vmem>>
        %dma_start3A_186 = arith.constant 0 : i32
        %dma_start3A_187 = arith.constant 0 : i32
        %dma_start3A_188 = tpu.memref_slice %arg2[%dma_start3A_186, %dma_start3A_187] : memref<10000x128xf32, #tpu.memory_space<hbm>> -> memref<10000x128xf32, #tpu.memory_space<hbm>>
        tpu.enqueue_indirect_dma source(%dma_start3A_188 : memref<10000x128xf32, #tpu.memory_space<hbm>>) target(%dma_start3A_182 : memref<61x128xf32, #tpu.memory_space<vmem>>) offsets(%dma_start3A_185 : memref<61xi32, #tpu.memory_space<vmem>>) semaphore(%arg10 : memref<!tpu.dma_semaphore, #tpu.memory_space<semaphore_mem>>)
      } else {
      }
      %dma_wait3A_147 = arith.constant 0 : i32
      %dma_wait3A_148 = arith.constant 0 : i32
      %dma_wait3A_149 = arith.constant 0 : i32
      %dma_wait3A_150 = tpu.memref_slice %arg9[%dma_wait3A_148, %dma_wait3A_149] : memref<125x128xf32, #tpu.memory_space<vmem>> -> memref<64x128xf32, #tpu.memory_space<vmem>>
      %dma_wait3A_151 = arith.constant 0 : i32
      %dma_wait3A_152 = tpu.memref_slice %arg6[%dma_wait3A_147, %dma_wait3A_151] : memref<40x125xi32, #tpu.memory_space<vmem>> -> memref<1x64xi32, #tpu.memory_space<vmem>>
      %dma_wait3A_153 = tpu.memref_squeeze %dma_wait3A_152 : memref<1x64xi32, #tpu.memory_space<vmem>> -> memref<64xi32, #tpu.memory_space<vmem>>
      %dma_wait3A_154 = arith.constant 0 : i32
      %dma_wait3A_155 = arith.constant 0 : i32
      %dma_wait3A_156 = tpu.memref_slice %arg2[%dma_wait3A_154, %dma_wait3A_155] : memref<10000x128xf32, #tpu.memory_space<hbm>> -> memref<10000x128xf32, #tpu.memory_space<hbm>>
      tpu.wait_indirect_dma semaphore(%arg11 : memref<!tpu.dma_semaphore, #tpu.memory_space<semaphore_mem>>) src(%dma_wait3A_156 : memref<10000x128xf32, #tpu.memory_space<hbm>>) dst(%dma_wait3A_150 : memref<64x128xf32, #tpu.memory_space<vmem>>)
      %dma_wait3A_157 = arith.constant 0 : i32
      %dma_wait3A_158 = arith.constant 64 : i32
      %dma_wait3A_159 = arith.constant 0 : i32
      %dma_wait3A_160 = tpu.memref_slice %arg9[%dma_wait3A_158, %dma_wait3A_159] : memref<125x128xf32, #tpu.memory_space<vmem>> -> memref<61x128xf32, #tpu.memory_space<vmem>>
      %dma_wait3A_161 = arith.constant 64 : i32
      %dma_wait3A_162 = tpu.memref_slice %arg6[%dma_wait3A_157, %dma_wait3A_161] : memref<40x125xi32, #tpu.memory_space<vmem>> -> memref<1x61xi32, #tpu.memory_space<vmem>>
      %dma_wait3A_163 = tpu.memref_squeeze %dma_wait3A_162 : memref<1x61xi32, #tpu.memory_space<vmem>> -> memref<61xi32, #tpu.memory_space<vmem>>
      %dma_wait3A_164 = arith.constant 0 : i32
      %dma_wait3A_165 = arith.constant 0 : i32
      %dma_wait3A_166 = tpu.memref_slice %arg2[%dma_wait3A_164, %dma_wait3A_165] : memref<10000x128xf32, #tpu.memory_space<hbm>> -> memref<10000x128xf32, #tpu.memory_space<hbm>>
      tpu.wait_indirect_dma semaphore(%arg11 : memref<!tpu.dma_semaphore, #tpu.memory_space<semaphore_mem>>) src(%dma_wait3A_166 : memref<10000x128xf32, #tpu.memory_space<hbm>>) dst(%dma_wait3A_160 : memref<61x128xf32, #tpu.memory_space<vmem>>)
      %add3A_167 = arith.constant 1 : i32
      %add3A_168 = arith.addi %mul3A_100, %add3A_167 : i32
      "tpu.region"() ({
        %run_scoped3A = tpu.sem_alloc : memref<!tpu.dma_semaphore, #tpu.memory_space<semaphore_mem>>
        %dma_start3A_169 = arith.constant 0 : i32
        %dma_start3A_170 = tpu.memref_slice %arg7[%add3A_168, %dma_start3A_169] : memref<40x125xi32, #tpu.memory_space<vmem>> -> memref<1x125xi32, #tpu.memory_space<vmem>>
        %dma_start3A_171 = tpu.memref_squeeze %dma_start3A_170 : memref<1x125xi32, #tpu.memory_space<vmem>> -> memref<125xi32, #tpu.memory_space<vmem>>
        %dma_start3A_172 = arith.constant 0 : i32
        %dma_start3A_173 = arith.constant 0 : i32
        %dma_start3A_174 = tpu.memref_slice %arg12[%dma_start3A_172, %dma_start3A_173] : memref<10000x128xf32, #tpu.memory_space<vmem_shared>> -> memref<10000x128xf32, #tpu.memory_space<vmem_shared>>
        tpu.enqueue_indirect_dma source(%arg9 : memref<125x128xf32, #tpu.memory_space<vmem>>) target(%dma_start3A_174 : memref<10000x128xf32, #tpu.memory_space<vmem_shared>>) offsets(%dma_start3A_171 : memref<125xi32, #tpu.memory_space<vmem>>) semaphore(%run_scoped3A : memref<!tpu.dma_semaphore, #tpu.memory_space<semaphore_mem>>) {add = true}
        %dma_wait3A_175 = arith.constant 0 : i32
        %dma_wait3A_176 = tpu.memref_slice %arg7[%add3A_168, %dma_wait3A_175] : memref<40x125xi32, #tpu.memory_space<vmem>> -> memref<1x125xi32, #tpu.memory_space<vmem>>
        %dma_wait3A_177 = tpu.memref_squeeze %dma_wait3A_176 : memref<1x125xi32, #tpu.memory_space<vmem>> -> memref<125xi32, #tpu.memory_space<vmem>>
        %dma_wait3A_178 = arith.constant 0 : i32
        %dma_wait3A_179 = arith.constant 0 : i32
        %dma_wait3A_180 = tpu.memref_slice %arg12[%dma_wait3A_178, %dma_wait3A_179] : memref<10000x128xf32, #tpu.memory_space<vmem_shared>> -> memref<10000x128xf32, #tpu.memory_space<vmem_shared>>
        tpu.wait_indirect_dma semaphore(%run_scoped3A : memref<!tpu.dma_semaphore, #tpu.memory_space<semaphore_mem>>) src(%arg9 : memref<125x128xf32, #tpu.memory_space<vmem>>) dst(%dma_wait3A_180 : memref<10000x128xf32, #tpu.memory_space<vmem_shared>>)
        tpu.yield
      }) : () -> ()
    }
    %scan3A_56 = arith.constant 20 : i32
    %mul3A_57 = arith.constant 80 : i32
    %mul3A_58 = arith.muli %add3A, %mul3A_57 : i32
    %add3A_59 = arith.constant 40 : i32
    %add3A_60 = arith.addi %mul3A_58, %add3A_59 : i32
    "tpu.region"() ({
      %run_scoped3A = tpu.sem_alloc : memref<!tpu.dma_semaphore, #tpu.memory_space<semaphore_mem>>
      %dma_start3A_98 = arith.constant 0 : i32
      %dma_start3A_99 = tpu.memref_slice %arg3[%add3A_60, %dma_start3A_98] : memref<2560x125xi32, #tpu.memory_space<hbm>> -> memref<40x125xi32, #tpu.memory_space<hbm>>
      %dma_start3A_100 = arith.constant 0 : i32
      %dma_start3A_101 = tpu.memref_slice %arg3[%add3A_60, %dma_start3A_100] : memref<2560x125xi32, #tpu.memory_space<hbm>> -> memref<40x125xi32, #tpu.memory_space<hbm>>
      tpu.enqueue_dma source(%dma_start3A_101 : memref<40x125xi32, #tpu.memory_space<hbm>>) target(%arg6 : memref<40x125xi32, #tpu.memory_space<vmem>>) target_semaphore(%run_scoped3A : memref<!tpu.dma_semaphore, #tpu.memory_space<semaphore_mem>>)
      %dma_wait3A = arith.constant 0 : i32
      %dma_wait3A_102 = tpu.memref_slice %arg3[%add3A_60, %dma_wait3A] : memref<2560x125xi32, #tpu.memory_space<hbm>> -> memref<40x125xi32, #tpu.memory_space<hbm>>
      %dma_wait3A_103 = arith.constant 0 : i32
      %dma_wait3A_104 = tpu.memref_slice %arg3[%add3A_60, %dma_wait3A_103] : memref<2560x125xi32, #tpu.memory_space<hbm>> -> memref<40x125xi32, #tpu.memory_space<hbm>>
      tpu.wait_dma2 semaphore(%run_scoped3A : memref<!tpu.dma_semaphore, #tpu.memory_space<semaphore_mem>>) src(%dma_wait3A_104 : memref<40x125xi32, #tpu.memory_space<hbm>>) dst(%arg6 : memref<40x125xi32, #tpu.memory_space<vmem>>)
      tpu.yield
    }) : () -> ()
    "tpu.region"() ({
      %run_scoped3A = tpu.sem_alloc : memref<!tpu.dma_semaphore, #tpu.memory_space<semaphore_mem>>
      %dma_start3A_98 = arith.constant 0 : i32
      %dma_start3A_99 = tpu.memref_slice %arg4[%add3A_60, %dma_start3A_98] : memref<2560x125xi32, #tpu.memory_space<hbm>> -> memref<40x125xi32, #tpu.memory_space<hbm>>
      %dma_start3A_100 = arith.constant 0 : i32
      %dma_start3A_101 = tpu.memref_slice %arg4[%add3A_60, %dma_start3A_100] : memref<2560x125xi32, #tpu.memory_space<hbm>> -> memref<40x125xi32, #tpu.memory_space<hbm>>
      tpu.enqueue_dma source(%dma_start3A_101 : memref<40x125xi32, #tpu.memory_space<hbm>>) target(%arg7 : memref<40x125xi32, #tpu.memory_space<vmem>>) target_semaphore(%run_scoped3A : memref<!tpu.dma_semaphore, #tpu.memory_space<semaphore_mem>>)
      %dma_wait3A = arith.constant 0 : i32
      %dma_wait3A_102 = tpu.memref_slice %arg4[%add3A_60, %dma_wait3A] : memref<2560x125xi32, #tpu.memory_space<hbm>> -> memref<40x125xi32, #tpu.memory_space<hbm>>
      %dma_wait3A_103 = arith.constant 0 : i32
      %dma_wait3A_104 = tpu.memref_slice %arg4[%add3A_60, %dma_wait3A_103] : memref<2560x125xi32, #tpu.memory_space<hbm>> -> memref<40x125xi32, #tpu.memory_space<hbm>>
      tpu.wait_dma2 semaphore(%run_scoped3A : memref<!tpu.dma_semaphore, #tpu.memory_space<semaphore_mem>>) src(%dma_wait3A_104 : memref<40x125xi32, #tpu.memory_space<hbm>>) dst(%arg7 : memref<40x125xi32, #tpu.memory_space<vmem>>)
      tpu.yield
    }) : () -> ()
    %dma_start3A_61 = arith.constant 0 : i32
    %dma_start3A_62 = arith.constant 0 : i32
    %dma_start3A_63 = arith.constant 0 : i32
    %dma_start3A_64 = tpu.memref_slice %arg8[%dma_start3A_62, %dma_start3A_63] : memref<125x128xf32, #tpu.memory_space<vmem>> -> memref<64x128xf32, #tpu.memory_space<vmem>>
    %dma_start3A_65 = arith.constant 0 : i32
    %dma_start3A_66 = tpu.memref_slice %arg6[%dma_start3A_61, %dma_start3A_65] : memref<40x125xi32, #tpu.memory_space<vmem>> -> memref<1x64xi32, #tpu.memory_space<vmem>>
    %dma_start3A_67 = tpu.memref_squeeze %dma_start3A_66 : memref<1x64xi32, #tpu.memory_space<vmem>> -> memref<64xi32, #tpu.memory_space<vmem>>
    %dma_start3A_68 = arith.constant 0 : i32
    %dma_start3A_69 = arith.constant 0 : i32
    %dma_start3A_70 = tpu.memref_slice %arg2[%dma_start3A_68, %dma_start3A_69] : memref<10000x128xf32, #tpu.memory_space<hbm>> -> memref<10000x128xf32, #tpu.memory_space<hbm>>
    tpu.enqueue_indirect_dma source(%dma_start3A_70 : memref<10000x128xf32, #tpu.memory_space<hbm>>) target(%dma_start3A_64 : memref<64x128xf32, #tpu.memory_space<vmem>>) offsets(%dma_start3A_67 : memref<64xi32, #tpu.memory_space<vmem>>) semaphore(%arg10 : memref<!tpu.dma_semaphore, #tpu.memory_space<semaphore_mem>>)
    %dma_start3A_71 = arith.constant 0 : i32
    %dma_start3A_72 = arith.constant 64 : i32
    %dma_start3A_73 = arith.constant 0 : i32
    %dma_start3A_74 = tpu.memref_slice %arg8[%dma_start3A_72, %dma_start3A_73] : memref<125x128xf32, #tpu.memory_space<vmem>> -> memref<61x128xf32, #tpu.memory_space<vmem>>
    %dma_start3A_75 = arith.constant 64 : i32
    %dma_start3A_76 = tpu.memref_slice %arg6[%dma_start3A_71, %dma_start3A_75] : memref<40x125xi32, #tpu.memory_space<vmem>> -> memref<1x61xi32, #tpu.memory_space<vmem>>
    %dma_start3A_77 = tpu.memref_squeeze %dma_start3A_76 : memref<1x61xi32, #tpu.memory_space<vmem>> -> memref<61xi32, #tpu.memory_space<vmem>>
    %dma_start3A_78 = arith.constant 0 : i32
    %dma_start3A_79 = arith.constant 0 : i32
    %dma_start3A_80 = tpu.memref_slice %arg2[%dma_start3A_78, %dma_start3A_79] : memref<10000x128xf32, #tpu.memory_space<hbm>> -> memref<10000x128xf32, #tpu.memory_space<hbm>>
    tpu.enqueue_indirect_dma source(%dma_start3A_80 : memref<10000x128xf32, #tpu.memory_space<hbm>>) target(%dma_start3A_74 : memref<61x128xf32, #tpu.memory_space<vmem>>) offsets(%dma_start3A_77 : memref<61xi32, #tpu.memory_space<vmem>>) semaphore(%arg10 : memref<!tpu.dma_semaphore, #tpu.memory_space<semaphore_mem>>)
    %scan3A_81 = arith.constant 0 : i32
    %scan3A_82 = arith.constant 0 : i32
    %scan3A_83 = arith.constant 20 : i32
    %scan3A_84 = arith.addi %scan3A_82, %scan3A_83 : i32
    %scan3A_85 = arith.constant 1 : i32
    scf.for %scan3A_98 = %scan3A_82 to %scan3A_84 step %scan3A_85  : i32 {
      %mul3A_99 = arith.constant 2 : i32
      %mul3A_100 = arith.muli %mul3A_99, %scan3A_98 : i32
      %add3A_101 = arith.constant 1 : i32
      %add3A_102 = arith.addi %mul3A_100, %add3A_101 : i32
      %dma_start3A_103 = arith.constant 0 : i32
      %dma_start3A_104 = arith.constant 0 : i32
      %dma_start3A_105 = tpu.memref_slice %arg9[%dma_start3A_103, %dma_start3A_104] : memref<125x128xf32, #tpu.memory_space<vmem>> -> memref<64x128xf32, #tpu.memory_space<vmem>>
      %dma_start3A_106 = arith.constant 0 : i32
      %dma_start3A_107 = tpu.memref_slice %arg6[%add3A_102, %dma_start3A_106] : memref<40x125xi32, #tpu.memory_space<vmem>> -> memref<1x64xi32, #tpu.memory_space<vmem>>
      %dma_start3A_108 = tpu.memref_squeeze %dma_start3A_107 : memref<1x64xi32, #tpu.memory_space<vmem>> -> memref<64xi32, #tpu.memory_space<vmem>>
      %dma_start3A_109 = arith.constant 0 : i32
      %dma_start3A_110 = arith.constant 0 : i32
      %dma_start3A_111 = tpu.memref_slice %arg2[%dma_start3A_109, %dma_start3A_110] : memref<10000x128xf32, #tpu.memory_space<hbm>> -> memref<10000x128xf32, #tpu.memory_space<hbm>>
      tpu.enqueue_indirect_dma source(%dma_start3A_111 : memref<10000x128xf32, #tpu.memory_space<hbm>>) target(%dma_start3A_105 : memref<64x128xf32, #tpu.memory_space<vmem>>) offsets(%dma_start3A_108 : memref<64xi32, #tpu.memory_space<vmem>>) semaphore(%arg11 : memref<!tpu.dma_semaphore, #tpu.memory_space<semaphore_mem>>)
      %dma_start3A_112 = arith.constant 64 : i32
      %dma_start3A_113 = arith.constant 0 : i32
      %dma_start3A_114 = tpu.memref_slice %arg9[%dma_start3A_112, %dma_start3A_113] : memref<125x128xf32, #tpu.memory_space<vmem>> -> memref<61x128xf32, #tpu.memory_space<vmem>>
      %dma_start3A_115 = arith.constant 64 : i32
      %dma_start3A_116 = tpu.memref_slice %arg6[%add3A_102, %dma_start3A_115] : memref<40x125xi32, #tpu.memory_space<vmem>> -> memref<1x61xi32, #tpu.memory_space<vmem>>
      %dma_start3A_117 = tpu.memref_squeeze %dma_start3A_116 : memref<1x61xi32, #tpu.memory_space<vmem>> -> memref<61xi32, #tpu.memory_space<vmem>>
      %dma_start3A_118 = arith.constant 0 : i32
      %dma_start3A_119 = arith.constant 0 : i32
      %dma_start3A_120 = tpu.memref_slice %arg2[%dma_start3A_118, %dma_start3A_119] : memref<10000x128xf32, #tpu.memory_space<hbm>> -> memref<10000x128xf32, #tpu.memory_space<hbm>>
      tpu.enqueue_indirect_dma source(%dma_start3A_120 : memref<10000x128xf32, #tpu.memory_space<hbm>>) target(%dma_start3A_114 : memref<61x128xf32, #tpu.memory_space<vmem>>) offsets(%dma_start3A_117 : memref<61xi32, #tpu.memory_space<vmem>>) semaphore(%arg11 : memref<!tpu.dma_semaphore, #tpu.memory_space<semaphore_mem>>)
      %dma_wait3A = arith.constant 0 : i32
      %dma_wait3A_121 = arith.constant 0 : i32
      %dma_wait3A_122 = arith.constant 0 : i32
      %dma_wait3A_123 = tpu.memref_slice %arg8[%dma_wait3A_121, %dma_wait3A_122] : memref<125x128xf32, #tpu.memory_space<vmem>> -> memref<64x128xf32, #tpu.memory_space<vmem>>
      %dma_wait3A_124 = arith.constant 0 : i32
      %dma_wait3A_125 = tpu.memref_slice %arg6[%dma_wait3A, %dma_wait3A_124] : memref<40x125xi32, #tpu.memory_space<vmem>> -> memref<1x64xi32, #tpu.memory_space<vmem>>
      %dma_wait3A_126 = tpu.memref_squeeze %dma_wait3A_125 : memref<1x64xi32, #tpu.memory_space<vmem>> -> memref<64xi32, #tpu.memory_space<vmem>>
      %dma_wait3A_127 = arith.constant 0 : i32
      %dma_wait3A_128 = arith.constant 0 : i32
      %dma_wait3A_129 = tpu.memref_slice %arg2[%dma_wait3A_127, %dma_wait3A_128] : memref<10000x128xf32, #tpu.memory_space<hbm>> -> memref<10000x128xf32, #tpu.memory_space<hbm>>
      tpu.wait_indirect_dma semaphore(%arg10 : memref<!tpu.dma_semaphore, #tpu.memory_space<semaphore_mem>>) src(%dma_wait3A_129 : memref<10000x128xf32, #tpu.memory_space<hbm>>) dst(%dma_wait3A_123 : memref<64x128xf32, #tpu.memory_space<vmem>>)
      %dma_wait3A_130 = arith.constant 0 : i32
      %dma_wait3A_131 = arith.constant 64 : i32
      %dma_wait3A_132 = arith.constant 0 : i32
      %dma_wait3A_133 = tpu.memref_slice %arg8[%dma_wait3A_131, %dma_wait3A_132] : memref<125x128xf32, #tpu.memory_space<vmem>> -> memref<61x128xf32, #tpu.memory_space<vmem>>
      %dma_wait3A_134 = arith.constant 64 : i32
      %dma_wait3A_135 = tpu.memref_slice %arg6[%dma_wait3A_130, %dma_wait3A_134] : memref<40x125xi32, #tpu.memory_space<vmem>> -> memref<1x61xi32, #tpu.memory_space<vmem>>
      %dma_wait3A_136 = tpu.memref_squeeze %dma_wait3A_135 : memref<1x61xi32, #tpu.memory_space<vmem>> -> memref<61xi32, #tpu.memory_space<vmem>>
      %dma_wait3A_137 = arith.constant 0 : i32
      %dma_wait3A_138 = arith.constant 0 : i32
      %dma_wait3A_139 = tpu.memref_slice %arg2[%dma_wait3A_137, %dma_wait3A_138] : memref<10000x128xf32, #tpu.memory_space<hbm>> -> memref<10000x128xf32, #tpu.memory_space<hbm>>
      tpu.wait_indirect_dma semaphore(%arg10 : memref<!tpu.dma_semaphore, #tpu.memory_space<semaphore_mem>>) src(%dma_wait3A_139 : memref<10000x128xf32, #tpu.memory_space<hbm>>) dst(%dma_wait3A_133 : memref<61x128xf32, #tpu.memory_space<vmem>>)
      "tpu.region"() ({
        %run_scoped3A = tpu.sem_alloc : memref<!tpu.dma_semaphore, #tpu.memory_space<semaphore_mem>>
        %dma_start3A_169 = arith.constant 0 : i32
        %dma_start3A_170 = tpu.memref_slice %arg7[%mul3A_100, %dma_start3A_169] : memref<40x125xi32, #tpu.memory_space<vmem>> -> memref<1x125xi32, #tpu.memory_space<vmem>>
        %dma_start3A_171 = tpu.memref_squeeze %dma_start3A_170 : memref<1x125xi32, #tpu.memory_space<vmem>> -> memref<125xi32, #tpu.memory_space<vmem>>
        %dma_start3A_172 = arith.constant 0 : i32
        %dma_start3A_173 = arith.constant 0 : i32
        %dma_start3A_174 = tpu.memref_slice %arg12[%dma_start3A_172, %dma_start3A_173] : memref<10000x128xf32, #tpu.memory_space<vmem_shared>> -> memref<10000x128xf32, #tpu.memory_space<vmem_shared>>
        tpu.enqueue_indirect_dma source(%arg8 : memref<125x128xf32, #tpu.memory_space<vmem>>) target(%dma_start3A_174 : memref<10000x128xf32, #tpu.memory_space<vmem_shared>>) offsets(%dma_start3A_171 : memref<125xi32, #tpu.memory_space<vmem>>) semaphore(%run_scoped3A : memref<!tpu.dma_semaphore, #tpu.memory_space<semaphore_mem>>) {add = true}
        %dma_wait3A_175 = arith.constant 0 : i32
        %dma_wait3A_176 = tpu.memref_slice %arg7[%mul3A_100, %dma_wait3A_175] : memref<40x125xi32, #tpu.memory_space<vmem>> -> memref<1x125xi32, #tpu.memory_space<vmem>>
        %dma_wait3A_177 = tpu.memref_squeeze %dma_wait3A_176 : memref<1x125xi32, #tpu.memory_space<vmem>> -> memref<125xi32, #tpu.memory_space<vmem>>
        %dma_wait3A_178 = arith.constant 0 : i32
        %dma_wait3A_179 = arith.constant 0 : i32
        %dma_wait3A_180 = tpu.memref_slice %arg12[%dma_wait3A_178, %dma_wait3A_179] : memref<10000x128xf32, #tpu.memory_space<vmem_shared>> -> memref<10000x128xf32, #tpu.memory_space<vmem_shared>>
        tpu.wait_indirect_dma semaphore(%run_scoped3A : memref<!tpu.dma_semaphore, #tpu.memory_space<semaphore_mem>>) src(%arg8 : memref<125x128xf32, #tpu.memory_space<vmem>>) dst(%dma_wait3A_180 : memref<10000x128xf32, #tpu.memory_space<vmem_shared>>)
        tpu.yield
      }) : () -> ()
      %add3A_140 = arith.constant 2 : i32
      %add3A_141 = arith.addi %mul3A_100, %add3A_140 : i32
      %lt3A_142 = arith.constant 40 : i32
      %lt3A_143 = arith.cmpi slt, %add3A_141, %lt3A_142 : i32
      %convert_element_type3A_144 = arith.extui %lt3A_143 : i1 to i32
      %cond3A_145 = arith.constant 0 : i32
      %cond3A_146 = arith.cmpi ne, %convert_element_type3A_144, %cond3A_145 : i32
      scf.if %cond3A_146 {
        %add3A_169 = arith.constant 2 : i32
        %add3A_170 = arith.addi %mul3A_100, %add3A_169 : i32
        %dma_start3A_171 = arith.constant 0 : i32
        %dma_start3A_172 = arith.constant 0 : i32
        %dma_start3A_173 = tpu.memref_slice %arg8[%dma_start3A_171, %dma_start3A_172] : memref<125x128xf32, #tpu.memory_space<vmem>> -> memref<64x128xf32, #tpu.memory_space<vmem>>
        %dma_start3A_174 = arith.constant 0 : i32
        %dma_start3A_175 = tpu.memref_slice %arg6[%add3A_170, %dma_start3A_174] : memref<40x125xi32, #tpu.memory_space<vmem>> -> memref<1x64xi32, #tpu.memory_space<vmem>>
        %dma_start3A_176 = tpu.memref_squeeze %dma_start3A_175 : memref<1x64xi32, #tpu.memory_space<vmem>> -> memref<64xi32, #tpu.memory_space<vmem>>
        %dma_start3A_177 = arith.constant 0 : i32
        %dma_start3A_178 = arith.constant 0 : i32
        %dma_start3A_179 = tpu.memref_slice %arg2[%dma_start3A_177, %dma_start3A_178] : memref<10000x128xf32, #tpu.memory_space<hbm>> -> memref<10000x128xf32, #tpu.memory_space<hbm>>
        tpu.enqueue_indirect_dma source(%dma_start3A_179 : memref<10000x128xf32, #tpu.memory_space<hbm>>) target(%dma_start3A_173 : memref<64x128xf32, #tpu.memory_space<vmem>>) offsets(%dma_start3A_176 : memref<64xi32, #tpu.memory_space<vmem>>) semaphore(%arg10 : memref<!tpu.dma_semaphore, #tpu.memory_space<semaphore_mem>>)
        %dma_start3A_180 = arith.constant 64 : i32
        %dma_start3A_181 = arith.constant 0 : i32
        %dma_start3A_182 = tpu.memref_slice %arg8[%dma_start3A_180, %dma_start3A_181] : memref<125x128xf32, #tpu.memory_space<vmem>> -> memref<61x128xf32, #tpu.memory_space<vmem>>
        %dma_start3A_183 = arith.constant 64 : i32
        %dma_start3A_184 = tpu.memref_slice %arg6[%add3A_170, %dma_start3A_183] : memref<40x125xi32, #tpu.memory_space<vmem>> -> memref<1x61xi32, #tpu.memory_space<vmem>>
        %dma_start3A_185 = tpu.memref_squeeze %dma_start3A_184 : memref<1x61xi32, #tpu.memory_space<vmem>> -> memref<61xi32, #tpu.memory_space<vmem>>
        %dma_start3A_186 = arith.constant 0 : i32
        %dma_start3A_187 = arith.constant 0 : i32
        %dma_start3A_188 = tpu.memref_slice %arg2[%dma_start3A_186, %dma_start3A_187] : memref<10000x128xf32, #tpu.memory_space<hbm>> -> memref<10000x128xf32, #tpu.memory_space<hbm>>
        tpu.enqueue_indirect_dma source(%dma_start3A_188 : memref<10000x128xf32, #tpu.memory_space<hbm>>) target(%dma_start3A_182 : memref<61x128xf32, #tpu.memory_space<vmem>>) offsets(%dma_start3A_185 : memref<61xi32, #tpu.memory_space<vmem>>) semaphore(%arg10 : memref<!tpu.dma_semaphore, #tpu.memory_space<semaphore_mem>>)
      } else {
      }
      %dma_wait3A_147 = arith.constant 0 : i32
      %dma_wait3A_148 = arith.constant 0 : i32
      %dma_wait3A_149 = arith.constant 0 : i32
      %dma_wait3A_150 = tpu.memref_slice %arg9[%dma_wait3A_148, %dma_wait3A_149] : memref<125x128xf32, #tpu.memory_space<vmem>> -> memref<64x128xf32, #tpu.memory_space<vmem>>
      %dma_wait3A_151 = arith.constant 0 : i32
      %dma_wait3A_152 = tpu.memref_slice %arg6[%dma_wait3A_147, %dma_wait3A_151] : memref<40x125xi32, #tpu.memory_space<vmem>> -> memref<1x64xi32, #tpu.memory_space<vmem>>
      %dma_wait3A_153 = tpu.memref_squeeze %dma_wait3A_152 : memref<1x64xi32, #tpu.memory_space<vmem>> -> memref<64xi32, #tpu.memory_space<vmem>>
      %dma_wait3A_154 = arith.constant 0 : i32
      %dma_wait3A_155 = arith.constant 0 : i32
      %dma_wait3A_156 = tpu.memref_slice %arg2[%dma_wait3A_154, %dma_wait3A_155] : memref<10000x128xf32, #tpu.memory_space<hbm>> -> memref<10000x128xf32, #tpu.memory_space<hbm>>
      tpu.wait_indirect_dma semaphore(%arg11 : memref<!tpu.dma_semaphore, #tpu.memory_space<semaphore_mem>>) src(%dma_wait3A_156 : memref<10000x128xf32, #tpu.memory_space<hbm>>) dst(%dma_wait3A_150 : memref<64x128xf32, #tpu.memory_space<vmem>>)
      %dma_wait3A_157 = arith.constant 0 : i32
      %dma_wait3A_158 = arith.constant 64 : i32
      %dma_wait3A_159 = arith.constant 0 : i32
      %dma_wait3A_160 = tpu.memref_slice %arg9[%dma_wait3A_158, %dma_wait3A_159] : memref<125x128xf32, #tpu.memory_space<vmem>> -> memref<61x128xf32, #tpu.memory_space<vmem>>
      %dma_wait3A_161 = arith.constant 64 : i32
      %dma_wait3A_162 = tpu.memref_slice %arg6[%dma_wait3A_157, %dma_wait3A_161] : memref<40x125xi32, #tpu.memory_space<vmem>> -> memref<1x61xi32, #tpu.memory_space<vmem>>
      %dma_wait3A_163 = tpu.memref_squeeze %dma_wait3A_162 : memref<1x61xi32, #tpu.memory_space<vmem>> -> memref<61xi32, #tpu.memory_space<vmem>>
      %dma_wait3A_164 = arith.constant 0 : i32
      %dma_wait3A_165 = arith.constant 0 : i32
      %dma_wait3A_166 = tpu.memref_slice %arg2[%dma_wait3A_164, %dma_wait3A_165] : memref<10000x128xf32, #tpu.memory_space<hbm>> -> memref<10000x128xf32, #tpu.memory_space<hbm>>
      tpu.wait_indirect_dma semaphore(%arg11 : memref<!tpu.dma_semaphore, #tpu.memory_space<semaphore_mem>>) src(%dma_wait3A_166 : memref<10000x128xf32, #tpu.memory_space<hbm>>) dst(%dma_wait3A_160 : memref<61x128xf32, #tpu.memory_space<vmem>>)
      %add3A_167 = arith.constant 1 : i32
      %add3A_168 = arith.addi %mul3A_100, %add3A_167 : i32
      "tpu.region"() ({
        %run_scoped3A = tpu.sem_alloc : memref<!tpu.dma_semaphore, #tpu.memory_space<semaphore_mem>>
        %dma_start3A_169 = arith.constant 0 : i32
        %dma_start3A_170 = tpu.memref_slice %arg7[%add3A_168, %dma_start3A_169] : memref<40x125xi32, #tpu.memory_space<vmem>> -> memref<1x125xi32, #tpu.memory_space<vmem>>
        %dma_start3A_171 = tpu.memref_squeeze %dma_start3A_170 : memref<1x125xi32, #tpu.memory_space<vmem>> -> memref<125xi32, #tpu.memory_space<vmem>>
        %dma_start3A_172 = arith.constant 0 : i32
        %dma_start3A_173 = arith.constant 0 : i32
        %dma_start3A_174 = tpu.memref_slice %arg12[%dma_start3A_172, %dma_start3A_173] : memref<10000x128xf32, #tpu.memory_space<vmem_shared>> -> memref<10000x128xf32, #tpu.memory_space<vmem_shared>>
        tpu.enqueue_indirect_dma source(%arg9 : memref<125x128xf32, #tpu.memory_space<vmem>>) target(%dma_start3A_174 : memref<10000x128xf32, #tpu.memory_space<vmem_shared>>) offsets(%dma_start3A_171 : memref<125xi32, #tpu.memory_space<vmem>>) semaphore(%run_scoped3A : memref<!tpu.dma_semaphore, #tpu.memory_space<semaphore_mem>>) {add = true}
        %dma_wait3A_175 = arith.constant 0 : i32
        %dma_wait3A_176 = tpu.memref_slice %arg7[%add3A_168, %dma_wait3A_175] : memref<40x125xi32, #tpu.memory_space<vmem>> -> memref<1x125xi32, #tpu.memory_space<vmem>>
        %dma_wait3A_177 = tpu.memref_squeeze %dma_wait3A_176 : memref<1x125xi32, #tpu.memory_space<vmem>> -> memref<125xi32, #tpu.memory_space<vmem>>
        %dma_wait3A_178 = arith.constant 0 : i32
        %dma_wait3A_179 = arith.constant 0 : i32
        %dma_wait3A_180 = tpu.memref_slice %arg12[%dma_wait3A_178, %dma_wait3A_179] : memref<10000x128xf32, #tpu.memory_space<vmem_shared>> -> memref<10000x128xf32, #tpu.memory_space<vmem_shared>>
        tpu.wait_indirect_dma semaphore(%run_scoped3A : memref<!tpu.dma_semaphore, #tpu.memory_space<semaphore_mem>>) src(%arg9 : memref<125x128xf32, #tpu.memory_space<vmem>>) dst(%dma_wait3A_180 : memref<10000x128xf32, #tpu.memory_space<vmem_shared>>)
        tpu.yield
      }) : () -> ()
    }
    %scan3A_86 = arith.constant 20 : i32
    %barrier3A_87 = arith.constant 0 : index
    tpu.barrier barrier_id(%barrier3A_87)
    %lt3A_88 = arith.constant 15 : i32
    %lt3A_89 = arith.cmpi slt, %arg1, %lt3A_88 : i32
    %convert_element_type3A_90 = arith.extui %lt3A_89 : i1 to i32
    %cond3A_91 = arith.constant 0 : i32
    %cond3A_92 = arith.cmpi ne, %convert_element_type3A_90, %cond3A_91 : i32
    scf.if %cond3A_92 {
      "tpu.region"() ({
        %run_scoped3A = tpu.sem_alloc : memref<!tpu.dma_semaphore, #tpu.memory_space<semaphore_mem>>
        %dma_start3A_98 = arith.constant 0 : i32
        %dma_start3A_99 = tpu.memref_slice %arg5[%arg0, %mul3A_2, %dma_start3A_98] : memref<2x10000x128xf32, #tpu.memory_space<hbm>> -> memref<1x624x128xf32, #tpu.memory_space<hbm>>
        %dma_start3A_100 = tpu.memref_squeeze %dma_start3A_99 : memref<1x624x128xf32, #tpu.memory_space<hbm>> -> memref<624x128xf32, #tpu.memory_space<hbm>>
        %dma_start3A_101 = arith.constant 0 : i32
        %dma_start3A_102 = tpu.memref_slice %arg12[%mul3A_2, %dma_start3A_101] : memref<10000x128xf32, #tpu.memory_space<vmem_shared>> -> memref<624x128xf32, #tpu.memory_space<vmem_shared>>
        tpu.enqueue_dma source(%dma_start3A_102 : memref<624x128xf32, #tpu.memory_space<vmem_shared>>) target(%dma_start3A_100 : memref<624x128xf32, #tpu.memory_space<hbm>>) target_semaphore(%run_scoped3A : memref<!tpu.dma_semaphore, #tpu.memory_space<semaphore_mem>>)
        %dma_wait3A = arith.constant 0 : i32
        %dma_wait3A_103 = tpu.memref_slice %arg5[%arg0, %mul3A_2, %dma_wait3A] : memref<2x10000x128xf32, #tpu.memory_space<hbm>> -> memref<1x624x128xf32, #tpu.memory_space<hbm>>
        %dma_wait3A_104 = tpu.memref_squeeze %dma_wait3A_103 : memref<1x624x128xf32, #tpu.memory_space<hbm>> -> memref<624x128xf32, #tpu.memory_space<hbm>>
        %dma_wait3A_105 = arith.constant 0 : i32
        %dma_wait3A_106 = tpu.memref_slice %arg12[%mul3A_2, %dma_wait3A_105] : memref<10000x128xf32, #tpu.memory_space<vmem_shared>> -> memref<624x128xf32, #tpu.memory_space<vmem_shared>>
        tpu.wait_dma2 semaphore(%run_scoped3A : memref<!tpu.dma_semaphore, #tpu.memory_space<semaphore_mem>>) src(%dma_wait3A_106 : memref<624x128xf32, #tpu.memory_space<vmem_shared>>) dst(%dma_wait3A_104 : memref<624x128xf32, #tpu.memory_space<hbm>>)
        tpu.yield
      }) : () -> ()
    } else {
    }
    %eq3A_93 = arith.constant 15 : i32
    %eq3A_94 = arith.cmpi eq, %arg1, %eq3A_93 : i32
    %convert_element_type3A_95 = arith.extui %eq3A_94 : i1 to i32
    %cond3A_96 = arith.constant 0 : i32
    %cond3A_97 = arith.cmpi ne, %convert_element_type3A_95, %cond3A_96 : i32
    scf.if %cond3A_97 {
      "tpu.region"() ({
        %run_scoped3A = tpu.sem_alloc : memref<!tpu.dma_semaphore, #tpu.memory_space<semaphore_mem>>
        %dma_start3A_98 = arith.constant 0 : i32
        %dma_start3A_99 = tpu.memref_slice %arg5[%arg0, %mul3A_2, %dma_start3A_98] : memref<2x10000x128xf32, #tpu.memory_space<hbm>> -> memref<1x640x128xf32, #tpu.memory_space<hbm>>
        %dma_start3A_100 = tpu.memref_squeeze %dma_start3A_99 : memref<1x640x128xf32, #tpu.memory_space<hbm>> -> memref<640x128xf32, #tpu.memory_space<hbm>>
        %dma_start3A_101 = arith.constant 0 : i32
        %dma_start3A_102 = tpu.memref_slice %arg12[%mul3A_2, %dma_start3A_101] : memref<10000x128xf32, #tpu.memory_space<vmem_shared>> -> memref<640x128xf32, #tpu.memory_space<vmem_shared>>
        tpu.enqueue_dma source(%dma_start3A_102 : memref<640x128xf32, #tpu.memory_space<vmem_shared>>) target(%dma_start3A_100 : memref<640x128xf32, #tpu.memory_space<hbm>>) target_semaphore(%run_scoped3A : memref<!tpu.dma_semaphore, #tpu.memory_space<semaphore_mem>>)
        %dma_wait3A = arith.constant 0 : i32
        %dma_wait3A_103 = tpu.memref_slice %arg5[%arg0, %mul3A_2, %dma_wait3A] : memref<2x10000x128xf32, #tpu.memory_space<hbm>> -> memref<1x640x128xf32, #tpu.memory_space<hbm>>
        %dma_wait3A_104 = tpu.memref_squeeze %dma_wait3A_103 : memref<1x640x128xf32, #tpu.memory_space<hbm>> -> memref<640x128xf32, #tpu.memory_space<hbm>>
        %dma_wait3A_105 = arith.constant 0 : i32
        %dma_wait3A_106 = tpu.memref_slice %arg12[%mul3A_2, %dma_wait3A_105] : memref<10000x128xf32, #tpu.memory_space<vmem_shared>> -> memref<640x128xf32, #tpu.memory_space<vmem_shared>>
        tpu.wait_dma2 semaphore(%run_scoped3A : memref<!tpu.dma_semaphore, #tpu.memory_space<semaphore_mem>>) src(%dma_wait3A_106 : memref<640x128xf32, #tpu.memory_space<vmem_shared>>) dst(%dma_wait3A_104 : memref<640x128xf32, #tpu.memory_space<hbm>>)
        tpu.yield
      }) : () -> ()
    } else {
    }
    return
  }
}

</mosaic_0001>

<sc_bundles>
// kernel: kernel.12.cloned.1.call-start
scs
__scs_entry_jumppad:
0x0: {  	(pc) =	sbr.rel $0x88, $3  }
0x1: {  	(tag) =	ssettag $0x0;
	lr =	simm.s32 $0x1  }
0x2: {  	[smem:$0x3F94] =	sst lr;
	_ =	strace $0xD0000000  }
0x3: {  	_ = 	snop  }
0x4: {  	_ = 	snop  }
0x5: {  	_ = 	snop  }
0x6: {  	_ = 	snop  }
0x7: {  	_ = 	snop  }
__scs_overlays_trampoline_lowered:
0x8: {  	[smem:$0x3FA3] =	sst s0  }
0x9: {  	[smem:$0x3FA4] =	sst s1  }
0xa: {  	[smem:$0x3FA5] =	sst s2  }
0xb: {  	[smem:$0x3FA6] =	sst s3  }
0xc: {  	[smem:$0x3FA7] =	sst s4  }
0xd: {  	[smem:$0x3FA8] =	sst s5  }
0xe: {  	[smem:$0x3FA9] =	sst s6  }
0xf: {  	[smem:$0x3FAA] =	sst s7  }
0x10: {  	[smem:$0x3FAB] =	sst s8  }
0x11: {  	[smem:$0x3FAC] =	sst s9;
	s0 =	simm.s32 @!p0 $0x0  }
0x12: {  	s1 =	sld [smem:$0x3F92];
	s0 =	simm.s32 @p0 $0x1  }
0x13: {  	[smem:$0x3FAD] =	sst s0;
	s0 =	simm.s32 @!p1 $0x0  }
0x14: {  	s2 =	sld [smem:$0x3F91];
	s0 =	simm.s32 @p1 $0x1  }
0x15: {  	[smem:$0x3FAE] =	sst s0;
	s0 =	simm.s32 @!p2 $0x0  }
0x16: {  	s3 =	sld [smem:$0x3FDB];
	s0 =	simm.s32 @p2 $0x1  }
0x17: {  	s4 =	simm.s32 $0x1BF5;
	[smem:$0x3FB0] =	sst s0  }
0x18: {  	s0 =	sld [smem:$0x3F93];
	_ =	swait.ge [sflag:s4], $0x0  }
0x19: {  	s7 =	sld [smem:$0x3F94]  }
0x1a: {  	s8 =	sadd.s32 $0xFFFFE003, lr  }
0x1b: {  	s9 =	sadd.s32 $0xFFFFFEF7, lr;
	s5 =	simm.s32 $0xFFFFFFFF;
	p2 =	slt.u32 s8, $0xFFFFF086  }
0x1c: {  	p1 =	slt.u32 s9, $0xF7A;
	s5 =	simm.s32 @!p2 $0x0  }
0x1d: {  	s5 =	simm.s32 @p1 $0x1;
	p0 =	seq.s32 s7, s2  }
0x1e: {  	s7 =	smul.u32 @!p0 $0xF7A, s2;
	p2 =	seq.s32 @!p0 s5, $0x0  }
0x1f: {  	s9 =	smul.u32 $0xF7A, s1;
	s8 =	simm.s32 @!p0 $0x1BF5;
	p2 =	por !p2, p0  }
0x20: {  	[sflag:s8] =	ssyncset.s32 @!p0 $0xFFFFF086;
	s6 =	sadd.s32 @!p0 s3, s7;
	s7 =	simm.s32 @!p0 $0x108  }
0x21: {  	s3 =	sadd.s32 s3, s9;
	s6 =	sadd.s32 @!p0 $0x88, s6;
	s7 =	simm.s32 @p2 $0x1082  }
0x22: {  	[simem:s7], [sflag:s8] =	dma.local @!p0 [hbm:s6], $0xF7A  }
0x23: {  	s9 =	sor.u32 $0xD0000000, s2;
	s6 =	simm.s32 $0x108;
	_ =	swait.ge @!p0 [sflag:s8], $0x0  }
0x24: {  	s3 =	sadd.s32 $0x88, s3;
	s6 =	simm.s32 @!p1 $0x1082;
	[sflag:s4] =	ssyncset.s32 $0xFFFFF086  }
0x25: {  	[simem:s6], [sflag:s4] =	dma.local [hbm:s3], $0xF7A  }
0x26: {  	[smem:$0x3F94] =	sst s1;
	(tag) =	ssettag s2;
	_ =	strace s9  }
0x27: {  	s1 =	sld [smem:$0x3FA4]  }
0x28: {  	s2 =	sld [smem:$0x3FA5]  }
0x29: {  	s4 =	sld [smem:$0x3FA7]  }
0x2a: {  	p0 =	seq.s32 s5, $0x0;
	s5 =	sld [smem:$0x3FA8]  }
0x2b: {  	s6 =	sld [smem:$0x3FA9]  }
0x2c: {  	s7 =	sld [smem:$0x3FAA]  }
0x2d: {  	s3 =	simm.s32 $0x108;
	s8 =	sld [smem:$0x3FAB]  }
0x2e: {  	s3 =	simm.s32 @!p0 $0x1082;
	s9 =	sld [smem:$0x3FAC]  }
0x2f: {  	lr =	sadd.s32 s0, s3;
	s0 =	sld [smem:$0x3FA3]  }
0x30: {  	s3 =	sld [smem:$0x3FA6]  }
0x31: {  	[smem:$0x3FAF] =	sst s10  }
0x32: {  	s10 =	sld [smem:$0x3FAD];
	_ =	sdelay $0x3  }
0x33: {  	p0 =	seq.s32 s10, $0x1;
	s10 =	sld [smem:$0x3FAF];
	_ =	sdelay $0x3  }
0x34: {  	[smem:$0x3FAF] =	sst s10  }
0x35: {  	s10 =	sld [smem:$0x3FAE];
	_ =	sdelay $0x3  }
0x36: {  	p1 =	seq.s32 s10, $0x1;
	s10 =	sld [smem:$0x3FAF];
	_ =	sdelay $0x3  }
0x37: {  	[smem:$0x3FAF] =	sst s10  }
0x38: {  	s10 =	sld [smem:$0x3FB0]  }
0x39: {  	_ = 	snop;
	(pc) =	sbr.ind lr, $3  }
0x3a: {  	_ = 	snop  }
0x3b: {  	_ = 	snop  }
0x3c: {  	p2 =	seq.s32 s10, $0x1;
	s10 =	sld [smem:$0x3FAF]  }
0x3d: {  	_ =	shalt  }
0x3e: {  	_ =	shalt  }
0x3f: {  	_ =	shalt  }
0x40: {  	_ =	shalt  }
0x41: {  	_ =	shalt  }
0x42: {  	_ =	shalt  }
0x43: {  	_ =	shalt  }
0x44: {  	_ =	shalt  }
0x45: {  	_ =	shalt  }
0x46: {  	_ =	shalt  }
0x47: {  	_ =	shalt  }
0x48: {  	_ =	shalt  }
0x49: {  	_ =	shalt  }
0x4a: {  	_ =	shalt  }
0x4b: {  	_ =	shalt  }
0x4c: {  	_ =	shalt  }
0x4d: {  	_ =	shalt  }
0x4e: {  	_ =	shalt  }
0x4f: {  	_ =	shalt  }
0x50: {  	_ =	shalt  }
0x51: {  	_ =	shalt  }
0x52: {  	_ =	shalt  }
0x53: {  	_ =	shalt  }
0x54: {  	_ =	shalt  }
0x55: {  	_ =	shalt  }
0x56: {  	_ =	shalt  }
0x57: {  	_ =	shalt  }
0x58: {  	_ =	shalt  }
0x59: {  	_ =	shalt  }
0x5a: {  	_ =	shalt  }
0x5b: {  	_ =	shalt  }
0x5c: {  	_ =	shalt  }
0x5d: {  	_ =	shalt  }
0x5e: {  	_ =	shalt  }
0x5f: {  	_ =	shalt  }
0x60: {  	_ =	shalt  }
0x61: {  	_ =	shalt  }
0x62: {  	_ =	shalt  }
0x63: {  	_ =	shalt  }
0x64: {  	_ =	shalt  }
0x65: {  	_ =	shalt  }
0x66: {  	_ =	shalt  }
0x67: {  	_ =	shalt  }
0x68: {  	_ =	shalt  }
0x69: {  	_ =	shalt  }
0x6a: {  	_ =	shalt  }
0x6b: {  	_ =	shalt  }
0x6c: {  	_ =	shalt  }
0x6d: {  	_ =	shalt  }
0x6e: {  	_ =	shalt  }
0x6f: {  	_ =	shalt  }
0x70: {  	_ =	shalt  }
0x71: {  	_ =	shalt  }
0x72: {  	_ =	shalt  }
0x73: {  	_ =	shalt  }
0x74: {  	_ =	shalt  }
0x75: {  	_ =	shalt  }
0x76: {  	_ =	shalt  }
0x77: {  	_ =	shalt  }
0x78: {  	_ =	shalt  }
0x79: {  	_ =	shalt  }
0x7a: {  	_ =	shalt  }
0x7b: {  	_ =	shalt  }
0x7c: {  	_ =	shalt  }
0x7d: {  	_ =	shalt  }
0x7e: {  	_ =	shalt  }
0x7f: {  	_ =	shalt  }
0x80: {  	_ =	shalt  }
0x81: {  	_ =	shalt  }
0x82: {  	_ =	shalt  }
0x83: {  	_ =	shalt  }
0x84: {  	_ =	shalt  }
0x85: {  	_ =	shalt  }
0x86: {  	_ =	shalt  }
0x87: {  	_ =	shalt  }
.Lfunc_end0:
.L_simem_size_0:
called_computation.4_lowered:
.L_overlay_start_0:
0x88: {  	s2 =	sld [smem:$0x3FD9]  }
0x89: {  	s3 =	sld [smem:$0x3FFE];
	_ =	sdelay $0x1  }
0x8a: {  	s1 =	srdreg.scid  }
0x8b: {  	s0 =	sand.u32 $0x1, s1  }
0x8c: {  	s16 =	sshll.u32 s0, $0xA;
	s2 =	sadd.s32 s3, s2  }
0x8d: {  	s2 =	sadd.s32 s2, s16  }
0x8e: {  	[smem:$0x3FBB] =	sst s2  }
0x8f: {  	_ = 	snop  }
0x90: {  	(tm) =	ssettm $0x1  }
0x91: {  	s17 =	sld [smem:$0x3FFB];
	_ =	sdelay $0x3  }
0x92: {  	_ =	strace s17  }
0x93: {  	s2 =	sld [smem:$0x3FFC];
	_ =	sdelay $0x3  }
0x94: {  	_ =	strace s2  }
0x95: {  	s2 =	sld [smem:$0x3FFD];
	_ =	sdelay $0x3  }
0x96: {  	_ =	strace s2  }
0x97: {  	_ =	strace $0x8FFFFFFF  }
0x98: {  	s18 =	sld [smem:$0x3FDB];
	_ =	sdelay $0x1  }
0x99: {  	s19 =	simm.s32 $_scs_section_size  }
0x9a: {  	s4 =	simm.s32 $_size__tile_overlayer_lowered;
	s5 =	simm.s32 $_tile_overlayer_lowered  }
0x9b: {  	s22 =	simm.s32 $0x1BFF;
	s21 =	sshll.u32 s5, $0x1;
	s2 =	sadd.s32 s19, s18  }
0x9c: {  	s6 =	simm.s32 $0x0;
	s20 =	sshll.u32 s4, $0x1;
	s4 =	sadd.s32 s21, s2  }
0x9d: {  	[timem:s6], [sflag:s22] =	dma.local [hbm:s4], s20  }
0x9e: {  	_ =	swait.ge [sflag:s22], s20  }
0x9f: {  	s3 =	ssub.s32 $0x0, s20;
	[sflag:s22] =	ssyncset.done $0x0  }
0xa0: {  	[sflag:s22] =	ssyncadd.s32 s3;
	_ =	sdelay $0x1  }
0xa1: {  	s23 =	simm.s32 $0x1B8B  }
0xa2: {  	_ =	swait.ge [sflag:s23], $0x1  }
0xa3: {  	[sflag:s23] =	ssyncset.done $0x0  }
0xa4: {  	s25 =	simm.s32 $0x1B8E;
	s24 =	sld [smem:$0x3FFE];
	[sflag:s23] =	ssyncadd.s32 $0xFFFFFFFF  }
0xa5: {  	s26 =	simm.s32 $execute0_lowered;
	[smem:$0x3FD2] =	sst s25  }
0xa6: {  	s4 =	sshll.u32 s26, $0x1;
	_ =	strace $0x8000004C;
	[dreg:$0x1] =	wrdreg $0xFFFFFFFF  }
0xa7: {  	s28 =	simm.s32 $_size_execute0_lowered;
	s2 =	sadd.s32 s2, s4;
	[dreg:$0x0] =	wrdreg $0x0  }
0xa8: {  	s4 =	sshll.u32 s28, $0x1;
	[dreg:$0x2] =	wrdreg s2  }
0xa9: {  	[dreg:$0x3] =	wrdreg s4  }
0xaa: {  	[dreg:$0x4] =	wrdreg $0xC0  }
0xab: {  	_ =	task [dreg:s6], $0x5FFFF  }
0xac: {  	[dreg:$0x1] =	wrdreg $0xFFFFFFFF  }
0xad: {  	[dreg:$0x0] =	wrdreg $0x60  }
0xae: {  	[dreg:$0x2] =	wrdreg s24  }
0xaf: {  	[dreg:$0x3] =	wrdreg $0xA8000  }
0xb0: {  	[dreg:$0x4] =	wrdreg $0x9  }
0xb1: {  	_ =	task.clear_ibuf [dreg:s6], $0x5FFFF;
	_ =	strace $0x9000004C  }
0xb2: {  	s29 =	simm.s32 $0x9;
	_ =	strace $0x8000004E  }
0xb3: {  	_ =	swait.ge [sflag:s29], $0x1  }
0xb4: {  	[sflag:s29] =	ssyncadd.s32 $0xFFFFFFFF  }
0xb5: {  	_ =	strace $0x9000004E  }
0xb6: {  	_ =	sfence  }
0xb7: {  	s30 =	sld [smem:$0x0];
	_ =	sdelay $0x2  }
0xb8: {  	s31 =	sshll.u32 s1, $0xD;
	s1 =	sshrl.u32 s1, $0x2  }
0xb9: {  	s3 =	sand.u32 $0x4000, s31;
	s1 =	sadd.s32 s1, s30  }
0xba: {  	s0 =	sor.u32 s3, s0;
	s1 =	sshll.u32 s1, $0x11  }
0xbb: {  	s0 =	sor.u32 s1, s0  }
0xbc: {  	s0 =	sadd.s32 $0x8F2B, s0  }
0xbd: {  	[sflag:s0] =	ssyncadd.remote.s32 $0x1  }
0xbe: {  	_ =	sfence.sel $0xFFFF  }
0xbf: {  	[dreg:$0x0] =	wrdreg $0xFFFFFFFF;
	(pc) =	sbr.abs _section_cstart, $3  }
0xc0: {  	[dreg:$0x1] =	wrdreg $0xFFFFFFFF  }
0xc1: {  	_ =	task.clear_ibuf [dreg:s6], $0x2FFFF;
	_ =	strace $0x9FFFFFFF  }
0xc2: {  	(tm) =	ssettm $0x7FFFFFFF  }
0xc3: {  	_ =	shalt  }
tec
execute0_lowered:
.L_overlay_start_1:
0x0: {  	(tag) =	ssettag $0x1  }
0x1: {  	s0 =	rddreg [dreg:$0x0]  }
0x2: {  	s1 =	rddreg [dreg:$0x1];
	s2 =	srdreg.scid;
	s3 =	simm.s32 $0x0  }
0x3: {  	s11 =	stileid.u32;
	s28 =	simm.s32 $0x1;
	s29 =	simm.s32 $0x7D  }
0x4: {  	s30 =	simm.s32 $0x2;
	s31 =	simm.s32 $0x1380;
	s2 =	sand.u32 $0x1, s2  }
0x5: {  	[smem:$0x7FF] =	sst s3;
	s8 =	sadd.s32 $0xC000, s0;
	s9 =	smul.u32 $0x4E000, s11  }
0x6: {  	s15 =	sadd.s32 $0x1000, s0;
	s25 =	smul.u32 $0x13800, s11;
	s13 =	sadd.s32 $0x137400, s1  }
0x7: {  	p0 =	seq.s32 s11, $0xF;
	s4 =	sshll.u32 s2, $0x4;
	_ =	strace $0x8000004D  }
0x8: {  	s7 =	ssub.s32 $0x2, s2;
	s2 =	smul.u32 $0x138800, s2;
	s5 =	sor.u32 s11, s4  }
0x9: {  	s4 =	sadd.s32 $0x16000, s0;
	s10 =	sshrl.u32 s7, $0x1;
	s20 =	sshrl.u32 s9, $0x2  }
0xa: {  	s6 =	smul.u32 $0x500, s5;
	s18 =	ssub.s32 s7, s10;
	s7 =	sadd.s32 s20, s1  }
0xb: {  	s0 =	sadd.s32 $0x3D200, s0;
	s5 =	smul.u32 $0x2800, s5;
	s21 =	sadd.s32 $0x3C00, s7  }
0xc: {  	s20 =	simm.s32 $0x1400;
	s22 =	sadd.s32 $0x7800, s7;
	[dreg:$0x5] =	wrdreg s21  }
0xd: {  	s23 =	sadd.s32 $0xB400, s7;
	s24 =	sadd.s32 $0xF000, s7;
	[dreg:$0x6] =	wrdreg s22  }
0xe: {  	s26 =	sadd.s32 $0x12C00, s7;
	s18 =	smax.u32 s18, $0x1;
	[dreg:$0x7] =	wrdreg s23  }
0xf: {  	s19 =	sadd.s32 s8, s6;
	s6 =	sadd.s32 s15, s6;
	[dreg:$0x8] =	wrdreg s24  }
0x10: {  	[dreg:$0x9] =	wrdreg s26;
	s5 =	sshrl.u32 s5, $0x3;
	s21 =	simm.s32 $0x40  }
0x11: {  	s22 =	simm.s32 $0x2800;
	s23 =	simm.s32 $0x3D;
	[dreg:$0x3] =	wrdreg s19  }
0x12: {  	s24 =	simm.s32 $0x4800;
	s26 =	simm.s32 $0x8800;
	[dreg:$0x4] =	wrdreg s6  }
0x13: {  	s5 =	sadd.s32 $0x280, s5;
	s6 =	sadd.s32 s25, s2;
	s2 =	sshrl.u32 s2, $0x3  }
0x14: {  	s19 =	simm.s32 $0x3;
	s25 =	simm.s32 $0x6800;
	s14 =	sadd.s32 s8, s5  }
0x15: {  	s6 =	sshrl.u32 s6, $0x3;
	s2 =	sadd.s32 s0, s2;
	s15 =	sadd.s32 s15, s5  }
0x16: {  	s5 =	simm.s32 $0x2780;
	s16 =	sadd.s32 s0, s6;
	s17 =	sadd.s32 $0x24900, s2  }
0x17: {  	v0 =	vimm.f32 $0.0e+00;
	s0 =	simm.s32 $0x13C0;
	s2 =	simm.s32 $0x2700;
	s6 =	simm.s32 $0x0  }
.LBB2_1:
0x18: {  	s8 =	rddreg [dreg:$0x3]  }
0x19: {  	[tilespmem:s3], [sflag:$0x3] =	stream.linear.gather [hbm4b:s8+s3], $0x1400, $0x38;
	[tilespmem:$0x1E080] =	vst v63  }
0x1a: {  	_ =	swait.ge [sflag:s19], $0x1400  }
0x1b: {  	[sflag:s19] =	ssyncset.done $0x0  }
0x1c: {  	s12 =	rddreg [dreg:$0x4];
	[sflag:s19] =	ssyncadd.s32 $0xFFFFEC00  }
0x1d: {  	[tilespmem:s20], [sflag:$0x3] =	stream.linear.gather [hbm4b:s12+s3], $0x1400, $0x38;
	[tilespmem:$0x1E080] =	vst v63  }
0x1e: {  	_ =	swait.ge [sflag:s19], $0x1400  }
0x1f: {  	[sflag:s19] =	ssyncset.done $0x0  }
0x20: {  	[sflag:s19] =	ssyncadd.s32 $0xFFFFEC00  }
0x21: {  	[tilespmem:s22], [sflag:$0x1] =	stream.indirect.gather [hbm4b:s4+s21], $0x80, s3, s21, $0xb8;
	[tilespmem:$0x1E080] =	vst v63  }
0x22: {  	s9 =	simm.s32 $0x200;
	s8 =	simm.s32 $0x0  }
0x23: {  	[tilespmem:s24], [sflag:$0x1] =	stream.indirect.gather [hbm4b:s4+s23], $0x80, s21, s23, $0xb8;
	[tilespmem:$0x1E080] =	vst v63  }
.LBB2_2:
0x24: {  	p1 =	sne.s32 s9, $0xEE00;
	[tilespmem:s8+$0x6870] =	vst v0  }
0x25: {  	[tilespmem:s8+$0x6800] =	vst v0  }
0x26: {  	[tilespmem:s8+$0x6810] =	vst v0  }
.Ltmp0:
0x27: {  	[tilespmem:s8+$0x6820] =	vst v0;
	(pc) =	sbr.rel @p1 .LBB2_2-.Ltmp0, $4  }
0x28: {  	[tilespmem:s8+$0x6830] =	vst v0  }
0x29: {  	[tilespmem:s8+$0x6840] =	vst v0  }
0x2a: {  	[tilespmem:s8+$0x6850] =	vst v0  }
0x2b: {  	[tilespmem:s8+$0x6860] =	vst v0;
	s8 =	sshra.s32 s9, $0x2;
	s9 =	sadd.s32 $0x200, s9  }
0x2c: {  	[tilespmem:s8+$0x6870] =	vst v0  }
0x2d: {  	[tilespmem:s8+$0x6800] =	vst v0  }
0x2e: {  	[tilespmem:s8+$0x6810] =	vst v0  }
0x2f: {  	[tilespmem:s8+$0x6820] =	vst v0  }
0x30: {  	[tilespmem:s8+$0x6830] =	vst v0  }
0x31: {  	[tilespmem:s8+$0x6840] =	vst v0  }
0x32: {  	[tilespmem:s8+$0x6850] =	vst v0  }
0x33: {  	[tilespmem:s8+$0x6860] =	vst v0  }
0x34: {  	[spmem:s7] =	stream.linear.scatter [tilespmem:s25], [sflag:$0x3], $0x3C00, $0x38;
	[tilespmem:$0x1E080] =	vst v63  }
0x35: {  	_ =	swait.ge [sflag:s19], $0x3C00  }
0x36: {  	[sflag:s19] =	ssyncset.done $0x0  }
0x37: {  	s11 =	rddreg [dreg:$0x5];
	[sflag:s19] =	ssyncadd.s32 $0xFFFFC400  }
0x38: {  	[spmem:s11] =	stream.linear.scatter [tilespmem:s25], [sflag:$0x3], $0x3C00, $0x38;
	[tilespmem:$0x1E080] =	vst v63  }
0x39: {  	_ =	swait.ge [sflag:s19], $0x3C00  }
0x3a: {  	[sflag:s19] =	ssyncset.done $0x0  }
0x3b: {  	s12 =	rddreg [dreg:$0x6];
	[sflag:s19] =	ssyncadd.s32 $0xFFFFC400  }
0x3c: {  	[spmem:s12] =	stream.linear.scatter [tilespmem:s25], [sflag:$0x3], $0x3C00, $0x38;
	[tilespmem:$0x1E080] =	vst v63  }
0x3d: {  	_ =	swait.ge [sflag:s19], $0x3C00  }
0x3e: {  	[sflag:s19] =	ssyncset.done $0x0  }
0x3f: {  	s9 =	rddreg [dreg:$0x7];
	[sflag:s19] =	ssyncadd.s32 $0xFFFFC400  }
0x40: {  	[spmem:s9] =	stream.linear.scatter [tilespmem:s25], [sflag:$0x3], $0x3C00, $0x38;
	[tilespmem:$0x1E080] =	vst v63  }
0x41: {  	_ =	swait.ge [sflag:s19], $0x3C00  }
0x42: {  	[sflag:s19] =	ssyncset.done $0x0  }
0x43: {  	s10 =	rddreg [dreg:$0x8];
	[sflag:s19] =	ssyncadd.s32 $0xFFFFC400  }
0x44: {  	[spmem:s10] =	stream.linear.scatter [tilespmem:s25], [sflag:$0x3], $0x3C00, $0x38;
	[tilespmem:$0x1E080] =	vst v63  }
0x45: {  	_ =	swait.ge [sflag:s19], $0x3C00  }
0x46: {  	[sflag:s19] =	ssyncset.done $0x0  }
0x47: {  	s8 =	simm.s32 @p0 $0x6800;
	[sflag:s19] =	ssyncadd.s32 $0xFFFFC400  }
0x48: {  	[spmem:s13] =	stream.linear.scatter @p0 [tilespmem:s8], [sflag:$0x3], $0x1400, $0x38;
	[tilespmem:$0x1E080] =	vst v63  }
0x49: {  	s8 =	simm.s32 @p0 $0x3  }
0x4a: {  	_ =	swait.ge @p0 [sflag:s8], $0x1400  }
0x4b: {  	[sflag:s8] =	ssyncset.done @p0 $0x0  }
0x4c: {  	s9 =	rddreg [dreg:$0x9];
	[sflag:s8] =	ssyncadd.s32 @p0 $0xFFFFEC00;
	s8 =	simm.s32 @!p0 $0x6800  }
0x4d: {  	[spmem:s9] =	stream.linear.scatter @!p0 [tilespmem:s8], [sflag:$0x3], $0xC00, $0x38;
	[tilespmem:$0x1E080] =	vst v63  }
0x4e: {  	s8 =	simm.s32 @!p0 $0x3  }
0x4f: {  	_ =	swait.ge @!p0 [sflag:s8], $0xC00  }
0x50: {  	[sflag:s8] =	ssyncset.done @!p0 $0x0  }
0x51: {  	[sflag:s8] =	ssyncadd.s32 @!p0 $0xFFFFF400  }
0x52: {  	s11 =	simm.s32 $0x80;
	[bflag:$0x0] =	sbarrier.arrive $0xFFFF  }
0x53: {  	[tilespmem:s25], [sflag:$0x2] =	stream.indirect.gather [hbm4b:s4+s21], $0x80, s11, s21, $0xb8;
	[tilespmem:$0x1E080] =	vst v63  }
0x54: {  	s12 =	simm.s32 $0xC0  }
0x55: {  	[tilespmem:s26], [sflag:$0x2] =	stream.indirect.gather [hbm4b:s4+s23], $0x80, s12, s23, $0xb8;
	[tilespmem:$0x1E080] =	vst v63  }
0x56: {  	_ =	swait.ge [sflag:s28], $0x2000  }
0x57: {  	[sflag:s28] =	ssyncset.done $0x0  }
0x58: {  	[sflag:s28] =	ssyncadd.s32 $0xFFFFE000  }
0x59: {  	_ =	swait.ge [sflag:s28], $0x1E80  }
0x5a: {  	[sflag:s28] =	ssyncset.done $0x0  }
0x5b: {  	s9 =	simm.s32 $0x1400;
	[sflag:s28] =	ssyncadd.s32 $0xFFFFE180  }
0x5c: {  	[spmem:s1] =	stream.indirect.scatter.add.f32 [tilespmem:s22], [sflag:$0x3], $0x80, s9, s29, $0xb8;
	[tilespmem:$0x1E080] =	vst v63  }
0x5d: {  	_ =	swait.ge [sflag:s19], $0x3E80  }
0x5e: {  	[sflag:s19] =	ssyncset.done $0x0  }
0x5f: {  	s10 =	simm.s32 $0x100;
	[sflag:s19] =	ssyncadd.s32 $0xFFFFC180  }
0x60: {  	[tilespmem:s22], [sflag:$0x1] =	stream.indirect.gather [hbm4b:s4+s21], $0x80, s10, s21, $0xb8;
	[tilespmem:$0x1E080] =	vst v63  }
0x61: {  	s11 =	simm.s32 $0x140  }
0x62: {  	[tilespmem:s24], [sflag:$0x1] =	stream.indirect.gather [hbm4b:s4+s23], $0x80, s11, s23, $0xb8;
	[tilespmem:$0x1E080] =	vst v63  }
0x63: {  	_ =	swait.ge [sflag:s30], $0x2000  }
0x64: {  	[sflag:s30] =	ssyncset.done $0x0  }
0x65: {  	[sflag:s30] =	ssyncadd.s32 $0xFFFFE000  }
0x66: {  	_ =	swait.ge [sflag:s30], $0x1E80  }
0x67: {  	[sflag:s30] =	ssyncset.done $0x0  }
0x68: {  	s12 =	simm.s32 $0x1480;
	[sflag:s30] =	ssyncadd.s32 $0xFFFFE180  }
0x69: {  	[spmem:s1] =	stream.indirect.scatter.add.f32 [tilespmem:s25], [sflag:$0x3], $0x80, s12, s29, $0xb8;
	[tilespmem:$0x1E080] =	vst v63  }
0x6a: {  	_ =	swait.ge [sflag:s19], $0x3E80  }
0x6b: {  	s8 =	simm.s32 $0x100;
	s9 =	simm.s32 $0x800;
	[sflag:s19] =	ssyncset.done $0x0  }
.LBB2_4:
0x6c: {  	s10 =	sadd.s32 $0x80, s8  }
0x6d: {  	[sflag:s19] =	ssyncadd.s32 $0xFFFFC180;
	s11 =	smov.u32 s9;
	s12 =	sadd.s32 $0x400, s9  }
0x6e: {  	[tilespmem:s25], [sflag:$0x2] =	stream.indirect.gather [hbm4b:s4+s21], $0x80, s10, s21, $0xb8;
	[tilespmem:$0x1E080] =	vst v63  }
0x6f: {  	p1 =	sne.s32 s9, $0x4800;
	s9 =	sadd.s32 $0xC0, s8  }
0x70: {  	[tilespmem:s26], [sflag:$0x2] =	stream.indirect.gather [hbm4b:s4+s23], $0x80, s9, s23, $0xb8;
	[tilespmem:$0x1E080] =	vst v63  }
0x71: {  	_ =	swait.ge [sflag:s28], $0x2000  }
0x72: {  	[sflag:s28] =	ssyncset.done $0x0  }
0x73: {  	[sflag:s28] =	ssyncadd.s32 $0xFFFFE000  }
0x74: {  	_ =	swait.ge [sflag:s28], $0x1E80  }
0x75: {  	[sflag:s28] =	ssyncset.done $0x0  }
0x76: {  	s9 =	sadd.s32 $0x1400, s8;
	[sflag:s28] =	ssyncadd.s32 $0xFFFFE180  }
0x77: {  	[spmem:s1] =	stream.indirect.scatter.add.f32 [tilespmem:s22], [sflag:$0x3], $0x80, s9, s29, $0xb8;
	[tilespmem:$0x1E080] =	vst v63  }
0x78: {  	_ =	swait.ge [sflag:s19], $0x3E80  }
0x79: {  	[sflag:s19] =	ssyncset.done $0x0  }
0x7a: {  	s9 =	sadd.s32 $0x100, s8;
	[sflag:s19] =	ssyncadd.s32 $0xFFFFC180  }
0x7b: {  	[tilespmem:s22], [sflag:$0x1] =	stream.indirect.gather [hbm4b:s4+s21], $0x80, s9, s21, $0xb8;
	[tilespmem:$0x1E080] =	vst v63  }
0x7c: {  	s9 =	sadd.s32 $0x140, s8  }
0x7d: {  	[tilespmem:s24], [sflag:$0x1] =	stream.indirect.gather [hbm4b:s4+s23], $0x80, s9, s23, $0xb8;
	[tilespmem:$0x1E080] =	vst v63  }
0x7e: {  	_ =	swait.ge [sflag:s30], $0x2000  }
0x7f: {  	[sflag:s30] =	ssyncset.done $0x0  }
0x80: {  	[sflag:s30] =	ssyncadd.s32 $0xFFFFE000  }
0x81: {  	_ =	swait.ge [sflag:s30], $0x1E80  }
.Ltmp1:
0x82: {  	[sflag:s30] =	ssyncset.done $0x0;
	(pc) =	sbr.rel @p1 .LBB2_4-.Ltmp1, $4  }
0x83: {  	s8 =	sadd.s32 $0x1480, s8;
	[sflag:s30] =	ssyncadd.s32 $0xFFFFE180  }
0x84: {  	[spmem:s1] =	stream.indirect.scatter.add.f32 [tilespmem:s25], [sflag:$0x3], $0x80, s8, s29, $0xb8;
	[tilespmem:$0x1E080] =	vst v63  }
0x85: {  	_ =	swait.ge [sflag:s19], $0x3E80  }
0x86: {  	s9 =	smov.u32 s12;
	s8 =	sshra.s32 s11, $0x2;
	[sflag:s19] =	ssyncset.done $0x0  }
0x87: {  	s9 =	sadd.s32 $0x80, s8;
	[sflag:s19] =	ssyncadd.s32 $0xFFFFC180  }
0x88: {  	[tilespmem:s25], [sflag:$0x2] =	stream.indirect.gather [hbm4b:s4+s21], $0x80, s9, s21, $0xb8;
	[tilespmem:$0x1E080] =	vst v63  }
0x89: {  	s12 =	sadd.s32 $0xC0, s8  }
0x8a: {  	[tilespmem:s26], [sflag:$0x2] =	stream.indirect.gather [hbm4b:s4+s23], $0x80, s12, s23, $0xb8;
	[tilespmem:$0x1E080] =	vst v63  }
0x8b: {  	_ =	swait.ge [sflag:s28], $0x2000  }
0x8c: {  	[sflag:s28] =	ssyncset.done $0x0  }
0x8d: {  	[sflag:s28] =	ssyncadd.s32 $0xFFFFE000  }
0x8e: {  	_ =	swait.ge [sflag:s28], $0x1E80  }
0x8f: {  	[sflag:s28] =	ssyncset.done $0x0  }
0x90: {  	s10 =	sadd.s32 $0x1400, s8;
	[sflag:s28] =	ssyncadd.s32 $0xFFFFE180  }
0x91: {  	[spmem:s1] =	stream.indirect.scatter.add.f32 [tilespmem:s22], [sflag:$0x3], $0x80, s10, s29, $0xb8;
	[tilespmem:$0x1E080] =	vst v63  }
0x92: {  	_ =	swait.ge [sflag:s19], $0x3E80  }
0x93: {  	[sflag:s19] =	ssyncset.done $0x0  }
0x94: {  	s11 =	sadd.s32 $0x100, s8;
	[sflag:s19] =	ssyncadd.s32 $0xFFFFC180  }
0x95: {  	[tilespmem:s22], [sflag:$0x1] =	stream.indirect.gather [hbm4b:s4+s21], $0x80, s11, s21, $0xb8;
	[tilespmem:$0x1E080] =	vst v63  }
0x96: {  	s12 =	sadd.s32 $0x140, s8  }
0x97: {  	[tilespmem:s24], [sflag:$0x1] =	stream.indirect.gather [hbm4b:s4+s23], $0x80, s12, s23, $0xb8;
	[tilespmem:$0x1E080] =	vst v63  }
0x98: {  	_ =	swait.ge [sflag:s30], $0x2000  }
0x99: {  	[sflag:s30] =	ssyncset.done $0x0  }
0x9a: {  	[sflag:s30] =	ssyncadd.s32 $0xFFFFE000  }
0x9b: {  	_ =	swait.ge [sflag:s30], $0x1E80  }
0x9c: {  	[sflag:s30] =	ssyncset.done $0x0  }
0x9d: {  	s9 =	sadd.s32 $0x1480, s8;
	[sflag:s30] =	ssyncadd.s32 $0xFFFFE180  }
0x9e: {  	[spmem:s1] =	stream.indirect.scatter.add.f32 [tilespmem:s25], [sflag:$0x3], $0x80, s9, s29, $0xb8;
	[tilespmem:$0x1E080] =	vst v63  }
0x9f: {  	_ =	swait.ge [sflag:s19], $0x3E80  }
0xa0: {  	[sflag:s19] =	ssyncset.done $0x0  }
0xa1: {  	[sflag:s19] =	ssyncadd.s32 $0xFFFFC180  }
0xa2: {  	[tilespmem:s25], [sflag:$0x2] =	stream.indirect.gather [hbm4b:s4+s21], $0x80, s31, s21, $0xb8;
	[tilespmem:$0x1E080] =	vst v63  }
0xa3: {  	_ = 	snop  }
0xa4: {  	[tilespmem:s26], [sflag:$0x2] =	stream.indirect.gather [hbm4b:s4+s23], $0x80, s0, s23, $0xb8;
	[tilespmem:$0x1E080] =	vst v63  }
0xa5: {  	_ =	swait.ge [sflag:s28], $0x2000  }
0xa6: {  	[sflag:s28] =	ssyncset.done $0x0  }
0xa7: {  	[sflag:s28] =	ssyncadd.s32 $0xFFFFE000  }
0xa8: {  	_ =	swait.ge [sflag:s28], $0x1E80  }
0xa9: {  	[sflag:s28] =	ssyncset.done $0x0  }
0xaa: {  	[sflag:s28] =	ssyncadd.s32 $0xFFFFE180  }
0xab: {  	[spmem:s1] =	stream.indirect.scatter.add.f32 [tilespmem:s22], [sflag:$0x3], $0x80, s2, s29, $0xb8;
	[tilespmem:$0x1E080] =	vst v63  }
0xac: {  	_ =	swait.ge [sflag:s19], $0x3E80  }
0xad: {  	[sflag:s19] =	ssyncset.done $0x0  }
0xae: {  	[sflag:s19] =	ssyncadd.s32 $0xFFFFC180  }
0xaf: {  	_ =	swait.ge [sflag:s30], $0x2000  }
0xb0: {  	[sflag:s30] =	ssyncset.done $0x0  }
0xb1: {  	[sflag:s30] =	ssyncadd.s32 $0xFFFFE000  }
0xb2: {  	_ =	swait.ge [sflag:s30], $0x1E80  }
0xb3: {  	[sflag:s30] =	ssyncset.done $0x0  }
0xb4: {  	[sflag:s30] =	ssyncadd.s32 $0xFFFFE180  }
0xb5: {  	[spmem:s1] =	stream.indirect.scatter.add.f32 [tilespmem:s25], [sflag:$0x3], $0x80, s5, s29, $0xb8;
	[tilespmem:$0x1E080] =	vst v63  }
0xb6: {  	_ =	swait.ge [sflag:s19], $0x3E80  }
0xb7: {  	[sflag:s19] =	ssyncset.done $0x0  }
0xb8: {  	s10 =	simm.s32 $0x0;
	[sflag:s19] =	ssyncadd.s32 $0xFFFFC180  }
0xb9: {  	[tilespmem:s10], [sflag:$0x3] =	stream.linear.gather [hbm4b:s14+s10], $0x1400, $0x38;
	[tilespmem:$0x1E080] =	vst v63  }
0xba: {  	_ =	swait.ge [sflag:s19], $0x1400  }
0xbb: {  	[sflag:s19] =	ssyncset.done $0x0  }
0xbc: {  	[sflag:s19] =	ssyncadd.s32 $0xFFFFEC00  }
0xbd: {  	[tilespmem:s20], [sflag:$0x3] =	stream.linear.gather [hbm4b:s15+s10], $0x1400, $0x38;
	[tilespmem:$0x1E080] =	vst v63  }
0xbe: {  	_ =	swait.ge [sflag:s19], $0x1400  }
0xbf: {  	[sflag:s19] =	ssyncset.done $0x0  }
0xc0: {  	[sflag:s19] =	ssyncadd.s32 $0xFFFFEC00  }
0xc1: {  	[tilespmem:s22], [sflag:$0x1] =	stream.indirect.gather [hbm4b:s4+s21], $0x80, s10, s21, $0xb8;
	[tilespmem:$0x1E080] =	vst v63  }
0xc2: {  	_ = 	snop  }
0xc3: {  	[tilespmem:s24], [sflag:$0x1] =	stream.indirect.gather [hbm4b:s4+s23], $0x80, s21, s23, $0xb8;
	[tilespmem:$0x1E080] =	vst v63  }
0xc4: {  	s11 =	simm.s32 $0x80  }
0xc5: {  	[tilespmem:s25], [sflag:$0x2] =	stream.indirect.gather [hbm4b:s4+s21], $0x80, s11, s21, $0xb8;
	[tilespmem:$0x1E080] =	vst v63  }
0xc6: {  	s12 =	simm.s32 $0xC0  }
0xc7: {  	[tilespmem:s26], [sflag:$0x2] =	stream.indirect.gather [hbm4b:s4+s23], $0x80, s12, s23, $0xb8;
	[tilespmem:$0x1E080] =	vst v63  }
0xc8: {  	_ =	swait.ge [sflag:s28], $0x2000  }
0xc9: {  	[sflag:s28] =	ssyncset.done $0x0  }
0xca: {  	[sflag:s28] =	ssyncadd.s32 $0xFFFFE000  }
0xcb: {  	_ =	swait.ge [sflag:s28], $0x1E80  }
0xcc: {  	[sflag:s28] =	ssyncset.done $0x0  }
0xcd: {  	s9 =	simm.s32 $0x1400;
	[sflag:s28] =	ssyncadd.s32 $0xFFFFE180  }
0xce: {  	[spmem:s1] =	stream.indirect.scatter.add.f32 [tilespmem:s22], [sflag:$0x3], $0x80, s9, s29, $0xb8;
	[tilespmem:$0x1E080] =	vst v63  }
0xcf: {  	_ =	swait.ge [sflag:s19], $0x3E80  }
0xd0: {  	[sflag:s19] =	ssyncset.done $0x0  }
0xd1: {  	s10 =	simm.s32 $0x100;
	[sflag:s19] =	ssyncadd.s32 $0xFFFFC180  }
0xd2: {  	[tilespmem:s22], [sflag:$0x1] =	stream.indirect.gather [hbm4b:s4+s21], $0x80, s10, s21, $0xb8;
	[tilespmem:$0x1E080] =	vst v63  }
0xd3: {  	s11 =	simm.s32 $0x140  }
0xd4: {  	[tilespmem:s24], [sflag:$0x1] =	stream.indirect.gather [hbm4b:s4+s23], $0x80, s11, s23, $0xb8;
	[tilespmem:$0x1E080] =	vst v63  }
0xd5: {  	_ =	swait.ge [sflag:s30], $0x2000  }
0xd6: {  	[sflag:s30] =	ssyncset.done $0x0  }
0xd7: {  	[sflag:s30] =	ssyncadd.s32 $0xFFFFE000  }
0xd8: {  	_ =	swait.ge [sflag:s30], $0x1E80  }
0xd9: {  	[sflag:s30] =	ssyncset.done $0x0  }
0xda: {  	s12 =	simm.s32 $0x1480;
	[sflag:s30] =	ssyncadd.s32 $0xFFFFE180  }
0xdb: {  	[spmem:s1] =	stream.indirect.scatter.add.f32 [tilespmem:s25], [sflag:$0x3], $0x80, s12, s29, $0xb8;
	[tilespmem:$0x1E080] =	vst v63  }
0xdc: {  	_ =	swait.ge [sflag:s19], $0x3E80  }
0xdd: {  	s8 =	simm.s32 $0x100;
	s9 =	simm.s32 $0x800;
	[sflag:s19] =	ssyncset.done $0x0  }
.LBB2_6:
0xde: {  	s10 =	sadd.s32 $0x80, s8  }
0xdf: {  	[sflag:s19] =	ssyncadd.s32 $0xFFFFC180;
	s11 =	smov.u32 s9;
	s12 =	sadd.s32 $0x400, s9  }
0xe0: {  	[tilespmem:s25], [sflag:$0x2] =	stream.indirect.gather [hbm4b:s4+s21], $0x80, s10, s21, $0xb8;
	[tilespmem:$0x1E080] =	vst v63  }
0xe1: {  	p1 =	sne.s32 s9, $0x4800;
	s9 =	sadd.s32 $0xC0, s8  }
0xe2: {  	[tilespmem:s26], [sflag:$0x2] =	stream.indirect.gather [hbm4b:s4+s23], $0x80, s9, s23, $0xb8;
	[tilespmem:$0x1E080] =	vst v63  }
0xe3: {  	_ =	swait.ge [sflag:s28], $0x2000  }
0xe4: {  	[sflag:s28] =	ssyncset.done $0x0  }
0xe5: {  	[sflag:s28] =	ssyncadd.s32 $0xFFFFE000  }
0xe6: {  	_ =	swait.ge [sflag:s28], $0x1E80  }
0xe7: {  	[sflag:s28] =	ssyncset.done $0x0  }
0xe8: {  	s9 =	sadd.s32 $0x1400, s8;
	[sflag:s28] =	ssyncadd.s32 $0xFFFFE180  }
0xe9: {  	[spmem:s1] =	stream.indirect.scatter.add.f32 [tilespmem:s22], [sflag:$0x3], $0x80, s9, s29, $0xb8;
	[tilespmem:$0x1E080] =	vst v63  }
0xea: {  	_ =	swait.ge [sflag:s19], $0x3E80  }
0xeb: {  	[sflag:s19] =	ssyncset.done $0x0  }
0xec: {  	s9 =	sadd.s32 $0x100, s8;
	[sflag:s19] =	ssyncadd.s32 $0xFFFFC180  }
0xed: {  	[tilespmem:s22], [sflag:$0x1] =	stream.indirect.gather [hbm4b:s4+s21], $0x80, s9, s21, $0xb8;
	[tilespmem:$0x1E080] =	vst v63  }
0xee: {  	s9 =	sadd.s32 $0x140, s8  }
0xef: {  	[tilespmem:s24], [sflag:$0x1] =	stream.indirect.gather [hbm4b:s4+s23], $0x80, s9, s23, $0xb8;
	[tilespmem:$0x1E080] =	vst v63  }
0xf0: {  	_ =	swait.ge [sflag:s30], $0x2000  }
0xf1: {  	[sflag:s30] =	ssyncset.done $0x0  }
0xf2: {  	[sflag:s30] =	ssyncadd.s32 $0xFFFFE000  }
0xf3: {  	_ =	swait.ge [sflag:s30], $0x1E80  }
.Ltmp2:
0xf4: {  	[sflag:s30] =	ssyncset.done $0x0;
	(pc) =	sbr.rel @p1 .LBB2_6-.Ltmp2, $4  }
0xf5: {  	s8 =	sadd.s32 $0x1480, s8;
	[sflag:s30] =	ssyncadd.s32 $0xFFFFE180  }
0xf6: {  	[spmem:s1] =	stream.indirect.scatter.add.f32 [tilespmem:s25], [sflag:$0x3], $0x80, s8, s29, $0xb8;
	[tilespmem:$0x1E080] =	vst v63  }
0xf7: {  	_ =	swait.ge [sflag:s19], $0x3E80  }
0xf8: {  	s9 =	smov.u32 s12;
	s8 =	sshra.s32 s11, $0x2;
	[sflag:s19] =	ssyncset.done $0x0  }
0xf9: {  	s9 =	sadd.s32 $0x80, s8;
	[sflag:s19] =	ssyncadd.s32 $0xFFFFC180  }
0xfa: {  	[tilespmem:s25], [sflag:$0x2] =	stream.indirect.gather [hbm4b:s4+s21], $0x80, s9, s21, $0xb8;
	[tilespmem:$0x1E080] =	vst v63  }
0xfb: {  	s11 =	sadd.s32 $0xC0, s8  }
0xfc: {  	[tilespmem:s26], [sflag:$0x2] =	stream.indirect.gather [hbm4b:s4+s23], $0x80, s11, s23, $0xb8;
	[tilespmem:$0x1E080] =	vst v63  }
0xfd: {  	_ =	swait.ge [sflag:s28], $0x2000  }
0xfe: {  	[sflag:s28] =	ssyncset.done $0x0  }
0xff: {  	[sflag:s28] =	ssyncadd.s32 $0xFFFFE000  }
0x100: {  	_ =	swait.ge [sflag:s28], $0x1E80  }
0x101: {  	[sflag:s28] =	ssyncset.done $0x0  }
0x102: {  	s12 =	sadd.s32 $0x1400, s8;
	[sflag:s28] =	ssyncadd.s32 $0xFFFFE180  }
0x103: {  	[spmem:s1] =	stream.indirect.scatter.add.f32 [tilespmem:s22], [sflag:$0x3], $0x80, s12, s29, $0xb8;
	[tilespmem:$0x1E080] =	vst v63  }
0x104: {  	_ =	swait.ge [sflag:s19], $0x3E80  }
0x105: {  	[sflag:s19] =	ssyncset.done $0x0  }
0x106: {  	s10 =	sadd.s32 $0x100, s8;
	[sflag:s19] =	ssyncadd.s32 $0xFFFFC180  }
0x107: {  	[tilespmem:s22], [sflag:$0x1] =	stream.indirect.gather [hbm4b:s4+s21], $0x80, s10, s21, $0xb8;
	[tilespmem:$0x1E080] =	vst v63  }
0x108: {  	s11 =	sadd.s32 $0x140, s8  }
0x109: {  	[tilespmem:s24], [sflag:$0x1] =	stream.indirect.gather [hbm4b:s4+s23], $0x80, s11, s23, $0xb8;
	[tilespmem:$0x1E080] =	vst v63  }
0x10a: {  	_ =	swait.ge [sflag:s30], $0x2000  }
0x10b: {  	[sflag:s30] =	ssyncset.done $0x0  }
0x10c: {  	[sflag:s30] =	ssyncadd.s32 $0xFFFFE000  }
0x10d: {  	_ =	swait.ge [sflag:s30], $0x1E80  }
0x10e: {  	[sflag:s30] =	ssyncset.done $0x0  }
0x10f: {  	s12 =	sadd.s32 $0x1480, s8;
	[sflag:s30] =	ssyncadd.s32 $0xFFFFE180  }
0x110: {  	[spmem:s1] =	stream.indirect.scatter.add.f32 [tilespmem:s25], [sflag:$0x3], $0x80, s12, s29, $0xb8;
	[tilespmem:$0x1E080] =	vst v63  }
0x111: {  	_ =	swait.ge [sflag:s19], $0x3E80  }
0x112: {  	[sflag:s19] =	ssyncset.done $0x0  }
0x113: {  	[sflag:s19] =	ssyncadd.s32 $0xFFFFC180  }
0x114: {  	[tilespmem:s25], [sflag:$0x2] =	stream.indirect.gather [hbm4b:s4+s21], $0x80, s31, s21, $0xb8;
	[tilespmem:$0x1E080] =	vst v63  }
0x115: {  	_ = 	snop  }
0x116: {  	[tilespmem:s26], [sflag:$0x2] =	stream.indirect.gather [hbm4b:s4+s23], $0x80, s0, s23, $0xb8;
	[tilespmem:$0x1E080] =	vst v63  }
0x117: {  	_ =	swait.ge [sflag:s28], $0x2000  }
0x118: {  	[sflag:s28] =	ssyncset.done $0x0  }
0x119: {  	[sflag:s28] =	ssyncadd.s32 $0xFFFFE000  }
0x11a: {  	_ =	swait.ge [sflag:s28], $0x1E80  }
0x11b: {  	[sflag:s28] =	ssyncset.done $0x0  }
0x11c: {  	[sflag:s28] =	ssyncadd.s32 $0xFFFFE180  }
0x11d: {  	[spmem:s1] =	stream.indirect.scatter.add.f32 [tilespmem:s22], [sflag:$0x3], $0x80, s2, s29, $0xb8;
	[tilespmem:$0x1E080] =	vst v63  }
0x11e: {  	_ =	swait.ge [sflag:s19], $0x3E80  }
0x11f: {  	[sflag:s19] =	ssyncset.done $0x0  }
0x120: {  	[sflag:s19] =	ssyncadd.s32 $0xFFFFC180  }
0x121: {  	_ =	swait.ge [sflag:s30], $0x2000  }
0x122: {  	[sflag:s30] =	ssyncset.done $0x0  }
0x123: {  	[sflag:s30] =	ssyncadd.s32 $0xFFFFE000  }
0x124: {  	_ =	swait.ge [sflag:s30], $0x1E80  }
0x125: {  	[sflag:s30] =	ssyncset.done $0x0  }
0x126: {  	[sflag:s30] =	ssyncadd.s32 $0xFFFFE180  }
0x127: {  	[spmem:s1] =	stream.indirect.scatter.add.f32 [tilespmem:s25], [sflag:$0x3], $0x80, s5, s29, $0xb8;
	[tilespmem:$0x1E080] =	vst v63  }
0x128: {  	_ =	swait.ge [sflag:s19], $0x3E80  }
0x129: {  	[sflag:s19] =	ssyncset.done $0x0  }
0x12a: {  	[sflag:s19] =	ssyncadd.s32 $0xFFFFC180  }
0x12b: {  	s9 =	simm.s32 @p0 $0x1FC3;
	s8 =	sshrl.u32 @p0 s7, $0x3;
	[bflag:$0x0] =	sbarrier.arrive $0xFFFF  }
0x12c: {  	[hbm:s17], [sflag:s9] =	dma.local @p0 [spmem:s8], $0x2800  }
0x12d: {  	s8 =	simm.s32 @p0 $0x3  }
0x12e: {  	s6 =	sadd.s32 $0x1, s6;
	s9 =	stileid.u32;
	_ =	swait.ge @p0 [sflag:s8], $0x2800  }
0x12f: {  	p1 =	sne.s32 s6, s18;
	s9 =	sshll.u32 @!p0 s9, $0x6;
	[sflag:s8] =	ssyncset.done @p0 $0x0  }
0x130: {  	[sflag:s8] =	ssyncadd.s32 @p0 $0xFFFFD800;
	s8 =	sor.u32 @!p0 $0x1C03, s9;
	s9 =	sshrl.u32 @!p0 s7, $0x3  }
0x131: {  	[hbm:s16], [sflag:s8] =	dma.local @!p0 [spmem:s9], $0x2700  }
.Ltmp3:
0x132: {  	_ = 	snop;
	(pc) =	sbr.rel @p1 .LBB2_1-.Ltmp3, $4  }
0x133: {  	s8 =	simm.s32 @!p0 $0x3  }
0x134: {  	_ =	swait.ge @!p0 [sflag:s8], $0x2700  }
0x135: {  	[sflag:s8] =	ssyncset.done @!p0 $0x0  }
0x136: {  	[sflag:s8] =	ssyncadd.s32 @!p0 $0xFFFFD900  }
0x137: {  	_ =	sfence.sel $0x180000  }
0x138: {  	[bflag:$0x0] =	sbarrier.arrive $0xFFFF  }
0x139: {  	_ =	strace $0x9000004D  }
0x13a: {  	s0 =	stileid.u32;
	[bflag:$0x2] =	sbarrier.arrive $0xFFFF  }
0x13b: {  	p0 =	sne.s32 s0, $0x0;
	s0 =	rddreg [dreg:$0x2]  }
0x13c: {  	s0 =	sadd.s32 @!p0 $0x100000, s0  }
0x13d: {  	[sflag:s0] =	ssyncadd.tile.s32 @!p0 $0x1;
	_ =	shalt  }
.Lfunc_end2:
_tile_overlayer_lowered:
.L_overlay_start_2:
0x13e: {  	(tag) =	ssettag $0x2  }
0x13f: {  	s0 =	rddreg [dreg:$0x0];
	s2 =	stileid.u32  }
0x140: {  	s1 =	rddreg [dreg:$0x1];
	p0 =	sne.s32 s2, $0x0  }
0x141: {  	s3 =	rddreg [dreg:$0x2];
	[bflag:$0x3] =	sbarrier.arrive $0xFFFF;
	s2 =	simm.s32 @!p0 $0x1C03  }
0x142: {  	[timem:s3], [sflag:s2] =	dma.local @!p0 [hbm:s0], s1  }
0x143: {  	s0 =	simm.s32 @!p0 $0x3  }
0x144: {  	_ =	swait.ge @!p0 [sflag:s0], s1  }
0x145: {  	s1 =	ssub.s32 @!p0 $0x0, s1;
	[sflag:s0] =	ssyncset.done @!p0 $0x0  }
0x146: {  	[sflag:s0] =	ssyncadd.s32 @!p0 s1  }
0x147: {  	[bflag:$0x3] =	sbarrier.arrive $0xFFFF  }
0x148: {  	_ =	shalt  }

// kernel: kernel.15.cloned.1.call-start
scs
__scs_entry_jumppad:
0x0: {  	(pc) =	sbr.rel $0x88, $3  }
0x1: {  	(tag) =	ssettag $0x0;
	lr =	simm.s32 $0x1  }
0x2: {  	[smem:$0x3F94] =	sst lr;
	_ =	strace $0xD0000000  }
0x3: {  	_ = 	snop  }
0x4: {  	_ = 	snop  }
0x5: {  	_ = 	snop  }
0x6: {  	_ = 	snop  }
0x7: {  	_ = 	snop  }
__scs_overlays_trampoline_lowered:
0x8: {  	[smem:$0x3FA3] =	sst s0  }
0x9: {  	[smem:$0x3FA4] =	sst s1  }
0xa: {  	[smem:$0x3FA5] =	sst s2  }
0xb: {  	[smem:$0x3FA6] =	sst s3  }
0xc: {  	[smem:$0x3FA7] =	sst s4  }
0xd: {  	[smem:$0x3FA8] =	sst s5  }
0xe: {  	[smem:$0x3FA9] =	sst s6  }
0xf: {  	[smem:$0x3FAA] =	sst s7  }
0x10: {  	[smem:$0x3FAB] =	sst s8  }
0x11: {  	[smem:$0x3FAC] =	sst s9;
	s0 =	simm.s32 @!p0 $0x0  }
0x12: {  	s1 =	sld [smem:$0x3F92];
	s0 =	simm.s32 @p0 $0x1  }
0x13: {  	[smem:$0x3FAD] =	sst s0;
	s0 =	simm.s32 @!p1 $0x0  }
0x14: {  	s2 =	sld [smem:$0x3F91];
	s0 =	simm.s32 @p1 $0x1  }
0x15: {  	[smem:$0x3FAE] =	sst s0;
	s0 =	simm.s32 @!p2 $0x0  }
0x16: {  	s3 =	sld [smem:$0x3FDB];
	s0 =	simm.s32 @p2 $0x1  }
0x17: {  	s4 =	simm.s32 $0x1BF5;
	[smem:$0x3FB0] =	sst s0  }
0x18: {  	s0 =	sld [smem:$0x3F93];
	_ =	swait.ge [sflag:s4], $0x0  }
0x19: {  	s7 =	sld [smem:$0x3F94]  }
0x1a: {  	s8 =	sadd.s32 $0xFFFFE003, lr  }
0x1b: {  	s9 =	sadd.s32 $0xFFFFFEF7, lr;
	s5 =	simm.s32 $0xFFFFFFFF;
	p2 =	slt.u32 s8, $0xFFFFF086  }
0x1c: {  	p1 =	slt.u32 s9, $0xF7A;
	s5 =	simm.s32 @!p2 $0x0  }
0x1d: {  	s5 =	simm.s32 @p1 $0x1;
	p0 =	seq.s32 s7, s2  }
0x1e: {  	s7 =	smul.u32 @!p0 $0xF7A, s2;
	p2 =	seq.s32 @!p0 s5, $0x0  }
0x1f: {  	s9 =	smul.u32 $0xF7A, s1;
	s8 =	simm.s32 @!p0 $0x1BF5;
	p2 =	por !p2, p0  }
0x20: {  	[sflag:s8] =	ssyncset.s32 @!p0 $0xFFFFF086;
	s6 =	sadd.s32 @!p0 s3, s7;
	s7 =	simm.s32 @!p0 $0x108  }
0x21: {  	s3 =	sadd.s32 s3, s9;
	s6 =	sadd.s32 @!p0 $0x88, s6;
	s7 =	simm.s32 @p2 $0x1082  }
0x22: {  	[simem:s7], [sflag:s8] =	dma.local @!p0 [hbm:s6], $0xF7A  }
0x23: {  	s9 =	sor.u32 $0xD0000000, s2;
	s6 =	simm.s32 $0x108;
	_ =	swait.ge @!p0 [sflag:s8], $0x0  }
0x24: {  	s3 =	sadd.s32 $0x88, s3;
	s6 =	simm.s32 @!p1 $0x1082;
	[sflag:s4] =	ssyncset.s32 $0xFFFFF086  }
0x25: {  	[simem:s6], [sflag:s4] =	dma.local [hbm:s3], $0xF7A  }
0x26: {  	[smem:$0x3F94] =	sst s1;
	(tag) =	ssettag s2;
	_ =	strace s9  }
0x27: {  	s1 =	sld [smem:$0x3FA4]  }
0x28: {  	s2 =	sld [smem:$0x3FA5]  }
0x29: {  	s4 =	sld [smem:$0x3FA7]  }
0x2a: {  	p0 =	seq.s32 s5, $0x0;
	s5 =	sld [smem:$0x3FA8]  }
0x2b: {  	s6 =	sld [smem:$0x3FA9]  }
0x2c: {  	s7 =	sld [smem:$0x3FAA]  }
0x2d: {  	s3 =	simm.s32 $0x108;
	s8 =	sld [smem:$0x3FAB]  }
0x2e: {  	s3 =	simm.s32 @!p0 $0x1082;
	s9 =	sld [smem:$0x3FAC]  }
0x2f: {  	lr =	sadd.s32 s0, s3;
	s0 =	sld [smem:$0x3FA3]  }
0x30: {  	s3 =	sld [smem:$0x3FA6]  }
0x31: {  	[smem:$0x3FAF] =	sst s10  }
0x32: {  	s10 =	sld [smem:$0x3FAD];
	_ =	sdelay $0x3  }
0x33: {  	p0 =	seq.s32 s10, $0x1;
	s10 =	sld [smem:$0x3FAF];
	_ =	sdelay $0x3  }
0x34: {  	[smem:$0x3FAF] =	sst s10  }
0x35: {  	s10 =	sld [smem:$0x3FAE];
	_ =	sdelay $0x3  }
0x36: {  	p1 =	seq.s32 s10, $0x1;
	s10 =	sld [smem:$0x3FAF];
	_ =	sdelay $0x3  }
0x37: {  	[smem:$0x3FAF] =	sst s10  }
0x38: {  	s10 =	sld [smem:$0x3FB0]  }
0x39: {  	_ = 	snop;
	(pc) =	sbr.ind lr, $3  }
0x3a: {  	_ = 	snop  }
0x3b: {  	_ = 	snop  }
0x3c: {  	p2 =	seq.s32 s10, $0x1;
	s10 =	sld [smem:$0x3FAF]  }
0x3d: {  	_ =	shalt  }
0x3e: {  	_ =	shalt  }
0x3f: {  	_ =	shalt  }
0x40: {  	_ =	shalt  }
0x41: {  	_ =	shalt  }
0x42: {  	_ =	shalt  }
0x43: {  	_ =	shalt  }
0x44: {  	_ =	shalt  }
0x45: {  	_ =	shalt  }
0x46: {  	_ =	shalt  }
0x47: {  	_ =	shalt  }
0x48: {  	_ =	shalt  }
0x49: {  	_ =	shalt  }
0x4a: {  	_ =	shalt  }
0x4b: {  	_ =	shalt  }
0x4c: {  	_ =	shalt  }
0x4d: {  	_ =	shalt  }
0x4e: {  	_ =	shalt  }
0x4f: {  	_ =	shalt  }
0x50: {  	_ =	shalt  }
0x51: {  	_ =	shalt  }
0x52: {  	_ =	shalt  }
0x53: {  	_ =	shalt  }
0x54: {  	_ =	shalt  }
0x55: {  	_ =	shalt  }
0x56: {  	_ =	shalt  }
0x57: {  	_ =	shalt  }
0x58: {  	_ =	shalt  }
0x59: {  	_ =	shalt  }
0x5a: {  	_ =	shalt  }
0x5b: {  	_ =	shalt  }
0x5c: {  	_ =	shalt  }
0x5d: {  	_ =	shalt  }
0x5e: {  	_ =	shalt  }
0x5f: {  	_ =	shalt  }
0x60: {  	_ =	shalt  }
0x61: {  	_ =	shalt  }
0x62: {  	_ =	shalt  }
0x63: {  	_ =	shalt  }
0x64: {  	_ =	shalt  }
0x65: {  	_ =	shalt  }
0x66: {  	_ =	shalt  }
0x67: {  	_ =	shalt  }
0x68: {  	_ =	shalt  }
0x69: {  	_ =	shalt  }
0x6a: {  	_ =	shalt  }
0x6b: {  	_ =	shalt  }
0x6c: {  	_ =	shalt  }
0x6d: {  	_ =	shalt  }
0x6e: {  	_ =	shalt  }
0x6f: {  	_ =	shalt  }
0x70: {  	_ =	shalt  }
0x71: {  	_ =	shalt  }
0x72: {  	_ =	shalt  }
0x73: {  	_ =	shalt  }
0x74: {  	_ =	shalt  }
0x75: {  	_ =	shalt  }
0x76: {  	_ =	shalt  }
0x77: {  	_ =	shalt  }
0x78: {  	_ =	shalt  }
0x79: {  	_ =	shalt  }
0x7a: {  	_ =	shalt  }
0x7b: {  	_ =	shalt  }
0x7c: {  	_ =	shalt  }
0x7d: {  	_ =	shalt  }
0x7e: {  	_ =	shalt  }
0x7f: {  	_ =	shalt  }
0x80: {  	_ =	shalt  }
0x81: {  	_ =	shalt  }
0x82: {  	_ =	shalt  }
0x83: {  	_ =	shalt  }
0x84: {  	_ =	shalt  }
0x85: {  	_ =	shalt  }
0x86: {  	_ =	shalt  }
0x87: {  	_ =	shalt  }
.Lfunc_end0:
.L_simem_size_0:
called_computation.5_lowered:
.L_overlay_start_0:
0x88: {  	s2 =	sld [smem:$0x3FD9]  }
0x89: {  	s3 =	sld [smem:$0x3FFE];
	_ =	sdelay $0x1  }
0x8a: {  	s1 =	srdreg.scid  }
0x8b: {  	s0 =	sand.u32 $0x1, s1  }
0x8c: {  	s16 =	sshll.u32 s0, $0xA;
	s2 =	sadd.s32 s3, s2  }
0x8d: {  	s2 =	sadd.s32 s2, s16  }
0x8e: {  	[smem:$0x3FBB] =	sst s2  }
0x8f: {  	_ = 	snop  }
0x90: {  	(tm) =	ssettm $0x1  }
0x91: {  	s17 =	sld [smem:$0x3FFB];
	_ =	sdelay $0x3  }
0x92: {  	_ =	strace s17  }
0x93: {  	s2 =	sld [smem:$0x3FFC];
	_ =	sdelay $0x3  }
0x94: {  	_ =	strace s2  }
0x95: {  	s2 =	sld [smem:$0x3FFD];
	_ =	sdelay $0x3  }
0x96: {  	_ =	strace s2  }
0x97: {  	_ =	strace $0x8FFFFFFF  }
0x98: {  	s18 =	sld [smem:$0x3FDB];
	_ =	sdelay $0x1  }
0x99: {  	s19 =	simm.s32 $_scs_section_size  }
0x9a: {  	s4 =	simm.s32 $_size__tile_overlayer_lowered;
	s5 =	simm.s32 $_tile_overlayer_lowered  }
0x9b: {  	s22 =	simm.s32 $0x1BFF;
	s21 =	sshll.u32 s5, $0x1;
	s2 =	sadd.s32 s19, s18  }
0x9c: {  	s6 =	simm.s32 $0x0;
	s20 =	sshll.u32 s4, $0x1;
	s4 =	sadd.s32 s21, s2  }
0x9d: {  	[timem:s6], [sflag:s22] =	dma.local [hbm:s4], s20  }
0x9e: {  	_ =	swait.ge [sflag:s22], s20  }
0x9f: {  	s3 =	ssub.s32 $0x0, s20;
	[sflag:s22] =	ssyncset.done $0x0  }
0xa0: {  	[sflag:s22] =	ssyncadd.s32 s3;
	_ =	sdelay $0x1  }
0xa1: {  	s23 =	simm.s32 $0x1B8B  }
0xa2: {  	_ =	swait.ge [sflag:s23], $0x1  }
0xa3: {  	[sflag:s23] =	ssyncset.done $0x0  }
0xa4: {  	s25 =	simm.s32 $0x1B8E;
	s24 =	sld [smem:$0x3FFE];
	[sflag:s23] =	ssyncadd.s32 $0xFFFFFFFF  }
0xa5: {  	s26 =	simm.s32 $execute0_lowered;
	[smem:$0x3FD2] =	sst s25  }
0xa6: {  	s4 =	sshll.u32 s26, $0x1;
	_ =	strace $0x8000004F;
	[dreg:$0x1] =	wrdreg $0xFFFFFFFF  }
0xa7: {  	s28 =	simm.s32 $_size_execute0_lowered;
	s2 =	sadd.s32 s2, s4;
	[dreg:$0x0] =	wrdreg $0x0  }
0xa8: {  	s4 =	sshll.u32 s28, $0x1;
	[dreg:$0x2] =	wrdreg s2  }
0xa9: {  	[dreg:$0x3] =	wrdreg s4  }
0xaa: {  	[dreg:$0x4] =	wrdreg $0xC0  }
0xab: {  	_ =	task [dreg:s6], $0x5FFFF  }
0xac: {  	[dreg:$0x1] =	wrdreg $0xFFFFFFFF  }
0xad: {  	[dreg:$0x0] =	wrdreg $0x60  }
0xae: {  	[dreg:$0x2] =	wrdreg s24  }
0xaf: {  	[dreg:$0x3] =	wrdreg $0xA8000  }
0xb0: {  	[dreg:$0x4] =	wrdreg $0x9  }
0xb1: {  	_ =	task.clear_ibuf [dreg:s6], $0x5FFFF;
	_ =	strace $0x9000004F  }
0xb2: {  	s29 =	simm.s32 $0x9;
	_ =	strace $0x80000051  }
0xb3: {  	_ =	swait.ge [sflag:s29], $0x1  }
0xb4: {  	[sflag:s29] =	ssyncadd.s32 $0xFFFFFFFF  }
0xb5: {  	_ =	strace $0x90000051  }
0xb6: {  	_ =	sfence  }
0xb7: {  	s30 =	sld [smem:$0x0];
	_ =	sdelay $0x2  }
0xb8: {  	s31 =	sshll.u32 s1, $0xD;
	s1 =	sshrl.u32 s1, $0x2  }
0xb9: {  	s3 =	sand.u32 $0x4000, s31;
	s1 =	sadd.s32 s1, s30  }
0xba: {  	s0 =	sor.u32 s3, s0;
	s1 =	sshll.u32 s1, $0x11  }
0xbb: {  	s0 =	sor.u32 s1, s0  }
0xbc: {  	s0 =	sadd.s32 $0x8F2B, s0  }
0xbd: {  	[sflag:s0] =	ssyncadd.remote.s32 $0x1  }
0xbe: {  	_ =	sfence.sel $0xFFFF  }
0xbf: {  	[dreg:$0x0] =	wrdreg $0xFFFFFFFF;
	(pc) =	sbr.abs _section_cstart, $3  }
0xc0: {  	[dreg:$0x1] =	wrdreg $0xFFFFFFFF  }
0xc1: {  	_ =	task.clear_ibuf [dreg:s6], $0x2FFFF;
	_ =	strace $0x9FFFFFFF  }
0xc2: {  	(tm) =	ssettm $0x7FFFFFFF  }
0xc3: {  	_ =	shalt  }
tec
execute0_lowered:
.L_overlay_start_1:
0x0: {  	(tag) =	ssettag $0x1  }
0x1: {  	s0 =	rddreg [dreg:$0x0]  }
0x2: {  	s1 =	rddreg [dreg:$0x1];
	s2 =	srdreg.scid;
	s3 =	simm.s32 $0x0  }
0x3: {  	s11 =	stileid.u32;
	s28 =	simm.s32 $0x1;
	s29 =	simm.s32 $0x7D  }
0x4: {  	s30 =	simm.s32 $0x2;
	s31 =	simm.s32 $0x1380;
	s2 =	sand.u32 $0x1, s2  }
0x5: {  	[smem:$0x7FF] =	sst s3;
	s8 =	sadd.s32 $0xC000, s0;
	s9 =	smul.u32 $0x4E000, s11  }
0x6: {  	s15 =	sadd.s32 $0x1000, s0;
	s25 =	smul.u32 $0x13800, s11;
	s13 =	sadd.s32 $0x137400, s1  }
0x7: {  	p0 =	seq.s32 s11, $0xF;
	s4 =	sshll.u32 s2, $0x4;
	_ =	strace $0x80000050  }
0x8: {  	s7 =	ssub.s32 $0x2, s2;
	s2 =	smul.u32 $0x138800, s2;
	s5 =	sor.u32 s11, s4  }
0x9: {  	s4 =	sadd.s32 $0x16000, s0;
	s10 =	sshrl.u32 s7, $0x1;
	s20 =	sshrl.u32 s9, $0x2  }
0xa: {  	s6 =	smul.u32 $0x500, s5;
	s18 =	ssub.s32 s7, s10;
	s7 =	sadd.s32 s20, s1  }
0xb: {  	s0 =	sadd.s32 $0x3D200, s0;
	s5 =	smul.u32 $0x2800, s5;
	s21 =	sadd.s32 $0x3C00, s7  }
0xc: {  	s20 =	simm.s32 $0x1400;
	s22 =	sadd.s32 $0x7800, s7;
	[dreg:$0x5] =	wrdreg s21  }
0xd: {  	s23 =	sadd.s32 $0xB400, s7;
	s24 =	sadd.s32 $0xF000, s7;
	[dreg:$0x6] =	wrdreg s22  }
0xe: {  	s26 =	sadd.s32 $0x12C00, s7;
	s18 =	smax.u32 s18, $0x1;
	[dreg:$0x7] =	wrdreg s23  }
0xf: {  	s19 =	sadd.s32 s8, s6;
	s6 =	sadd.s32 s15, s6;
	[dreg:$0x8] =	wrdreg s24  }
0x10: {  	[dreg:$0x9] =	wrdreg s26;
	s5 =	sshrl.u32 s5, $0x3;
	s21 =	simm.s32 $0x40  }
0x11: {  	s22 =	simm.s32 $0x2800;
	s23 =	simm.s32 $0x3D;
	[dreg:$0x3] =	wrdreg s19  }
0x12: {  	s24 =	simm.s32 $0x4800;
	s26 =	simm.s32 $0x8800;
	[dreg:$0x4] =	wrdreg s6  }
0x13: {  	s5 =	sadd.s32 $0x280, s5;
	s6 =	sadd.s32 s25, s2;
	s2 =	sshrl.u32 s2, $0x3  }
0x14: {  	s19 =	simm.s32 $0x3;
	s25 =	simm.s32 $0x6800;
	s14 =	sadd.s32 s8, s5  }
0x15: {  	s6 =	sshrl.u32 s6, $0x3;
	s2 =	sadd.s32 s0, s2;
	s15 =	sadd.s32 s15, s5  }
0x16: {  	s5 =	simm.s32 $0x2780;
	s16 =	sadd.s32 s0, s6;
	s17 =	sadd.s32 $0x24900, s2  }
0x17: {  	v0 =	vimm.f32 $0.0e+00;
	s0 =	simm.s32 $0x13C0;
	s2 =	simm.s32 $0x2700;
	s6 =	simm.s32 $0x0  }
.LBB2_1:
0x18: {  	s8 =	rddreg [dreg:$0x3]  }
0x19: {  	[tilespmem:s3], [sflag:$0x3] =	stream.linear.gather [hbm4b:s8+s3], $0x1400, $0x38;
	[tilespmem:$0x1E080] =	vst v63  }
0x1a: {  	_ =	swait.ge [sflag:s19], $0x1400  }
0x1b: {  	[sflag:s19] =	ssyncset.done $0x0  }
0x1c: {  	s12 =	rddreg [dreg:$0x4];
	[sflag:s19] =	ssyncadd.s32 $0xFFFFEC00  }
0x1d: {  	[tilespmem:s20], [sflag:$0x3] =	stream.linear.gather [hbm4b:s12+s3], $0x1400, $0x38;
	[tilespmem:$0x1E080] =	vst v63  }
0x1e: {  	_ =	swait.ge [sflag:s19], $0x1400  }
0x1f: {  	[sflag:s19] =	ssyncset.done $0x0  }
0x20: {  	[sflag:s19] =	ssyncadd.s32 $0xFFFFEC00  }
0x21: {  	[tilespmem:s22], [sflag:$0x1] =	stream.indirect.gather [hbm4b:s4+s21], $0x80, s3, s21, $0xb8;
	[tilespmem:$0x1E080] =	vst v63  }
0x22: {  	s9 =	simm.s32 $0x200;
	s8 =	simm.s32 $0x0  }
0x23: {  	[tilespmem:s24], [sflag:$0x1] =	stream.indirect.gather [hbm4b:s4+s23], $0x80, s21, s23, $0xb8;
	[tilespmem:$0x1E080] =	vst v63  }
.LBB2_2:
0x24: {  	p1 =	sne.s32 s9, $0xEE00;
	[tilespmem:s8+$0x6870] =	vst v0  }
0x25: {  	[tilespmem:s8+$0x6800] =	vst v0  }
0x26: {  	[tilespmem:s8+$0x6810] =	vst v0  }
.Ltmp0:
0x27: {  	[tilespmem:s8+$0x6820] =	vst v0;
	(pc) =	sbr.rel @p1 .LBB2_2-.Ltmp0, $4  }
0x28: {  	[tilespmem:s8+$0x6830] =	vst v0  }
0x29: {  	[tilespmem:s8+$0x6840] =	vst v0  }
0x2a: {  	[tilespmem:s8+$0x6850] =	vst v0  }
0x2b: {  	[tilespmem:s8+$0x6860] =	vst v0;
	s8 =	sshra.s32 s9, $0x2;
	s9 =	sadd.s32 $0x200, s9  }
0x2c: {  	[tilespmem:s8+$0x6870] =	vst v0  }
0x2d: {  	[tilespmem:s8+$0x6800] =	vst v0  }
0x2e: {  	[tilespmem:s8+$0x6810] =	vst v0  }
0x2f: {  	[tilespmem:s8+$0x6820] =	vst v0  }
0x30: {  	[tilespmem:s8+$0x6830] =	vst v0  }
0x31: {  	[tilespmem:s8+$0x6840] =	vst v0  }
0x32: {  	[tilespmem:s8+$0x6850] =	vst v0  }
0x33: {  	[tilespmem:s8+$0x6860] =	vst v0  }
0x34: {  	[spmem:s7] =	stream.linear.scatter [tilespmem:s25], [sflag:$0x3], $0x3C00, $0x38;
	[tilespmem:$0x1E080] =	vst v63  }
0x35: {  	_ =	swait.ge [sflag:s19], $0x3C00  }
0x36: {  	[sflag:s19] =	ssyncset.done $0x0  }
0x37: {  	s11 =	rddreg [dreg:$0x5];
	[sflag:s19] =	ssyncadd.s32 $0xFFFFC400  }
0x38: {  	[spmem:s11] =	stream.linear.scatter [tilespmem:s25], [sflag:$0x3], $0x3C00, $0x38;
	[tilespmem:$0x1E080] =	vst v63  }
0x39: {  	_ =	swait.ge [sflag:s19], $0x3C00  }
0x3a: {  	[sflag:s19] =	ssyncset.done $0x0  }
0x3b: {  	s12 =	rddreg [dreg:$0x6];
	[sflag:s19] =	ssyncadd.s32 $0xFFFFC400  }
0x3c: {  	[spmem:s12] =	stream.linear.scatter [tilespmem:s25], [sflag:$0x3], $0x3C00, $0x38;
	[tilespmem:$0x1E080] =	vst v63  }
0x3d: {  	_ =	swait.ge [sflag:s19], $0x3C00  }
0x3e: {  	[sflag:s19] =	ssyncset.done $0x0  }
0x3f: {  	s9 =	rddreg [dreg:$0x7];
	[sflag:s19] =	ssyncadd.s32 $0xFFFFC400  }
0x40: {  	[spmem:s9] =	stream.linear.scatter [tilespmem:s25], [sflag:$0x3], $0x3C00, $0x38;
	[tilespmem:$0x1E080] =	vst v63  }
0x41: {  	_ =	swait.ge [sflag:s19], $0x3C00  }
0x42: {  	[sflag:s19] =	ssyncset.done $0x0  }
0x43: {  	s10 =	rddreg [dreg:$0x8];
	[sflag:s19] =	ssyncadd.s32 $0xFFFFC400  }
0x44: {  	[spmem:s10] =	stream.linear.scatter [tilespmem:s25], [sflag:$0x3], $0x3C00, $0x38;
	[tilespmem:$0x1E080] =	vst v63  }
0x45: {  	_ =	swait.ge [sflag:s19], $0x3C00  }
0x46: {  	[sflag:s19] =	ssyncset.done $0x0  }
0x47: {  	s8 =	simm.s32 @p0 $0x6800;
	[sflag:s19] =	ssyncadd.s32 $0xFFFFC400  }
0x48: {  	[spmem:s13] =	stream.linear.scatter @p0 [tilespmem:s8], [sflag:$0x3], $0x1400, $0x38;
	[tilespmem:$0x1E080] =	vst v63  }
0x49: {  	s8 =	simm.s32 @p0 $0x3  }
0x4a: {  	_ =	swait.ge @p0 [sflag:s8], $0x1400  }
0x4b: {  	[sflag:s8] =	ssyncset.done @p0 $0x0  }
0x4c: {  	s9 =	rddreg [dreg:$0x9];
	[sflag:s8] =	ssyncadd.s32 @p0 $0xFFFFEC00;
	s8 =	simm.s32 @!p0 $0x6800  }
0x4d: {  	[spmem:s9] =	stream.linear.scatter @!p0 [tilespmem:s8], [sflag:$0x3], $0xC00, $0x38;
	[tilespmem:$0x1E080] =	vst v63  }
0x4e: {  	s8 =	simm.s32 @!p0 $0x3  }
0x4f: {  	_ =	swait.ge @!p0 [sflag:s8], $0xC00  }
0x50: {  	[sflag:s8] =	ssyncset.done @!p0 $0x0  }
0x51: {  	[sflag:s8] =	ssyncadd.s32 @!p0 $0xFFFFF400  }
0x52: {  	s11 =	simm.s32 $0x80;
	[bflag:$0x0] =	sbarrier.arrive $0xFFFF  }
0x53: {  	[tilespmem:s25], [sflag:$0x2] =	stream.indirect.gather [hbm4b:s4+s21], $0x80, s11, s21, $0xb8;
	[tilespmem:$0x1E080] =	vst v63  }
0x54: {  	s12 =	simm.s32 $0xC0  }
0x55: {  	[tilespmem:s26], [sflag:$0x2] =	stream.indirect.gather [hbm4b:s4+s23], $0x80, s12, s23, $0xb8;
	[tilespmem:$0x1E080] =	vst v63  }
0x56: {  	_ =	swait.ge [sflag:s28], $0x2000  }
0x57: {  	[sflag:s28] =	ssyncset.done $0x0  }
0x58: {  	[sflag:s28] =	ssyncadd.s32 $0xFFFFE000  }
0x59: {  	_ =	swait.ge [sflag:s28], $0x1E80  }
0x5a: {  	[sflag:s28] =	ssyncset.done $0x0  }
0x5b: {  	s9 =	simm.s32 $0x1400;
	[sflag:s28] =	ssyncadd.s32 $0xFFFFE180  }
0x5c: {  	[spmem:s1] =	stream.indirect.scatter.add.f32 [tilespmem:s22], [sflag:$0x3], $0x80, s9, s29, $0xb8;
	[tilespmem:$0x1E080] =	vst v63  }
0x5d: {  	_ =	swait.ge [sflag:s19], $0x3E80  }
0x5e: {  	[sflag:s19] =	ssyncset.done $0x0  }
0x5f: {  	s10 =	simm.s32 $0x100;
	[sflag:s19] =	ssyncadd.s32 $0xFFFFC180  }
0x60: {  	[tilespmem:s22], [sflag:$0x1] =	stream.indirect.gather [hbm4b:s4+s21], $0x80, s10, s21, $0xb8;
	[tilespmem:$0x1E080] =	vst v63  }
0x61: {  	s11 =	simm.s32 $0x140  }
0x62: {  	[tilespmem:s24], [sflag:$0x1] =	stream.indirect.gather [hbm4b:s4+s23], $0x80, s11, s23, $0xb8;
	[tilespmem:$0x1E080] =	vst v63  }
0x63: {  	_ =	swait.ge [sflag:s30], $0x2000  }
0x64: {  	[sflag:s30] =	ssyncset.done $0x0  }
0x65: {  	[sflag:s30] =	ssyncadd.s32 $0xFFFFE000  }
0x66: {  	_ =	swait.ge [sflag:s30], $0x1E80  }
0x67: {  	[sflag:s30] =	ssyncset.done $0x0  }
0x68: {  	s12 =	simm.s32 $0x1480;
	[sflag:s30] =	ssyncadd.s32 $0xFFFFE180  }
0x69: {  	[spmem:s1] =	stream.indirect.scatter.add.f32 [tilespmem:s25], [sflag:$0x3], $0x80, s12, s29, $0xb8;
	[tilespmem:$0x1E080] =	vst v63  }
0x6a: {  	_ =	swait.ge [sflag:s19], $0x3E80  }
0x6b: {  	s8 =	simm.s32 $0x100;
	s9 =	simm.s32 $0x800;
	[sflag:s19] =	ssyncset.done $0x0  }
.LBB2_4:
0x6c: {  	s10 =	sadd.s32 $0x80, s8  }
0x6d: {  	[sflag:s19] =	ssyncadd.s32 $0xFFFFC180;
	s11 =	smov.u32 s9;
	s12 =	sadd.s32 $0x400, s9  }
0x6e: {  	[tilespmem:s25], [sflag:$0x2] =	stream.indirect.gather [hbm4b:s4+s21], $0x80, s10, s21, $0xb8;
	[tilespmem:$0x1E080] =	vst v63  }
0x6f: {  	p1 =	sne.s32 s9, $0x4800;
	s9 =	sadd.s32 $0xC0, s8  }
0x70: {  	[tilespmem:s26], [sflag:$0x2] =	stream.indirect.gather [hbm4b:s4+s23], $0x80, s9, s23, $0xb8;
	[tilespmem:$0x1E080] =	vst v63  }
0x71: {  	_ =	swait.ge [sflag:s28], $0x2000  }
0x72: {  	[sflag:s28] =	ssyncset.done $0x0  }
0x73: {  	[sflag:s28] =	ssyncadd.s32 $0xFFFFE000  }
0x74: {  	_ =	swait.ge [sflag:s28], $0x1E80  }
0x75: {  	[sflag:s28] =	ssyncset.done $0x0  }
0x76: {  	s9 =	sadd.s32 $0x1400, s8;
	[sflag:s28] =	ssyncadd.s32 $0xFFFFE180  }
0x77: {  	[spmem:s1] =	stream.indirect.scatter.add.f32 [tilespmem:s22], [sflag:$0x3], $0x80, s9, s29, $0xb8;
	[tilespmem:$0x1E080] =	vst v63  }
0x78: {  	_ =	swait.ge [sflag:s19], $0x3E80  }
0x79: {  	[sflag:s19] =	ssyncset.done $0x0  }
0x7a: {  	s9 =	sadd.s32 $0x100, s8;
	[sflag:s19] =	ssyncadd.s32 $0xFFFFC180  }
0x7b: {  	[tilespmem:s22], [sflag:$0x1] =	stream.indirect.gather [hbm4b:s4+s21], $0x80, s9, s21, $0xb8;
	[tilespmem:$0x1E080] =	vst v63  }
0x7c: {  	s9 =	sadd.s32 $0x140, s8  }
0x7d: {  	[tilespmem:s24], [sflag:$0x1] =	stream.indirect.gather [hbm4b:s4+s23], $0x80, s9, s23, $0xb8;
	[tilespmem:$0x1E080] =	vst v63  }
0x7e: {  	_ =	swait.ge [sflag:s30], $0x2000  }
0x7f: {  	[sflag:s30] =	ssyncset.done $0x0  }
0x80: {  	[sflag:s30] =	ssyncadd.s32 $0xFFFFE000  }
0x81: {  	_ =	swait.ge [sflag:s30], $0x1E80  }
.Ltmp1:
0x82: {  	[sflag:s30] =	ssyncset.done $0x0;
	(pc) =	sbr.rel @p1 .LBB2_4-.Ltmp1, $4  }
0x83: {  	s8 =	sadd.s32 $0x1480, s8;
	[sflag:s30] =	ssyncadd.s32 $0xFFFFE180  }
0x84: {  	[spmem:s1] =	stream.indirect.scatter.add.f32 [tilespmem:s25], [sflag:$0x3], $0x80, s8, s29, $0xb8;
	[tilespmem:$0x1E080] =	vst v63  }
0x85: {  	_ =	swait.ge [sflag:s19], $0x3E80  }
0x86: {  	s9 =	smov.u32 s12;
	s8 =	sshra.s32 s11, $0x2;
	[sflag:s19] =	ssyncset.done $0x0  }
0x87: {  	s9 =	sadd.s32 $0x80, s8;
	[sflag:s19] =	ssyncadd.s32 $0xFFFFC180  }
0x88: {  	[tilespmem:s25], [sflag:$0x2] =	stream.indirect.gather [hbm4b:s4+s21], $0x80, s9, s21, $0xb8;
	[tilespmem:$0x1E080] =	vst v63  }
0x89: {  	s12 =	sadd.s32 $0xC0, s8  }
0x8a: {  	[tilespmem:s26], [sflag:$0x2] =	stream.indirect.gather [hbm4b:s4+s23], $0x80, s12, s23, $0xb8;
	[tilespmem:$0x1E080] =	vst v63  }
0x8b: {  	_ =	swait.ge [sflag:s28], $0x2000  }
0x8c: {  	[sflag:s28] =	ssyncset.done $0x0  }
0x8d: {  	[sflag:s28] =	ssyncadd.s32 $0xFFFFE000  }
0x8e: {  	_ =	swait.ge [sflag:s28], $0x1E80  }
0x8f: {  	[sflag:s28] =	ssyncset.done $0x0  }
0x90: {  	s10 =	sadd.s32 $0x1400, s8;
	[sflag:s28] =	ssyncadd.s32 $0xFFFFE180  }
0x91: {  	[spmem:s1] =	stream.indirect.scatter.add.f32 [tilespmem:s22], [sflag:$0x3], $0x80, s10, s29, $0xb8;
	[tilespmem:$0x1E080] =	vst v63  }
0x92: {  	_ =	swait.ge [sflag:s19], $0x3E80  }
0x93: {  	[sflag:s19] =	ssyncset.done $0x0  }
0x94: {  	s11 =	sadd.s32 $0x100, s8;
	[sflag:s19] =	ssyncadd.s32 $0xFFFFC180  }
0x95: {  	[tilespmem:s22], [sflag:$0x1] =	stream.indirect.gather [hbm4b:s4+s21], $0x80, s11, s21, $0xb8;
	[tilespmem:$0x1E080] =	vst v63  }
0x96: {  	s12 =	sadd.s32 $0x140, s8  }
0x97: {  	[tilespmem:s24], [sflag:$0x1] =	stream.indirect.gather [hbm4b:s4+s23], $0x80, s12, s23, $0xb8;
	[tilespmem:$0x1E080] =	vst v63  }
0x98: {  	_ =	swait.ge [sflag:s30], $0x2000  }
0x99: {  	[sflag:s30] =	ssyncset.done $0x0  }
0x9a: {  	[sflag:s30] =	ssyncadd.s32 $0xFFFFE000  }
0x9b: {  	_ =	swait.ge [sflag:s30], $0x1E80  }
0x9c: {  	[sflag:s30] =	ssyncset.done $0x0  }
0x9d: {  	s9 =	sadd.s32 $0x1480, s8;
	[sflag:s30] =	ssyncadd.s32 $0xFFFFE180  }
0x9e: {  	[spmem:s1] =	stream.indirect.scatter.add.f32 [tilespmem:s25], [sflag:$0x3], $0x80, s9, s29, $0xb8;
	[tilespmem:$0x1E080] =	vst v63  }
0x9f: {  	_ =	swait.ge [sflag:s19], $0x3E80  }
0xa0: {  	[sflag:s19] =	ssyncset.done $0x0  }
0xa1: {  	[sflag:s19] =	ssyncadd.s32 $0xFFFFC180  }
0xa2: {  	[tilespmem:s25], [sflag:$0x2] =	stream.indirect.gather [hbm4b:s4+s21], $0x80, s31, s21, $0xb8;
	[tilespmem:$0x1E080] =	vst v63  }
0xa3: {  	_ = 	snop  }
0xa4: {  	[tilespmem:s26], [sflag:$0x2] =	stream.indirect.gather [hbm4b:s4+s23], $0x80, s0, s23, $0xb8;
	[tilespmem:$0x1E080] =	vst v63  }
0xa5: {  	_ =	swait.ge [sflag:s28], $0x2000  }
0xa6: {  	[sflag:s28] =	ssyncset.done $0x0  }
0xa7: {  	[sflag:s28] =	ssyncadd.s32 $0xFFFFE000  }
0xa8: {  	_ =	swait.ge [sflag:s28], $0x1E80  }
0xa9: {  	[sflag:s28] =	ssyncset.done $0x0  }
0xaa: {  	[sflag:s28] =	ssyncadd.s32 $0xFFFFE180  }
0xab: {  	[spmem:s1] =	stream.indirect.scatter.add.f32 [tilespmem:s22], [sflag:$0x3], $0x80, s2, s29, $0xb8;
	[tilespmem:$0x1E080] =	vst v63  }
0xac: {  	_ =	swait.ge [sflag:s19], $0x3E80  }
0xad: {  	[sflag:s19] =	ssyncset.done $0x0  }
0xae: {  	[sflag:s19] =	ssyncadd.s32 $0xFFFFC180  }
0xaf: {  	_ =	swait.ge [sflag:s30], $0x2000  }
0xb0: {  	[sflag:s30] =	ssyncset.done $0x0  }
0xb1: {  	[sflag:s30] =	ssyncadd.s32 $0xFFFFE000  }
0xb2: {  	_ =	swait.ge [sflag:s30], $0x1E80  }
0xb3: {  	[sflag:s30] =	ssyncset.done $0x0  }
0xb4: {  	[sflag:s30] =	ssyncadd.s32 $0xFFFFE180  }
0xb5: {  	[spmem:s1] =	stream.indirect.scatter.add.f32 [tilespmem:s25], [sflag:$0x3], $0x80, s5, s29, $0xb8;
	[tilespmem:$0x1E080] =	vst v63  }
0xb6: {  	_ =	swait.ge [sflag:s19], $0x3E80  }
0xb7: {  	[sflag:s19] =	ssyncset.done $0x0  }
0xb8: {  	s10 =	simm.s32 $0x0;
	[sflag:s19] =	ssyncadd.s32 $0xFFFFC180  }
0xb9: {  	[tilespmem:s10], [sflag:$0x3] =	stream.linear.gather [hbm4b:s14+s10], $0x1400, $0x38;
	[tilespmem:$0x1E080] =	vst v63  }
0xba: {  	_ =	swait.ge [sflag:s19], $0x1400  }
0xbb: {  	[sflag:s19] =	ssyncset.done $0x0  }
0xbc: {  	[sflag:s19] =	ssyncadd.s32 $0xFFFFEC00  }
0xbd: {  	[tilespmem:s20], [sflag:$0x3] =	stream.linear.gather [hbm4b:s15+s10], $0x1400, $0x38;
	[tilespmem:$0x1E080] =	vst v63  }
0xbe: {  	_ =	swait.ge [sflag:s19], $0x1400  }
0xbf: {  	[sflag:s19] =	ssyncset.done $0x0  }
0xc0: {  	[sflag:s19] =	ssyncadd.s32 $0xFFFFEC00  }
0xc1: {  	[tilespmem:s22], [sflag:$0x1] =	stream.indirect.gather [hbm4b:s4+s21], $0x80, s10, s21, $0xb8;
	[tilespmem:$0x1E080] =	vst v63  }
0xc2: {  	_ = 	snop  }
0xc3: {  	[tilespmem:s24], [sflag:$0x1] =	stream.indirect.gather [hbm4b:s4+s23], $0x80, s21, s23, $0xb8;
	[tilespmem:$0x1E080] =	vst v63  }
0xc4: {  	s11 =	simm.s32 $0x80  }
0xc5: {  	[tilespmem:s25], [sflag:$0x2] =	stream.indirect.gather [hbm4b:s4+s21], $0x80, s11, s21, $0xb8;
	[tilespmem:$0x1E080] =	vst v63  }
0xc6: {  	s12 =	simm.s32 $0xC0  }
0xc7: {  	[tilespmem:s26], [sflag:$0x2] =	stream.indirect.gather [hbm4b:s4+s23], $0x80, s12, s23, $0xb8;
	[tilespmem:$0x1E080] =	vst v63  }
0xc8: {  	_ =	swait.ge [sflag:s28], $0x2000  }
0xc9: {  	[sflag:s28] =	ssyncset.done $0x0  }
0xca: {  	[sflag:s28] =	ssyncadd.s32 $0xFFFFE000  }
0xcb: {  	_ =	swait.ge [sflag:s28], $0x1E80  }
0xcc: {  	[sflag:s28] =	ssyncset.done $0x0  }
0xcd: {  	s9 =	simm.s32 $0x1400;
	[sflag:s28] =	ssyncadd.s32 $0xFFFFE180  }
0xce: {  	[spmem:s1] =	stream.indirect.scatter.add.f32 [tilespmem:s22], [sflag:$0x3], $0x80, s9, s29, $0xb8;
	[tilespmem:$0x1E080] =	vst v63  }
0xcf: {  	_ =	swait.ge [sflag:s19], $0x3E80  }
0xd0: {  	[sflag:s19] =	ssyncset.done $0x0  }
0xd1: {  	s10 =	simm.s32 $0x100;
	[sflag:s19] =	ssyncadd.s32 $0xFFFFC180  }
0xd2: {  	[tilespmem:s22], [sflag:$0x1] =	stream.indirect.gather [hbm4b:s4+s21], $0x80, s10, s21, $0xb8;
	[tilespmem:$0x1E080] =	vst v63  }
0xd3: {  	s11 =	simm.s32 $0x140  }
0xd4: {  	[tilespmem:s24], [sflag:$0x1] =	stream.indirect.gather [hbm4b:s4+s23], $0x80, s11, s23, $0xb8;
	[tilespmem:$0x1E080] =	vst v63  }
0xd5: {  	_ =	swait.ge [sflag:s30], $0x2000  }
0xd6: {  	[sflag:s30] =	ssyncset.done $0x0  }
0xd7: {  	[sflag:s30] =	ssyncadd.s32 $0xFFFFE000  }
0xd8: {  	_ =	swait.ge [sflag:s30], $0x1E80  }
0xd9: {  	[sflag:s30] =	ssyncset.done $0x0  }
0xda: {  	s12 =	simm.s32 $0x1480;
	[sflag:s30] =	ssyncadd.s32 $0xFFFFE180  }
0xdb: {  	[spmem:s1] =	stream.indirect.scatter.add.f32 [tilespmem:s25], [sflag:$0x3], $0x80, s12, s29, $0xb8;
	[tilespmem:$0x1E080] =	vst v63  }
0xdc: {  	_ =	swait.ge [sflag:s19], $0x3E80  }
0xdd: {  	s8 =	simm.s32 $0x100;
	s9 =	simm.s32 $0x800;
	[sflag:s19] =	ssyncset.done $0x0  }
.LBB2_6:
0xde: {  	s10 =	sadd.s32 $0x80, s8  }
0xdf: {  	[sflag:s19] =	ssyncadd.s32 $0xFFFFC180;
	s11 =	smov.u32 s9;
	s12 =	sadd.s32 $0x400, s9  }
0xe0: {  	[tilespmem:s25], [sflag:$0x2] =	stream.indirect.gather [hbm4b:s4+s21], $0x80, s10, s21, $0xb8;
	[tilespmem:$0x1E080] =	vst v63  }
0xe1: {  	p1 =	sne.s32 s9, $0x4800;
	s9 =	sadd.s32 $0xC0, s8  }
0xe2: {  	[tilespmem:s26], [sflag:$0x2] =	stream.indirect.gather [hbm4b:s4+s23], $0x80, s9, s23, $0xb8;
	[tilespmem:$0x1E080] =	vst v63  }
0xe3: {  	_ =	swait.ge [sflag:s28], $0x2000  }
0xe4: {  	[sflag:s28] =	ssyncset.done $0x0  }
0xe5: {  	[sflag:s28] =	ssyncadd.s32 $0xFFFFE000  }
0xe6: {  	_ =	swait.ge [sflag:s28], $0x1E80  }
0xe7: {  	[sflag:s28] =	ssyncset.done $0x0  }
0xe8: {  	s9 =	sadd.s32 $0x1400, s8;
	[sflag:s28] =	ssyncadd.s32 $0xFFFFE180  }
0xe9: {  	[spmem:s1] =	stream.indirect.scatter.add.f32 [tilespmem:s22], [sflag:$0x3], $0x80, s9, s29, $0xb8;
	[tilespmem:$0x1E080] =	vst v63  }
0xea: {  	_ =	swait.ge [sflag:s19], $0x3E80  }
0xeb: {  	[sflag:s19] =	ssyncset.done $0x0  }
0xec: {  	s9 =	sadd.s32 $0x100, s8;
	[sflag:s19] =	ssyncadd.s32 $0xFFFFC180  }
0xed: {  	[tilespmem:s22], [sflag:$0x1] =	stream.indirect.gather [hbm4b:s4+s21], $0x80, s9, s21, $0xb8;
	[tilespmem:$0x1E080] =	vst v63  }
0xee: {  	s9 =	sadd.s32 $0x140, s8  }
0xef: {  	[tilespmem:s24], [sflag:$0x1] =	stream.indirect.gather [hbm4b:s4+s23], $0x80, s9, s23, $0xb8;
	[tilespmem:$0x1E080] =	vst v63  }
0xf0: {  	_ =	swait.ge [sflag:s30], $0x2000  }
0xf1: {  	[sflag:s30] =	ssyncset.done $0x0  }
0xf2: {  	[sflag:s30] =	ssyncadd.s32 $0xFFFFE000  }
0xf3: {  	_ =	swait.ge [sflag:s30], $0x1E80  }
.Ltmp2:
0xf4: {  	[sflag:s30] =	ssyncset.done $0x0;
	(pc) =	sbr.rel @p1 .LBB2_6-.Ltmp2, $4  }
0xf5: {  	s8 =	sadd.s32 $0x1480, s8;
	[sflag:s30] =	ssyncadd.s32 $0xFFFFE180  }
0xf6: {  	[spmem:s1] =	stream.indirect.scatter.add.f32 [tilespmem:s25], [sflag:$0x3], $0x80, s8, s29, $0xb8;
	[tilespmem:$0x1E080] =	vst v63  }
0xf7: {  	_ =	swait.ge [sflag:s19], $0x3E80  }
0xf8: {  	s9 =	smov.u32 s12;
	s8 =	sshra.s32 s11, $0x2;
	[sflag:s19] =	ssyncset.done $0x0  }
0xf9: {  	s9 =	sadd.s32 $0x80, s8;
	[sflag:s19] =	ssyncadd.s32 $0xFFFFC180  }
0xfa: {  	[tilespmem:s25], [sflag:$0x2] =	stream.indirect.gather [hbm4b:s4+s21], $0x80, s9, s21, $0xb8;
	[tilespmem:$0x1E080] =	vst v63  }
0xfb: {  	s11 =	sadd.s32 $0xC0, s8  }
0xfc: {  	[tilespmem:s26], [sflag:$0x2] =	stream.indirect.gather [hbm4b:s4+s23], $0x80, s11, s23, $0xb8;
	[tilespmem:$0x1E080] =	vst v63  }
0xfd: {  	_ =	swait.ge [sflag:s28], $0x2000  }
0xfe: {  	[sflag:s28] =	ssyncset.done $0x0  }
0xff: {  	[sflag:s28] =	ssyncadd.s32 $0xFFFFE000  }
0x100: {  	_ =	swait.ge [sflag:s28], $0x1E80  }
0x101: {  	[sflag:s28] =	ssyncset.done $0x0  }
0x102: {  	s12 =	sadd.s32 $0x1400, s8;
	[sflag:s28] =	ssyncadd.s32 $0xFFFFE180  }
0x103: {  	[spmem:s1] =	stream.indirect.scatter.add.f32 [tilespmem:s22], [sflag:$0x3], $0x80, s12, s29, $0xb8;
	[tilespmem:$0x1E080] =	vst v63  }
0x104: {  	_ =	swait.ge [sflag:s19], $0x3E80  }
0x105: {  	[sflag:s19] =	ssyncset.done $0x0  }
0x106: {  	s10 =	sadd.s32 $0x100, s8;
	[sflag:s19] =	ssyncadd.s32 $0xFFFFC180  }
0x107: {  	[tilespmem:s22], [sflag:$0x1] =	stream.indirect.gather [hbm4b:s4+s21], $0x80, s10, s21, $0xb8;
	[tilespmem:$0x1E080] =	vst v63  }
0x108: {  	s11 =	sadd.s32 $0x140, s8  }
0x109: {  	[tilespmem:s24], [sflag:$0x1] =	stream.indirect.gather [hbm4b:s4+s23], $0x80, s11, s23, $0xb8;
	[tilespmem:$0x1E080] =	vst v63  }
0x10a: {  	_ =	swait.ge [sflag:s30], $0x2000  }
0x10b: {  	[sflag:s30] =	ssyncset.done $0x0  }
0x10c: {  	[sflag:s30] =	ssyncadd.s32 $0xFFFFE000  }
0x10d: {  	_ =	swait.ge [sflag:s30], $0x1E80  }
0x10e: {  	[sflag:s30] =	ssyncset.done $0x0  }
0x10f: {  	s12 =	sadd.s32 $0x1480, s8;
	[sflag:s30] =	ssyncadd.s32 $0xFFFFE180  }
0x110: {  	[spmem:s1] =	stream.indirect.scatter.add.f32 [tilespmem:s25], [sflag:$0x3], $0x80, s12, s29, $0xb8;
	[tilespmem:$0x1E080] =	vst v63  }
0x111: {  	_ =	swait.ge [sflag:s19], $0x3E80  }
0x112: {  	[sflag:s19] =	ssyncset.done $0x0  }
0x113: {  	[sflag:s19] =	ssyncadd.s32 $0xFFFFC180  }
0x114: {  	[tilespmem:s25], [sflag:$0x2] =	stream.indirect.gather [hbm4b:s4+s21], $0x80, s31, s21, $0xb8;
	[tilespmem:$0x1E080] =	vst v63  }
0x115: {  	_ = 	snop  }
0x116: {  	[tilespmem:s26], [sflag:$0x2] =	stream.indirect.gather [hbm4b:s4+s23], $0x80, s0, s23, $0xb8;
	[tilespmem:$0x1E080] =	vst v63  }
0x117: {  	_ =	swait.ge [sflag:s28], $0x2000  }
0x118: {  	[sflag:s28] =	ssyncset.done $0x0  }
0x119: {  	[sflag:s28] =	ssyncadd.s32 $0xFFFFE000  }
0x11a: {  	_ =	swait.ge [sflag:s28], $0x1E80  }
0x11b: {  	[sflag:s28] =	ssyncset.done $0x0  }
0x11c: {  	[sflag:s28] =	ssyncadd.s32 $0xFFFFE180  }
0x11d: {  	[spmem:s1] =	stream.indirect.scatter.add.f32 [tilespmem:s22], [sflag:$0x3], $0x80, s2, s29, $0xb8;
	[tilespmem:$0x1E080] =	vst v63  }
0x11e: {  	_ =	swait.ge [sflag:s19], $0x3E80  }
0x11f: {  	[sflag:s19] =	ssyncset.done $0x0  }
0x120: {  	[sflag:s19] =	ssyncadd.s32 $0xFFFFC180  }
0x121: {  	_ =	swait.ge [sflag:s30], $0x2000  }
0x122: {  	[sflag:s30] =	ssyncset.done $0x0  }
0x123: {  	[sflag:s30] =	ssyncadd.s32 $0xFFFFE000  }
0x124: {  	_ =	swait.ge [sflag:s30], $0x1E80  }
0x125: {  	[sflag:s30] =	ssyncset.done $0x0  }
0x126: {  	[sflag:s30] =	ssyncadd.s32 $0xFFFFE180  }
0x127: {  	[spmem:s1] =	stream.indirect.scatter.add.f32 [tilespmem:s25], [sflag:$0x3], $0x80, s5, s29, $0xb8;
	[tilespmem:$0x1E080] =	vst v63  }
0x128: {  	_ =	swait.ge [sflag:s19], $0x3E80  }
0x129: {  	[sflag:s19] =	ssyncset.done $0x0  }
0x12a: {  	[sflag:s19] =	ssyncadd.s32 $0xFFFFC180  }
0x12b: {  	s9 =	simm.s32 @p0 $0x1FC3;
	s8 =	sshrl.u32 @p0 s7, $0x3;
	[bflag:$0x0] =	sbarrier.arrive $0xFFFF  }
0x12c: {  	[hbm:s17], [sflag:s9] =	dma.local @p0 [spmem:s8], $0x2800  }
0x12d: {  	s8 =	simm.s32 @p0 $0x3  }
0x12e: {  	s6 =	sadd.s32 $0x1, s6;
	s9 =	stileid.u32;
	_ =	swait.ge @p0 [sflag:s8], $0x2800  }
0x12f: {  	p1 =	sne.s32 s6, s18;
	s9 =	sshll.u32 @!p0 s9, $0x6;
	[sflag:s8] =	ssyncset.done @p0 $0x0  }
0x130: {  	[sflag:s8] =	ssyncadd.s32 @p0 $0xFFFFD800;
	s8 =	sor.u32 @!p0 $0x1C03, s9;
	s9 =	sshrl.u32 @!p0 s7, $0x3  }
0x131: {  	[hbm:s16], [sflag:s8] =	dma.local @!p0 [spmem:s9], $0x2700  }
.Ltmp3:
0x132: {  	_ = 	snop;
	(pc) =	sbr.rel @p1 .LBB2_1-.Ltmp3, $4  }
0x133: {  	s8 =	simm.s32 @!p0 $0x3  }
0x134: {  	_ =	swait.ge @!p0 [sflag:s8], $0x2700  }
0x135: {  	[sflag:s8] =	ssyncset.done @!p0 $0x0  }
0x136: {  	[sflag:s8] =	ssyncadd.s32 @!p0 $0xFFFFD900  }
0x137: {  	_ =	sfence.sel $0x180000  }
0x138: {  	[bflag:$0x0] =	sbarrier.arrive $0xFFFF  }
0x139: {  	_ =	strace $0x90000050  }
0x13a: {  	s0 =	stileid.u32;
	[bflag:$0x2] =	sbarrier.arrive $0xFFFF  }
0x13b: {  	p0 =	sne.s32 s0, $0x0;
	s0 =	rddreg [dreg:$0x2]  }
0x13c: {  	s0 =	sadd.s32 @!p0 $0x100000, s0  }
0x13d: {  	[sflag:s0] =	ssyncadd.tile.s32 @!p0 $0x1;
	_ =	shalt  }
.Lfunc_end2:
_tile_overlayer_lowered:
.L_overlay_start_2:
0x13e: {  	(tag) =	ssettag $0x2  }
0x13f: {  	s0 =	rddreg [dreg:$0x0];
	s2 =	stileid.u32  }
0x140: {  	s1 =	rddreg [dreg:$0x1];
	p0 =	sne.s32 s2, $0x0  }
0x141: {  	s3 =	rddreg [dreg:$0x2];
	[bflag:$0x3] =	sbarrier.arrive $0xFFFF;
	s2 =	simm.s32 @!p0 $0x1C03  }
0x142: {  	[timem:s3], [sflag:s2] =	dma.local @!p0 [hbm:s0], s1  }
0x143: {  	s0 =	simm.s32 @!p0 $0x3  }
0x144: {  	_ =	swait.ge @!p0 [sflag:s0], s1  }
0x145: {  	s1 =	ssub.s32 @!p0 $0x0, s1;
	[sflag:s0] =	ssyncset.done @!p0 $0x0  }
0x146: {  	[sflag:s0] =	ssyncadd.s32 @!p0 s1  }
0x147: {  	[bflag:$0x3] =	sbarrier.arrive $0xFFFF  }
0x148: {  	_ =	shalt  }

// kernel: kernel.6.cloned.1.call-start
scs
__scs_entry_jumppad:
0x0: {  	(pc) =	sbr.rel $0x88, $3  }
0x1: {  	(tag) =	ssettag $0x0;
	lr =	simm.s32 $0x1  }
0x2: {  	[smem:$0x3F94] =	sst lr;
	_ =	strace $0xD0000000  }
0x3: {  	_ = 	snop  }
0x4: {  	_ = 	snop  }
0x5: {  	_ = 	snop  }
0x6: {  	_ = 	snop  }
0x7: {  	_ = 	snop  }
__scs_overlays_trampoline_lowered:
0x8: {  	[smem:$0x3FA3] =	sst s0  }
0x9: {  	[smem:$0x3FA4] =	sst s1  }
0xa: {  	[smem:$0x3FA5] =	sst s2  }
0xb: {  	[smem:$0x3FA6] =	sst s3  }
0xc: {  	[smem:$0x3FA7] =	sst s4  }
0xd: {  	[smem:$0x3FA8] =	sst s5  }
0xe: {  	[smem:$0x3FA9] =	sst s6  }
0xf: {  	[smem:$0x3FAA] =	sst s7  }
0x10: {  	[smem:$0x3FAB] =	sst s8  }
0x11: {  	[smem:$0x3FAC] =	sst s9;
	s0 =	simm.s32 @!p0 $0x0  }
0x12: {  	s1 =	sld [smem:$0x3F92];
	s0 =	simm.s32 @p0 $0x1  }
0x13: {  	[smem:$0x3FAD] =	sst s0;
	s0 =	simm.s32 @!p1 $0x0  }
0x14: {  	s2 =	sld [smem:$0x3F91];
	s0 =	simm.s32 @p1 $0x1  }
0x15: {  	[smem:$0x3FAE] =	sst s0;
	s0 =	simm.s32 @!p2 $0x0  }
0x16: {  	s3 =	sld [smem:$0x3FDB];
	s0 =	simm.s32 @p2 $0x1  }
0x17: {  	s4 =	simm.s32 $0x1BF5;
	[smem:$0x3FB0] =	sst s0  }
0x18: {  	s0 =	sld [smem:$0x3F93];
	_ =	swait.ge [sflag:s4], $0x0  }
0x19: {  	s7 =	sld [smem:$0x3F94]  }
0x1a: {  	s8 =	sadd.s32 $0xFFFFE003, lr  }
0x1b: {  	s9 =	sadd.s32 $0xFFFFFEF7, lr;
	s5 =	simm.s32 $0xFFFFFFFF;
	p2 =	slt.u32 s8, $0xFFFFF086  }
0x1c: {  	p1 =	slt.u32 s9, $0xF7A;
	s5 =	simm.s32 @!p2 $0x0  }
0x1d: {  	s5 =	simm.s32 @p1 $0x1;
	p0 =	seq.s32 s7, s2  }
0x1e: {  	s7 =	smul.u32 @!p0 $0xF7A, s2;
	p2 =	seq.s32 @!p0 s5, $0x0  }
0x1f: {  	s9 =	smul.u32 $0xF7A, s1;
	s8 =	simm.s32 @!p0 $0x1BF5;
	p2 =	por !p2, p0  }
0x20: {  	[sflag:s8] =	ssyncset.s32 @!p0 $0xFFFFF086;
	s6 =	sadd.s32 @!p0 s3, s7;
	s7 =	simm.s32 @!p0 $0x108  }
0x21: {  	s3 =	sadd.s32 s3, s9;
	s6 =	sadd.s32 @!p0 $0x88, s6;
	s7 =	simm.s32 @p2 $0x1082  }
0x22: {  	[simem:s7], [sflag:s8] =	dma.local @!p0 [hbm:s6], $0xF7A  }
0x23: {  	s9 =	sor.u32 $0xD0000000, s2;
	s6 =	simm.s32 $0x108;
	_ =	swait.ge @!p0 [sflag:s8], $0x0  }
0x24: {  	s3 =	sadd.s32 $0x88, s3;
	s6 =	simm.s32 @!p1 $0x1082;
	[sflag:s4] =	ssyncset.s32 $0xFFFFF086  }
0x25: {  	[simem:s6], [sflag:s4] =	dma.local [hbm:s3], $0xF7A  }
0x26: {  	[smem:$0x3F94] =	sst s1;
	(tag) =	ssettag s2;
	_ =	strace s9  }
0x27: {  	s1 =	sld [smem:$0x3FA4]  }
0x28: {  	s2 =	sld [smem:$0x3FA5]  }
0x29: {  	s4 =	sld [smem:$0x3FA7]  }
0x2a: {  	p0 =	seq.s32 s5, $0x0;
	s5 =	sld [smem:$0x3FA8]  }
0x2b: {  	s6 =	sld [smem:$0x3FA9]  }
0x2c: {  	s7 =	sld [smem:$0x3FAA]  }
0x2d: {  	s3 =	simm.s32 $0x108;
	s8 =	sld [smem:$0x3FAB]  }
0x2e: {  	s3 =	simm.s32 @!p0 $0x1082;
	s9 =	sld [smem:$0x3FAC]  }
0x2f: {  	lr =	sadd.s32 s0, s3;
	s0 =	sld [smem:$0x3FA3]  }
0x30: {  	s3 =	sld [smem:$0x3FA6]  }
0x31: {  	[smem:$0x3FAF] =	sst s10  }
0x32: {  	s10 =	sld [smem:$0x3FAD];
	_ =	sdelay $0x3  }
0x33: {  	p0 =	seq.s32 s10, $0x1;
	s10 =	sld [smem:$0x3FAF];
	_ =	sdelay $0x3  }
0x34: {  	[smem:$0x3FAF] =	sst s10  }
0x35: {  	s10 =	sld [smem:$0x3FAE];
	_ =	sdelay $0x3  }
0x36: {  	p1 =	seq.s32 s10, $0x1;
	s10 =	sld [smem:$0x3FAF];
	_ =	sdelay $0x3  }
0x37: {  	[smem:$0x3FAF] =	sst s10  }
0x38: {  	s10 =	sld [smem:$0x3FB0]  }
0x39: {  	_ = 	snop;
	(pc) =	sbr.ind lr, $3  }
0x3a: {  	_ = 	snop  }
0x3b: {  	_ = 	snop  }
0x3c: {  	p2 =	seq.s32 s10, $0x1;
	s10 =	sld [smem:$0x3FAF]  }
0x3d: {  	_ =	shalt  }
0x3e: {  	_ =	shalt  }
0x3f: {  	_ =	shalt  }
0x40: {  	_ =	shalt  }
0x41: {  	_ =	shalt  }
0x42: {  	_ =	shalt  }
0x43: {  	_ =	shalt  }
0x44: {  	_ =	shalt  }
0x45: {  	_ =	shalt  }
0x46: {  	_ =	shalt  }
0x47: {  	_ =	shalt  }
0x48: {  	_ =	shalt  }
0x49: {  	_ =	shalt  }
0x4a: {  	_ =	shalt  }
0x4b: {  	_ =	shalt  }
0x4c: {  	_ =	shalt  }
0x4d: {  	_ =	shalt  }
0x4e: {  	_ =	shalt  }
0x4f: {  	_ =	shalt  }
0x50: {  	_ =	shalt  }
0x51: {  	_ =	shalt  }
0x52: {  	_ =	shalt  }
0x53: {  	_ =	shalt  }
0x54: {  	_ =	shalt  }
0x55: {  	_ =	shalt  }
0x56: {  	_ =	shalt  }
0x57: {  	_ =	shalt  }
0x58: {  	_ =	shalt  }
0x59: {  	_ =	shalt  }
0x5a: {  	_ =	shalt  }
0x5b: {  	_ =	shalt  }
0x5c: {  	_ =	shalt  }
0x5d: {  	_ =	shalt  }
0x5e: {  	_ =	shalt  }
0x5f: {  	_ =	shalt  }
0x60: {  	_ =	shalt  }
0x61: {  	_ =	shalt  }
0x62: {  	_ =	shalt  }
0x63: {  	_ =	shalt  }
0x64: {  	_ =	shalt  }
0x65: {  	_ =	shalt  }
0x66: {  	_ =	shalt  }
0x67: {  	_ =	shalt  }
0x68: {  	_ =	shalt  }
0x69: {  	_ =	shalt  }
0x6a: {  	_ =	shalt  }
0x6b: {  	_ =	shalt  }
0x6c: {  	_ =	shalt  }
0x6d: {  	_ =	shalt  }
0x6e: {  	_ =	shalt  }
0x6f: {  	_ =	shalt  }
0x70: {  	_ =	shalt  }
0x71: {  	_ =	shalt  }
0x72: {  	_ =	shalt  }
0x73: {  	_ =	shalt  }
0x74: {  	_ =	shalt  }
0x75: {  	_ =	shalt  }
0x76: {  	_ =	shalt  }
0x77: {  	_ =	shalt  }
0x78: {  	_ =	shalt  }
0x79: {  	_ =	shalt  }
0x7a: {  	_ =	shalt  }
0x7b: {  	_ =	shalt  }
0x7c: {  	_ =	shalt  }
0x7d: {  	_ =	shalt  }
0x7e: {  	_ =	shalt  }
0x7f: {  	_ =	shalt  }
0x80: {  	_ =	shalt  }
0x81: {  	_ =	shalt  }
0x82: {  	_ =	shalt  }
0x83: {  	_ =	shalt  }
0x84: {  	_ =	shalt  }
0x85: {  	_ =	shalt  }
0x86: {  	_ =	shalt  }
0x87: {  	_ =	shalt  }
.Lfunc_end0:
.L_simem_size_0:
called_computation.2_lowered:
.L_overlay_start_0:
0x88: {  	s2 =	sld [smem:$0x3FD9]  }
0x89: {  	s3 =	sld [smem:$0x3FFE];
	_ =	sdelay $0x1  }
0x8a: {  	s1 =	srdreg.scid  }
0x8b: {  	s0 =	sand.u32 $0x1, s1  }
0x8c: {  	s16 =	sshll.u32 s0, $0xA;
	s2 =	sadd.s32 s3, s2  }
0x8d: {  	s2 =	sadd.s32 s2, s16  }
0x8e: {  	[smem:$0x3FBB] =	sst s2  }
0x8f: {  	_ = 	snop  }
0x90: {  	(tm) =	ssettm $0x1  }
0x91: {  	s17 =	sld [smem:$0x3FFB];
	_ =	sdelay $0x3  }
0x92: {  	_ =	strace s17  }
0x93: {  	s2 =	sld [smem:$0x3FFC];
	_ =	sdelay $0x3  }
0x94: {  	_ =	strace s2  }
0x95: {  	s2 =	sld [smem:$0x3FFD];
	_ =	sdelay $0x3  }
0x96: {  	_ =	strace s2  }
0x97: {  	_ =	strace $0x8FFFFFFF  }
0x98: {  	s18 =	sld [smem:$0x3FDB];
	_ =	sdelay $0x1  }
0x99: {  	s19 =	simm.s32 $_scs_section_size  }
0x9a: {  	s4 =	simm.s32 $_size__tile_overlayer_lowered;
	s5 =	simm.s32 $_tile_overlayer_lowered  }
0x9b: {  	s22 =	simm.s32 $0x1BFF;
	s21 =	sshll.u32 s5, $0x1;
	s2 =	sadd.s32 s19, s18  }
0x9c: {  	s6 =	simm.s32 $0x0;
	s20 =	sshll.u32 s4, $0x1;
	s4 =	sadd.s32 s21, s2  }
0x9d: {  	[timem:s6], [sflag:s22] =	dma.local [hbm:s4], s20  }
0x9e: {  	_ =	swait.ge [sflag:s22], s20  }
0x9f: {  	s3 =	ssub.s32 $0x0, s20;
	[sflag:s22] =	ssyncset.done $0x0  }
0xa0: {  	[sflag:s22] =	ssyncadd.s32 s3;
	_ =	sdelay $0x1  }
0xa1: {  	s23 =	simm.s32 $0x1B8B  }
0xa2: {  	_ =	swait.ge [sflag:s23], $0x1  }
0xa3: {  	[sflag:s23] =	ssyncset.done $0x0  }
0xa4: {  	s25 =	simm.s32 $0x1B8E;
	s24 =	sld [smem:$0x3FFE];
	[sflag:s23] =	ssyncadd.s32 $0xFFFFFFFF  }
0xa5: {  	s26 =	simm.s32 $execute0_lowered;
	[smem:$0x3FD2] =	sst s25  }
0xa6: {  	s4 =	sshll.u32 s26, $0x1;
	_ =	strace $0x80000046;
	[dreg:$0x1] =	wrdreg $0xFFFFFFFF  }
0xa7: {  	s28 =	simm.s32 $_size_execute0_lowered;
	s2 =	sadd.s32 s2, s4;
	[dreg:$0x0] =	wrdreg $0x0  }
0xa8: {  	s4 =	sshll.u32 s28, $0x1;
	[dreg:$0x2] =	wrdreg s2  }
0xa9: {  	[dreg:$0x3] =	wrdreg s4  }
0xaa: {  	[dreg:$0x4] =	wrdreg $0xC0  }
0xab: {  	_ =	task [dreg:s6], $0x5FFFF  }
0xac: {  	[dreg:$0x1] =	wrdreg $0xFFFFFFFF  }
0xad: {  	[dreg:$0x0] =	wrdreg $0x60  }
0xae: {  	[dreg:$0x2] =	wrdreg s24  }
0xaf: {  	[dreg:$0x3] =	wrdreg $0x28800  }
0xb0: {  	[dreg:$0x4] =	wrdreg $0x9  }
0xb1: {  	_ =	task.clear_ibuf [dreg:s6], $0x5FFFF;
	_ =	strace $0x90000046  }
0xb2: {  	s29 =	simm.s32 $0x9;
	_ =	strace $0x80000048  }
0xb3: {  	_ =	swait.ge [sflag:s29], $0x1  }
0xb4: {  	[sflag:s29] =	ssyncadd.s32 $0xFFFFFFFF  }
0xb5: {  	_ =	strace $0x90000048  }
0xb6: {  	_ =	sfence  }
0xb7: {  	s30 =	sld [smem:$0x0];
	_ =	sdelay $0x2  }
0xb8: {  	s31 =	sshll.u32 s1, $0xD;
	s1 =	sshrl.u32 s1, $0x2  }
0xb9: {  	s3 =	sand.u32 $0x4000, s31;
	s1 =	sadd.s32 s1, s30  }
0xba: {  	s0 =	sor.u32 s3, s0;
	s1 =	sshll.u32 s1, $0x11  }
0xbb: {  	s0 =	sor.u32 s1, s0  }
0xbc: {  	s0 =	sadd.s32 $0x8F2B, s0  }
0xbd: {  	[sflag:s0] =	ssyncadd.remote.s32 $0x1  }
0xbe: {  	_ =	sfence.sel $0xFFFF  }
0xbf: {  	[dreg:$0x0] =	wrdreg $0xFFFFFFFF;
	(pc) =	sbr.abs _section_cstart, $3  }
0xc0: {  	[dreg:$0x1] =	wrdreg $0xFFFFFFFF  }
0xc1: {  	_ =	task.clear_ibuf [dreg:s6], $0x2FFFF;
	_ =	strace $0x9FFFFFFF  }
0xc2: {  	(tm) =	ssettm $0x7FFFFFFF  }
0xc3: {  	_ =	shalt  }
tec
execute0_lowered:
.L_overlay_start_1:
0x0: {  	(tag) =	ssettag $0x1  }
0x1: {  	s0 =	srdreg.scid;
	s5 =	rddreg [dreg:$0x0]  }
0x2: {  	s2 =	rddreg [dreg:$0x1];
	s3 =	simm.s32 $0x0;
	s12 =	simm.s32 $0x2800  }
0x3: {  	s13 =	simm.s32 $0x20;
	s4 =	sand.u32 $0x1, s0;
	s0 =	stileid.u32  }
0x4: {  	s14 =	simm.s32 $0x10;
	s15 =	simm.s32 $0x0;
	s7 =	smul.u32 $0x500, s0  }
0x5: {  	[smem:$0x7FF] =	sst s3;
	s1 =	sshll.u32 s4, $0x4;
	s8 =	smul.u32 $0x280, s0  }
0x6: {  	s9 =	sshll.u32 s4, $0x7;
	s4 =	ssub.s32 $0x2, s4;
	s1 =	sor.u32 s0, s1  }
0x7: {  	s31 =	sshll.u32 s0, $0x6;
	s30 =	sshrl.u32 s4, $0x1;
	s6 =	smul.u32 $0x500, s1  }
0x8: {  	s1 =	rddreg [dreg:$0x2];
	_ =	strace $0x80000047;
	s7 =	sor.u32 s9, s7  }
0x9: {  	s29 =	sshrl.u32 s8, $0x3;
	s10 =	ssub.s32 s4, s30;
	s11 =	sadd.s32 s8, s2  }
0xa: {  	s8 =	simm.s32 $0x1;
	s7 =	sshrl.u32 s7, $0x3;
	s9 =	sadd.s32 s29, s5  }
0xb: {  	s6 =	sadd.s32 s6, s5;
	s7 =	sadd.s32 s7, s5;
	s5 =	sadd.s32 $0xB000, s9  }
0xc: {  	s9 =	sor.u32 $0x1C01, s31;
	s4 =	sadd.s32 $0x1000, s6;
	s6 =	sadd.s32 $0xB600, s7  }
0xd: {  	v0 =	vimm.f32 $1.000000000e+00;
	s7 =	smax.u32 s10, $0x1;
	s10 =	sshrl.u32 s11, $0x3;
	s11 =	simm.s32 $0x7D  }
.LBB2_1:
0xe: {  	[tilespmem:s3], [sflag:$0x1] =	stream.linear.gather [hbm4b:s4+s3], $0x2800, $0x38;
	[tilespmem:$0x2B00] =	vst v63  }
0xf: {  	_ =	swait.ge [sflag:s8], $0x2800  }
0x10: {  	[sflag:s8] =	ssyncset.done $0x0  }
0x11: {  	[sflag:s8] =	ssyncadd.s32 $0xFFFFD800  }
0x12: {  	[tilespmem:$0x2800] =	vst v0  }
0x13: {  	[tilespmem:$0x2810] =	vst v0  }
0x14: {  	[tilespmem:$0x2820] =	vst v0  }
0x15: {  	[tilespmem:$0x2830] =	vst v0  }
0x16: {  	[tilespmem:$0x2840] =	vst v0  }
0x17: {  	[tilespmem:$0x2850] =	vst v0  }
0x18: {  	[tilespmem:$0x2860] =	vst v0  }
0x19: {  	[tilespmem:$0x286D] =	vst v0  }
0x1a: {  	[spmem:s10], [sflag:s9] =	dma.local [hbm:s5], $0x50  }
0x1b: {  	_ =	swait.ge [sflag:s8], $0x50  }
0x1c: {  	[sflag:s8] =	ssyncset.done $0x0  }
0x1d: {  	[sflag:s8] =	ssyncadd.s32 $0xFFFFFFB0  }
0x1e: {  	s16 =	simm.s32 $0x0;
	[bflag:$0x0] =	sbarrier.arrive $0xFFFF  }
0x1f: {  	[spmem:s2] =	stream.indirect.scatter.add.f32 [tilespmem:s12], [sflag:$0x1], $0x1, s16, s11, $0xb8;
	[tilespmem:$0x2B00] =	vst v63  }
0x20: {  	_ =	swait.ge [sflag:s8], $0x7D  }
0x21: {  	s16 =	simm.s32 $0x200;
	[sflag:s8] =	ssyncset.done $0x0  }
.LBB2_2:
0x22: {  	s17 =	sshra.s32 s16, $0x2;
	[sflag:s8] =	ssyncadd.s32 $0xFFFFFF83;
	p0 =	sne.s32 s16, $0x9E00  }
0x23: {  	[spmem:s2] =	stream.indirect.scatter.add.f32 [tilespmem:s12], [sflag:$0x1], $0x1, s17, s11, $0xb8;
	[tilespmem:$0x2B00] =	vst v63  }
.Ltmp0:
0x24: {  	_ = 	snop;
	(pc) =	sbr.rel @p0 .LBB2_2-.Ltmp0, $4  }
0x25: {  	_ = 	snop  }
0x26: {  	s16 =	sadd.s32 $0x200, s16  }
0x27: {  	_ =	swait.ge [sflag:s8], $0x7D  }
0x28: {  	[sflag:s8] =	ssyncset.done $0x0  }
0x29: {  	s15 =	sadd.s32 $0x1, s15  }
0x2a: {  	[sflag:s8] =	ssyncadd.s32 $0xFFFFFF83;
	p0 =	sne.s32 s15, s7  }
.Ltmp1:
0x2b: {  	[bflag:$0x0] =	sbarrier.arrive $0xFFFF;
	(pc) =	sbr.rel @p0 .LBB2_1-.Ltmp1, $4  }
0x2c: {  	[hbm:s6@s13], [sflag:s9] =	dma.strided [spmem:s10@s14], $0x50, s8, $0x10   }
0x2d: {  	_ =	swait.ge [sflag:s8], $0x50  }
0x2e: {  	[sflag:s8] =	ssyncset.done $0x0  }
0x2f: {  	[sflag:s8] =	ssyncadd.s32 $0xFFFFFFB0  }
0x30: {  	_ =	sfence.sel $0x180000  }
0x31: {  	[bflag:$0x0] =	sbarrier.arrive $0xFFFF  }
0x32: {  	p0 =	sne.s32 s0, $0x0;
	_ =	strace $0x90000047  }
0x33: {  	s0 =	sadd.s32 @!p0 $0x100000, s1;
	[bflag:$0x2] =	sbarrier.arrive $0xFFFF  }
0x34: {  	[sflag:s0] =	ssyncadd.tile.s32 @!p0 $0x1;
	_ =	shalt  }
.Lfunc_end2:
_tile_overlayer_lowered:
.L_overlay_start_2:
0x35: {  	(tag) =	ssettag $0x2  }
0x36: {  	s0 =	rddreg [dreg:$0x0];
	s2 =	stileid.u32  }
0x37: {  	s1 =	rddreg [dreg:$0x1];
	p0 =	sne.s32 s2, $0x0  }
0x38: {  	s3 =	rddreg [dreg:$0x2];
	[bflag:$0x3] =	sbarrier.arrive $0xFFFF;
	s2 =	simm.s32 @!p0 $0x1C01  }
0x39: {  	[timem:s3], [sflag:s2] =	dma.local @!p0 [hbm:s0], s1  }
0x3a: {  	s0 =	simm.s32 @!p0 $0x1  }
0x3b: {  	_ =	swait.ge @!p0 [sflag:s0], s1  }
0x3c: {  	s1 =	ssub.s32 @!p0 $0x0, s1;
	[sflag:s0] =	ssyncset.done @!p0 $0x0  }
0x3d: {  	[sflag:s0] =	ssyncadd.s32 @!p0 s1  }
0x3e: {  	[bflag:$0x3] =	sbarrier.arrive $0xFFFF  }
0x3f: {  	_ =	shalt  }

// kernel: kernel.9.cloned.1.call-start
scs
__scs_entry_jumppad:
0x0: {  	(pc) =	sbr.rel $0x88, $3  }
0x1: {  	(tag) =	ssettag $0x0;
	lr =	simm.s32 $0x1  }
0x2: {  	[smem:$0x3F94] =	sst lr;
	_ =	strace $0xD0000000  }
0x3: {  	_ = 	snop  }
0x4: {  	_ = 	snop  }
0x5: {  	_ = 	snop  }
0x6: {  	_ = 	snop  }
0x7: {  	_ = 	snop  }
__scs_overlays_trampoline_lowered:
0x8: {  	[smem:$0x3FA3] =	sst s0  }
0x9: {  	[smem:$0x3FA4] =	sst s1  }
0xa: {  	[smem:$0x3FA5] =	sst s2  }
0xb: {  	[smem:$0x3FA6] =	sst s3  }
0xc: {  	[smem:$0x3FA7] =	sst s4  }
0xd: {  	[smem:$0x3FA8] =	sst s5  }
0xe: {  	[smem:$0x3FA9] =	sst s6  }
0xf: {  	[smem:$0x3FAA] =	sst s7  }
0x10: {  	[smem:$0x3FAB] =	sst s8  }
0x11: {  	[smem:$0x3FAC] =	sst s9;
	s0 =	simm.s32 @!p0 $0x0  }
0x12: {  	s1 =	sld [smem:$0x3F92];
	s0 =	simm.s32 @p0 $0x1  }
0x13: {  	[smem:$0x3FAD] =	sst s0;
	s0 =	simm.s32 @!p1 $0x0  }
0x14: {  	s2 =	sld [smem:$0x3F91];
	s0 =	simm.s32 @p1 $0x1  }
0x15: {  	[smem:$0x3FAE] =	sst s0;
	s0 =	simm.s32 @!p2 $0x0  }
0x16: {  	s3 =	sld [smem:$0x3FDB];
	s0 =	simm.s32 @p2 $0x1  }
0x17: {  	s4 =	simm.s32 $0x1BF5;
	[smem:$0x3FB0] =	sst s0  }
0x18: {  	s0 =	sld [smem:$0x3F93];
	_ =	swait.ge [sflag:s4], $0x0  }
0x19: {  	s7 =	sld [smem:$0x3F94]  }
0x1a: {  	s8 =	sadd.s32 $0xFFFFE003, lr  }
0x1b: {  	s9 =	sadd.s32 $0xFFFFFEF7, lr;
	s5 =	simm.s32 $0xFFFFFFFF;
	p2 =	slt.u32 s8, $0xFFFFF086  }
0x1c: {  	p1 =	slt.u32 s9, $0xF7A;
	s5 =	simm.s32 @!p2 $0x0  }
0x1d: {  	s5 =	simm.s32 @p1 $0x1;
	p0 =	seq.s32 s7, s2  }
0x1e: {  	s7 =	smul.u32 @!p0 $0xF7A, s2;
	p2 =	seq.s32 @!p0 s5, $0x0  }
0x1f: {  	s9 =	smul.u32 $0xF7A, s1;
	s8 =	simm.s32 @!p0 $0x1BF5;
	p2 =	por !p2, p0  }
0x20: {  	[sflag:s8] =	ssyncset.s32 @!p0 $0xFFFFF086;
	s6 =	sadd.s32 @!p0 s3, s7;
	s7 =	simm.s32 @!p0 $0x108  }
0x21: {  	s3 =	sadd.s32 s3, s9;
	s6 =	sadd.s32 @!p0 $0x88, s6;
	s7 =	simm.s32 @p2 $0x1082  }
0x22: {  	[simem:s7], [sflag:s8] =	dma.local @!p0 [hbm:s6], $0xF7A  }
0x23: {  	s9 =	sor.u32 $0xD0000000, s2;
	s6 =	simm.s32 $0x108;
	_ =	swait.ge @!p0 [sflag:s8], $0x0  }
0x24: {  	s3 =	sadd.s32 $0x88, s3;
	s6 =	simm.s32 @!p1 $0x1082;
	[sflag:s4] =	ssyncset.s32 $0xFFFFF086  }
0x25: {  	[simem:s6], [sflag:s4] =	dma.local [hbm:s3], $0xF7A  }
0x26: {  	[smem:$0x3F94] =	sst s1;
	(tag) =	ssettag s2;
	_ =	strace s9  }
0x27: {  	s1 =	sld [smem:$0x3FA4]  }
0x28: {  	s2 =	sld [smem:$0x3FA5]  }
0x29: {  	s4 =	sld [smem:$0x3FA7]  }
0x2a: {  	p0 =	seq.s32 s5, $0x0;
	s5 =	sld [smem:$0x3FA8]  }
0x2b: {  	s6 =	sld [smem:$0x3FA9]  }
0x2c: {  	s7 =	sld [smem:$0x3FAA]  }
0x2d: {  	s3 =	simm.s32 $0x108;
	s8 =	sld [smem:$0x3FAB]  }
0x2e: {  	s3 =	simm.s32 @!p0 $0x1082;
	s9 =	sld [smem:$0x3FAC]  }
0x2f: {  	lr =	sadd.s32 s0, s3;
	s0 =	sld [smem:$0x3FA3]  }
0x30: {  	s3 =	sld [smem:$0x3FA6]  }
0x31: {  	[smem:$0x3FAF] =	sst s10  }
0x32: {  	s10 =	sld [smem:$0x3FAD];
	_ =	sdelay $0x3  }
0x33: {  	p0 =	seq.s32 s10, $0x1;
	s10 =	sld [smem:$0x3FAF];
	_ =	sdelay $0x3  }
0x34: {  	[smem:$0x3FAF] =	sst s10  }
0x35: {  	s10 =	sld [smem:$0x3FAE];
	_ =	sdelay $0x3  }
0x36: {  	p1 =	seq.s32 s10, $0x1;
	s10 =	sld [smem:$0x3FAF];
	_ =	sdelay $0x3  }
0x37: {  	[smem:$0x3FAF] =	sst s10  }
0x38: {  	s10 =	sld [smem:$0x3FB0]  }
0x39: {  	_ = 	snop;
	(pc) =	sbr.ind lr, $3  }
0x3a: {  	_ = 	snop  }
0x3b: {  	_ = 	snop  }
0x3c: {  	p2 =	seq.s32 s10, $0x1;
	s10 =	sld [smem:$0x3FAF]  }
0x3d: {  	_ =	shalt  }
0x3e: {  	_ =	shalt  }
0x3f: {  	_ =	shalt  }
0x40: {  	_ =	shalt  }
0x41: {  	_ =	shalt  }
0x42: {  	_ =	shalt  }
0x43: {  	_ =	shalt  }
0x44: {  	_ =	shalt  }
0x45: {  	_ =	shalt  }
0x46: {  	_ =	shalt  }
0x47: {  	_ =	shalt  }
0x48: {  	_ =	shalt  }
0x49: {  	_ =	shalt  }
0x4a: {  	_ =	shalt  }
0x4b: {  	_ =	shalt  }
0x4c: {  	_ =	shalt  }
0x4d: {  	_ =	shalt  }
0x4e: {  	_ =	shalt  }
0x4f: {  	_ =	shalt  }
0x50: {  	_ =	shalt  }
0x51: {  	_ =	shalt  }
0x52: {  	_ =	shalt  }
0x53: {  	_ =	shalt  }
0x54: {  	_ =	shalt  }
0x55: {  	_ =	shalt  }
0x56: {  	_ =	shalt  }
0x57: {  	_ =	shalt  }
0x58: {  	_ =	shalt  }
0x59: {  	_ =	shalt  }
0x5a: {  	_ =	shalt  }
0x5b: {  	_ =	shalt  }
0x5c: {  	_ =	shalt  }
0x5d: {  	_ =	shalt  }
0x5e: {  	_ =	shalt  }
0x5f: {  	_ =	shalt  }
0x60: {  	_ =	shalt  }
0x61: {  	_ =	shalt  }
0x62: {  	_ =	shalt  }
0x63: {  	_ =	shalt  }
0x64: {  	_ =	shalt  }
0x65: {  	_ =	shalt  }
0x66: {  	_ =	shalt  }
0x67: {  	_ =	shalt  }
0x68: {  	_ =	shalt  }
0x69: {  	_ =	shalt  }
0x6a: {  	_ =	shalt  }
0x6b: {  	_ =	shalt  }
0x6c: {  	_ =	shalt  }
0x6d: {  	_ =	shalt  }
0x6e: {  	_ =	shalt  }
0x6f: {  	_ =	shalt  }
0x70: {  	_ =	shalt  }
0x71: {  	_ =	shalt  }
0x72: {  	_ =	shalt  }
0x73: {  	_ =	shalt  }
0x74: {  	_ =	shalt  }
0x75: {  	_ =	shalt  }
0x76: {  	_ =	shalt  }
0x77: {  	_ =	shalt  }
0x78: {  	_ =	shalt  }
0x79: {  	_ =	shalt  }
0x7a: {  	_ =	shalt  }
0x7b: {  	_ =	shalt  }
0x7c: {  	_ =	shalt  }
0x7d: {  	_ =	shalt  }
0x7e: {  	_ =	shalt  }
0x7f: {  	_ =	shalt  }
0x80: {  	_ =	shalt  }
0x81: {  	_ =	shalt  }
0x82: {  	_ =	shalt  }
0x83: {  	_ =	shalt  }
0x84: {  	_ =	shalt  }
0x85: {  	_ =	shalt  }
0x86: {  	_ =	shalt  }
0x87: {  	_ =	shalt  }
.Lfunc_end0:
.L_simem_size_0:
called_computation.3_lowered:
.L_overlay_start_0:
0x88: {  	s2 =	sld [smem:$0x3FD9]  }
0x89: {  	s3 =	sld [smem:$0x3FFE];
	_ =	sdelay $0x1  }
0x8a: {  	s1 =	srdreg.scid  }
0x8b: {  	s0 =	sand.u32 $0x1, s1  }
0x8c: {  	s16 =	sshll.u32 s0, $0xA;
	s2 =	sadd.s32 s3, s2  }
0x8d: {  	s2 =	sadd.s32 s2, s16  }
0x8e: {  	[smem:$0x3FBB] =	sst s2  }
0x8f: {  	_ = 	snop  }
0x90: {  	(tm) =	ssettm $0x1  }
0x91: {  	s17 =	sld [smem:$0x3FFB];
	_ =	sdelay $0x3  }
0x92: {  	_ =	strace s17  }
0x93: {  	s2 =	sld [smem:$0x3FFC];
	_ =	sdelay $0x3  }
0x94: {  	_ =	strace s2  }
0x95: {  	s2 =	sld [smem:$0x3FFD];
	_ =	sdelay $0x3  }
0x96: {  	_ =	strace s2  }
0x97: {  	_ =	strace $0x8FFFFFFF  }
0x98: {  	s18 =	sld [smem:$0x3FDB];
	_ =	sdelay $0x1  }
0x99: {  	s19 =	simm.s32 $_scs_section_size  }
0x9a: {  	s4 =	simm.s32 $_size__tile_overlayer_lowered;
	s5 =	simm.s32 $_tile_overlayer_lowered  }
0x9b: {  	s22 =	simm.s32 $0x1BFF;
	s21 =	sshll.u32 s5, $0x1;
	s2 =	sadd.s32 s19, s18  }
0x9c: {  	s6 =	simm.s32 $0x0;
	s20 =	sshll.u32 s4, $0x1;
	s4 =	sadd.s32 s21, s2  }
0x9d: {  	[timem:s6], [sflag:s22] =	dma.local [hbm:s4], s20  }
0x9e: {  	_ =	swait.ge [sflag:s22], s20  }
0x9f: {  	s3 =	ssub.s32 $0x0, s20;
	[sflag:s22] =	ssyncset.done $0x0  }
0xa0: {  	[sflag:s22] =	ssyncadd.s32 s3;
	_ =	sdelay $0x1  }
0xa1: {  	s23 =	simm.s32 $0x1B8B  }
0xa2: {  	_ =	swait.ge [sflag:s23], $0x1  }
0xa3: {  	[sflag:s23] =	ssyncset.done $0x0  }
0xa4: {  	s25 =	simm.s32 $0x1B8E;
	s24 =	sld [smem:$0x3FFE];
	[sflag:s23] =	ssyncadd.s32 $0xFFFFFFFF  }
0xa5: {  	s26 =	simm.s32 $execute0_lowered;
	[smem:$0x3FD2] =	sst s25  }
0xa6: {  	s4 =	sshll.u32 s26, $0x1;
	_ =	strace $0x80000049;
	[dreg:$0x1] =	wrdreg $0xFFFFFFFF  }
0xa7: {  	s28 =	simm.s32 $_size_execute0_lowered;
	s2 =	sadd.s32 s2, s4;
	[dreg:$0x0] =	wrdreg $0x0  }
0xa8: {  	s4 =	sshll.u32 s28, $0x1;
	[dreg:$0x2] =	wrdreg s2  }
0xa9: {  	[dreg:$0x3] =	wrdreg s4  }
0xaa: {  	[dreg:$0x4] =	wrdreg $0xC0  }
0xab: {  	_ =	task [dreg:s6], $0x5FFFF  }
0xac: {  	[dreg:$0x1] =	wrdreg $0xFFFFFFFF  }
0xad: {  	[dreg:$0x0] =	wrdreg $0x60  }
0xae: {  	[dreg:$0x2] =	wrdreg s24  }
0xaf: {  	[dreg:$0x3] =	wrdreg $0xA8000  }
0xb0: {  	[dreg:$0x4] =	wrdreg $0x9  }
0xb1: {  	_ =	task.clear_ibuf [dreg:s6], $0x5FFFF;
	_ =	strace $0x90000049  }
0xb2: {  	s29 =	simm.s32 $0x9;
	_ =	strace $0x8000004B  }
0xb3: {  	_ =	swait.ge [sflag:s29], $0x1  }
0xb4: {  	[sflag:s29] =	ssyncadd.s32 $0xFFFFFFFF  }
0xb5: {  	_ =	strace $0x9000004B  }
0xb6: {  	_ =	sfence  }
0xb7: {  	s30 =	sld [smem:$0x0];
	_ =	sdelay $0x2  }
0xb8: {  	s31 =	sshll.u32 s1, $0xD;
	s1 =	sshrl.u32 s1, $0x2  }
0xb9: {  	s3 =	sand.u32 $0x4000, s31;
	s1 =	sadd.s32 s1, s30  }
0xba: {  	s0 =	sor.u32 s3, s0;
	s1 =	sshll.u32 s1, $0x11  }
0xbb: {  	s0 =	sor.u32 s1, s0  }
0xbc: {  	s0 =	sadd.s32 $0x8F2B, s0  }
0xbd: {  	[sflag:s0] =	ssyncadd.remote.s32 $0x1  }
0xbe: {  	_ =	sfence.sel $0xFFFF  }
0xbf: {  	[dreg:$0x0] =	wrdreg $0xFFFFFFFF;
	(pc) =	sbr.abs _section_cstart, $3  }
0xc0: {  	[dreg:$0x1] =	wrdreg $0xFFFFFFFF  }
0xc1: {  	_ =	task.clear_ibuf [dreg:s6], $0x2FFFF;
	_ =	strace $0x9FFFFFFF  }
0xc2: {  	(tm) =	ssettm $0x7FFFFFFF  }
0xc3: {  	_ =	shalt  }
tec
execute0_lowered:
.L_overlay_start_1:
0x0: {  	(tag) =	ssettag $0x1  }
0x1: {  	s0 =	rddreg [dreg:$0x0]  }
0x2: {  	s1 =	rddreg [dreg:$0x1];
	s2 =	srdreg.scid;
	s3 =	simm.s32 $0x0  }
0x3: {  	s11 =	stileid.u32;
	s28 =	simm.s32 $0x1;
	s29 =	simm.s32 $0x7D  }
0x4: {  	s30 =	simm.s32 $0x2;
	s31 =	simm.s32 $0x1380;
	s2 =	sand.u32 $0x1, s2  }
0x5: {  	[smem:$0x7FF] =	sst s3;
	s8 =	sadd.s32 $0xC000, s0;
	s9 =	smul.u32 $0x4E000, s11  }
0x6: {  	s15 =	sadd.s32 $0x1000, s0;
	s25 =	smul.u32 $0x13800, s11;
	s13 =	sadd.s32 $0x137400, s1  }
0x7: {  	p0 =	seq.s32 s11, $0xF;
	s4 =	sshll.u32 s2, $0x4;
	_ =	strace $0x8000004A  }
0x8: {  	s7 =	ssub.s32 $0x2, s2;
	s2 =	smul.u32 $0x138800, s2;
	s5 =	sor.u32 s11, s4  }
0x9: {  	s4 =	sadd.s32 $0x16000, s0;
	s10 =	sshrl.u32 s7, $0x1;
	s20 =	sshrl.u32 s9, $0x2  }
0xa: {  	s6 =	smul.u32 $0x500, s5;
	s18 =	ssub.s32 s7, s10;
	s7 =	sadd.s32 s20, s1  }
0xb: {  	s0 =	sadd.s32 $0x3D200, s0;
	s5 =	smul.u32 $0x2800, s5;
	s21 =	sadd.s32 $0x3C00, s7  }
0xc: {  	s20 =	simm.s32 $0x1400;
	s22 =	sadd.s32 $0x7800, s7;
	[dreg:$0x5] =	wrdreg s21  }
0xd: {  	s23 =	sadd.s32 $0xB400, s7;
	s24 =	sadd.s32 $0xF000, s7;
	[dreg:$0x6] =	wrdreg s22  }
0xe: {  	s26 =	sadd.s32 $0x12C00, s7;
	s18 =	smax.u32 s18, $0x1;
	[dreg:$0x7] =	wrdreg s23  }
0xf: {  	s19 =	sadd.s32 s8, s6;
	s6 =	sadd.s32 s15, s6;
	[dreg:$0x8] =	wrdreg s24  }
0x10: {  	[dreg:$0x9] =	wrdreg s26;
	s5 =	sshrl.u32 s5, $0x3;
	s21 =	simm.s32 $0x40  }
0x11: {  	s22 =	simm.s32 $0x2800;
	s23 =	simm.s32 $0x3D;
	[dreg:$0x3] =	wrdreg s19  }
0x12: {  	s24 =	simm.s32 $0x4800;
	s26 =	simm.s32 $0x8800;
	[dreg:$0x4] =	wrdreg s6  }
0x13: {  	s5 =	sadd.s32 $0x280, s5;
	s6 =	sadd.s32 s25, s2;
	s2 =	sshrl.u32 s2, $0x3  }
0x14: {  	s19 =	simm.s32 $0x3;
	s25 =	simm.s32 $0x6800;
	s14 =	sadd.s32 s8, s5  }
0x15: {  	s6 =	sshrl.u32 s6, $0x3;
	s2 =	sadd.s32 s0, s2;
	s15 =	sadd.s32 s15, s5  }
0x16: {  	s5 =	simm.s32 $0x2780;
	s16 =	sadd.s32 s0, s6;
	s17 =	sadd.s32 $0x24900, s2  }
0x17: {  	v0 =	vimm.f32 $0.0e+00;
	s0 =	simm.s32 $0x13C0;
	s2 =	simm.s32 $0x2700;
	s6 =	simm.s32 $0x0  }
.LBB2_1:
0x18: {  	s8 =	rddreg [dreg:$0x3]  }
0x19: {  	[tilespmem:s3], [sflag:$0x3] =	stream.linear.gather [hbm4b:s8+s3], $0x1400, $0x38;
	[tilespmem:$0x1E080] =	vst v63  }
0x1a: {  	_ =	swait.ge [sflag:s19], $0x1400  }
0x1b: {  	[sflag:s19] =	ssyncset.done $0x0  }
0x1c: {  	s12 =	rddreg [dreg:$0x4];
	[sflag:s19] =	ssyncadd.s32 $0xFFFFEC00  }
0x1d: {  	[tilespmem:s20], [sflag:$0x3] =	stream.linear.gather [hbm4b:s12+s3], $0x1400, $0x38;
	[tilespmem:$0x1E080] =	vst v63  }
0x1e: {  	_ =	swait.ge [sflag:s19], $0x1400  }
0x1f: {  	[sflag:s19] =	ssyncset.done $0x0  }
0x20: {  	[sflag:s19] =	ssyncadd.s32 $0xFFFFEC00  }
0x21: {  	[tilespmem:s22], [sflag:$0x1] =	stream.indirect.gather [hbm4b:s4+s21], $0x80, s3, s21, $0xb8;
	[tilespmem:$0x1E080] =	vst v63  }
0x22: {  	s9 =	simm.s32 $0x200;
	s8 =	simm.s32 $0x0  }
0x23: {  	[tilespmem:s24], [sflag:$0x1] =	stream.indirect.gather [hbm4b:s4+s23], $0x80, s21, s23, $0xb8;
	[tilespmem:$0x1E080] =	vst v63  }
.LBB2_2:
0x24: {  	p1 =	sne.s32 s9, $0xEE00;
	[tilespmem:s8+$0x6870] =	vst v0  }
0x25: {  	[tilespmem:s8+$0x6800] =	vst v0  }
0x26: {  	[tilespmem:s8+$0x6810] =	vst v0  }
.Ltmp0:
0x27: {  	[tilespmem:s8+$0x6820] =	vst v0;
	(pc) =	sbr.rel @p1 .LBB2_2-.Ltmp0, $4  }
0x28: {  	[tilespmem:s8+$0x6830] =	vst v0  }
0x29: {  	[tilespmem:s8+$0x6840] =	vst v0  }
0x2a: {  	[tilespmem:s8+$0x6850] =	vst v0  }
0x2b: {  	[tilespmem:s8+$0x6860] =	vst v0;
	s8 =	sshra.s32 s9, $0x2;
	s9 =	sadd.s32 $0x200, s9  }
0x2c: {  	[tilespmem:s8+$0x6870] =	vst v0  }
0x2d: {  	[tilespmem:s8+$0x6800] =	vst v0  }
0x2e: {  	[tilespmem:s8+$0x6810] =	vst v0  }
0x2f: {  	[tilespmem:s8+$0x6820] =	vst v0  }
0x30: {  	[tilespmem:s8+$0x6830] =	vst v0  }
0x31: {  	[tilespmem:s8+$0x6840] =	vst v0  }
0x32: {  	[tilespmem:s8+$0x6850] =	vst v0  }
0x33: {  	[tilespmem:s8+$0x6860] =	vst v0  }
0x34: {  	[spmem:s7] =	stream.linear.scatter [tilespmem:s25], [sflag:$0x3], $0x3C00, $0x38;
	[tilespmem:$0x1E080] =	vst v63  }
0x35: {  	_ =	swait.ge [sflag:s19], $0x3C00  }
0x36: {  	[sflag:s19] =	ssyncset.done $0x0  }
0x37: {  	s11 =	rddreg [dreg:$0x5];
	[sflag:s19] =	ssyncadd.s32 $0xFFFFC400  }
0x38: {  	[spmem:s11] =	stream.linear.scatter [tilespmem:s25], [sflag:$0x3], $0x3C00, $0x38;
	[tilespmem:$0x1E080] =	vst v63  }
0x39: {  	_ =	swait.ge [sflag:s19], $0x3C00  }
0x3a: {  	[sflag:s19] =	ssyncset.done $0x0  }
0x3b: {  	s12 =	rddreg [dreg:$0x6];
	[sflag:s19] =	ssyncadd.s32 $0xFFFFC400  }
0x3c: {  	[spmem:s12] =	stream.linear.scatter [tilespmem:s25], [sflag:$0x3], $0x3C00, $0x38;
	[tilespmem:$0x1E080] =	vst v63  }
0x3d: {  	_ =	swait.ge [sflag:s19], $0x3C00  }
0x3e: {  	[sflag:s19] =	ssyncset.done $0x0  }
0x3f: {  	s9 =	rddreg [dreg:$0x7];
	[sflag:s19] =	ssyncadd.s32 $0xFFFFC400  }
0x40: {  	[spmem:s9] =	stream.linear.scatter [tilespmem:s25], [sflag:$0x3], $0x3C00, $0x38;
	[tilespmem:$0x1E080] =	vst v63  }
0x41: {  	_ =	swait.ge [sflag:s19], $0x3C00  }
0x42: {  	[sflag:s19] =	ssyncset.done $0x0  }
0x43: {  	s10 =	rddreg [dreg:$0x8];
	[sflag:s19] =	ssyncadd.s32 $0xFFFFC400  }
0x44: {  	[spmem:s10] =	stream.linear.scatter [tilespmem:s25], [sflag:$0x3], $0x3C00, $0x38;
	[tilespmem:$0x1E080] =	vst v63  }
0x45: {  	_ =	swait.ge [sflag:s19], $0x3C00  }
0x46: {  	[sflag:s19] =	ssyncset.done $0x0  }
0x47: {  	s8 =	simm.s32 @p0 $0x6800;
	[sflag:s19] =	ssyncadd.s32 $0xFFFFC400  }
0x48: {  	[spmem:s13] =	stream.linear.scatter @p0 [tilespmem:s8], [sflag:$0x3], $0x1400, $0x38;
	[tilespmem:$0x1E080] =	vst v63  }
0x49: {  	s8 =	simm.s32 @p0 $0x3  }
0x4a: {  	_ =	swait.ge @p0 [sflag:s8], $0x1400  }
0x4b: {  	[sflag:s8] =	ssyncset.done @p0 $0x0  }
0x4c: {  	s9 =	rddreg [dreg:$0x9];
	[sflag:s8] =	ssyncadd.s32 @p0 $0xFFFFEC00;
	s8 =	simm.s32 @!p0 $0x6800  }
0x4d: {  	[spmem:s9] =	stream.linear.scatter @!p0 [tilespmem:s8], [sflag:$0x3], $0xC00, $0x38;
	[tilespmem:$0x1E080] =	vst v63  }
0x4e: {  	s8 =	simm.s32 @!p0 $0x3  }
0x4f: {  	_ =	swait.ge @!p0 [sflag:s8], $0xC00  }
0x50: {  	[sflag:s8] =	ssyncset.done @!p0 $0x0  }
0x51: {  	[sflag:s8] =	ssyncadd.s32 @!p0 $0xFFFFF400  }
0x52: {  	s11 =	simm.s32 $0x80;
	[bflag:$0x0] =	sbarrier.arrive $0xFFFF  }
0x53: {  	[tilespmem:s25], [sflag:$0x2] =	stream.indirect.gather [hbm4b:s4+s21], $0x80, s11, s21, $0xb8;
	[tilespmem:$0x1E080] =	vst v63  }
0x54: {  	s12 =	simm.s32 $0xC0  }
0x55: {  	[tilespmem:s26], [sflag:$0x2] =	stream.indirect.gather [hbm4b:s4+s23], $0x80, s12, s23, $0xb8;
	[tilespmem:$0x1E080] =	vst v63  }
0x56: {  	_ =	swait.ge [sflag:s28], $0x2000  }
0x57: {  	[sflag:s28] =	ssyncset.done $0x0  }
0x58: {  	[sflag:s28] =	ssyncadd.s32 $0xFFFFE000  }
0x59: {  	_ =	swait.ge [sflag:s28], $0x1E80  }
0x5a: {  	[sflag:s28] =	ssyncset.done $0x0  }
0x5b: {  	s9 =	simm.s32 $0x1400;
	[sflag:s28] =	ssyncadd.s32 $0xFFFFE180  }
0x5c: {  	[spmem:s1] =	stream.indirect.scatter.add.f32 [tilespmem:s22], [sflag:$0x3], $0x80, s9, s29, $0xb8;
	[tilespmem:$0x1E080] =	vst v63  }
0x5d: {  	_ =	swait.ge [sflag:s19], $0x3E80  }
0x5e: {  	[sflag:s19] =	ssyncset.done $0x0  }
0x5f: {  	s10 =	simm.s32 $0x100;
	[sflag:s19] =	ssyncadd.s32 $0xFFFFC180  }
0x60: {  	[tilespmem:s22], [sflag:$0x1] =	stream.indirect.gather [hbm4b:s4+s21], $0x80, s10, s21, $0xb8;
	[tilespmem:$0x1E080] =	vst v63  }
0x61: {  	s11 =	simm.s32 $0x140  }
0x62: {  	[tilespmem:s24], [sflag:$0x1] =	stream.indirect.gather [hbm4b:s4+s23], $0x80, s11, s23, $0xb8;
	[tilespmem:$0x1E080] =	vst v63  }
0x63: {  	_ =	swait.ge [sflag:s30], $0x2000  }
0x64: {  	[sflag:s30] =	ssyncset.done $0x0  }
0x65: {  	[sflag:s30] =	ssyncadd.s32 $0xFFFFE000  }
0x66: {  	_ =	swait.ge [sflag:s30], $0x1E80  }
0x67: {  	[sflag:s30] =	ssyncset.done $0x0  }
0x68: {  	s12 =	simm.s32 $0x1480;
	[sflag:s30] =	ssyncadd.s32 $0xFFFFE180  }
0x69: {  	[spmem:s1] =	stream.indirect.scatter.add.f32 [tilespmem:s25], [sflag:$0x3], $0x80, s12, s29, $0xb8;
	[tilespmem:$0x1E080] =	vst v63  }
0x6a: {  	_ =	swait.ge [sflag:s19], $0x3E80  }
0x6b: {  	s8 =	simm.s32 $0x100;
	s9 =	simm.s32 $0x800;
	[sflag:s19] =	ssyncset.done $0x0  }
.LBB2_4:
0x6c: {  	s10 =	sadd.s32 $0x80, s8  }
0x6d: {  	[sflag:s19] =	ssyncadd.s32 $0xFFFFC180;
	s11 =	smov.u32 s9;
	s12 =	sadd.s32 $0x400, s9  }
0x6e: {  	[tilespmem:s25], [sflag:$0x2] =	stream.indirect.gather [hbm4b:s4+s21], $0x80, s10, s21, $0xb8;
	[tilespmem:$0x1E080] =	vst v63  }
0x6f: {  	p1 =	sne.s32 s9, $0x4800;
	s9 =	sadd.s32 $0xC0, s8  }
0x70: {  	[tilespmem:s26], [sflag:$0x2] =	stream.indirect.gather [hbm4b:s4+s23], $0x80, s9, s23, $0xb8;
	[tilespmem:$0x1E080] =	vst v63  }
0x71: {  	_ =	swait.ge [sflag:s28], $0x2000  }
0x72: {  	[sflag:s28] =	ssyncset.done $0x0  }
0x73: {  	[sflag:s28] =	ssyncadd.s32 $0xFFFFE000  }
0x74: {  	_ =	swait.ge [sflag:s28], $0x1E80  }
0x75: {  	[sflag:s28] =	ssyncset.done $0x0  }
0x76: {  	s9 =	sadd.s32 $0x1400, s8;
	[sflag:s28] =	ssyncadd.s32 $0xFFFFE180  }
0x77: {  	[spmem:s1] =	stream.indirect.scatter.add.f32 [tilespmem:s22], [sflag:$0x3], $0x80, s9, s29, $0xb8;
	[tilespmem:$0x1E080] =	vst v63  }
0x78: {  	_ =	swait.ge [sflag:s19], $0x3E80  }
0x79: {  	[sflag:s19] =	ssyncset.done $0x0  }
0x7a: {  	s9 =	sadd.s32 $0x100, s8;
	[sflag:s19] =	ssyncadd.s32 $0xFFFFC180  }
0x7b: {  	[tilespmem:s22], [sflag:$0x1] =	stream.indirect.gather [hbm4b:s4+s21], $0x80, s9, s21, $0xb8;
	[tilespmem:$0x1E080] =	vst v63  }
0x7c: {  	s9 =	sadd.s32 $0x140, s8  }
0x7d: {  	[tilespmem:s24], [sflag:$0x1] =	stream.indirect.gather [hbm4b:s4+s23], $0x80, s9, s23, $0xb8;
	[tilespmem:$0x1E080] =	vst v63  }
0x7e: {  	_ =	swait.ge [sflag:s30], $0x2000  }
0x7f: {  	[sflag:s30] =	ssyncset.done $0x0  }
0x80: {  	[sflag:s30] =	ssyncadd.s32 $0xFFFFE000  }
0x81: {  	_ =	swait.ge [sflag:s30], $0x1E80  }
.Ltmp1:
0x82: {  	[sflag:s30] =	ssyncset.done $0x0;
	(pc) =	sbr.rel @p1 .LBB2_4-.Ltmp1, $4  }
0x83: {  	s8 =	sadd.s32 $0x1480, s8;
	[sflag:s30] =	ssyncadd.s32 $0xFFFFE180  }
0x84: {  	[spmem:s1] =	stream.indirect.scatter.add.f32 [tilespmem:s25], [sflag:$0x3], $0x80, s8, s29, $0xb8;
	[tilespmem:$0x1E080] =	vst v63  }
0x85: {  	_ =	swait.ge [sflag:s19], $0x3E80  }
0x86: {  	s9 =	smov.u32 s12;
	s8 =	sshra.s32 s11, $0x2;
	[sflag:s19] =	ssyncset.done $0x0  }
0x87: {  	s9 =	sadd.s32 $0x80, s8;
	[sflag:s19] =	ssyncadd.s32 $0xFFFFC180  }
0x88: {  	[tilespmem:s25], [sflag:$0x2] =	stream.indirect.gather [hbm4b:s4+s21], $0x80, s9, s21, $0xb8;
	[tilespmem:$0x1E080] =	vst v63  }
0x89: {  	s12 =	sadd.s32 $0xC0, s8  }
0x8a: {  	[tilespmem:s26], [sflag:$0x2] =	stream.indirect.gather [hbm4b:s4+s23], $0x80, s12, s23, $0xb8;
	[tilespmem:$0x1E080] =	vst v63  }
0x8b: {  	_ =	swait.ge [sflag:s28], $0x2000  }
0x8c: {  	[sflag:s28] =	ssyncset.done $0x0  }
0x8d: {  	[sflag:s28] =	ssyncadd.s32 $0xFFFFE000  }
0x8e: {  	_ =	swait.ge [sflag:s28], $0x1E80  }
0x8f: {  	[sflag:s28] =	ssyncset.done $0x0  }
0x90: {  	s10 =	sadd.s32 $0x1400, s8;
	[sflag:s28] =	ssyncadd.s32 $0xFFFFE180  }
0x91: {  	[spmem:s1] =	stream.indirect.scatter.add.f32 [tilespmem:s22], [sflag:$0x3], $0x80, s10, s29, $0xb8;
	[tilespmem:$0x1E080] =	vst v63  }
0x92: {  	_ =	swait.ge [sflag:s19], $0x3E80  }
0x93: {  	[sflag:s19] =	ssyncset.done $0x0  }
0x94: {  	s11 =	sadd.s32 $0x100, s8;
	[sflag:s19] =	ssyncadd.s32 $0xFFFFC180  }
0x95: {  	[tilespmem:s22], [sflag:$0x1] =	stream.indirect.gather [hbm4b:s4+s21], $0x80, s11, s21, $0xb8;
	[tilespmem:$0x1E080] =	vst v63  }
0x96: {  	s12 =	sadd.s32 $0x140, s8  }
0x97: {  	[tilespmem:s24], [sflag:$0x1] =	stream.indirect.gather [hbm4b:s4+s23], $0x80, s12, s23, $0xb8;
	[tilespmem:$0x1E080] =	vst v63  }
0x98: {  	_ =	swait.ge [sflag:s30], $0x2000  }
0x99: {  	[sflag:s30] =	ssyncset.done $0x0  }
0x9a: {  	[sflag:s30] =	ssyncadd.s32 $0xFFFFE000  }
0x9b: {  	_ =	swait.ge [sflag:s30], $0x1E80  }
0x9c: {  	[sflag:s30] =	ssyncset.done $0x0  }
0x9d: {  	s9 =	sadd.s32 $0x1480, s8;
	[sflag:s30] =	ssyncadd.s32 $0xFFFFE180  }
0x9e: {  	[spmem:s1] =	stream.indirect.scatter.add.f32 [tilespmem:s25], [sflag:$0x3], $0x80, s9, s29, $0xb8;
	[tilespmem:$0x1E080] =	vst v63  }
0x9f: {  	_ =	swait.ge [sflag:s19], $0x3E80  }
0xa0: {  	[sflag:s19] =	ssyncset.done $0x0  }
0xa1: {  	[sflag:s19] =	ssyncadd.s32 $0xFFFFC180  }
0xa2: {  	[tilespmem:s25], [sflag:$0x2] =	stream.indirect.gather [hbm4b:s4+s21], $0x80, s31, s21, $0xb8;
	[tilespmem:$0x1E080] =	vst v63  }
0xa3: {  	_ = 	snop  }
0xa4: {  	[tilespmem:s26], [sflag:$0x2] =	stream.indirect.gather [hbm4b:s4+s23], $0x80, s0, s23, $0xb8;
	[tilespmem:$0x1E080] =	vst v63  }
0xa5: {  	_ =	swait.ge [sflag:s28], $0x2000  }
0xa6: {  	[sflag:s28] =	ssyncset.done $0x0  }
0xa7: {  	[sflag:s28] =	ssyncadd.s32 $0xFFFFE000  }
0xa8: {  	_ =	swait.ge [sflag:s28], $0x1E80  }
0xa9: {  	[sflag:s28] =	ssyncset.done $0x0  }
0xaa: {  	[sflag:s28] =	ssyncadd.s32 $0xFFFFE180  }
0xab: {  	[spmem:s1] =	stream.indirect.scatter.add.f32 [tilespmem:s22], [sflag:$0x3], $0x80, s2, s29, $0xb8;
	[tilespmem:$0x1E080] =	vst v63  }
0xac: {  	_ =	swait.ge [sflag:s19], $0x3E80  }
0xad: {  	[sflag:s19] =	ssyncset.done $0x0  }
0xae: {  	[sflag:s19] =	ssyncadd.s32 $0xFFFFC180  }
0xaf: {  	_ =	swait.ge [sflag:s30], $0x2000  }
0xb0: {  	[sflag:s30] =	ssyncset.done $0x0  }
0xb1: {  	[sflag:s30] =	ssyncadd.s32 $0xFFFFE000  }
0xb2: {  	_ =	swait.ge [sflag:s30], $0x1E80  }
0xb3: {  	[sflag:s30] =	ssyncset.done $0x0  }
0xb4: {  	[sflag:s30] =	ssyncadd.s32 $0xFFFFE180  }
0xb5: {  	[spmem:s1] =	stream.indirect.scatter.add.f32 [tilespmem:s25], [sflag:$0x3], $0x80, s5, s29, $0xb8;
	[tilespmem:$0x1E080] =	vst v63  }
0xb6: {  	_ =	swait.ge [sflag:s19], $0x3E80  }
0xb7: {  	[sflag:s19] =	ssyncset.done $0x0  }
0xb8: {  	s10 =	simm.s32 $0x0;
	[sflag:s19] =	ssyncadd.s32 $0xFFFFC180  }
0xb9: {  	[tilespmem:s10], [sflag:$0x3] =	stream.linear.gather [hbm4b:s14+s10], $0x1400, $0x38;
	[tilespmem:$0x1E080] =	vst v63  }
0xba: {  	_ =	swait.ge [sflag:s19], $0x1400  }
0xbb: {  	[sflag:s19] =	ssyncset.done $0x0  }
0xbc: {  	[sflag:s19] =	ssyncadd.s32 $0xFFFFEC00  }
0xbd: {  	[tilespmem:s20], [sflag:$0x3] =	stream.linear.gather [hbm4b:s15+s10], $0x1400, $0x38;
	[tilespmem:$0x1E080] =	vst v63  }
0xbe: {  	_ =	swait.ge [sflag:s19], $0x1400  }
0xbf: {  	[sflag:s19] =	ssyncset.done $0x0  }
0xc0: {  	[sflag:s19] =	ssyncadd.s32 $0xFFFFEC00  }
0xc1: {  	[tilespmem:s22], [sflag:$0x1] =	stream.indirect.gather [hbm4b:s4+s21], $0x80, s10, s21, $0xb8;
	[tilespmem:$0x1E080] =	vst v63  }
0xc2: {  	_ = 	snop  }
0xc3: {  	[tilespmem:s24], [sflag:$0x1] =	stream.indirect.gather [hbm4b:s4+s23], $0x80, s21, s23, $0xb8;
	[tilespmem:$0x1E080] =	vst v63  }
0xc4: {  	s11 =	simm.s32 $0x80  }
0xc5: {  	[tilespmem:s25], [sflag:$0x2] =	stream.indirect.gather [hbm4b:s4+s21], $0x80, s11, s21, $0xb8;
	[tilespmem:$0x1E080] =	vst v63  }
0xc6: {  	s12 =	simm.s32 $0xC0  }
0xc7: {  	[tilespmem:s26], [sflag:$0x2] =	stream.indirect.gather [hbm4b:s4+s23], $0x80, s12, s23, $0xb8;
	[tilespmem:$0x1E080] =	vst v63  }
0xc8: {  	_ =	swait.ge [sflag:s28], $0x2000  }
0xc9: {  	[sflag:s28] =	ssyncset.done $0x0  }
0xca: {  	[sflag:s28] =	ssyncadd.s32 $0xFFFFE000  }
0xcb: {  	_ =	swait.ge [sflag:s28], $0x1E80  }
0xcc: {  	[sflag:s28] =	ssyncset.done $0x0  }
0xcd: {  	s9 =	simm.s32 $0x1400;
	[sflag:s28] =	ssyncadd.s32 $0xFFFFE180  }
0xce: {  	[spmem:s1] =	stream.indirect.scatter.add.f32 [tilespmem:s22], [sflag:$0x3], $0x80, s9, s29, $0xb8;
	[tilespmem:$0x1E080] =	vst v63  }
0xcf: {  	_ =	swait.ge [sflag:s19], $0x3E80  }
0xd0: {  	[sflag:s19] =	ssyncset.done $0x0  }
0xd1: {  	s10 =	simm.s32 $0x100;
	[sflag:s19] =	ssyncadd.s32 $0xFFFFC180  }
0xd2: {  	[tilespmem:s22], [sflag:$0x1] =	stream.indirect.gather [hbm4b:s4+s21], $0x80, s10, s21, $0xb8;
	[tilespmem:$0x1E080] =	vst v63  }
0xd3: {  	s11 =	simm.s32 $0x140  }
0xd4: {  	[tilespmem:s24], [sflag:$0x1] =	stream.indirect.gather [hbm4b:s4+s23], $0x80, s11, s23, $0xb8;
	[tilespmem:$0x1E080] =	vst v63  }
0xd5: {  	_ =	swait.ge [sflag:s30], $0x2000  }
0xd6: {  	[sflag:s30] =	ssyncset.done $0x0  }
0xd7: {  	[sflag:s30] =	ssyncadd.s32 $0xFFFFE000  }
0xd8: {  	_ =	swait.ge [sflag:s30], $0x1E80  }
0xd9: {  	[sflag:s30] =	ssyncset.done $0x0  }
0xda: {  	s12 =	simm.s32 $0x1480;
	[sflag:s30] =	ssyncadd.s32 $0xFFFFE180  }
0xdb: {  	[spmem:s1] =	stream.indirect.scatter.add.f32 [tilespmem:s25], [sflag:$0x3], $0x80, s12, s29, $0xb8;
	[tilespmem:$0x1E080] =	vst v63  }
0xdc: {  	_ =	swait.ge [sflag:s19], $0x3E80  }
0xdd: {  	s8 =	simm.s32 $0x100;
	s9 =	simm.s32 $0x800;
	[sflag:s19] =	ssyncset.done $0x0  }
.LBB2_6:
0xde: {  	s10 =	sadd.s32 $0x80, s8  }
0xdf: {  	[sflag:s19] =	ssyncadd.s32 $0xFFFFC180;
	s11 =	smov.u32 s9;
	s12 =	sadd.s32 $0x400, s9  }
0xe0: {  	[tilespmem:s25], [sflag:$0x2] =	stream.indirect.gather [hbm4b:s4+s21], $0x80, s10, s21, $0xb8;
	[tilespmem:$0x1E080] =	vst v63  }
0xe1: {  	p1 =	sne.s32 s9, $0x4800;
	s9 =	sadd.s32 $0xC0, s8  }
0xe2: {  	[tilespmem:s26], [sflag:$0x2] =	stream.indirect.gather [hbm4b:s4+s23], $0x80, s9, s23, $0xb8;
	[tilespmem:$0x1E080] =	vst v63  }
0xe3: {  	_ =	swait.ge [sflag:s28], $0x2000  }
0xe4: {  	[sflag:s28] =	ssyncset.done $0x0  }
0xe5: {  	[sflag:s28] =	ssyncadd.s32 $0xFFFFE000  }
0xe6: {  	_ =	swait.ge [sflag:s28], $0x1E80  }
0xe7: {  	[sflag:s28] =	ssyncset.done $0x0  }
0xe8: {  	s9 =	sadd.s32 $0x1400, s8;
	[sflag:s28] =	ssyncadd.s32 $0xFFFFE180  }
0xe9: {  	[spmem:s1] =	stream.indirect.scatter.add.f32 [tilespmem:s22], [sflag:$0x3], $0x80, s9, s29, $0xb8;
	[tilespmem:$0x1E080] =	vst v63  }
0xea: {  	_ =	swait.ge [sflag:s19], $0x3E80  }
0xeb: {  	[sflag:s19] =	ssyncset.done $0x0  }
0xec: {  	s9 =	sadd.s32 $0x100, s8;
	[sflag:s19] =	ssyncadd.s32 $0xFFFFC180  }
0xed: {  	[tilespmem:s22], [sflag:$0x1] =	stream.indirect.gather [hbm4b:s4+s21], $0x80, s9, s21, $0xb8;
	[tilespmem:$0x1E080] =	vst v63  }
0xee: {  	s9 =	sadd.s32 $0x140, s8  }
0xef: {  	[tilespmem:s24], [sflag:$0x1] =	stream.indirect.gather [hbm4b:s4+s23], $0x80, s9, s23, $0xb8;
	[tilespmem:$0x1E080] =	vst v63  }
0xf0: {  	_ =	swait.ge [sflag:s30], $0x2000  }
0xf1: {  	[sflag:s30] =	ssyncset.done $0x0  }
0xf2: {  	[sflag:s30] =	ssyncadd.s32 $0xFFFFE000  }
0xf3: {  	_ =	swait.ge [sflag:s30], $0x1E80  }
.Ltmp2:
0xf4: {  	[sflag:s30] =	ssyncset.done $0x0;
	(pc) =	sbr.rel @p1 .LBB2_6-.Ltmp2, $4  }
0xf5: {  	s8 =	sadd.s32 $0x1480, s8;
	[sflag:s30] =	ssyncadd.s32 $0xFFFFE180  }
0xf6: {  	[spmem:s1] =	stream.indirect.scatter.add.f32 [tilespmem:s25], [sflag:$0x3], $0x80, s8, s29, $0xb8;
	[tilespmem:$0x1E080] =	vst v63  }
0xf7: {  	_ =	swait.ge [sflag:s19], $0x3E80  }
0xf8: {  	s9 =	smov.u32 s12;
	s8 =	sshra.s32 s11, $0x2;
	[sflag:s19] =	ssyncset.done $0x0  }
0xf9: {  	s9 =	sadd.s32 $0x80, s8;
	[sflag:s19] =	ssyncadd.s32 $0xFFFFC180  }
0xfa: {  	[tilespmem:s25], [sflag:$0x2] =	stream.indirect.gather [hbm4b:s4+s21], $0x80, s9, s21, $0xb8;
	[tilespmem:$0x1E080] =	vst v63  }
0xfb: {  	s11 =	sadd.s32 $0xC0, s8  }
0xfc: {  	[tilespmem:s26], [sflag:$0x2] =	stream.indirect.gather [hbm4b:s4+s23], $0x80, s11, s23, $0xb8;
	[tilespmem:$0x1E080] =	vst v63  }
0xfd: {  	_ =	swait.ge [sflag:s28], $0x2000  }
0xfe: {  	[sflag:s28] =	ssyncset.done $0x0  }
0xff: {  	[sflag:s28] =	ssyncadd.s32 $0xFFFFE000  }
0x100: {  	_ =	swait.ge [sflag:s28], $0x1E80  }
0x101: {  	[sflag:s28] =	ssyncset.done $0x0  }
0x102: {  	s12 =	sadd.s32 $0x1400, s8;
	[sflag:s28] =	ssyncadd.s32 $0xFFFFE180  }
0x103: {  	[spmem:s1] =	stream.indirect.scatter.add.f32 [tilespmem:s22], [sflag:$0x3], $0x80, s12, s29, $0xb8;
	[tilespmem:$0x1E080] =	vst v63  }
0x104: {  	_ =	swait.ge [sflag:s19], $0x3E80  }
0x105: {  	[sflag:s19] =	ssyncset.done $0x0  }
0x106: {  	s10 =	sadd.s32 $0x100, s8;
	[sflag:s19] =	ssyncadd.s32 $0xFFFFC180  }
0x107: {  	[tilespmem:s22], [sflag:$0x1] =	stream.indirect.gather [hbm4b:s4+s21], $0x80, s10, s21, $0xb8;
	[tilespmem:$0x1E080] =	vst v63  }
0x108: {  	s11 =	sadd.s32 $0x140, s8  }
0x109: {  	[tilespmem:s24], [sflag:$0x1] =	stream.indirect.gather [hbm4b:s4+s23], $0x80, s11, s23, $0xb8;
	[tilespmem:$0x1E080] =	vst v63  }
0x10a: {  	_ =	swait.ge [sflag:s30], $0x2000  }
0x10b: {  	[sflag:s30] =	ssyncset.done $0x0  }
0x10c: {  	[sflag:s30] =	ssyncadd.s32 $0xFFFFE000  }
0x10d: {  	_ =	swait.ge [sflag:s30], $0x1E80  }
0x10e: {  	[sflag:s30] =	ssyncset.done $0x0  }
0x10f: {  	s12 =	sadd.s32 $0x1480, s8;
	[sflag:s30] =	ssyncadd.s32 $0xFFFFE180  }
0x110: {  	[spmem:s1] =	stream.indirect.scatter.add.f32 [tilespmem:s25], [sflag:$0x3], $0x80, s12, s29, $0xb8;
	[tilespmem:$0x1E080] =	vst v63  }
0x111: {  	_ =	swait.ge [sflag:s19], $0x3E80  }
0x112: {  	[sflag:s19] =	ssyncset.done $0x0  }
0x113: {  	[sflag:s19] =	ssyncadd.s32 $0xFFFFC180  }
0x114: {  	[tilespmem:s25], [sflag:$0x2] =	stream.indirect.gather [hbm4b:s4+s21], $0x80, s31, s21, $0xb8;
	[tilespmem:$0x1E080] =	vst v63  }
0x115: {  	_ = 	snop  }
0x116: {  	[tilespmem:s26], [sflag:$0x2] =	stream.indirect.gather [hbm4b:s4+s23], $0x80, s0, s23, $0xb8;
	[tilespmem:$0x1E080] =	vst v63  }
0x117: {  	_ =	swait.ge [sflag:s28], $0x2000  }
0x118: {  	[sflag:s28] =	ssyncset.done $0x0  }
0x119: {  	[sflag:s28] =	ssyncadd.s32 $0xFFFFE000  }
0x11a: {  	_ =	swait.ge [sflag:s28], $0x1E80  }
0x11b: {  	[sflag:s28] =	ssyncset.done $0x0  }
0x11c: {  	[sflag:s28] =	ssyncadd.s32 $0xFFFFE180  }
0x11d: {  	[spmem:s1] =	stream.indirect.scatter.add.f32 [tilespmem:s22], [sflag:$0x3], $0x80, s2, s29, $0xb8;
	[tilespmem:$0x1E080] =	vst v63  }
0x11e: {  	_ =	swait.ge [sflag:s19], $0x3E80  }
0x11f: {  	[sflag:s19] =	ssyncset.done $0x0  }
0x120: {  	[sflag:s19] =	ssyncadd.s32 $0xFFFFC180  }
0x121: {  	_ =	swait.ge [sflag:s30], $0x2000  }
0x122: {  	[sflag:s30] =	ssyncset.done $0x0  }
0x123: {  	[sflag:s30] =	ssyncadd.s32 $0xFFFFE000  }
0x124: {  	_ =	swait.ge [sflag:s30], $0x1E80  }
0x125: {  	[sflag:s30] =	ssyncset.done $0x0  }
0x126: {  	[sflag:s30] =	ssyncadd.s32 $0xFFFFE180  }
0x127: {  	[spmem:s1] =	stream.indirect.scatter.add.f32 [tilespmem:s25], [sflag:$0x3], $0x80, s5, s29, $0xb8;
	[tilespmem:$0x1E080] =	vst v63  }
0x128: {  	_ =	swait.ge [sflag:s19], $0x3E80  }
0x129: {  	[sflag:s19] =	ssyncset.done $0x0  }
0x12a: {  	[sflag:s19] =	ssyncadd.s32 $0xFFFFC180  }
0x12b: {  	s9 =	simm.s32 @p0 $0x1FC3;
	s8 =	sshrl.u32 @p0 s7, $0x3;
	[bflag:$0x0] =	sbarrier.arrive $0xFFFF  }
0x12c: {  	[hbm:s17], [sflag:s9] =	dma.local @p0 [spmem:s8], $0x2800  }
0x12d: {  	s8 =	simm.s32 @p0 $0x3  }
0x12e: {  	s6 =	sadd.s32 $0x1, s6;
	s9 =	stileid.u32;
	_ =	swait.ge @p0 [sflag:s8], $0x2800  }
0x12f: {  	p1 =	sne.s32 s6, s18;
	s9 =	sshll.u32 @!p0 s9, $0x6;
	[sflag:s8] =	ssyncset.done @p0 $0x0  }
0x130: {  	[sflag:s8] =	ssyncadd.s32 @p0 $0xFFFFD800;
	s8 =	sor.u32 @!p0 $0x1C03, s9;
	s9 =	sshrl.u32 @!p0 s7, $0x3  }
0x131: {  	[hbm:s16], [sflag:s8] =	dma.local @!p0 [spmem:s9], $0x2700  }
.Ltmp3:
0x132: {  	_ = 	snop;
	(pc) =	sbr.rel @p1 .LBB2_1-.Ltmp3, $4  }
0x133: {  	s8 =	simm.s32 @!p0 $0x3  }
0x134: {  	_ =	swait.ge @!p0 [sflag:s8], $0x2700  }
0x135: {  	[sflag:s8] =	ssyncset.done @!p0 $0x0  }
0x136: {  	[sflag:s8] =	ssyncadd.s32 @!p0 $0xFFFFD900  }
0x137: {  	_ =	sfence.sel $0x180000  }
0x138: {  	[bflag:$0x0] =	sbarrier.arrive $0xFFFF  }
0x139: {  	_ =	strace $0x9000004A  }
0x13a: {  	s0 =	stileid.u32;
	[bflag:$0x2] =	sbarrier.arrive $0xFFFF  }
0x13b: {  	p0 =	sne.s32 s0, $0x0;
	s0 =	rddreg [dreg:$0x2]  }
0x13c: {  	s0 =	sadd.s32 @!p0 $0x100000, s0  }
0x13d: {  	[sflag:s0] =	ssyncadd.tile.s32 @!p0 $0x1;
	_ =	shalt  }
.Lfunc_end2:
_tile_overlayer_lowered:
.L_overlay_start_2:
0x13e: {  	(tag) =	ssettag $0x2  }
0x13f: {  	s0 =	rddreg [dreg:$0x0];
	s2 =	stileid.u32  }
0x140: {  	s1 =	rddreg [dreg:$0x1];
	p0 =	sne.s32 s2, $0x0  }
0x141: {  	s3 =	rddreg [dreg:$0x2];
	[bflag:$0x3] =	sbarrier.arrive $0xFFFF;
	s2 =	simm.s32 @!p0 $0x1C03  }
0x142: {  	[timem:s3], [sflag:s2] =	dma.local @!p0 [hbm:s0], s1  }
0x143: {  	s0 =	simm.s32 @!p0 $0x3  }
0x144: {  	_ =	swait.ge @!p0 [sflag:s0], s1  }
0x145: {  	s1 =	ssub.s32 @!p0 $0x0, s1;
	[sflag:s0] =	ssyncset.done @!p0 $0x0  }
0x146: {  	[sflag:s0] =	ssyncadd.s32 @!p0 s1  }
0x147: {  	[bflag:$0x3] =	sbarrier.arrive $0xFFFF  }
0x148: {  	_ =	shalt  }

// kernel: scatter_offload_async_start.1
scs
__scs_entry_jumppad:
0x0: {  	(pc) =	sbr.rel $0x88, $3  }
0x1: {  	(tag) =	ssettag $0x0;
	lr =	simm.s32 $0x1  }
0x2: {  	[smem:$0x3F94] =	sst lr;
	_ =	strace $0xD0000000  }
0x3: {  	_ = 	snop  }
0x4: {  	_ = 	snop  }
0x5: {  	_ = 	snop  }
0x6: {  	_ = 	snop  }
0x7: {  	_ = 	snop  }
__scs_overlays_trampoline_lowered:
0x8: {  	[smem:$0x3FA3] =	sst s0  }
0x9: {  	[smem:$0x3FA4] =	sst s1  }
0xa: {  	[smem:$0x3FA5] =	sst s2  }
0xb: {  	[smem:$0x3FA6] =	sst s3  }
0xc: {  	[smem:$0x3FA7] =	sst s4  }
0xd: {  	[smem:$0x3FA8] =	sst s5  }
0xe: {  	[smem:$0x3FA9] =	sst s6  }
0xf: {  	[smem:$0x3FAA] =	sst s7  }
0x10: {  	[smem:$0x3FAB] =	sst s8  }
0x11: {  	[smem:$0x3FAC] =	sst s9;
	s0 =	simm.s32 @!p0 $0x0  }
0x12: {  	s1 =	sld [smem:$0x3F92];
	s0 =	simm.s32 @p0 $0x1  }
0x13: {  	[smem:$0x3FAD] =	sst s0;
	s0 =	simm.s32 @!p1 $0x0  }
0x14: {  	s2 =	sld [smem:$0x3F91];
	s0 =	simm.s32 @p1 $0x1  }
0x15: {  	[smem:$0x3FAE] =	sst s0;
	s0 =	simm.s32 @!p2 $0x0  }
0x16: {  	s3 =	sld [smem:$0x3FDB];
	s0 =	simm.s32 @p2 $0x1  }
0x17: {  	s4 =	simm.s32 $0x1BF5;
	[smem:$0x3FB0] =	sst s0  }
0x18: {  	s0 =	sld [smem:$0x3F93];
	_ =	swait.ge [sflag:s4], $0x0  }
0x19: {  	s7 =	sld [smem:$0x3F94]  }
0x1a: {  	s8 =	sadd.s32 $0xFFFFE003, lr  }
0x1b: {  	s9 =	sadd.s32 $0xFFFFFEF7, lr;
	s5 =	simm.s32 $0xFFFFFFFF;
	p2 =	slt.u32 s8, $0xFFFFF086  }
0x1c: {  	p1 =	slt.u32 s9, $0xF7A;
	s5 =	simm.s32 @!p2 $0x0  }
0x1d: {  	s5 =	simm.s32 @p1 $0x1;
	p0 =	seq.s32 s7, s2  }
0x1e: {  	s7 =	smul.u32 @!p0 $0xF7A, s2;
	p2 =	seq.s32 @!p0 s5, $0x0  }
0x1f: {  	s9 =	smul.u32 $0xF7A, s1;
	s8 =	simm.s32 @!p0 $0x1BF5;
	p2 =	por !p2, p0  }
0x20: {  	[sflag:s8] =	ssyncset.s32 @!p0 $0xFFFFF086;
	s6 =	sadd.s32 @!p0 s3, s7;
	s7 =	simm.s32 @!p0 $0x108  }
0x21: {  	s3 =	sadd.s32 s3, s9;
	s6 =	sadd.s32 @!p0 $0x88, s6;
	s7 =	simm.s32 @p2 $0x1082  }
0x22: {  	[simem:s7], [sflag:s8] =	dma.local @!p0 [hbm:s6], $0xF7A  }
0x23: {  	s9 =	sor.u32 $0xD0000000, s2;
	s6 =	simm.s32 $0x108;
	_ =	swait.ge @!p0 [sflag:s8], $0x0  }
0x24: {  	s3 =	sadd.s32 $0x88, s3;
	s6 =	simm.s32 @!p1 $0x1082;
	[sflag:s4] =	ssyncset.s32 $0xFFFFF086  }
0x25: {  	[simem:s6], [sflag:s4] =	dma.local [hbm:s3], $0xF7A  }
0x26: {  	[smem:$0x3F94] =	sst s1;
	(tag) =	ssettag s2;
	_ =	strace s9  }
0x27: {  	s1 =	sld [smem:$0x3FA4]  }
0x28: {  	s2 =	sld [smem:$0x3FA5]  }
0x29: {  	s4 =	sld [smem:$0x3FA7]  }
0x2a: {  	p0 =	seq.s32 s5, $0x0;
	s5 =	sld [smem:$0x3FA8]  }
0x2b: {  	s6 =	sld [smem:$0x3FA9]  }
0x2c: {  	s7 =	sld [smem:$0x3FAA]  }
0x2d: {  	s3 =	simm.s32 $0x108;
	s8 =	sld [smem:$0x3FAB]  }
0x2e: {  	s3 =	simm.s32 @!p0 $0x1082;
	s9 =	sld [smem:$0x3FAC]  }
0x2f: {  	lr =	sadd.s32 s0, s3;
	s0 =	sld [smem:$0x3FA3]  }
0x30: {  	s3 =	sld [smem:$0x3FA6]  }
0x31: {  	[smem:$0x3FAF] =	sst s10  }
0x32: {  	s10 =	sld [smem:$0x3FAD];
	_ =	sdelay $0x3  }
0x33: {  	p0 =	seq.s32 s10, $0x1;
	s10 =	sld [smem:$0x3FAF];
	_ =	sdelay $0x3  }
0x34: {  	[smem:$0x3FAF] =	sst s10  }
0x35: {  	s10 =	sld [smem:$0x3FAE];
	_ =	sdelay $0x3  }
0x36: {  	p1 =	seq.s32 s10, $0x1;
	s10 =	sld [smem:$0x3FAF];
	_ =	sdelay $0x3  }
0x37: {  	[smem:$0x3FAF] =	sst s10  }
0x38: {  	s10 =	sld [smem:$0x3FB0]  }
0x39: {  	_ = 	snop;
	(pc) =	sbr.ind lr, $3  }
0x3a: {  	_ = 	snop  }
0x3b: {  	_ = 	snop  }
0x3c: {  	p2 =	seq.s32 s10, $0x1;
	s10 =	sld [smem:$0x3FAF]  }
0x3d: {  	_ =	shalt  }
0x3e: {  	_ =	shalt  }
0x3f: {  	_ =	shalt  }
0x40: {  	_ =	shalt  }
0x41: {  	_ =	shalt  }
0x42: {  	_ =	shalt  }
0x43: {  	_ =	shalt  }
0x44: {  	_ =	shalt  }
0x45: {  	_ =	shalt  }
0x46: {  	_ =	shalt  }
0x47: {  	_ =	shalt  }
0x48: {  	_ =	shalt  }
0x49: {  	_ =	shalt  }
0x4a: {  	_ =	shalt  }
0x4b: {  	_ =	shalt  }
0x4c: {  	_ =	shalt  }
0x4d: {  	_ =	shalt  }
0x4e: {  	_ =	shalt  }
0x4f: {  	_ =	shalt  }
0x50: {  	_ =	shalt  }
0x51: {  	_ =	shalt  }
0x52: {  	_ =	shalt  }
0x53: {  	_ =	shalt  }
0x54: {  	_ =	shalt  }
0x55: {  	_ =	shalt  }
0x56: {  	_ =	shalt  }
0x57: {  	_ =	shalt  }
0x58: {  	_ =	shalt  }
0x59: {  	_ =	shalt  }
0x5a: {  	_ =	shalt  }
0x5b: {  	_ =	shalt  }
0x5c: {  	_ =	shalt  }
0x5d: {  	_ =	shalt  }
0x5e: {  	_ =	shalt  }
0x5f: {  	_ =	shalt  }
0x60: {  	_ =	shalt  }
0x61: {  	_ =	shalt  }
0x62: {  	_ =	shalt  }
0x63: {  	_ =	shalt  }
0x64: {  	_ =	shalt  }
0x65: {  	_ =	shalt  }
0x66: {  	_ =	shalt  }
0x67: {  	_ =	shalt  }
0x68: {  	_ =	shalt  }
0x69: {  	_ =	shalt  }
0x6a: {  	_ =	shalt  }
0x6b: {  	_ =	shalt  }
0x6c: {  	_ =	shalt  }
0x6d: {  	_ =	shalt  }
0x6e: {  	_ =	shalt  }
0x6f: {  	_ =	shalt  }
0x70: {  	_ =	shalt  }
0x71: {  	_ =	shalt  }
0x72: {  	_ =	shalt  }
0x73: {  	_ =	shalt  }
0x74: {  	_ =	shalt  }
0x75: {  	_ =	shalt  }
0x76: {  	_ =	shalt  }
0x77: {  	_ =	shalt  }
0x78: {  	_ =	shalt  }
0x79: {  	_ =	shalt  }
0x7a: {  	_ =	shalt  }
0x7b: {  	_ =	shalt  }
0x7c: {  	_ =	shalt  }
0x7d: {  	_ =	shalt  }
0x7e: {  	_ =	shalt  }
0x7f: {  	_ =	shalt  }
0x80: {  	_ =	shalt  }
0x81: {  	_ =	shalt  }
0x82: {  	_ =	shalt  }
0x83: {  	_ =	shalt  }
0x84: {  	_ =	shalt  }
0x85: {  	_ =	shalt  }
0x86: {  	_ =	shalt  }
0x87: {  	_ =	shalt  }
.Lfunc_end0:
.L_simem_size_0:
called_computation.1_lowered:
.L_overlay_start_0:
0x88: {  	s0 =	sld [smem:$0x3FD9]  }
0x89: {  	s1 =	sld [smem:$0x3FFE];
	_ =	sdelay $0x3  }
0x8a: {  	s0 =	sadd.s32 s1, s0  }
0x8b: {  	[smem:$0x3FBB] =	sst s0  }
0x8c: {  	_ = 	snop  }
0x8d: {  	s0 =	sld [smem:$0x3FD0];
	(tm) =	ssettm $0x1  }
0x8e: {  	s16 =	sld [smem:$0x3FFB];
	_ =	sdelay $0x3  }
0x8f: {  	_ =	strace s16  }
0x90: {  	s1 =	sld [smem:$0x3FFC];
	_ =	sdelay $0x3  }
0x91: {  	_ =	strace s1  }
0x92: {  	s1 =	sld [smem:$0x3FFD];
	_ =	sdelay $0x3  }
0x93: {  	_ =	strace s1  }
0x94: {  	_ =	strace $0x8FFFFFFF  }
0x95: {  	s17 =	sld [smem:$0x3FDB];
	_ =	sdelay $0x1  }
0x96: {  	s2 =	simm.s32 $_scs_section_size  }
0x97: {  	s3 =	simm.s32 $_size__tile_overlayer_lowered;
	s4 =	simm.s32 $_tile_overlayer_lowered  }
0x98: {  	s20 =	simm.s32 $0x1BFF;
	s19 =	sshll.u32 s4, $0x1;
	s1 =	sadd.s32 s2, s17  }
0x99: {  	s5 =	simm.s32 $0x0;
	s18 =	sshll.u32 s3, $0x1;
	s3 =	sadd.s32 s19, s1  }
0x9a: {  	[timem:s5], [sflag:s20] =	dma.local [hbm:s3], s18  }
0x9b: {  	_ =	swait.ge [sflag:s20], s18  }
0x9c: {  	s2 =	ssub.s32 $0x0, s18;
	[sflag:s20] =	ssyncset.done $0x0  }
0x9d: {  	[sflag:s20] =	ssyncadd.s32 s2;
	_ =	sdelay $0x1  }
0x9e: {  	s21 =	simm.s32 $0x1B8B  }
0x9f: {  	_ =	swait.ge [sflag:s21], $0x1  }
0xa0: {  	[sflag:s21] =	ssyncset.done $0x0  }
0xa1: {  	s23 =	simm.s32 $0x1B8E;
	s22 =	sld [smem:$0x3FFE];
	[sflag:s21] =	ssyncadd.s32 $0xFFFFFFFF  }
0xa2: {  	s24 =	simm.s32 $execute0_lowered;
	[smem:$0x3FD2] =	sst s23  }
0xa3: {  	s3 =	sshll.u32 s24, $0x1;
	_ =	strace $0x80000052;
	[dreg:$0x1] =	wrdreg $0xFFFFFFFF  }
0xa4: {  	s25 =	simm.s32 $_size_execute0_lowered;
	s1 =	sadd.s32 s1, s3;
	[dreg:$0x0] =	wrdreg $0x0  }
0xa5: {  	s3 =	sshll.u32 s25, $0x1;
	[dreg:$0x2] =	wrdreg s1  }
0xa6: {  	[dreg:$0x3] =	wrdreg s3  }
0xa7: {  	[dreg:$0x4] =	wrdreg $0xC0  }
0xa8: {  	_ =	task [dreg:s5], $0x5FFFF  }
0xa9: {  	[dreg:$0x1] =	wrdreg $0xFFFFFFFF  }
0xaa: {  	[dreg:$0x0] =	wrdreg $0x60  }
0xab: {  	[dreg:$0x2] =	wrdreg s0  }
0xac: {  	[dreg:$0x3] =	wrdreg s22  }
0xad: {  	[dreg:$0x4] =	wrdreg $0xA  }
0xae: {  	_ =	task.clear_ibuf [dreg:s5], $0x5FFFF;
	_ =	strace $0x90000052  }
0xaf: {  	s26 =	simm.s32 $0xA;
	_ =	strace $0x80000054  }
0xb0: {  	_ =	swait.ge [sflag:s26], $0x1  }
0xb1: {  	[sflag:s26] =	ssyncadd.s32 $0xFFFFFFFF  }
0xb2: {  	_ =	strace $0x90000054  }
0xb3: {  	_ =	sfence  }
0xb4: {  	s28 =	sld [smem:$0x0];
	_ =	sdelay $0x1  }
0xb5: {  	s29 =	srdreg.scid  }
0xb6: {  	s30 =	sshll.u32 s29, $0xD;
	s31 =	sshrl.u32 s29, $0x2  }
0xb7: {  	s2 =	sand.u32 $0x4000, s30;
	s1 =	sand.u32 $0x1, s29;
	s0 =	sadd.s32 s31, s28  }
0xb8: {  	s1 =	sor.u32 s2, s1;
	s0 =	sshll.u32 s0, $0x11  }
0xb9: {  	s0 =	sor.u32 s0, s1  }
0xba: {  	s0 =	sadd.s32 $0x8F2B, s0  }
0xbb: {  	[sflag:s0] =	ssyncadd.remote.s32 $0x1  }
0xbc: {  	_ =	sfence.sel $0xFFFF  }
0xbd: {  	[dreg:$0x0] =	wrdreg $0xFFFFFFFF;
	(pc) =	sbr.abs _section_cstart, $3  }
0xbe: {  	[dreg:$0x1] =	wrdreg $0xFFFFFFFF  }
0xbf: {  	_ =	task.clear_ibuf [dreg:s5], $0x2FFFF;
	_ =	strace $0x9FFFFFFF  }
0xc0: {  	(tm) =	ssettm $0x7FFFFFFF  }
0xc1: {  	_ =	shalt  }
tec
execute0_lowered:
.L_overlay_start_1:
0x0: {  	(tag) =	ssettag $0x1  }
0x1: {  	s1 =	rddreg [dreg:$0x0];
	s6 =	stileid.u32  }
0x2: {  	s0 =	rddreg [dreg:$0x1];
	_ =	strace $0x80000053;
	s2 =	smin.u32 s6, $0x9  }
0x3: {  	s9 =	simm.s32 $0x1;
	p0 =	slt.u32 s6, $0x9;
	s2 =	sadd.s32 s6, s2  }
0x4: {  	v1 =	vimm.s32 $0xFFFFFFFF;
	[sflag:s9] =	ssyncpa.u1 $0x0;
	s3 =	smul.u32 $0x190, s2;
	s2 =	simm.s32 $0x320  }
0x5: {  	[tilespmem:$0x10] =	vst v1;
	s2 =	simm.s32 @!p0 $0x190  }
0x6: {  	v0 =	vimm.f32 $0.0e+00;
	[tilespmem:$0x20] =	vst v1;
	s2 =	sadd.s32 s2, s3  }
0x7: {  	[tilespmem:$0x30] =	vst v0;
	s4 =	smin.u32 s2, $0x2710  }
0x8: {  	[tilespmem:$0x40] =	vst v0;
	s2 =	ssub.s32 s4, s3  }
0x9: {  	[tilespmem:$0x50] =	vst v0;
	p0 =	sgt.s32 s2, $0x0  }
0xa: {  	[tilespmem:$0x60] =	vst v1;
	s2 =	simm.s32 @!p0 $0x0  }
0xb: {  	s7 =	simm.s32 $0x2;
	s8 =	simm.s32 $0x8;
	[tilespmem:$0x70] =	vst v1;
	s5 =	sand.u32 $0xFFF0, s2  }
0xc: {  	s31 =	simm.s32 $0x9;
	s16 =	simm.s32 $0x0;
	[tilespmem:$0x80] =	vst v1;
	s5 =	sshrl.u32 s5, $0x4  }
0xd: {  	s17 =	simm.s32 $0xF0;
	s18 =	simm.s32 $0xFFFFFFFF;
	v1 =	vimm.s32 $0x0;
	[tilespmem:$0xB0] =	vst v0;
	s5 =	smul.u32 $0xA3E, s5  }
0xe: {  	s19 =	simm.s32 $0xFFFFFDE0;
	s20 =	simm.s32 $0xFFFFFFFE;
	s21 =	simm.s32 $0xF;
	[tilespmem:$0x90] =	vst v1  }
0xf: {  	[tilespmem:$0xA0] =	vst v1;
	[sflag:s7] =	ssyncpa.u1 $0x0;
	s7 =	simm.s32 $0x7;
	s10 =	sshrl.u32 s5, $0x10  }
0x10: {  	s25 =	simm.s32 $0x0;
	[sflag:s7] =	ssyncpa.u1 $0x0;
	s11 =	smul.u32 $0x190, s10  }
0x11: {  	s24 =	simm.s32 $0x0;
	s14 =	sshllo.u32 s6, $0x1;
	[sflag:s8] =	ssyncpa.u1 $0x0  }
.Ltmp0:
0x12: {  	s23 =	smov.u32 s3;
	p0 =	sne.s32 s2, s11;
	(pc) =	sbr.rel .LBB2_1-.Ltmp0, $4  }
0x13: {  	s5 =	sadd.s32 $0x8B400, s0;
	s0 =	sadd.s32 $0x8BA00, s0;
	s9 =	simm.s32 @!p0 $0x0  }
0x14: {  	[sflag:s31] =	ssyncpa.u1 $0x0;
	[dreg:$0x3] =	wrdreg s0;
	s9 =	sadd.s32 s10, s9  }
0x15: {  	vm0 =	vmmov $0xffff;
	v2 =	vlaneseq.u32;
	p0 =	por $0x0, $0x0;
	s10 =	sshll.u32 s6, $0x1;
	s11 =	sadd.s32 $0x1, s9  }
0x16: {  	vm1 =	vmxor vm1, vm1;
	vm2 =	vmmov $0x1;
	vm3 =	vcmask $0x3F3C;
	s12 =	sadd.s32 $0x2, s9;
	s13 =	sor.u32 $0x81, s10;
	s15 =	sor.u32 $0x80, s10  }
.LBB2_9:
0x17: {  	p1 =	slt.u32 s24, $0x3  }
0x18: {  	s0 =	simm.s32 @!p1 $0x2  }
0x19: {  	_ =	swait.ge @!p1 [sflag:s0], $0x190  }
0x1a: {  	[sflag:s0] =	ssyncset.done @!p1 $0x0  }
0x1b: {  	[sflag:s0] =	ssyncadd.s32 @!p1 $0xFFFFFE70;
	s0 =	simm.s32 @!p1 $0x9  }
0x1c: {  	_ =	swait.ge @!p1 [sflag:s0], $0x10  }
0x1d: {  	[sflag:s0] =	ssyncset.done @!p1 $0x0  }
0x1e: {  	[sflag:s0] =	ssyncadd.s32 @!p1 $0xFFFFFFF0;
	p1 =	sne.s32 s24, s12  }
.Ltmp1:
0x1f: {  	s2 =	sadd.s32 $0x190, s23;
	(pc) =	sbr.rel @!p1 .LBB2_10-.Ltmp1, $4  }
0x20: {  	s6 =	smov.u32 s3;
	s31 =	sadd.s32 $0x1, s24;
	s17 =	sadd.s32 $0x190, s17  }
0x21: {  	s18 =	sadd.s32 $0x1, s18;
	s25 =	smov.u32 s23;
	p2 =	slt.s32 s2, s4  }
0x22: {  	p0 =	por !p0, !p0;
	s19 =	sadd.s32 $0x190, s19;
	s6 =	smov.u32 @p2 s2  }
0x23: {  	s20 =	sadd.s32 $0x1, s20;
	s23 =	smov.u32 s6;
	s24 =	smov.u32 s31  }
.LBB2_1:
0x24: {  	p1 =	sge.u32 s24, s9  }
0x25: {  	s0 =	smulhi.u32 @!p1 $0xAAAAAAAB, s24;
	_ =	sdelay $0x1  }
0x26: {  	s0 =	sshrl.u32 @!p1 s0, $0x1  }
0x27: {  	s0 =	smul.u32 @!p1 $0x3, s0;
	_ =	sdelay $0x1  }
0x28: {  	s0 =	ssub.s32 @!p1 s24, s0  }
0x29: {  	s0 =	smul.u32 @!p1 $0x640, s0;
	_ =	sdelay $0x1  }
0x2a: {  	s2 =	sshrl.u32 @!p1 s23, $0x3;
	s0 =	sshrl.u32 @!p1 s0, $0x2  }
0x2b: {  	s22 =	sand.u32 @!p1 $0x7, s23;
	s2 =	sadd.s32 @!p1 s5, s2;
	s0 =	sadd.s32 @!p1 $0x100, s0  }
0x2c: {  	[tilespmem:s0], [sflag:$0x7] =	stream.linear.gather @!p1 [hbm4b:s2+s22], $0x190, $0x38;
	[tilespmem:$0xF30] =	vst v63  }
0x2d: {  	s0 =	sadd.s32 $0xFFFFFFFF, s24  }
0x2e: {  	p1 =	sge.u32 s0, s9  }
.Ltmp2:
0x2f: {  	_ = 	snop;
	(pc) =	sbr.rel @p1 .LBB2_5-.Ltmp2, $1  }
0x30: {  	_ =	sdelay $0x3  }
0x31: {  	s2 =	smulhi.u32 $0xAAAAAAAB, s0;
	_ =	sdelay $0x1  }
0x32: {  	s2 =	sshrl.u32 s2, $0x1  }
0x33: {  	s2 =	smul.u32 $0x3, s2;
	_ =	sdelay $0x1  }
0x34: {  	s2 =	ssub.s32 s0, s2  }
0x35: {  	s2 =	smul.u32 $0x640, s2  }
0x36: {  	_ =	swait.ge [sflag:s7], $0x190  }
0x37: {  	[sflag:s7] =	ssyncset.done $0x0;
	s2 =	sshrl.u32 s2, $0x2  }
0x38: {  	[sflag:s7] =	ssyncadd.s32 $0xFFFFFE70;
	(ifvalue) =	ssetifvalue $0xFFFFFFFF;
	v3 =	vld.msk [tilespmem:s2+$0x100 ss:$0x1], $0xffff;
	_ =	sdelay $0x2  }
0x39: {  	s30 =	smulhi.u32 $0xAAAAAAAB, s18;
	p1 =	sne.s32 s24, $0x1  }
0x3a: {  	v4 =	vimm.s32 @!p1 $0x0  }
0x3b: {  	s2 =	sshrl.u32 s30, $0x1;
	v4 =	vperm.xlane @!p1 v3, v4  }
0x3c: {  	s22 =	sshll.u32 s24, $0x4;
	s2 =	smul.u32 $0xFFFFED40, s2;
	vm4 =	vlt.u32 v3, $0x80  }
0x3d: {  	s22 =	sand.u32 $0x10, s22;
	v3 =	vnsel vm4, $0xFFFFFFFE, v3;
	vm4 =	vlt.u32 @!p1 v4, $0x80  }
0x3e: {  	s2 =	sshra.s32 s2, $0x2;
	[tilespmem:s22+$0x60] =	vst v3;
	v3 =	vnsel @!p1 vm4, $0xFFFFFFFE, v4  }
0x3f: {  	s28 =	sadd.s32 s2, s17;
	[tilespmem:$0x80] =	vst @!p1 v3  }
0x40: {  	v3 =	vld.msk [tilespmem:s28+$0x0 ss:$0x1], $0xffff;
	_ =	sdelay $0x4  }
0x41: {  	(xrf1) =	vunique.msk.u32 $0xffff, v3;
	_ =	sdelay $0xd  }
0x42: {  	v4 =	vimm.s32 $0xFFFFFFFF;
	v5, _, _ =	vpop (xrf1)  }
0x43: {  	vm5 =	vne.s32 v3, v4;
	vm4 =	veq.s32 v5, v2  }
0x44: {  	vm6 =	vlt.u32 v3, $0x80;
	vm4 =	vmand vm5, vm4  }
0x45: {  	vm4 =	vmand vm6, vm4  }
0x46: {  	v4 =	vnsel vm4, $0xFFFFFFFF, v3  }
0x47: {  	s31 =	sand.u32 $0x1, s0  }
0x48: {  	s0 =	simm.s32 $0x190;
	p1 =	seq.s32 s31, $0x1  }
0x49: {  	s0 =	simm.s32 @!p1 $0x0  }
0x4a: {  	s26 =	sadd.s32 $0x730, s0;
	(ifvalue) =	ssetifvalue $0xFFFFFFFF  }
0x4b: {  	v3 =	vperm.xlane v3, v1;
	[tilespmem:s26], [sflag:$0x8] =	stream.indirect_vreg.gather [hbm4b:s1+s16], $0x1, v4, vm0, $0x4038;
	v4 =	vnsel vm6, $0xFFFFFFFE, v4;
	[tilespmem:$0xF30] =	vst v63  }
0x4c: {  	s2 =	simm.s32 $0x0;
	s22 =	sadd.s32 $0xFFFFFFF0, s28;
	[tilespmem:s28+$0x0] =	vst v4  }
.LBB2_3:
0x4d: {  	v4 =	vld.msk [tilespmem:s22+$0x0 ss:$0x1], $0xffff;
	s2 =	sadd.s32 $0x10, s2;
	v5 =	vmov v3;
	s28 =	smov.u32 s22  }
0x4e: {  	p1 =	slt.u32 s2, $0x180;
	_ =	sdelay $0x4  }
0x4f: {  	v3 =	vperm.xlane v4, v1;
	(xrf1) =	vunique.msk.u32 $0xffff, v4;
	_ =	sdelay $0xd  }
0x50: {  	v6, _, _ =	vpop (xrf1)  }
0x51: {  	vm5 =	vne.s32 v4, v5;
	vm4 =	veq.s32 v6, v2  }
0x52: {  	vm6 =	vlt.u32 v4, $0x80;
	vm4 =	vmand vm5, vm4  }
0x53: {  	vm4 =	vmand vm6, vm4  }
0x54: {  	v4 =	vnsel vm4, $0xFFFFFFFF, v4  }
.Ltmp3:
0x55: {  	v5 =	vnsel vm6, $0xFFFFFFFE, v4;
	(pc) =	sbr.rel @p1 .LBB2_3-.Ltmp3, $3  }
0x56: {  	_ =	sdelay $0x1  }
0x57: {  	s22 =	sadd.s32 $0xFFFFFFF0, s22;
	s26 =	sadd.s32 $0xFFFFFFF0, s26;
	(ifvalue) =	ssetifvalue $0xFFFFFFFF  }
0x58: {  	[tilespmem:s26], [sflag:$0x8] =	stream.indirect_vreg.gather [hbm4b:s1+s16], $0x1, v4, vm0, $0x4038;
	[tilespmem:s28+$0x0] =	vst v5  }
0x59: {  	s2 =	sshrl.u32 s25, $0x3;
	s6 =	rddreg [dreg:$0x3]  }
0x5a: {  	s0 =	sadd.s32 $0x8D0, s0;
	s2 =	sadd.s32 s6, s2  }
0x5b: {  	[tilespmem:s0], [sflag:$0x8] =	stream.linear.gather [hbm:s2], $0x190, $0x38;
	[tilespmem:$0xF30] =	vst v63  }
.LBB2_5:
0x5c: {  	p1 =	slt.u32 s24, $0x2  }
0x5d: {  	p2 =	sge.u32 @!p1 s24, s12  }
0x5e: {  	p1 =	por p1, p2  }
.Ltmp4:
0x5f: {  	_ = 	snop;
	(pc) =	sbr.rel @p1 .LBB2_9-.Ltmp4, $1  }
0x60: {  	_ =	sdelay $0x3  }
0x61: {  	s0 =	sadd.s32 $0xFFFFFFFE, s24  }
0x62: {  	s2 =	smulhi.u32 $0xAAAAAAAB, s0;
	_ =	sdelay $0x1  }
0x63: {  	s2 =	sshrl.u32 s2, $0x1  }
0x64: {  	s2 =	smul.u32 $0x3, s2;
	_ =	sdelay $0x1  }
0x65: {  	s0 =	ssub.s32 s0, s2  }
0x66: {  	_ =	swait.ge [sflag:s8], $0x320;
	s0 =	smul.u32 $0x190, s0  }
0x67: {  	p1 =	sne.s32 s24, s11;
	[sflag:s8] =	ssyncset.done $0x0  }
0x68: {  	[sflag:s8] =	ssyncadd.s32 $0xFFFFFCE0;
	s2 =	sadd.s32 @!p1 $0x28F, s0  }
0x69: {  	[spmem:s13] =	stream.linear.scatter @!p1 [tilespmem:s2], [sflag:$0x1], $0x1, $0x38;
	[tilespmem:$0xF30] =	vst v63  }
0x6a: {  	s2 =	simm.s32 @!p1 $0x1  }
0x6b: {  	_ =	swait.ge @!p1 [sflag:s2], $0x1  }
0x6c: {  	s22 =	sshll.u32 s24, $0x4;
	[sflag:s2] =	ssyncset.done @!p1 $0x0  }
0x6d: {  	s25 =	sand.u32 $0x10, s22;
	[sflag:s2] =	ssyncadd.s32 @!p1 $0xFFFFFFFF  }
0x6e: {  	s2 =	sxor.u32 $0x10, s25;
	v4 =	vld [tilespmem:s25+$0x10]  }
0x6f: {  	v5 =	vld [tilespmem:s2+$0x60]  }
0x70: {  	v3 =	vld [tilespmem:$0x80];
	_ =	sdelay $0x2  }
0x71: {  	(v2sf) =	vpush v4, $0x0  }
0x72: {  	(v2sf) =	vpush v5, $0x0  }
0x73: {  	(v2sf) =	vpush v3, $0x0;
	_ =	sdelay $0xc  }
0x74: {  	s6 =	spop (v2sf)  }
0x75: {  	s28 =	spop (v2sf)  }
0x76: {  	s26 =	spop (v2sf)  }
0x77: {  	p2 =	seq.s32 s6, s28;
	p3 =	seq.s32 s26, s6  }
0x78: {  	p3 =	por p2, p3  }
0x79: {  	s6 =	sand.u32 $0x1, s24;
	v4 =	vpsel p3, $0xFFFFFFFF, v4  }
0x7a: {  	s28 =	smul.u32 $0x190, s6;
	[tilespmem:s25+$0x10] =	vst.msk $0x1, v4  }
0x7b: {  	v4 =	vld [tilespmem:$0x30]  }
0x7c: {  	v5 =	vld [tilespmem:s28+$0x8D0]  }
0x7d: {  	v6 =	vld [tilespmem:s25+$0x40];
	_ =	sdelay $0x3  }
0x7e: {  	vm4 =	vmmov vm1;
	v5 =	vadd.f32 v5, v4  }
0x7f: {  	vm5 =	vmmov vm2;
	vm4 =	vmmov @p2 vm2;
	v4 =	vadd.f32 v6, v4  }
0x80: {  	s22 =	sshll.u32 s6, $0x4;
	vm5 =	vmmov @p3 vm1;
	[tilespmem:s28+$0x8D0] =	vst.msk vm4, v5  }
0x81: {  	[tilespmem:s22+$0xF10] =	vst.msk vm5, v4  }
0x82: {  	v4 =	vld [tilespmem:s28+$0x730];
	_ =	sdelay $0x3  }
0x83: {  	v5 =	vimm.f32 $0.0e+00  }
0x84: {  	v4 =	vshift.insert v4, v5, s21  }
0x85: {  	s29 =	sor.u32 $0x40, s2  }
0x86: {  	[tilespmem:s29+$0x0] =	vst.msk $0x1, v4  }
0x87: {  	[tilespmem:s28+$0x73F] =	vst.msk $0x1, v5  }
0x88: {  	v4 =	vld [tilespmem:s0+$0x280];
	_ =	sdelay $0x1  }
0x89: {  	s29 =	smulhi.u32 $0xAAAAAAAB, s20;
	s0 =	simm.s32 $0x1  }
0x8a: {  	s0 =	simm.s32 @!p0 $0x0  }
0x8b: {  	s29 =	sshrl.u32 s29, $0x1;
	s0 =	smul.u32 $0x640, s0  }
0x8c: {  	s29 =	smul.u32 $0xFFFFED40, s29;
	v4 =	vshift.insert v4, v1, s21  }
0x8d: {  	s0 =	sshrl.u32 s0, $0x2  }
0x8e: {  	s29 =	sshra.s32 s29, $0x2;
	s30 =	sadd.s32 $0x8D0, s0;
	[tilespmem:s2+$0x10] =	vst.msk $0x1, v4  }
0x8f: {  	s6 =	sadd.s32 s29, s19;
	v6 =	vld [tilespmem:s30+$0x0]  }
0x90: {  	v7 =	vld [tilespmem:s6+$0x0];
	_ =	sdelay $0x3  }
0x91: {  	v5 =	vadd.f32 v6, v5  }
0x92: {  	vm4 =	vne.s32 v7, $0xFFFFFFFF  }
0x93: {  	(xrf2) =	vadd.seg.scan.f32 vm4, v5;
	_ =	sdelay $0x3  }
0x94: {  	s31 =	sadd.s32 $0x5B0, s0;
	v5 =	vperm.xlane v4, v1  }
0x95: {  	v6 =	vld [tilespmem:s31+$0x0]  }
0x96: {  	vm5 =	veq.s32 v7, v3;
	vm6 =	veq.s32 v7, v5  }
0x97: {  	vm7 =	vgt.u32 v7, $0xFFFFFFFD;
	vm6 =	vmor vm6, vm5  }
0x98: {  	vm6 =	vmor vm6, vm7  }
0x99: {  	v9 =	vld [tilespmem:$0xA0];
	v7 =	vsel vm6, $0xFFFFFFFF, v7  }
0x9a: {  	v10 =	vld [tilespmem:$0x90];
	v6 =	vsel vm5, $0x0, v6;
	v8, _, _ =	vpop (xrf2)  }
0x9b: {  	v6 =	vadd.f32 v8, v6  }
0x9c: {  	s0 =	sadd.s32 $0xBF0, s0  }
0x9d: {  	vm4 =	vmand vm4, vm3;
	[tilespmem:s0+$0x0] =	vst v6;
	(ifvalue) =	ssetifvalue $0xFFFFFFFF  }
0x9e: {  	vm6 =	veq.s32 v9, $0x1;
	[hbm4b:s1+s16] =	stream.indirect_vreg.scatter [tilespmem:s0], [sflag:$0x2], $0x1, v7, vm0, $0x4038;
	v7 =	vsel vm4, $0x0, v8;
	[tilespmem:$0xF30] =	vst v63  }
0x9f: {  	s29 =	sadd.s32 $0xF10, s22;
	s22 =	sadd.s32 $0x10, s6;
	s2 =	simm.s32 $0x0;
	vm4 =	vmor vm6, vm5;
	v6 =	vsel vm5, v8, v10;
	v7 =	vshift.insert v7, v0, s21  }
.LBB2_7:
0xa0: {  	v8 =	vld [tilespmem:s22+$0x0];
	s30 =	sadd.s32 $0x10, s30  }
0xa1: {  	s31 =	sadd.s32 $0x10, s31;
	v9 =	vld [tilespmem:s30+$0x0]  }
0xa2: {  	s2 =	sadd.s32 $0x10, s2;
	v10 =	vld [tilespmem:s31+$0x0]  }
0xa3: {  	p2 =	slt.u32 s2, $0x180;
	_ =	sdelay $0x2  }
0xa4: {  	v7 =	vadd.f32 v9, v7  }
0xa5: {  	vm5 =	vne.s32 v8, $0xFFFFFFFF  }
0xa6: {  	vm6 =	vmand vm5, vm3;
	(xrf2) =	vadd.seg.scan.f32 vm5, v7;
	_ =	sdelay $0x5  }
0xa7: {  	vm7 =	veq.s32 v8, v5;
	vm5 =	veq.s32 v8, v3  }
0xa8: {  	vm8 =	vgt.u32 v8, $0xFFFFFFFD;
	vm4 =	vmor vm4, vm5;
	vm7 =	vmor vm7, vm5  }
0xa9: {  	vm7 =	vmor vm7, vm8  }
0xaa: {  	v8 =	vsel vm7, $0xFFFFFFFF, v8  }
.Ltmp5:
0xab: {  	v7 =	vsel vm5, $0x0, v10;
	v9, _, _ =	vpop (xrf2);
	(pc) =	sbr.rel @p2 .LBB2_7-.Ltmp5, $4  }
0xac: {  	v6 =	vsel vm5, v9, v6;
	v10 =	vadd.f32 v9, v7;
	v7 =	vsel vm6, $0x0, v9  }
0xad: {  	s0 =	sadd.s32 $0x10, s0;
	v7 =	vshift.insert v7, v0, s21  }
0xae: {  	s22 =	sadd.s32 $0x10, s22;
	[tilespmem:s0+$0x0] =	vst v10;
	(ifvalue) =	ssetifvalue $0xFFFFFFFF  }
0xaf: {  	[hbm4b:s1+s16] =	stream.indirect_vreg.scatter [tilespmem:s0], [sflag:$0x2], $0x1, v8, vm0, $0x4038;
	[tilespmem:$0xF30] =	vst v63  }
0xb0: {  	v3 =	vld [tilespmem:s28+$0xD70];
	_ =	sdelay $0x4  }
0xb1: {  	v3 =	vshift.insert v3, v0, s21  }
0xb2: {  	s0 =	simm.s32 $0x30  }
0xb3: {  	[tilespmem:s0+$0x0] =	vst.msk $0x1, v3  }
0xb4: {  	v3 =	vsel vm4, $0x1, v1;
	[tilespmem:$0x90] =	vst v6  }
0xb5: {  	s0 =	sadd.s32 @!p1 $0xD7F, s28;
	[tilespmem:$0xA0] =	vst v3  }
0xb6: {  	[spmem:s14] =	stream.linear.scatter @!p1 [tilespmem:s0], [sflag:$0x1], $0x1, $0x38;
	[tilespmem:$0xF30] =	vst v63  }
0xb7: {  	s0 =	simm.s32 @!p1 $0x1  }
0xb8: {  	v3 =	vmctz.xlane @!p1 vm4;
	_ =	swait.ge @!p1 [sflag:s0], $0x1  }
0xb9: {  	(v2sf) =	vpush @!p1 v4, $0x0  }
0xba: {  	(v2sf) =	vpush @!p1 v3, $0x0;
	_ =	sdelay $0xd  }
0xbb: {  	s2 =	spop @!p1 (v2sf)  }
0xbc: {  	s6 =	spop @!p1 (v2sf)  }
0xbd: {  	p2 =	sne.s32 @!p1 s26, s2;
	p3 =	slt.s32 @!p1 s6, $0xF  }
0xbe: {  	[sflag:s0] =	ssyncset.done @!p1 $0x0;
	p2 =	por p2, p1;
	p3 =	por !p3, p1  }
0xbf: {  	[sflag:s0] =	ssyncadd.s32 @!p1 $0xFFFFFFFF;
	v3 =	vimm.s32 @!p2 $0xFFFFFFFF;
	s6 =	simm.s32 @p3 $0xF  }
0xc0: {  	[tilespmem:$0x80] =	vst @!p2 v3;
	s2 =	sadd.s32 @!p1 $0x90, s6  }
0xc1: {  	[spmem:s10] =	stream.linear.scatter @!p1 [tilespmem:s2], [sflag:$0x1], $0x1, $0x38;
	[tilespmem:$0xF30] =	vst v63  }
0xc2: {  	_ =	swait.ge @!p1 [sflag:s0], $0x1  }
0xc3: {  	[sflag:s0] =	ssyncset.done @!p1 $0x0  }
0xc4: {  	s2 =	simm.s32 @!p1 $0x80;
	[sflag:s0] =	ssyncadd.s32 @!p1 $0xFFFFFFFF  }
0xc5: {  	[spmem:s15] =	stream.linear.scatter @!p1 [tilespmem:s2], [sflag:$0x1], $0x1, $0x38;
	[tilespmem:$0xF30] =	vst v63  }
0xc6: {  	_ =	swait.ge @!p1 [sflag:s0], $0x1  }
0xc7: {  	[sflag:s0] =	ssyncset.done @!p1 $0x0  }
0xc8: {  	[sflag:s0] =	ssyncadd.s32 @!p1 $0xFFFFFFFF;
	(ifvalue) =	ssetifvalue $0xFFFFFFFF;
	v3 =	vld [tilespmem:s25+$0x10];
	_ =	sdelay $0x3  }
.Ltmp6:
0xc9: {  	_ = 	snop;
	(pc) =	sbr.rel .LBB2_9-.Ltmp6, $3  }
0xca: {  	_ =	sdelay $0x1  }
0xcb: {  	(ifvalue) =	ssetifvalue $0xFFFFFFFF  }
0xcc: {  	[hbm4b:s1+s16] =	stream.indirect_vreg.scatter [tilespmem:s29], [sflag:$0x9], $0x1, v3, vm0, $0x4038;
	[tilespmem:$0xF30] =	vst v63  }
.LBB2_10:
0xcd: {  	_ =	sfence.sel $0x180000  }
0xce: {  	s0 =	simm.s32 $0x7;
	[bflag:$0x0] =	sbarrier.arrive $0xFFFF  }
0xcf: {  	s26 =	simm.s32 $0x8;
	[sflag:s0] =	ssyncpa.u1 $0x1  }
0xd0: {  	s28 =	simm.s32 $0x9;
	[sflag:s26] =	ssyncpa.u1 $0x1  }
0xd1: {  	[sflag:s28] =	ssyncpa.u1 $0x1  }
0xd2: {  	_ =	sfence.stream.spmem  }
0xd3: {  	s29 =	simm.s32 $0x3;
	[bflag:$0x0] =	sbarrier.arrive $0xFFFF  }
0xd4: {  	s30 =	simm.s32 $0x4;
	[sflag:s29] =	ssyncpa.u1 $0x1  }
0xd5: {  	s31 =	simm.s32 $0x3C;
	s2 =	stileid.u32;
	[sflag:s30] =	ssyncpa.u1 $0x1  }
0xd6: {  	p0 =	sne.s32 s2, $0x0;
	[sflag:s31] =	ssyncpa.u1 $0x1  }
0xd7: {  	s0 =	simm.s32 @p0 $0x1;
	_ =	sfence @p0  }
0xd8: {  	[sflag:s0] =	ssyncpa.u1 @p0 $0x1;
	s0 =	simm.s32 @p0 $0x2  }
0xd9: {  	[sflag:s0] =	ssyncpa.u1 @p0 $0x1  }
0xda: {  	_ =	strace @p0 $0x90000053  }
0xdb: {  	[bflag:$0x2] =	sbarrier.arrive @p0 $0xFFFF  }
0xdc: {  	_ =	shalt @p0  }
.LBB2_11:
0xdd: {  	_ =	sfence.stream.spmem;
	s0 =	simm.s32 $0x5  }
0xde: {  	s2 =	simm.s32 $0x80;
	s3 =	simm.s32 $0xC0;
	[sflag:s0] =	ssyncpa.u1 $0x0  }
0xdf: {  	[tilespmem:s3], [sflag:$0x5] =	stream.linear.gather [spmem:s2], $0x20, $0x38;
	[tilespmem:$0xF30] =	vst v63  }
0xe0: {  	s2 =	simm.s32 $0x0;
	s3 =	simm.s32 $0xE0  }
0xe1: {  	[tilespmem:s3], [sflag:$0x5] =	stream.linear.gather [spmem:s2], $0x20, $0x38;
	[tilespmem:$0xF30] =	vst v63  }
.Ltmp7:
0xe2: {  	_ = 	snop;
	(pc) =	sbr.rel .LBB2_12-.Ltmp7, $4  }
0xe3: {  	_ =	swait.ge [sflag:s0], $0x40  }
0xe4: {  	[sflag:s0] =	ssyncset.done $0x0  }
0xe5: {  	s31 =	simm.s32 $0x6;
	[sflag:s0] =	ssyncadd.s32 $0xFFFFFFC0  }
0xe6: {  	s4 =	simm.s32 $0x0;
	[sflag:s31] =	ssyncpa.u1 $0x0  }
.LBB2_17:
0xe7: {  	p0 =	sgt.u32 s5, $0x7F  }
0xe8: {  	s0 =	sshrl.u32 @!p0 s5, $0x3  }
0xe9: {  	s5 =	sand.u32 @!p0 $0x7, s5;
	s6 =	simm.s32 @!p0 $0xB0;
	s0 =	sadd.s32 @!p0 s1, s0  }
0xea: {  	[tilespmem:s6], [sflag:$0x6] =	stream.linear.gather @!p0 [hbm4b:s0+s5], $0x1, $0x38;
	[tilespmem:$0xF30] =	vst v63  }
0xeb: {  	s0 =	simm.s32 @!p0 $0x6  }
0xec: {  	_ =	swait.ge @!p0 [sflag:s0], $0x1  }
0xed: {  	[sflag:s0] =	ssyncset.done @!p0 $0x0  }
0xee: {  	[sflag:s0] =	ssyncadd.s32 @!p0 $0xFFFFFFFF  }
0xef: {  	v2 =	vmov @!p0 s4;
	v1 =	vld.msk @!p0 [tilespmem:$0xB0], $0x1;
	_ =	sdelay $0x3  }
0xf0: {  	s0 =	simm.s32 @!p0 $0xE0  }
0xf1: {  	[tilespmem:v2+s0+$0x0], v1 =	vst.idx.ret.add.f32.msk @!p0 $0x1, v1  }
0xf2: {  	[tilespmem:s2+$0xC0] =	vst.msk $0x1, v0  }
0xf3: {  	v0 =	vld.msk [tilespmem:s4+$0xE0], $0x1;
	_ =	sdelay $0x4  }
0xf4: {  	[tilespmem:s2+$0xE0] =	vst.msk $0x1, v0;
	s2 =	sadd.s32 $0x1, s2  }
.LBB2_19:
0xf5: {  	s4 =	sadd.s32 $0x1, s4  }
0xf6: {  	p0 =	sne.s32 s4, $0x20  }
.Ltmp8:
0xf7: {  	_ = 	snop;
	(pc) =	sbr.rel @!p0 .LBB2_20-.Ltmp8, $1  }
0xf8: {  	_ =	sdelay $0x3  }
.LBB2_12:
0xf9: {  	v0 =	vld.msk [tilespmem:s4+$0xC0], $0x1;
	_ =	sdelay $0x4  }
0xfa: {  	(v2sf) =	vpush v0, $0x0;
	_ =	sdelay $0xe  }
0xfb: {  	s5 =	spop (v2sf)  }
0xfc: {  	p0 =	seq.s32 s5, $0xFFFFFFFF  }
.Ltmp9:
0xfd: {  	_ = 	snop;
	(pc) =	sbr.rel @p0 .LBB2_19-.Ltmp9, $1  }
0xfe: {  	_ =	sdelay $0x3  }
0xff: {  	p0 =	slt.s32 s2, $0x1  }
.Ltmp10:
0x100: {  	_ = 	snop;
	(pc) =	sbr.rel @p0 .LBB2_17-.Ltmp10, $1  }
0x101: {  	_ =	sdelay $0x3  }
0x102: {  	s0 =	simm.s32 $0xC0;
	p0 =	por $0x0, $0x0  }
0x103: {  	v1 =	vld.msk @!p0 [tilespmem:s0+$0x0], $0x1;
	_ =	sdelay $0x4  }
0x104: {  	(v2sf) =	vpush @!p0 v1, $0x0;
	_ =	sdelay $0xd  }
0x105: {  	p2 =	sne.s32 s2, $0x1  }
.Ltmp11:
0x106: {  	s6 =	spop @!p0 (v2sf);
	(pc) =	sbr.rel @!p2 .LBB2_16-.Ltmp11, $4  }
0x107: {  	p1 =	seq.s32 @!p0 s5, s6  }
0x108: {  	s6 =	simm.s32 $0x0;
	p1 =	por !p1, p0  }
0x109: {  	s8 =	simm.s32 $0xFFFFFFFF;
	s6 =	simm.s32 @p1 $0xFFFFFFFF  }
0x10a: {  	s7 =	simm.s32 $0x1;
	s6 =	smov.u32 @p0 s8  }
.LBB2_15:
0x10b: {  	s8 =	smov.u32 s6;
	p0 =	sne.s32 s6, $0xFFFFFFFF  }
0x10c: {  	s0 =	sadd.s32 $0x1, s0;
	s6 =	smov.u32 s7;
	s7 =	sadd.s32 $0x1, s7  }
0x10d: {  	p1 =	sne.s32 s2, s7;
	v1 =	vld.msk @!p0 [tilespmem:s0+$0x0], $0x1;
	_ =	sdelay $0x4  }
0x10e: {  	(v2sf) =	vpush @!p0 v1, $0x0;
	_ =	sdelay $0xe  }
.Ltmp12:
0x10f: {  	s9 =	spop @!p0 (v2sf);
	(pc) =	sbr.rel @p1 .LBB2_15-.Ltmp12, $4  }
0x110: {  	p2 =	seq.s32 @!p0 s5, s9  }
0x111: {  	p2 =	por !p2, p0  }
0x112: {  	s6 =	simm.s32 @p2 $0xFFFFFFFF  }
0x113: {  	s6 =	smov.u32 @p0 s8  }
.LBB2_16:
0x114: {  	p0 =	sne.s32 s6, $0xFFFFFFFF  }
.Ltmp13:
0x115: {  	_ = 	snop;
	(pc) =	sbr.rel @!p0 .LBB2_17-.Ltmp13, $1  }
0x116: {  	_ =	sdelay $0x3  }
0x117: {  	v0 =	vld.msk [tilespmem:s4+$0xE0], $0x1;
	v1 =	vmov s6  }
.Ltmp14:
0x118: {  	_ = 	snop;
	(pc) =	sbr.rel .LBB2_19-.Ltmp14, $2  }
0x119: {  	_ =	sdelay $0x2  }
0x11a: {  	[tilespmem:v1+s3+$0x0], v0 =	vst.idx.ret.add.f32.msk $0x1, v0  }
.LBB2_20:
0x11b: {  	p0 =	slt.s32 s2, $0x1  }
.Ltmp15:
0x11c: {  	_ = 	snop;
	(pc) =	sbr.rel @p0 .LBB2_24-.Ltmp15, $3  }
0x11d: {  	_ =	sdelay $0x1  }
0x11e: {  	s0 =	simm.s32 $0x6  }
0x11f: {  	s3 =	simm.s32 $0x0;
	[sflag:s0] =	ssyncpa.u1 $0x1  }
0x120: {  	s0 =	simm.s32 $0xC0  }
0x121: {  	v0 =	vld.msk [tilespmem:s0+$0x0], $0x1;
	_ =	sdelay $0x4  }
0x122: {  	(v2sf) =	vpush v0, $0x0;
	_ =	sdelay $0xe  }
0x123: {  	s2 =	sadd.s32 $0xFFFFFFFF, s2;
	s4 =	spop (v2sf)  }
0x124: {  	p1 =	sne.s32 s2, $0x0;
	p0 =	sgt.u32 s4, $0x7F  }
.Ltmp16:
0x125: {  	s5 =	sshrl.u32 @!p0 s4, $0x3;
	(pc) =	sbr.rel @!p1 .LBB2_23-.Ltmp16, $4  }
0x126: {  	s0 =	simm.s32 $0xE0;
	s4 =	sand.u32 @!p0 $0x7, s4;
	s5 =	sadd.s32 @!p0 s1, s5  }
0x127: {  	[hbm4b:s5+s4] =	stream.linear.scatter @!p0 [tilespmem:s0], [sflag:$0x5], $0x1, $0x38;
	[tilespmem:$0xF30] =	vst v63  }
0x128: {  	s5 =	simm.s32 $0x0  }
0x129: {  	s4 =	simm.s32 $0xC1;
	s5 =	simm.s32 @!p0 $0x4  }
.LBB2_22:
0x12a: {  	v0 =	vld.msk [tilespmem:s4+$0x0], $0x1;
	s2 =	sadd.s32 $0xFFFFFFFF, s2;
	s3 =	sadd.s32 s3, s5  }
0x12b: {  	p0 =	sne.s32 s2, $0x0;
	_ =	sdelay $0x3  }
0x12c: {  	(v2sf) =	vpush v0, $0x0;
	_ =	sdelay $0xe  }
.Ltmp17:
0x12d: {  	s6 =	spop (v2sf);
	(pc) =	sbr.rel @p0 .LBB2_22-.Ltmp17, $4  }
0x12e: {  	s5 =	simm.s32 $0x0;
	p1 =	sgt.u32 s6, $0x7F  }
0x12f: {  	s0 =	sadd.s32 $0x1, s0;
	s5 =	simm.s32 @!p1 $0x4;
	s7 =	sshrl.u32 @!p1 s6, $0x3  }
0x130: {  	s4 =	sadd.s32 $0x1, s4;
	s6 =	sand.u32 @!p1 $0x7, s6;
	s7 =	sadd.s32 @!p1 s1, s7  }
0x131: {  	[hbm4b:s7+s6] =	stream.linear.scatter @!p1 [tilespmem:s0], [sflag:$0x5], $0x1, $0x38;
	[tilespmem:$0xF30] =	vst v63  }
.LBB2_23:
0x132: {  	s0 =	sadd.s32 s3, s5  }
0x133: {  	s3 =	sshrl.u32 s0, $0x2  }
.LBB2_24:
0x134: {  	s0 =	simm.s32 $0x5  }
0x135: {  	_ =	swait.ge [sflag:s0], s3  }
0x136: {  	s1 =	ssub.s32 $0x0, s3;
	[sflag:s0] =	ssyncset.done $0x0  }
0x137: {  	[sflag:s0] =	ssyncadd.s32 s1  }
0x138: {  	[sflag:s0] =	ssyncpa.u1 $0x1  }
0x139: {  	s29 =	simm.s32 $0x1;
	_ =	sfence  }
0x13a: {  	s30 =	simm.s32 $0x2;
	[sflag:s29] =	ssyncpa.u1 $0x1  }
0x13b: {  	[sflag:s30] =	ssyncpa.u1 $0x1  }
0x13c: {  	_ =	strace $0x90000053  }
0x13d: {  	[bflag:$0x2] =	sbarrier.arrive $0xFFFF  }
0x13e: {  	s31 =	rddreg [dreg:$0x2]  }
0x13f: {  	s0 =	sadd.s32 $0x100000, s31  }
0x140: {  	[sflag:s0] =	ssyncadd.tile.s32 $0x1;
	_ =	shalt  }
.Lfunc_end2:
_tile_overlayer_lowered:
.L_overlay_start_2:
0x141: {  	(tag) =	ssettag $0x2  }
0x142: {  	s0 =	rddreg [dreg:$0x0];
	s2 =	stileid.u32  }
0x143: {  	s1 =	rddreg [dreg:$0x1];
	p0 =	sne.s32 s2, $0x0  }
0x144: {  	s3 =	rddreg [dreg:$0x2];
	[bflag:$0x3] =	sbarrier.arrive $0xFFFF;
	s2 =	simm.s32 @!p0 $0x1C01  }
0x145: {  	[timem:s3], [sflag:s2] =	dma.local @!p0 [hbm:s0], s1  }
0x146: {  	s0 =	simm.s32 @!p0 $0x1  }
0x147: {  	_ =	swait.ge @!p0 [sflag:s0], s1  }
0x148: {  	s1 =	ssub.s32 @!p0 $0x0, s1;
	[sflag:s0] =	ssyncset.done @!p0 $0x0  }
0x149: {  	[sflag:s0] =	ssyncadd.s32 @!p0 s1  }
0x14a: {  	[bflag:$0x3] =	sbarrier.arrive $0xFFFF  }
0x14b: {  	_ =	shalt  }

// kernel: scatter_offload_async_start
scs
__scs_entry_jumppad:
0x0: {  	(pc) =	sbr.rel $0x88, $3  }
0x1: {  	(tag) =	ssettag $0x0;
	lr =	simm.s32 $0x1  }
0x2: {  	[smem:$0x3F94] =	sst lr;
	_ =	strace $0xD0000000  }
0x3: {  	_ = 	snop  }
0x4: {  	_ = 	snop  }
0x5: {  	_ = 	snop  }
0x6: {  	_ = 	snop  }
0x7: {  	_ = 	snop  }
__scs_overlays_trampoline_lowered:
0x8: {  	[smem:$0x3FA3] =	sst s0  }
0x9: {  	[smem:$0x3FA4] =	sst s1  }
0xa: {  	[smem:$0x3FA5] =	sst s2  }
0xb: {  	[smem:$0x3FA6] =	sst s3  }
0xc: {  	[smem:$0x3FA7] =	sst s4  }
0xd: {  	[smem:$0x3FA8] =	sst s5  }
0xe: {  	[smem:$0x3FA9] =	sst s6  }
0xf: {  	[smem:$0x3FAA] =	sst s7  }
0x10: {  	[smem:$0x3FAB] =	sst s8  }
0x11: {  	[smem:$0x3FAC] =	sst s9;
	s0 =	simm.s32 @!p0 $0x0  }
0x12: {  	s1 =	sld [smem:$0x3F92];
	s0 =	simm.s32 @p0 $0x1  }
0x13: {  	[smem:$0x3FAD] =	sst s0;
	s0 =	simm.s32 @!p1 $0x0  }
0x14: {  	s2 =	sld [smem:$0x3F91];
	s0 =	simm.s32 @p1 $0x1  }
0x15: {  	[smem:$0x3FAE] =	sst s0;
	s0 =	simm.s32 @!p2 $0x0  }
0x16: {  	s3 =	sld [smem:$0x3FDB];
	s0 =	simm.s32 @p2 $0x1  }
0x17: {  	s4 =	simm.s32 $0x1BF5;
	[smem:$0x3FB0] =	sst s0  }
0x18: {  	s0 =	sld [smem:$0x3F93];
	_ =	swait.ge [sflag:s4], $0x0  }
0x19: {  	s7 =	sld [smem:$0x3F94]  }
0x1a: {  	s8 =	sadd.s32 $0xFFFFE003, lr  }
0x1b: {  	s9 =	sadd.s32 $0xFFFFFEF7, lr;
	s5 =	simm.s32 $0xFFFFFFFF;
	p2 =	slt.u32 s8, $0xFFFFF086  }
0x1c: {  	p1 =	slt.u32 s9, $0xF7A;
	s5 =	simm.s32 @!p2 $0x0  }
0x1d: {  	s5 =	simm.s32 @p1 $0x1;
	p0 =	seq.s32 s7, s2  }
0x1e: {  	s7 =	smul.u32 @!p0 $0xF7A, s2;
	p2 =	seq.s32 @!p0 s5, $0x0  }
0x1f: {  	s9 =	smul.u32 $0xF7A, s1;
	s8 =	simm.s32 @!p0 $0x1BF5;
	p2 =	por !p2, p0  }
0x20: {  	[sflag:s8] =	ssyncset.s32 @!p0 $0xFFFFF086;
	s6 =	sadd.s32 @!p0 s3, s7;
	s7 =	simm.s32 @!p0 $0x108  }
0x21: {  	s3 =	sadd.s32 s3, s9;
	s6 =	sadd.s32 @!p0 $0x88, s6;
	s7 =	simm.s32 @p2 $0x1082  }
0x22: {  	[simem:s7], [sflag:s8] =	dma.local @!p0 [hbm:s6], $0xF7A  }
0x23: {  	s9 =	sor.u32 $0xD0000000, s2;
	s6 =	simm.s32 $0x108;
	_ =	swait.ge @!p0 [sflag:s8], $0x0  }
0x24: {  	s3 =	sadd.s32 $0x88, s3;
	s6 =	simm.s32 @!p1 $0x1082;
	[sflag:s4] =	ssyncset.s32 $0xFFFFF086  }
0x25: {  	[simem:s6], [sflag:s4] =	dma.local [hbm:s3], $0xF7A  }
0x26: {  	[smem:$0x3F94] =	sst s1;
	(tag) =	ssettag s2;
	_ =	strace s9  }
0x27: {  	s1 =	sld [smem:$0x3FA4]  }
0x28: {  	s2 =	sld [smem:$0x3FA5]  }
0x29: {  	s4 =	sld [smem:$0x3FA7]  }
0x2a: {  	p0 =	seq.s32 s5, $0x0;
	s5 =	sld [smem:$0x3FA8]  }
0x2b: {  	s6 =	sld [smem:$0x3FA9]  }
0x2c: {  	s7 =	sld [smem:$0x3FAA]  }
0x2d: {  	s3 =	simm.s32 $0x108;
	s8 =	sld [smem:$0x3FAB]  }
0x2e: {  	s3 =	simm.s32 @!p0 $0x1082;
	s9 =	sld [smem:$0x3FAC]  }
0x2f: {  	lr =	sadd.s32 s0, s3;
	s0 =	sld [smem:$0x3FA3]  }
0x30: {  	s3 =	sld [smem:$0x3FA6]  }
0x31: {  	[smem:$0x3FAF] =	sst s10  }
0x32: {  	s10 =	sld [smem:$0x3FAD];
	_ =	sdelay $0x3  }
0x33: {  	p0 =	seq.s32 s10, $0x1;
	s10 =	sld [smem:$0x3FAF];
	_ =	sdelay $0x3  }
0x34: {  	[smem:$0x3FAF] =	sst s10  }
0x35: {  	s10 =	sld [smem:$0x3FAE];
	_ =	sdelay $0x3  }
0x36: {  	p1 =	seq.s32 s10, $0x1;
	s10 =	sld [smem:$0x3FAF];
	_ =	sdelay $0x3  }
0x37: {  	[smem:$0x3FAF] =	sst s10  }
0x38: {  	s10 =	sld [smem:$0x3FB0]  }
0x39: {  	_ = 	snop;
	(pc) =	sbr.ind lr, $3  }
0x3a: {  	_ = 	snop  }
0x3b: {  	_ = 	snop  }
0x3c: {  	p2 =	seq.s32 s10, $0x1;
	s10 =	sld [smem:$0x3FAF]  }
0x3d: {  	_ =	shalt  }
0x3e: {  	_ =	shalt  }
0x3f: {  	_ =	shalt  }
0x40: {  	_ =	shalt  }
0x41: {  	_ =	shalt  }
0x42: {  	_ =	shalt  }
0x43: {  	_ =	shalt  }
0x44: {  	_ =	shalt  }
0x45: {  	_ =	shalt  }
0x46: {  	_ =	shalt  }
0x47: {  	_ =	shalt  }
0x48: {  	_ =	shalt  }
0x49: {  	_ =	shalt  }
0x4a: {  	_ =	shalt  }
0x4b: {  	_ =	shalt  }
0x4c: {  	_ =	shalt  }
0x4d: {  	_ =	shalt  }
0x4e: {  	_ =	shalt  }
0x4f: {  	_ =	shalt  }
0x50: {  	_ =	shalt  }
0x51: {  	_ =	shalt  }
0x52: {  	_ =	shalt  }
0x53: {  	_ =	shalt  }
0x54: {  	_ =	shalt  }
0x55: {  	_ =	shalt  }
0x56: {  	_ =	shalt  }
0x57: {  	_ =	shalt  }
0x58: {  	_ =	shalt  }
0x59: {  	_ =	shalt  }
0x5a: {  	_ =	shalt  }
0x5b: {  	_ =	shalt  }
0x5c: {  	_ =	shalt  }
0x5d: {  	_ =	shalt  }
0x5e: {  	_ =	shalt  }
0x5f: {  	_ =	shalt  }
0x60: {  	_ =	shalt  }
0x61: {  	_ =	shalt  }
0x62: {  	_ =	shalt  }
0x63: {  	_ =	shalt  }
0x64: {  	_ =	shalt  }
0x65: {  	_ =	shalt  }
0x66: {  	_ =	shalt  }
0x67: {  	_ =	shalt  }
0x68: {  	_ =	shalt  }
0x69: {  	_ =	shalt  }
0x6a: {  	_ =	shalt  }
0x6b: {  	_ =	shalt  }
0x6c: {  	_ =	shalt  }
0x6d: {  	_ =	shalt  }
0x6e: {  	_ =	shalt  }
0x6f: {  	_ =	shalt  }
0x70: {  	_ =	shalt  }
0x71: {  	_ =	shalt  }
0x72: {  	_ =	shalt  }
0x73: {  	_ =	shalt  }
0x74: {  	_ =	shalt  }
0x75: {  	_ =	shalt  }
0x76: {  	_ =	shalt  }
0x77: {  	_ =	shalt  }
0x78: {  	_ =	shalt  }
0x79: {  	_ =	shalt  }
0x7a: {  	_ =	shalt  }
0x7b: {  	_ =	shalt  }
0x7c: {  	_ =	shalt  }
0x7d: {  	_ =	shalt  }
0x7e: {  	_ =	shalt  }
0x7f: {  	_ =	shalt  }
0x80: {  	_ =	shalt  }
0x81: {  	_ =	shalt  }
0x82: {  	_ =	shalt  }
0x83: {  	_ =	shalt  }
0x84: {  	_ =	shalt  }
0x85: {  	_ =	shalt  }
0x86: {  	_ =	shalt  }
0x87: {  	_ =	shalt  }
.Lfunc_end0:
.L_simem_size_0:
called_computation_lowered:
.L_overlay_start_0:
0x88: {  	s0 =	sld [smem:$0x3FD9]  }
0x89: {  	s1 =	sld [smem:$0x3FFE];
	_ =	sdelay $0x3  }
0x8a: {  	s0 =	sadd.s32 s1, s0  }
0x8b: {  	[smem:$0x3FBB] =	sst s0  }
0x8c: {  	_ = 	snop  }
0x8d: {  	(tm) =	ssettm $0x1  }
0x8e: {  	s15 =	sld [smem:$0x3FFB];
	_ =	sdelay $0x3  }
0x8f: {  	_ =	strace s15  }
0x90: {  	s0 =	sld [smem:$0x3FFC];
	_ =	sdelay $0x3  }
0x91: {  	_ =	strace s0  }
0x92: {  	s0 =	sld [smem:$0x3FFD];
	_ =	sdelay $0x3  }
0x93: {  	_ =	strace s0  }
0x94: {  	_ =	strace $0x8FFFFFFF  }
0x95: {  	s16 =	sld [smem:$0x3FDB];
	_ =	sdelay $0x1  }
0x96: {  	s17 =	simm.s32 $_scs_section_size  }
0x97: {  	s2 =	simm.s32 $_size__tile_overlayer_lowered;
	s3 =	simm.s32 $_tile_overlayer_lowered  }
0x98: {  	s20 =	simm.s32 $0x1BFF;
	s19 =	sshll.u32 s3, $0x1;
	s0 =	sadd.s32 s17, s16  }
0x99: {  	s4 =	simm.s32 $0x0;
	s18 =	sshll.u32 s2, $0x1;
	s2 =	sadd.s32 s19, s0  }
0x9a: {  	[timem:s4], [sflag:s20] =	dma.local [hbm:s2], s18  }
0x9b: {  	_ =	swait.ge [sflag:s20], s18  }
0x9c: {  	s1 =	ssub.s32 $0x0, s18;
	[sflag:s20] =	ssyncset.done $0x0  }
0x9d: {  	[sflag:s20] =	ssyncadd.s32 s1;
	_ =	sdelay $0x1  }
0x9e: {  	s21 =	simm.s32 $0x1B8B  }
0x9f: {  	_ =	swait.ge [sflag:s21], $0x1  }
0xa0: {  	[sflag:s21] =	ssyncset.done $0x0  }
0xa1: {  	s23 =	simm.s32 $0x1B8E;
	s22 =	sld [smem:$0x3FFE];
	[sflag:s21] =	ssyncadd.s32 $0xFFFFFFFF  }
0xa2: {  	s24 =	simm.s32 $execute0_lowered;
	[smem:$0x3FD2] =	sst s23  }
0xa3: {  	s2 =	sshll.u32 s24, $0x1;
	_ =	strace $0x80000055;
	[dreg:$0x1] =	wrdreg $0xFFFFFFFF  }
0xa4: {  	s25 =	simm.s32 $_size_execute0_lowered;
	s0 =	sadd.s32 s0, s2;
	[dreg:$0x0] =	wrdreg $0x0  }
0xa5: {  	s2 =	sshll.u32 s25, $0x1;
	[dreg:$0x2] =	wrdreg s0  }
0xa6: {  	[dreg:$0x3] =	wrdreg s2  }
0xa7: {  	[dreg:$0x4] =	wrdreg $0xC0  }
0xa8: {  	_ =	task [dreg:s4], $0x5FFFF  }
0xa9: {  	[dreg:$0x1] =	wrdreg $0xFFFFFFFF  }
0xaa: {  	[dreg:$0x0] =	wrdreg $0x60  }
0xab: {  	[dreg:$0x2] =	wrdreg s22  }
0xac: {  	[dreg:$0x3] =	wrdreg $0x9  }
0xad: {  	_ =	task.clear_ibuf [dreg:s4], $0x4FFFF;
	_ =	strace $0x90000055  }
0xae: {  	s26 =	simm.s32 $0x9;
	_ =	strace $0x80000057  }
0xaf: {  	_ =	swait.ge [sflag:s26], $0x1  }
0xb0: {  	[sflag:s26] =	ssyncadd.s32 $0xFFFFFFFF  }
0xb1: {  	_ =	strace $0x90000057  }
0xb2: {  	_ =	sfence  }
0xb3: {  	s28 =	sld [smem:$0x0];
	_ =	sdelay $0x1  }
0xb4: {  	s29 =	srdreg.scid  }
0xb5: {  	s30 =	sshll.u32 s29, $0xD;
	s31 =	sshrl.u32 s29, $0x2  }
0xb6: {  	s1 =	sand.u32 $0x1, s29;
	s2 =	sand.u32 $0x4000, s30;
	s0 =	sadd.s32 s31, s28  }
0xb7: {  	s1 =	sor.u32 s2, s1;
	s0 =	sshll.u32 s0, $0x11  }
0xb8: {  	s0 =	sor.u32 s0, s1  }
0xb9: {  	s0 =	sadd.s32 $0x8F2B, s0  }
0xba: {  	[sflag:s0] =	ssyncadd.remote.s32 $0x1  }
0xbb: {  	_ =	sfence.sel $0xFFFF  }
0xbc: {  	[dreg:$0x0] =	wrdreg $0xFFFFFFFF;
	(pc) =	sbr.abs _section_cstart, $3  }
0xbd: {  	[dreg:$0x1] =	wrdreg $0xFFFFFFFF  }
0xbe: {  	_ =	task.clear_ibuf [dreg:s4], $0x2FFFF;
	_ =	strace $0x9FFFFFFF  }
0xbf: {  	(tm) =	ssettm $0x7FFFFFFF  }
tec
execute0_lowered:
.L_overlay_start_1:
0x0: {  	(tag) =	ssettag $0x1  }
0x1: {  	s0 =	rddreg [dreg:$0x0];
	_ =	strace $0x80000056;
	s1 =	simm.s32 $0x1  }
0x2: {  	s9 =	simm.s32 $0x108;
	v0 =	vimm.s32 $0x0;
	[sflag:s1] =	ssyncpa.u1 $0x0  }
0x3: {  	[tilespmem:s9+$0x70] =	vst v0  }
0x4: {  	[tilespmem:s9+$0x60] =	vst v0  }
0x5: {  	[tilespmem:s9+$0x50] =	vst v0  }
0x6: {  	[tilespmem:s9+$0x40] =	vst v0  }
0x7: {  	[tilespmem:s9+$0x30] =	vst v0  }
0x8: {  	s1 =	sadd.s32 $0x1000, s0;
	s4 =	sadd.s32 $0xB000, s0;
	[tilespmem:s9+$0x20] =	vst v0  }
0x9: {  	s5 =	sadd.s32 $0xBC00, s0;
	s6 =	sadd.s32 $0xB600, s0;
	s0 =	simm.s32 $0x40;
	[tilespmem:s9+$0x10] =	vst v0  }
.LBB2_1:
0xa: {  	s0 =	sadd.s32 $0x40, s0;
	[tilespmem:s9+$0x0] =	vst v0;
	s9 =	sadd.s32 $0x80, s9  }
0xb: {  	p0 =	slt.u32 s0, $0x3C40;
	[tilespmem:s9+$0x70] =	vst v0  }
0xc: {  	[tilespmem:s9+$0x60] =	vst v0  }
.Ltmp0:
0xd: {  	[tilespmem:s9+$0x50] =	vst v0;
	(pc) =	sbr.rel @p0 .LBB2_1-.Ltmp0, $4  }
0xe: {  	[tilespmem:s9+$0x40] =	vst v0  }
0xf: {  	[tilespmem:s9+$0x30] =	vst v0  }
0x10: {  	[tilespmem:s9+$0x20] =	vst v0  }
0x11: {  	[tilespmem:s9+$0x10] =	vst v0  }
0x12: {  	s14 =	stileid.u32  }
0x13: {  	s2 =	sshll.u32 s14, $0x1;
	s0 =	smin.u32 s14, $0xA  }
0x14: {  	s0 =	sadd.s32 s0, s2  }
0x15: {  	p0 =	slt.u32 s14, $0xA;
	s7 =	smul.u32 $0xF0, s0;
	s0 =	simm.s32 $0x2D0  }
0x16: {  	s0 =	simm.s32 @!p0 $0x1E0  }
0x17: {  	s0 =	sadd.s32 s0, s7  }
0x18: {  	s8 =	smin.u32 s0, $0x2710  }
0x19: {  	s0 =	ssub.s32 s8, s7  }
0x1a: {  	p0 =	sgt.s32 s0, $0x0  }
0x1b: {  	s0 =	simm.s32 @!p0 $0x0  }
0x1c: {  	s3 =	simm.s32 $0x2;
	s30 =	smul.u32 $0x8889, s0  }
0x1d: {  	s10 =	simm.s32 $0x7;
	s31 =	simm.s32 $0x8;
	s11 =	simm.s32 $0x9  }
0x1e: {  	s20 =	simm.s32 $0x0;
	[dreg:$0x2] =	wrdreg s2;
	s2 =	sshrl.u32 s30, $0x17  }
0x1f: {  	s16 =	simm.s32 $0xA;
	s18 =	simm.s32 $0x0;
	s12 =	smul.u32 $0xF0, s2  }
.Ltmp1:
0x20: {  	[tilespmem:s9+$0x0] =	vst v0;
	v0 =	vimm.s32 $0xFFFFFFFF;
	s19 =	simm.s32 $0x0;
	[sflag:s3] =	ssyncpa.u1 $0x0;
	(pc) =	sbr.rel .LBB2_3-.Ltmp1, $4  }
0x21: {  	[tilespmem:$0xF208] =	vst v0;
	[sflag:s10] =	ssyncpa.u1 $0x0;
	p0 =	sne.s32 s0, s12;
	s0 =	simm.s32 $0x1  }
0x22: {  	s14 =	sshll.u32 s14, $0x8;
	[sflag:s31] =	ssyncpa.u1 $0x0;
	s0 =	simm.s32 @!p0 $0x0  }
0x23: {  	[sflag:s11] =	ssyncpa.u1 $0x0;
	s17 =	smov.u32 s7;
	s13 =	sadd.s32 s2, s0  }
0x24: {  	v0 =	vlaneseq.u32;
	s12 =	simm.s32 $0x1;
	p0 =	por $0x0, $0x0;
	s15 =	sadd.s32 $0x1, s13  }
.LBB2_18:
0x25: {  	s0 =	sshrl.u32 s29, $0x2  }
.LBB2_20:
0x26: {  	_ =	swait.ge [sflag:s16], s0  }
0x27: {  	s31 =	ssub.s32 $0x0, s0;
	v1 =	vmov s22;
	vm0 =	veq.s32 v0, $0x0;
	[sflag:s16] =	ssyncset.done $0x0  }
0x28: {  	vm15 =	veq.s32 v0, $0x2;
	v1 =	vsel vm0, s28, v1;
	[sflag:s16] =	ssyncadd.s32 s31  }
0x29: {  	v1 =	vsel vm15, s20, v1;
	[sflag:s16] =	ssyncpa.u1 $0x1  }
0x2a: {  	[tilespmem:$0xF208] =	vst v1  }
.LBB2_21:
0x2b: {  	s0 =	sadd.s32 $0xF0, s17  }
0x2c: {  	s2 =	smov.u32 s7;
	p1 =	slt.s32 s0, s8  }
0x2d: {  	s2 =	smov.u32 @p1 s0;
	p1 =	sne.s32 s19, s15  }
.Ltmp2:
0x2e: {  	_ = 	snop;
	(pc) =	sbr.rel @!p1 .LBB2_22-.Ltmp2, $3  }
0x2f: {  	_ =	sdelay $0x1  }
0x30: {  	s20 =	smov.u32 s18;
	s31 =	sadd.s32 $0x1, s19;
	s18 =	smov.u32 s17  }
0x31: {  	p0 =	por !p0, !p0;
	s19 =	smov.u32 s31;
	s17 =	smov.u32 s2  }
.LBB2_3:
0x32: {  	p1 =	sge.u32 s19, s13  }
0x33: {  	s0 =	smulhi.u32 @!p1 $0xAAAAAAAB, s19  }
0x34: {  	s2 =	smov.u32 s17;
	p2 =	sgt.s32 @!p1 s17, $0x2620  }
0x35: {  	s3 =	sshra.s32 @!p1 s17, $0x1F;
	p2 =	por !p2, p1;
	s0 =	sshrl.u32 @!p1 s0, $0x1  }
0x36: {  	s3 =	sand.u32 @!p1 s3, s17;
	s2 =	simm.s32 @p2 $0x2620;
	s0 =	smul.u32 @!p1 $0x3, s0  }
0x37: {  	s2 =	ssub.s32 @!p1 s2, s3  }
0x38: {  	s2 =	sadd.s32 @!p1 $0xFFFFD9E0, s2;
	s0 =	ssub.s32 @!p1 s19, s0  }
0x39: {  	s3 =	sshll.u32 @!p1 s2, $0x2;
	p2 =	sgt.s32 @!p1 s2, $0xEF;
	s0 =	smul.u32 @!p1 $0x3C0, s0  }
0x3a: {  	s21 =	sand.u32 @!p1 $0x7, s17;
	s2 =	ssub.s32 @!p1 $0x3C0, s3;
	p2 =	por !p2, p1  }
0x3b: {  	s3 =	sshrl.u32 @!p1 s17, $0x3;
	s2 =	sshrl.u32 @!p1 s2, $0x2;
	s0 =	sshrl.u32 @!p1 s0, $0x2  }
0x3c: {  	s3 =	sadd.s32 @!p1 s6, s3;
	s2 =	simm.s32 @!p2 $0x0;
	s0 =	sadd.s32 @!p1 $0x10238, s0  }
0x3d: {  	[tilespmem:s0], [sflag:$0x8] =	stream.linear.gather @!p1 [hbm4b:s3+s21], s2, $0x38;
	[tilespmem:$0x1F6E8] =	vst v63  }
0x3e: {  	s0 =	sadd.s32 $0xFFFFFFFF, s19  }
0x3f: {  	p1 =	sge.u32 s0, s13  }
0x40: {  	p2 =	sgt.s32 @!p1 s18, $0x2620  }
0x41: {  	s2 =	smov.u32 s18;
	s3 =	sshra.s32 @!p1 s18, $0x1F;
	p2 =	por !p2, p1  }
0x42: {  	s3 =	sand.u32 @!p1 s3, s18;
	s2 =	simm.s32 @p2 $0x2620  }
0x43: {  	s2 =	ssub.s32 @!p1 s2, s3  }
0x44: {  	s2 =	sadd.s32 @!p1 $0xFFFFD9E0, s2  }
0x45: {  	s21 =	sand.u32 @!p1 $0x1, s0;
	s3 =	sshll.u32 @!p1 s2, $0x2  }
0x46: {  	p2 =	sgt.s32 @!p1 s2, $0xEF;
	s2 =	ssub.s32 @!p1 $0x3C0, s3;
	s3 =	smulhi.u32 @!p1 $0xAAAAAAAB, s0  }
0x47: {  	s23 =	smul.u32 @!p1 $0x3C0, s21;
	p2 =	por !p2, p1;
	s2 =	sshrl.u32 @!p1 s2, $0x2  }
0x48: {  	s22 =	simm.s32 @!p1 $0x8;
	s2 =	simm.s32 @!p2 $0x0;
	s3 =	sshrl.u32 @!p1 s3, $0x1  }
0x49: {  	s23 =	sshrl.u32 @!p1 s23, $0x2;
	_ =	swait.ge @!p1 [sflag:s22], s2;
	s3 =	smul.u32 @!p1 $0x3, s3  }
0x4a: {  	s23 =	sor.u32 @!p1 $0x10508, s23;
	s24 =	ssub.s32 @!p1 $0x0, s2;
	[sflag:s22] =	ssyncset.done @!p1 $0x0  }
0x4b: {  	[sflag:s22] =	ssyncadd.s32 @!p1 s24;
	s22 =	sshrl.u32 @!p1 s18, $0x3;
	s0 =	ssub.s32 @!p1 s0, s3  }
0x4c: {  	s24 =	sand.u32 @!p1 $0x7, s18;
	s22 =	sadd.s32 @!p1 s4, s22;
	s0 =	smul.u32 @!p1 $0x3C0, s0  }
0x4d: {  	[tilespmem:s23], [sflag:$0x9] =	stream.linear.gather @!p1 [hbm4b:s22+s24], s2, $0x38;
	[tilespmem:$0x1F6E8] =	vst v63  }
0x4e: {  	s3 =	ssub.s32 @!p1 $0x2710, s18;
	s2 =	smul.u32 @!p1 $0x1E000, s21  }
0x4f: {  	p2 =	slt.s32 @!p1 s3, $0xF0  }
0x50: {  	p2 =	por !p2, p1;
	s0 =	sshrl.u32 @!p1 s0, $0x2;
	s2 =	sshrl.u32 @!p1 s2, $0x2  }
0x51: {  	s3 =	simm.s32 @p2 $0xF0;
	s0 =	sadd.s32 @!p1 $0x10238, s0;
	s2 =	sor.u32 @!p1 $0x106E8, s2  }
0x52: {  	[tilespmem:s2], [sflag:$0x7] =	stream.indirect.gather @!p1 [hbm4b:s5+s3], $0x80, s0, s3, $0xb8;
	[tilespmem:$0x1F6E8] =	vst v63  }
0x53: {  	p1 =	slt.u32 s19, $0x2  }
.Ltmp3:
0x54: {  	_ = 	snop;
	(pc) =	sbr.rel @p1 .LBB2_21-.Ltmp3, $1  }
0x55: {  	_ =	sdelay $0x3  }
0x56: {  	p1 =	sgt.s32 s20, $0x2620;
	s0 =	smov.u32 s20  }
0x57: {  	s2 =	sshra.s32 s20, $0x1F;
	s3 =	ssub.s32 $0x2710, s20;
	s0 =	simm.s32 @!p1 $0x2620  }
0x58: {  	s2 =	sand.u32 s2, s20;
	p1 =	slt.s32 s3, $0xF0;
	s21 =	smov.u32 s3  }
0x59: {  	s0 =	ssub.s32 s0, s2;
	s21 =	simm.s32 @!p1 $0xF0  }
0x5a: {  	s0 =	sadd.s32 $0xFFFFD9E0, s0;
	s26 =	sshll.u32 s21, $0x7  }
0x5b: {  	s29 =	sshll.u32 s0, $0x2;
	s2 =	sand.u32 $0x3FFFFF80, s26  }
0x5c: {  	p1 =	sgt.s32 s0, $0xEF;
	s30 =	ssub.s32 $0x3C0, s29;
	_ =	swait.ge [sflag:s10], s2  }
0x5d: {  	s2 =	ssub.s32 $0x0, s2;
	[sflag:s10] =	ssyncset.done $0x0;
	s0 =	sshrl.u32 s30, $0x2  }
0x5e: {  	[sflag:s10] =	ssyncadd.s32 s2;
	s0 =	simm.s32 @p1 $0x0  }
0x5f: {  	_ =	swait.ge [sflag:s11], s0  }
0x60: {  	s0 =	ssub.s32 $0x0, s0;
	[sflag:s11] =	ssyncset.done $0x0  }
0x61: {  	[sflag:s11] =	ssyncadd.s32 s0  }
0x62: {  	v1 =	vld [tilespmem:$0xF208];
	_ =	sdelay $0x4  }
0x63: {  	(v2sf) =	vpush v1, $0x0  }
0x64: {  	(v2sf) =	vpush v1, $0x1  }
0x65: {  	(v2sf) =	vpush v1, $0x2;
	_ =	sdelay $0x3  }
0x66: {  	s0 =	sadd.s32 $0xF0, s20  }
0x67: {  	p1 =	slt.s32 s8, s0  }
0x68: {  	s0 =	smov.u32 @p1 s8;
	p1 =	sgt.s32 s3, $0x0  }
0x69: {  	s24 =	ssub.s32 s0, s20;
	s3 =	simm.s32 @!p1 $0x0  }
0x6a: {  	p1 =	slt.s32 s3, s24  }
0x6b: {  	s24 =	smov.u32 @p1 s3  }
0x6c: {  	s23 =	simm.s32 $0x1;
	p1 =	slt.s32 s24, $0x1  }
.Ltmp4:
0x6d: {  	s23 =	simm.s32 @!p0 $0x0;
	(pc) =	sbr.rel @p1 .LBB2_8-.Ltmp4, $4  }
0x6e: {  	s31 =	smul.u32 $0x3C0, s23  }
0x6f: {  	s25 =	spop (v2sf)  }
0x70: {  	s0 =	sshrl.u32 s31, $0x2;
	s28 =	spop (v2sf)  }
0x71: {  	s21 =	sor.u32 $0x10508, s0;
	s20 =	spop (v2sf)  }
0x72: {  	s0 =	smin.u32 s24, $0x10  }
0x73: {  	v1 =	vmov s0  }
0x74: {  	p2 =	sgt.s32 s24, $0x10;
	vm1 =	vgt.u32 v1, v0  }
.Ltmp5:
0x75: {  	_ = 	snop;
	(pc) =	sbr.rel @!p2 .LBB2_7-.Ltmp5, $2  }
0x76: {  	_ =	sdelay $0x2  }
0x77: {  	s26 =	simm.s32 $0x10;
	s29 =	sadd.s32 $0xFFFFFFF0, s24;
	s22 =	smov.u32 s21;
	vm0 =	vmmov vm1  }
.LBB2_6:
0x78: {  	s0 =	smin.u32 s29, $0x10;
	s26 =	sadd.s32 $0x10, s26;
	v1 =	vld.msk [tilespmem:s22+$0x0 ss:$0x1], vm1  }
0x79: {  	v2 =	vmov s0;
	p2 =	slt.s32 s26, s24  }
0x7a: {  	vm1 =	vgt.u32 v2, v0  }
.Ltmp6:
0x7b: {  	(pc) =	sbr.rel @p2 .LBB2_6-.Ltmp6, $3  }
0x7c: {  	_ =	sdelay $0x1  }
0x7d: {  	v1 =	vshll.u32 v1, $0x4  }
0x7e: {  	s29 =	sadd.s32 $0xFFFFFFF0, s29;
	[tilespmem:s22+$0x0] =	vst.msk vm0, v1;
	s22 =	sadd.s32 $0x10, s22;
	vm0 =	vmmov vm1  }
.LBB2_7:
0x7f: {  	_ =	sdelay $0x4  }
0x80: {  	v1 =	vld.msk [tilespmem:s22+$0x0 ss:$0x1], vm1;
	_ =	sdelay $0x4  }
0x81: {  	v1 =	vshll.u32 v1, $0x4  }
0x82: {  	[tilespmem:s22+$0x0] =	vst.msk vm0, v1  }
.LBB2_8:
0x83: {  	s0 =	sand.u32 $0x1, s19  }
0x84: {  	s0 =	smul.u32 $0xF0, s0  }
0x85: {  	p2 =	sne.s32 s28, $0xFFFFFFFF  }
0x86: {  	v1 =	vld.msk @!p2 [tilespmem:s0+$0x10508], $0x1;
	_ =	sdelay $0x4  }
0x87: {  	(v2sf) =	vpush @!p2 v1, $0x0;
	_ =	sdelay $0xc  }
.Ltmp7:
0x88: {  	_ = 	snop;
	(pc) =	sbr.rel @p1 .LBB2_19-.Ltmp7, $4  }
0x89: {  	_ = 	snop  }
0x8a: {  	s26 =	spop @!p2 (v2sf)  }
0x8b: {  	s20 =	simm.s32 @!p2 $0x0;
	s22 =	smov.u32 s26  }
0x8c: {  	[sflag:s16] =	ssyncpa.u1 $0x0;
	s26 =	smov.u32 @p2 s25;
	s22 =	smov.u32 @p2 s28  }
0x8d: {  	v1 =	vld.msk [tilespmem:s21+$0x0], $0x1;
	_ =	sdelay $0x4  }
0x8e: {  	(v2sf) =	vpush v1, $0x0;
	_ =	sdelay $0xe  }
0x8f: {  	s0 =	smul.u32 $0x1E000, s23;
	s30 =	spop (v2sf)  }
0x90: {  	s24 =	ssub.s32 $0x0, s24;
	p1 =	seq.s32 s26, s30  }
0x91: {  	s28 =	sadd.s32 $0x1, s24;
	s0 =	sshrl.u32 s0, $0x2;
	p2 =	sgt.s32 @!p1 s26, $0x0  }
0x92: {  	s23 =	sor.u32 $0x10728, s0;
	s0 =	smov.u32 s26;
	p2 =	por !p2, p1  }
0x93: {  	s0 =	simm.s32 @p2 $0x0;
	p2 =	seq.s32 s28, $0x0  }
.Ltmp8:
0x94: {  	_ = 	snop;
	(pc) =	sbr.rel @p2 .LBB2_11-.Ltmp8, $4  }
0x95: {  	_ = 	snop  }
0x96: {  	s25 =	simm.s32 $0x0;
	s31 =	simm.s32 @!p1 $0x1;
	s2 =	smin.u32 @!p1 s0, $0x3F0  }
0x97: {  	s29 =	sadd.s32 $0x1, s21;
	s31 =	smov.u32 @p1 s25;
	s3 =	sand.u32 @!p1 $0x3F8, s2  }
0x98: {  	s0 =	simm.s32 @!p1 $0x7988;
	s2 =	sand.u32 @!p1 $0x7, s2;
	s3 =	sadd.s32 @!p1 s1, s3  }
.LBB2_10:
0x99: {  	s9 =	smov.u32 s31  }
0x9a: {  	[tilespmem:s0], [sflag:$0x2] =	stream.linear.gather @!p1 [hbm4b:s3+s2], $0x80, $0x38;
	[tilespmem:$0x1F6E8] =	vst v63  }
0x9b: {  	s28 =	sadd.s32 $0x1, s28;
	s2 =	smov.u32 s30;
	v1 =	vld.msk [tilespmem:s29+$0x0], $0x1  }
0x9c: {  	p2 =	seq.s32 s28, $0x0;
	_ =	sdelay $0x3  }
0x9d: {  	(v2sf) =	vpush v1, $0x0;
	_ =	sdelay $0xe  }
0x9e: {  	s30 =	spop (v2sf)  }
0x9f: {  	p1 =	seq.s32 s2, s30  }
0xa0: {  	p3 =	sgt.s32 @!p1 s2, $0x0;
	s0 =	sshll.u32 @!p1 s31, $0x9;
	s31 =	sadd.s32 @!p1 $0x1, s31  }
.Ltmp9:
0xa1: {  	p3 =	por !p3, p1;
	s0 =	sshra.s32 @!p1 s0, $0x2;
	(pc) =	sbr.rel @!p2 .LBB2_10-.Ltmp9, $4  }
0xa2: {  	s31 =	smov.u32 @p1 s9;
	s2 =	simm.s32 @p3 $0x0;
	s0 =	sadd.s32 @!p1 $0x7988, s0  }
0xa3: {  	s2 =	smin.u32 @!p1 s2, $0x3F0  }
0xa4: {  	s3 =	sand.u32 @!p1 $0x3F8, s2;
	s2 =	sand.u32 @!p1 $0x7, s2  }
0xa5: {  	s29 =	sadd.s32 $0x1, s29;
	s3 =	sadd.s32 @!p1 s1, s3  }
.LBB2_11:
0xa6: {  	[tilespmem:s0], [sflag:$0x2] =	stream.linear.gather @!p1 [hbm4b:s3+s2], $0x80, $0x38;
	[tilespmem:$0x1F6E8] =	vst v63  }
.Ltmp10:
0xa7: {  	s30 =	sshll.u32 s31, $0x7;
	(pc) =	sbr.rel .LBB2_12-.Ltmp10, $4  }
0xa8: {  	s31 =	simm.s32 $0x2;
	s0 =	sand.u32 $0x3FFFFF80, s30  }
0xa9: {  	_ =	swait.ge [sflag:s31], s0  }
0xaa: {  	s0 =	ssub.s32 $0x0, s0;
	[sflag:s31] =	ssyncset.done $0x0  }
0xab: {  	s29 =	simm.s32 $0x0;
	[sflag:s31] =	ssyncadd.s32 s0  }
.LBB2_13:
0xac: {  	v1 =	vld [tilespmem:s23+$0xFFFFFFC0];
	_ =	sdelay $0x3  }
0xad: {  	s0 =	sshra.s32 s0, $0x2  }
0xae: {  	[tilespmem:s0+$0x108] =	vst.add.f32.msk $0xffff, v1  }
0xaf: {  	v1 =	vld [tilespmem:s23+$0xFFFFFFD0];
	_ =	sdelay $0x4  }
0xb0: {  	[tilespmem:s0+$0x118] =	vst.add.f32.msk $0xffff, v1  }
0xb1: {  	v1 =	vld [tilespmem:s23+$0xFFFFFFE0];
	_ =	sdelay $0x4  }
0xb2: {  	[tilespmem:s0+$0x128] =	vst.add.f32.msk $0xffff, v1  }
0xb3: {  	v1 =	vld [tilespmem:s23+$0xFFFFFFF0];
	_ =	sdelay $0x4  }
0xb4: {  	[tilespmem:s0+$0x138] =	vst.add.f32.msk $0xffff, v1  }
0xb5: {  	v1 =	vld [tilespmem:s23+$0x0];
	_ =	sdelay $0x4  }
0xb6: {  	[tilespmem:s0+$0x148] =	vst.add.f32.msk $0xffff, v1  }
0xb7: {  	v1 =	vld [tilespmem:s23+$0x10];
	_ =	sdelay $0x4  }
0xb8: {  	[tilespmem:s0+$0x158] =	vst.add.f32.msk $0xffff, v1  }
0xb9: {  	v1 =	vld [tilespmem:s23+$0x20];
	_ =	sdelay $0x4  }
0xba: {  	[tilespmem:s0+$0x168] =	vst.add.f32.msk $0xffff, v1  }
0xbb: {  	v1 =	vld [tilespmem:s23+$0x30];
	_ =	sdelay $0x4  }
0xbc: {  	[tilespmem:s0+$0x178] =	vst.add.f32.msk $0xffff, v1  }
.LBB2_17:
0xbd: {  	s24 =	sadd.s32 $0x1, s24  }
0xbe: {  	p1 =	seq.s32 s24, $0x0  }
.Ltmp11:
0xbf: {  	_ = 	snop;
	(pc) =	sbr.rel @p1 .LBB2_18-.Ltmp11, $2  }
0xc0: {  	_ =	sdelay $0x2  }
0xc1: {  	s21 =	sadd.s32 $0x1, s21;
	s23 =	sadd.s32 $0x80, s23;
	s26 =	smov.u32 s28  }
.LBB2_12:
0xc2: {  	v1 =	vld.msk [tilespmem:s21+$0x0], $0x1;
	_ =	sdelay $0x4  }
0xc3: {  	(v2sf) =	vpush v1, $0x0;
	_ =	sdelay $0xe  }
0xc4: {  	s28 =	spop (v2sf)  }
0xc5: {  	p1 =	sne.s32 s26, s28  }
.Ltmp12:
0xc6: {  	_ = 	snop;
	(pc) =	sbr.rel @!p1 .LBB2_13-.Ltmp12, $2  }
0xc7: {  	_ =	sdelay $0x2  }
0xc8: {  	s0 =	sshll.u32 s20, $0x9  }
0xc9: {  	p1 =	seq.s32 s26, s22  }
.Ltmp13:
0xca: {  	_ = 	snop;
	(pc) =	sbr.rel @!p1 .LBB2_15-.Ltmp13, $1  }
0xcb: {  	_ =	sdelay $0x3  }
0xcc: {  	s0 =	sshra.s32 s0, $0x2  }
.Ltmp14:
0xcd: {  	s0 =	sadd.s32 $0x108, s0;
	(pc) =	sbr.rel .LBB2_16-.Ltmp14, $4  }
0xce: {  	[spmem:s14] =	stream.linear.scatter [tilespmem:s0], [sflag:$0x1], $0x80, $0x38;
	[tilespmem:$0x1F6E8] =	vst v63  }
0xcf: {  	_ =	swait.ge [sflag:s12], $0x80  }
0xd0: {  	[sflag:s12] =	ssyncset.done $0x0  }
0xd1: {  	[sflag:s12] =	ssyncadd.s32 $0xFFFFFF80  }
.LBB2_15:
0xd2: {  	s2 =	sshll.u32 s25, $0x9  }
0xd3: {  	s2 =	sshra.s32 s2, $0x2  }
0xd4: {  	v1 =	vld [tilespmem:s2+$0x7988];
	_ =	sdelay $0x3  }
0xd5: {  	s0 =	sshra.s32 s0, $0x2  }
0xd6: {  	[tilespmem:s0+$0x108] =	vst.add.f32.msk $0xffff, v1  }
0xd7: {  	v1 =	vld [tilespmem:s2+$0x7998];
	_ =	sdelay $0x4  }
0xd8: {  	[tilespmem:s0+$0x118] =	vst.add.f32.msk $0xffff, v1  }
0xd9: {  	v1 =	vld [tilespmem:s2+$0x79A8];
	_ =	sdelay $0x4  }
0xda: {  	[tilespmem:s0+$0x128] =	vst.add.f32.msk $0xffff, v1  }
0xdb: {  	v1 =	vld [tilespmem:s2+$0x79B8];
	_ =	sdelay $0x4  }
0xdc: {  	[tilespmem:s0+$0x138] =	vst.add.f32.msk $0xffff, v1  }
0xdd: {  	v1 =	vld [tilespmem:s2+$0x79C8];
	_ =	sdelay $0x4  }
0xde: {  	[tilespmem:s0+$0x148] =	vst.add.f32.msk $0xffff, v1  }
0xdf: {  	v1 =	vld [tilespmem:s2+$0x79D8];
	_ =	sdelay $0x4  }
0xe0: {  	[tilespmem:s0+$0x158] =	vst.add.f32.msk $0xffff, v1  }
0xe1: {  	v1 =	vld [tilespmem:s2+$0x79E8];
	_ =	sdelay $0x4  }
0xe2: {  	[tilespmem:s0+$0x168] =	vst.add.f32.msk $0xffff, v1  }
0xe3: {  	v1 =	vld [tilespmem:s2+$0x79F8];
	_ =	sdelay $0x2  }
0xe4: {  	p1 =	sgt.u32 s26, $0x3F0  }
0xe5: {  	s2 =	sand.u32 @!p1 $0x3F8, s26  }
0xe6: {  	s3 =	sadd.s32 $0x108, s0;
	[tilespmem:s0+$0x178] =	vst.add.f32.msk $0xffff, v1;
	s0 =	sadd.s32 @!p1 s1, s2;
	s2 =	sand.u32 @!p1 $0x7, s26  }
0xe7: {  	[hbm4b:s0+s2] =	stream.linear.scatter @!p1 [tilespmem:s3], [sflag:$0xA], $0x80, $0x38;
	[tilespmem:$0x1F6E8] =	vst v63  }
0xe8: {  	s0 =	simm.s32 $0x0  }
0xe9: {  	s0 =	simm.s32 @!p1 $0x200  }
0xea: {  	s29 =	sadd.s32 s0, s29  }
.LBB2_16:
0xeb: {  	s0 =	sadd.s32 $0x1, s20  }
0xec: {  	s2 =	smulhi.u32 $0x88888889, s0;
	_ =	sdelay $0x1  }
0xed: {  	v1 =	vld [tilespmem:s23+$0xFFFFFFC0];
	s2 =	sshrl.u32 s2, $0x7  }
0xee: {  	s2 =	smul.u32 $0xF0, s2;
	_ =	sdelay $0x1  }
0xef: {  	s20 =	ssub.s32 s0, s2  }
0xf0: {  	s0 =	sshll.u32 s20, $0x7  }
0xf1: {  	[tilespmem:s0+$0x108] =	vst v1  }
0xf2: {  	v1 =	vld [tilespmem:s23+$0xFFFFFFD0];
	_ =	sdelay $0x4  }
0xf3: {  	[tilespmem:s0+$0x118] =	vst v1  }
0xf4: {  	v1 =	vld [tilespmem:s23+$0xFFFFFFE0];
	_ =	sdelay $0x4  }
0xf5: {  	[tilespmem:s0+$0x128] =	vst v1  }
0xf6: {  	v1 =	vld [tilespmem:s23+$0xFFFFFFF0];
	_ =	sdelay $0x4  }
0xf7: {  	[tilespmem:s0+$0x138] =	vst v1  }
0xf8: {  	v1 =	vld [tilespmem:s23+$0x0];
	_ =	sdelay $0x4  }
0xf9: {  	[tilespmem:s0+$0x148] =	vst v1  }
0xfa: {  	v1 =	vld [tilespmem:s23+$0x10];
	_ =	sdelay $0x4  }
0xfb: {  	[tilespmem:s0+$0x158] =	vst v1  }
0xfc: {  	v1 =	vld [tilespmem:s23+$0x20];
	_ =	sdelay $0x4  }
0xfd: {  	[tilespmem:s0+$0x168] =	vst v1  }
0xfe: {  	v1 =	vld [tilespmem:s23+$0x30]  }
.Ltmp15:
0xff: {  	_ = 	snop;
	(pc) =	sbr.rel .LBB2_17-.Ltmp15, $2  }
0x100: {  	_ =	sdelay $0x2  }
0x101: {  	s25 =	sadd.s32 $0x1, s25;
	[tilespmem:s0+$0x178] =	vst v1  }
.LBB2_19:
.Ltmp16:
0x102: {  	(pc) =	sbr.rel .LBB2_20-.Ltmp16, $4  }
0x103: {  	_ = 	snop  }
0x104: {  	s0 =	simm.s32 $0x2  }
0x105: {  	_ =	swait.ge [sflag:s0], $0x0  }
0x106: {  	s28 =	smov.u32 s26;
	[sflag:s0] =	ssyncset.done $0x0;
	s0 =	simm.s32 $0x0  }
.LBB2_22:
0x107: {  	_ =	sfence.sel $0x180000  }
0x108: {  	s0 =	simm.s32 $0x7;
	[bflag:$0x0] =	sbarrier.arrive $0xFFFF  }
0x109: {  	s24 =	simm.s32 $0x8;
	[sflag:s0] =	ssyncpa.u1 $0x1  }
0x10a: {  	s25 =	simm.s32 $0x9;
	[sflag:s24] =	ssyncpa.u1 $0x1  }
0x10b: {  	s26 =	simm.s32 $0x2;
	[sflag:s25] =	ssyncpa.u1 $0x1  }
0x10c: {  	[sflag:s26] =	ssyncpa.u1 $0x1  }
0x10d: {  	v0 =	vld [tilespmem:$0xF208];
	_ =	sdelay $0x4  }
0x10e: {  	(v2sf) =	vpush v0, $0x0  }
0x10f: {  	(v2sf) =	vpush v0, $0x1;
	_ =	sdelay $0x2  }
0x110: {  	(v2sf) =	vpush v0, $0x2;
	_ =	sdelay $0xa  }
0x111: {  	s0 =	spop (v2sf)  }
0x112: {  	s2 =	spop (v2sf)  }
0x113: {  	s3 =	smov.u32 s0;
	p0 =	sne.s32 s0, s2  }
0x114: {  	s3 =	simm.s32 @!p0 $0xFFFFFFFF  }
0x115: {  	v2 =	vimm.s32 $0x1;
	v3 =	vlaneseq.u32;
	v1 =	vmov s3;
	s3 =	spop (v2sf)  }
0x116: {  	v0 =	vperm.xlane v0, v2;
	v1 =	vperm.xlane v1, v3;
	p0 =	seq.s32 s3, $0xFFFFFFFF  }
0x117: {  	vm0 =	vcmask $0x3F04;
	s5 =	simm.s32 $0xF208;
	p1 =	sne.s32 @!p0 s0, s2  }
0x118: {  	s6 =	rddreg [dreg:$0x2];
	s0 =	simm.s32 @!p0 $0x1;
	v0 =	vsel vm0, v1, v0;
	p1 =	por !p1, p0  }
0x119: {  	s4 =	sor.u32 $0x1000, s6;
	s2 =	sshll.u32 @!p0 s3, $0x9;
	[tilespmem:$0xF208] =	vst v0;
	s0 =	simm.s32 @p1 $0x0  }
0x11a: {  	[spmem:s4] =	stream.linear.scatter [tilespmem:s5], [sflag:$0x1], $0x2, $0x38;
	[tilespmem:$0x1F6E8] =	vst v63  }
0x11b: {  	s2 =	sshra.s32 @!p0 s2, $0x2;
	s0 =	sor.u32 @!p0 s0, s6  }
0x11c: {  	s2 =	sadd.s32 @!p0 $0x108, s2;
	s0 =	sshll.u32 @!p0 s0, $0x7  }
0x11d: {  	[spmem:s0] =	stream.linear.scatter @!p0 [tilespmem:s2], [sflag:$0x1], $0x80, $0x38;
	[tilespmem:$0x1F6E8] =	vst v63  }
0x11e: {  	s2 =	simm.s32 @!p0 $0x82  }
0x11f: {  	s0 =	simm.s32 $0x1;
	s2 =	simm.s32 @p0 $0x2  }
0x120: {  	_ =	swait.ge [sflag:s0], s2  }
0x121: {  	s2 =	ssub.s32 $0x0, s2;
	[sflag:s0] =	ssyncset.done $0x0  }
0x122: {  	[sflag:s0] =	ssyncadd.s32 s2  }
0x123: {  	_ =	sfence.stream.spmem  }
0x124: {  	s28 =	simm.s32 $0x3;
	[bflag:$0x0] =	sbarrier.arrive $0xFFFF  }
0x125: {  	s29 =	simm.s32 $0x4;
	[sflag:s28] =	ssyncpa.u1 $0x1  }
0x126: {  	s30 =	simm.s32 $0x3C;
	s31 =	stileid.u32;
	[sflag:s29] =	ssyncpa.u1 $0x1  }
0x127: {  	p0 =	sne.s32 s31, $0x0;
	[sflag:s30] =	ssyncpa.u1 $0x1  }
0x128: {  	_ =	sfence @p0  }
0x129: {  	[sflag:s0] =	ssyncpa.u1 @p0 $0x1  }
0x12a: {  	_ =	strace @p0 $0x90000056  }
0x12b: {  	[bflag:$0x2] =	sbarrier.arrive @p0 $0xFFFF  }
0x12c: {  	_ =	shalt @p0  }
.LBB2_23:
0x12d: {  	_ =	sfence.stream.spmem;
	s0 =	simm.s32 $0x5  }
0x12e: {  	s2 =	simm.s32 $0x1000;
	s3 =	simm.s32 $0xF218;
	[sflag:s0] =	ssyncpa.u1 $0x0  }
0x12f: {  	[tilespmem:s3], [sflag:$0x5] =	stream.linear.gather [spmem:s2], $0x20, $0x38;
	[tilespmem:$0x1F6E8] =	vst v63  }
0x130: {  	s30 =	simm.s32 $0xF238;
	s2 =	simm.s32 $0x0  }
0x131: {  	[tilespmem:s30], [sflag:$0x5] =	stream.linear.gather [spmem:s2], $0x1000, $0x38;
	[tilespmem:$0x1F6E8] =	vst v63  }
.Ltmp17:
0x132: {  	_ = 	snop;
	(pc) =	sbr.rel .LBB2_24-.Ltmp17, $4  }
0x133: {  	_ =	swait.ge [sflag:s0], $0x1020  }
0x134: {  	[sflag:s0] =	ssyncset.done $0x0  }
0x135: {  	s31 =	simm.s32 $0x6;
	[sflag:s0] =	ssyncadd.s32 $0xFFFFEFE0  }
0x136: {  	s3 =	simm.s32 $0x0;
	[sflag:s31] =	ssyncpa.u1 $0x0  }
.LBB2_30:
0x137: {  	p0 =	slt.u32 s4, $0x3F1  }
0x138: {  	s0 =	sand.u32 @p0 $0x3F8, s4  }
0x139: {  	s4 =	sand.u32 @p0 $0x7, s4;
	s5 =	simm.s32 @p0 $0xF188;
	s0 =	sadd.s32 @p0 s1, s0  }
0x13a: {  	[tilespmem:s5], [sflag:$0x6] =	stream.linear.gather @p0 [hbm4b:s0+s4], $0x80, $0x38;
	[tilespmem:$0x1F6E8] =	vst v63  }
0x13b: {  	s0 =	simm.s32 @p0 $0x6  }
0x13c: {  	_ =	swait.ge @p0 [sflag:s0], $0x80  }
0x13d: {  	[sflag:s0] =	ssyncset.done @p0 $0x0  }
0x13e: {  	[sflag:s0] =	ssyncadd.s32 @p0 $0xFFFFFF80  }
0x13f: {  	v1 =	vld @p0 [tilespmem:$0xF188];
	_ =	sdelay $0x2  }
0x140: {  	s0 =	sshll.u32 @p0 s3, $0x9  }
0x141: {  	s4 =	sshrl.u32 @p0 s0, $0x2  }
0x142: {  	[tilespmem:s4+$0xF238] =	vst.add.f32.msk @p0 $0xffff, v1  }
0x143: {  	v1 =	vld @p0 [tilespmem:$0xF198];
	_ =	sdelay $0x4  }
0x144: {  	[tilespmem:s4+$0xF248] =	vst.add.f32.msk @p0 $0xffff, v1  }
0x145: {  	v1 =	vld @p0 [tilespmem:$0xF1A8];
	_ =	sdelay $0x4  }
0x146: {  	[tilespmem:s4+$0xF258] =	vst.add.f32.msk @p0 $0xffff, v1  }
0x147: {  	v1 =	vld @p0 [tilespmem:$0xF1B8];
	_ =	sdelay $0x4  }
0x148: {  	[tilespmem:s4+$0xF268] =	vst.add.f32.msk @p0 $0xffff, v1  }
0x149: {  	v1 =	vld @p0 [tilespmem:$0xF1C8];
	_ =	sdelay $0x4  }
0x14a: {  	[tilespmem:s4+$0xF278] =	vst.add.f32.msk @p0 $0xffff, v1  }
0x14b: {  	v1 =	vld @p0 [tilespmem:$0xF1D8];
	_ =	sdelay $0x4  }
0x14c: {  	[tilespmem:s4+$0xF288] =	vst.add.f32.msk @p0 $0xffff, v1  }
0x14d: {  	v1 =	vld @p0 [tilespmem:$0xF1E8];
	_ =	sdelay $0x4  }
0x14e: {  	[tilespmem:s4+$0xF298] =	vst.add.f32.msk @p0 $0xffff, v1  }
0x14f: {  	v1 =	vld @p0 [tilespmem:$0xF1F8];
	_ =	sdelay $0x3  }
0x150: {  	s5 =	sshll.u32 @!p0 s3, $0x9  }
0x151: {  	s5 =	smov.u32 @p0 s0;
	[tilespmem:s4+$0xF2A8] =	vst.add.f32.msk @p0 $0xffff, v1  }
0x152: {  	s0 =	sshrl.u32 s5, $0x2;
	[tilespmem:s2+$0xF218] =	vst.msk $0x1, v0  }
0x153: {  	v0 =	vld [tilespmem:s0+$0xF238];
	_ =	sdelay $0x2  }
0x154: {  	s31 =	sshll.u32 s2, $0x9  }
0x155: {  	s4 =	sshra.s32 s31, $0x2  }
0x156: {  	[tilespmem:s4+$0xF238] =	vst v0  }
0x157: {  	v0 =	vld [tilespmem:s0+$0xF248];
	_ =	sdelay $0x4  }
0x158: {  	[tilespmem:s4+$0xF248] =	vst v0  }
0x159: {  	v0 =	vld [tilespmem:s0+$0xF258];
	_ =	sdelay $0x4  }
0x15a: {  	[tilespmem:s4+$0xF258] =	vst v0  }
0x15b: {  	v0 =	vld [tilespmem:s0+$0xF268];
	_ =	sdelay $0x4  }
0x15c: {  	[tilespmem:s4+$0xF268] =	vst v0  }
0x15d: {  	v0 =	vld [tilespmem:s0+$0xF278];
	_ =	sdelay $0x4  }
0x15e: {  	[tilespmem:s4+$0xF278] =	vst v0  }
0x15f: {  	v0 =	vld [tilespmem:s0+$0xF288];
	_ =	sdelay $0x4  }
0x160: {  	[tilespmem:s4+$0xF288] =	vst v0  }
0x161: {  	v0 =	vld [tilespmem:s0+$0xF298];
	_ =	sdelay $0x4  }
0x162: {  	[tilespmem:s4+$0xF298] =	vst v0  }
0x163: {  	v0 =	vld [tilespmem:s0+$0xF2A8];
	_ =	sdelay $0x4  }
0x164: {  	s2 =	sadd.s32 $0x1, s2;
	[tilespmem:s4+$0xF2A8] =	vst v0  }
.LBB2_31:
0x165: {  	s3 =	sadd.s32 $0x1, s3  }
0x166: {  	p0 =	sne.s32 s3, $0x20  }
.Ltmp18:
0x167: {  	_ = 	snop;
	(pc) =	sbr.rel @!p0 .LBB2_32-.Ltmp18, $1  }
0x168: {  	_ =	sdelay $0x3  }
.LBB2_24:
0x169: {  	v0 =	vld.msk [tilespmem:s3+$0xF218], $0x1;
	_ =	sdelay $0x4  }
0x16a: {  	(v2sf) =	vpush v0, $0x0;
	_ =	sdelay $0xe  }
0x16b: {  	s4 =	spop (v2sf)  }
0x16c: {  	p0 =	seq.s32 s4, $0xFFFFFFFF  }
.Ltmp19:
0x16d: {  	_ = 	snop;
	(pc) =	sbr.rel @p0 .LBB2_31-.Ltmp19, $1  }
0x16e: {  	_ =	sdelay $0x3  }
0x16f: {  	p0 =	slt.s32 s2, $0x1  }
.Ltmp20:
0x170: {  	_ = 	snop;
	(pc) =	sbr.rel @p0 .LBB2_30-.Ltmp20, $1  }
0x171: {  	_ =	sdelay $0x3  }
0x172: {  	s5 =	simm.s32 $0xF218;
	p0 =	por $0x0, $0x0  }
0x173: {  	v1 =	vld.msk @!p0 [tilespmem:s5+$0x0], $0x1;
	_ =	sdelay $0x4  }
0x174: {  	(v2sf) =	vpush @!p0 v1, $0x0;
	_ =	sdelay $0xd  }
0x175: {  	p2 =	sne.s32 s2, $0x1  }
.Ltmp21:
0x176: {  	s0 =	spop @!p0 (v2sf);
	(pc) =	sbr.rel @!p2 .LBB2_28-.Ltmp21, $4  }
0x177: {  	p1 =	seq.s32 @!p0 s4, s0  }
0x178: {  	s6 =	simm.s32 $0x0;
	p1 =	por !p1, p0  }
0x179: {  	s0 =	simm.s32 $0xFFFFFFFF;
	s6 =	simm.s32 @p1 $0xFFFFFFFF  }
0x17a: {  	s7 =	simm.s32 $0x1;
	s6 =	smov.u32 @p0 s0  }
.LBB2_27:
0x17b: {  	s0 =	smov.u32 s6;
	p0 =	sne.s32 s6, $0xFFFFFFFF  }
0x17c: {  	s5 =	sadd.s32 $0x1, s5;
	s6 =	smov.u32 s7;
	s7 =	sadd.s32 $0x1, s7  }
0x17d: {  	p1 =	sne.s32 s2, s7;
	v1 =	vld.msk @!p0 [tilespmem:s5+$0x0], $0x1;
	_ =	sdelay $0x4  }
0x17e: {  	(v2sf) =	vpush @!p0 v1, $0x0;
	_ =	sdelay $0xe  }
.Ltmp22:
0x17f: {  	s8 =	spop @!p0 (v2sf);
	(pc) =	sbr.rel @p1 .LBB2_27-.Ltmp22, $4  }
0x180: {  	p2 =	seq.s32 @!p0 s4, s8  }
0x181: {  	p2 =	por !p2, p0  }
0x182: {  	s6 =	simm.s32 @p2 $0xFFFFFFFF  }
0x183: {  	s6 =	smov.u32 @p0 s0  }
.LBB2_28:
0x184: {  	p0 =	seq.s32 s6, $0xFFFFFFFF  }
.Ltmp23:
0x185: {  	_ = 	snop;
	(pc) =	sbr.rel @p0 .LBB2_30-.Ltmp23, $1  }
0x186: {  	_ =	sdelay $0x3  }
0x187: {  	s0 =	sshll.u32 s3, $0x7  }
0x188: {  	s0 =	sand.u32 $0x3FFFFF80, s0  }
0x189: {  	v0 =	vld [tilespmem:s0+$0xF238];
	_ =	sdelay $0x2  }
0x18a: {  	s4 =	sshll.u32 s6, $0x9  }
0x18b: {  	s4 =	sshra.s32 s4, $0x2  }
0x18c: {  	[tilespmem:s4+$0xF238] =	vst.add.f32.msk $0xffff, v0  }
0x18d: {  	v0 =	vld [tilespmem:s0+$0xF248];
	_ =	sdelay $0x4  }
0x18e: {  	[tilespmem:s4+$0xF248] =	vst.add.f32.msk $0xffff, v0  }
0x18f: {  	v0 =	vld [tilespmem:s0+$0xF258];
	_ =	sdelay $0x4  }
0x190: {  	[tilespmem:s4+$0xF258] =	vst.add.f32.msk $0xffff, v0  }
0x191: {  	v0 =	vld [tilespmem:s0+$0xF268];
	_ =	sdelay $0x4  }
0x192: {  	[tilespmem:s4+$0xF268] =	vst.add.f32.msk $0xffff, v0  }
0x193: {  	v0 =	vld [tilespmem:s0+$0xF278];
	_ =	sdelay $0x4  }
0x194: {  	[tilespmem:s4+$0xF278] =	vst.add.f32.msk $0xffff, v0  }
0x195: {  	v0 =	vld [tilespmem:s0+$0xF288];
	_ =	sdelay $0x4  }
0x196: {  	[tilespmem:s4+$0xF288] =	vst.add.f32.msk $0xffff, v0  }
0x197: {  	v0 =	vld [tilespmem:s0+$0xF298];
	_ =	sdelay $0x4  }
0x198: {  	[tilespmem:s4+$0xF298] =	vst.add.f32.msk $0xffff, v0  }
0x199: {  	v0 =	vld [tilespmem:s0+$0xF2A8]  }
.Ltmp24:
0x19a: {  	_ = 	snop;
	(pc) =	sbr.rel .LBB2_31-.Ltmp24, $2  }
0x19b: {  	_ =	sdelay $0x2  }
0x19c: {  	[tilespmem:s4+$0xF2A8] =	vst.add.f32.msk $0xffff, v0  }
.LBB2_32:
0x19d: {  	p0 =	slt.s32 s2, $0x1  }
.Ltmp25:
0x19e: {  	_ = 	snop;
	(pc) =	sbr.rel @p0 .LBB2_36-.Ltmp25, $3  }
0x19f: {  	_ =	sdelay $0x1  }
0x1a0: {  	s0 =	simm.s32 $0x6  }
0x1a1: {  	s3 =	simm.s32 $0x0;
	[sflag:s0] =	ssyncpa.u1 $0x1  }
0x1a2: {  	s0 =	simm.s32 $0xF218  }
0x1a3: {  	v0 =	vld.msk [tilespmem:s0+$0x0], $0x1;
	_ =	sdelay $0x4  }
0x1a4: {  	(v2sf) =	vpush v0, $0x0;
	_ =	sdelay $0xe  }
0x1a5: {  	s2 =	sadd.s32 $0xFFFFFFFF, s2;
	s0 =	spop (v2sf)  }
0x1a6: {  	p1 =	sne.s32 s2, $0x0;
	p0 =	sgt.u32 s0, $0x3F0  }
.Ltmp26:
0x1a7: {  	s5 =	sand.u32 @!p0 $0x3F8, s0;
	(pc) =	sbr.rel @!p1 .LBB2_35-.Ltmp26, $4  }
0x1a8: {  	s4 =	simm.s32 $0xF238;
	s0 =	sand.u32 @!p0 $0x7, s0;
	s5 =	sadd.s32 @!p0 s1, s5  }
0x1a9: {  	[hbm4b:s5+s0] =	stream.linear.scatter @!p0 [tilespmem:s4], [sflag:$0x5], $0x80, $0x38;
	[tilespmem:$0x1F6E8] =	vst v63  }
0x1aa: {  	s0 =	simm.s32 $0x0  }
0x1ab: {  	s5 =	simm.s32 $0xF219;
	s0 =	simm.s32 @!p0 $0x200  }
.LBB2_34:
0x1ac: {  	v0 =	vld.msk [tilespmem:s5+$0x0], $0x1;
	s2 =	sadd.s32 $0xFFFFFFFF, s2;
	s3 =	sadd.s32 s3, s0  }
0x1ad: {  	p0 =	sne.s32 s2, $0x0;
	_ =	sdelay $0x3  }
0x1ae: {  	(v2sf) =	vpush v0, $0x0;
	_ =	sdelay $0xe  }
.Ltmp27:
0x1af: {  	s6 =	spop (v2sf);
	(pc) =	sbr.rel @p0 .LBB2_34-.Ltmp27, $4  }
0x1b0: {  	s0 =	simm.s32 $0x0;
	p1 =	sgt.u32 s6, $0x3F0  }
0x1b1: {  	s4 =	sadd.s32 $0x80, s4;
	s0 =	simm.s32 @!p1 $0x200;
	s7 =	sand.u32 @!p1 $0x3F8, s6  }
0x1b2: {  	s5 =	sadd.s32 $0x1, s5;
	s6 =	sand.u32 @!p1 $0x7, s6;
	s7 =	sadd.s32 @!p1 s1, s7  }
0x1b3: {  	[hbm4b:s7+s6] =	stream.linear.scatter @!p1 [tilespmem:s4], [sflag:$0x5], $0x80, $0x38;
	[tilespmem:$0x1F6E8] =	vst v63  }
.LBB2_35:
0x1b4: {  	s0 =	sadd.s32 s3, s0  }
0x1b5: {  	s3 =	sshrl.u32 s0, $0x2  }
.LBB2_36:
0x1b6: {  	s0 =	simm.s32 $0x5  }
0x1b7: {  	_ =	swait.ge [sflag:s0], s3  }
0x1b8: {  	s1 =	ssub.s32 $0x0, s3;
	[sflag:s0] =	ssyncset.done $0x0  }
0x1b9: {  	[sflag:s0] =	ssyncadd.s32 s1  }
0x1ba: {  	[sflag:s0] =	ssyncpa.u1 $0x1  }
0x1bb: {  	s30 =	simm.s32 $0x1;
	_ =	sfence  }
0x1bc: {  	[sflag:s30] =	ssyncpa.u1 $0x1  }
0x1bd: {  	_ =	strace $0x90000056  }
0x1be: {  	[bflag:$0x2] =	sbarrier.arrive $0xFFFF  }
0x1bf: {  	s31 =	rddreg [dreg:$0x1]  }
0x1c0: {  	s0 =	sadd.s32 $0x100000, s31  }
0x1c1: {  	[sflag:s0] =	ssyncadd.tile.s32 $0x1;
	_ =	shalt  }
.Lfunc_end2:
_tile_overlayer_lowered:
.L_overlay_start_2:
0x1c2: {  	(tag) =	ssettag $0x2  }
0x1c3: {  	s0 =	rddreg [dreg:$0x0];
	s2 =	stileid.u32  }
0x1c4: {  	s1 =	rddreg [dreg:$0x1];
	p0 =	sne.s32 s2, $0x0  }
0x1c5: {  	s3 =	rddreg [dreg:$0x2];
	[bflag:$0x3] =	sbarrier.arrive $0xFFFF;
	s2 =	simm.s32 @!p0 $0x1C01  }
0x1c6: {  	[timem:s3], [sflag:s2] =	dma.local @!p0 [hbm:s0], s1  }
0x1c7: {  	s0 =	simm.s32 @!p0 $0x1  }
0x1c8: {  	_ =	swait.ge @!p0 [sflag:s0], s1  }
0x1c9: {  	s1 =	ssub.s32 @!p0 $0x0, s1;
	[sflag:s0] =	ssyncset.done @!p0 $0x0  }
0x1ca: {  	[sflag:s0] =	ssyncadd.s32 @!p0 s1  }
0x1cb: {  	[bflag:$0x3] =	sbarrier.arrive $0xFFFF  }
0x1cc: {  	_ =	shalt  }

</sc_bundles>
